<compile_context>
chip_gen: v7x
topology: tpu7x:2x2x1
jax: 0.10.2.dev20260603
libtpu: 0.0.44.dev20260713+nightly
codegen_flags: <defaults>
</compile_context>

<pallas_src>
import functools

import jax
import jax.numpy as jnp
from jax import lax
from jax.experimental import pallas as pl
from jax.experimental.pallas import tpu as pltpu
from jax.experimental.pallas import tpu_sc as plsc

_NC = 2
_NS = 16
_NW = _NC * _NS
_LANES = 16
_CHUNK = 128


def _mm_in(fbonds, W_i, block_rows=4000, interpret=False):
    E, K = fbonds.shape
    H = W_i.shape[0]
    grid = E // block_rows

    def body(x_ref, w_ref, m_ref):
        b = lax.dot_general(
            x_ref[...], w_ref[...], (((1,), (1,)), ((), ())),
            preferred_element_type=jnp.float32)
        m_ref[...] = jnp.maximum(b, 0.0)

    return pl.pallas_call(
        body,
        grid=(grid,),
        in_specs=[
            pl.BlockSpec((block_rows, K), lambda i: (i, 0)),
            pl.BlockSpec((H, K), lambda i: (0, 0)),
        ],
        out_specs=pl.BlockSpec((block_rows, H), lambda i: (i, 0)),
        out_shape=jax.ShapeDtypeStruct((E, H), jnp.float32),
        interpret=interpret,
    )(fbonds, W_i)


def _mm_h(fbonds, gs_p, W_i, W_h, block_rows=4000, interpret=False):
    E, K = fbonds.shape
    H = W_h.shape[0]
    grid = E // block_rows

    def body(x_ref, g_ref, wi_ref, wh_ref, o_ref):
        b = lax.dot_general(
            x_ref[...], wi_ref[...], (((1,), (1,)), ((), ())),
            preferred_element_type=jnp.float32)
        o_ref[...] = jnp.maximum(
            b + lax.dot_general(
                g_ref[...], wh_ref[...], (((1,), (1,)), ((), ())),
                preferred_element_type=jnp.float32),
            0.0)

    return pl.pallas_call(
        body,
        grid=(grid,),
        in_specs=[
            pl.BlockSpec((block_rows, K), lambda i: (i, 0)),
            pl.BlockSpec((block_rows, H), lambda i: (i, 0)),
            pl.BlockSpec((H, K), lambda i: (0, 0)),
            pl.BlockSpec((H, H), lambda i: (0, 0)),
        ],
        out_specs=pl.BlockSpec((block_rows, H), lambda i: (i, 0)),
        out_shape=jax.ShapeDtypeStruct((E, H), jnp.float32),
        interpret=interpret,
    )(fbonds, gs_p, W_i, W_h)


def _mm_out(fatoms, ga_p, WoA, WoH, b_o2, block_rows=4000, interpret=False):
    N, AF = fatoms.shape
    H = WoH.shape[0]
    grid = N // block_rows

    def body(fa_ref, g_ref, wa_ref, wh_ref, b_ref, o_ref):
        i = pl.program_id(0)
        h = lax.dot_general(fa_ref[...], wa_ref[...], (((1,), (1,)), ((), ())),
                            preferred_element_type=jnp.float32)
        h = h + lax.dot_general(g_ref[...], wh_ref[...], (((1,), (1,)), ((), ())),
                                preferred_element_type=jnp.float32)
        h = jnp.maximum(h + b_ref[...], 0.0)
        part = jnp.sum(h, axis=0, keepdims=True)

        @pl.when(i == 0)
        def _zero():
            o_ref[...] = jnp.zeros_like(o_ref)

        o_ref[...] += part

        @pl.when(i == grid - 1)
        def _scale():
            o_ref[...] = o_ref[...] * (1.0 / N)

    return pl.pallas_call(
        body,
        grid=(grid,),
        in_specs=[
            pl.BlockSpec((block_rows, AF), lambda i: (i, 0)),
            pl.BlockSpec((block_rows, H), lambda i: (i, 0)),
            pl.BlockSpec(WoA.shape, lambda i: (0, 0)),
            pl.BlockSpec(WoH.shape, lambda i: (0, 0)),
            pl.BlockSpec((1, H), lambda i: (0, 0)),
        ],
        out_specs=pl.BlockSpec((1, H), lambda i: (0, 0)),
        out_shape=jax.ShapeDtypeStruct((1, H), jnp.float32),
        interpret=interpret,
    )(fatoms, ga_p, WoA, WoH, b_o2)


def _gather_sum(msg, nbrT_p):
    E, H = msg.shape
    NB, Rp = nbrT_p.shape
    C = _CHUNK
    rpw = Rp // _NW
    n_chunks = rpw // C

    mesh = plsc.VectorSubcoreMesh(core_axis_name="c", subcore_axis_name="s")

    @functools.partial(
        pl.kernel,
        out_type=jax.ShapeDtypeStruct((Rp, H), jnp.float32),
        mesh=mesh,
        scratch_types=[
            pltpu.VMEM((2, NB, C), jnp.int32),
            pltpu.VMEM((2, C, H), jnp.float32),
            [pltpu.SemaphoreType.DMA] * 8,
        ],
    )
    def k(msg_hbm, nbr_hbm, out_hbm, idxt_v, buf_v, sems):
        isem = sems[0:2]
        g0sem = sems[2:4]
        gsem = sems[4:6]
        wsem = sems[6:8]
        wid = lax.axis_index("s") * _NC + lax.axis_index("c")
        base = wid * rpw
        n = n_chunks

        def r0_of(t):
            return pl.multiple_of(base + C * jnp.minimum(t, n - 1), C)

        def wait_idx(sem, s):
            pltpu.make_async_copy(
                nbr_hbm.at[:, pl.ds(base, C)], idxt_v.at[s], sem).wait()

        def wait_gather(sem, s):
            pltpu.make_async_copy(
                out_hbm.at[pl.ds(base, C), :], buf_v.at[s], sem).wait()

        def wait_wb(sem, s):
            pltpu.make_async_copy(
                buf_v.at[s], out_hbm.at[pl.ds(base, C), :], sem).wait()

        def fire_g0(t, s):
            return pltpu.async_copy(
                msg_hbm.at[idxt_v.at[s, 0]], buf_v.at[s], g0sem[s])

        def fire_adds(s):
            for kk in range(1, NB):
                pltpu.async_copy(msg_hbm.at[idxt_v.at[s, kk]], buf_v.at[s],
                                 gsem[s], add=True)

        def half(tt, s, guard):
            o = 1 - s
            wait_idx(isem[o], o)
            if guard is None:
                wait_wb(wsem[o], o)
            else:
                @pl.when(guard)
                def _():
                    wait_wb(wsem[o], o)
            fire_g0(tt + 1, o)
            for _ in range(NB - 1):
                wait_gather(gsem[s], s)
            pltpu.async_copy(buf_v.at[s], out_hbm.at[pl.ds(r0_of(tt), C), :],
                             wsem[s])
            pltpu.async_copy(nbr_hbm.at[:, pl.ds(r0_of(tt + 2), C)],
                             idxt_v.at[s], isem[s])
            wait_gather(g0sem[o], o)
            fire_adds(o)

        pltpu.sync_copy(nbr_hbm.at[:, pl.ds(base, C)], idxt_v.at[0])
        fire_g0(0, 0).wait()
        fire_adds(0)
        pltpu.async_copy(nbr_hbm.at[:, pl.ds(r0_of(1), C)], idxt_v.at[1],
                         isem[1])

        def pair_body(t2, carry):
            half(2 * t2, 0, guard=t2 > 0)
            half(2 * t2 + 1, 1, guard=None)
            return carry

        lax.fori_loop(0, n // 2, pair_body, 0)
        if n % 2:
            half(n - 1, (n - 1) % 2, guard=None)

        s_last = (n - 1) % 2
        o_last = 1 - s_last
        for _ in range(NB - 1):
            wait_gather(gsem[o_last], o_last)
        wait_wb(wsem[s_last], s_last)
        wait_idx(isem[s_last], s_last)

    return k(msg, nbrT_p)


def kernel(fatoms, fbonds, agraph, bgraph, W_i, W_h, W_o, b_o):
    N, AF = fatoms.shape
    E, K = fbonds.shape
    H = W_i.shape[0]
    NB = bgraph.shape[1]
    tile = _NW * _CHUNK
    Ep = -(-E // tile) * tile
    Np = -(-N // tile) * tile

    padB = jnp.arange(NB * (Ep - E), dtype=jnp.int32).reshape(NB, Ep - E) % E
    padA = jnp.arange(NB * (Np - N), dtype=jnp.int32).reshape(NB, Np - N) % E
    bT = jnp.concatenate([bgraph.astype(jnp.int32).T, padB], axis=1)
    aT = jnp.concatenate([agraph.astype(jnp.int32).T, padA], axis=1)

    msg = _mm_in(fbonds, W_i)
    for _ in range(2):
        gs_p = _gather_sum(msg, bT)
        msg = _mm_h(fbonds, gs_p, W_i, W_h)
    ga_p = _gather_sum(msg, aT)
    return _mm_out(fatoms, ga_p, W_o[:, :AF], W_o[:, AF:], b_o.reshape(1, H))

# --- scband reference (transcript-rebuilt; emitter-appended) ---
"""Pipeline reference for scband-cpi-mpnn-3255585210687 (READ-ONLY COPY).

The authoritative reference and input builder live on the scoring server;
editing this copy changes nothing except your own understanding.
"""

import jax, jax.numpy as jnp
import numpy as np

MPNN_HIDDEN = 128
MPNN_DEPTH = 3
ATOM_FDIM = 39
BOND_IN_DIM = 50  # ATOM_FDIM + 11
N_ATOMS = 100000
N_BONDS = 200000
MAX_NB = 6


def setup_inputs(seed: int = 0) -> dict:
    key = jax.random.key(seed)
    ks = jax.random.split(key, 8)
    fatoms = jax.random.normal(ks[0], (N_ATOMS, ATOM_FDIM), dtype=jnp.float32)
    fbonds = jax.random.normal(ks[1], (N_BONDS, BOND_IN_DIM), dtype=jnp.float32)
    agraph = jax.random.randint(ks[2], (N_ATOMS, MAX_NB), 0, N_BONDS, dtype=jnp.int64 if jax.config.jax_enable_x64 else jnp.int32)
    bgraph = jax.random.randint(ks[3], (N_BONDS, MAX_NB), 0, N_BONDS, dtype=jnp.int64 if jax.config.jax_enable_x64 else jnp.int32)
    # learned parameters (nn.Linear stores weight as [out, in]; we keep that layout)
    W_i = jax.random.normal(ks[4], (MPNN_HIDDEN, BOND_IN_DIM), dtype=jnp.float32) * 0.05
    W_h = jax.random.normal(ks[5], (MPNN_HIDDEN, MPNN_HIDDEN), dtype=jnp.float32) * 0.05
    W_o = jax.random.normal(ks[6], (MPNN_HIDDEN, ATOM_FDIM + MPNN_HIDDEN), dtype=jnp.float32) * 0.05
    b_o = jax.random.normal(ks[7], (MPNN_HIDDEN,), dtype=jnp.float32) * 0.05
    return {"fatoms": fatoms, "fbonds": fbonds, "agraph": agraph, "bgraph": bgraph,
            "W_i": W_i, "W_h": W_h, "W_o": W_o, "b_o": b_o}


def reference(fatoms, fbonds, agraph, bgraph, W_i, W_h, W_o, b_o):
    # single_molecule_forward of CPI_MPNN (the message-passing core)
    binput = fbonds @ W_i.T                      # (E, H)
    message = jax.nn.relu(binput)                # (E, H)
    for _ in range(MPNN_DEPTH - 1):
        nei_message = jnp.take(message, bgraph, axis=0)   # gather: (E, MAX_NB, H)
        nei_message = nei_message.sum(axis=1)             # (E, H)
        nei_message = nei_message @ W_h.T                 # (E, H)
        message = jax.nn.relu(binput + nei_message)
    nei_message = jnp.take(message, agraph, axis=0)       # gather: (N, MAX_NB, H)
    nei_message = nei_message.sum(axis=1)                 # (N, H)
    ainput = jnp.concatenate([fatoms, nei_message], axis=1)  # (N, 39+H)
    atom_hiddens = jax.nn.relu(ainput @ W_o.T + b_o)      # (N, H)
    return jnp.mean(atom_hiddens, axis=0).reshape(1, -1)  # (1, H)

if __name__ == "__main__":
    import jax
    _d = setup_inputs()
    print(jax.jit(kernel)(*tuple(_d.values())))

</pallas_src>

<mosaic_0001>
#map = affine_map<(d0, d1) -> (0, 0)>
module attributes {stable_mosaic.version = 14 : i64} {
  func.func @k(%arg0: i32, %arg1: i32, %arg2: memref<200000x128xf32, #tpu.memory_space<hbm>>, %arg3: memref<6x102400xi32, #tpu.memory_space<hbm>>, %arg4: memref<102400x128xf32, #tpu.memory_space<hbm>>, %arg5: memref<2x6x128xi32, #tpu.memory_space<vmem>>, %arg6: memref<2x128x128xf32, #tpu.memory_space<vmem>>, %arg7: memref<!tpu.dma_semaphore, #tpu.memory_space<semaphore_mem>>, %arg8: memref<!tpu.dma_semaphore, #tpu.memory_space<semaphore_mem>>, %arg9: memref<!tpu.dma_semaphore, #tpu.memory_space<semaphore_mem>>, %arg10: memref<!tpu.dma_semaphore, #tpu.memory_space<semaphore_mem>>, %arg11: memref<!tpu.dma_semaphore, #tpu.memory_space<semaphore_mem>>, %arg12: memref<!tpu.dma_semaphore, #tpu.memory_space<semaphore_mem>>, %arg13: memref<!tpu.dma_semaphore, #tpu.memory_space<semaphore_mem>>, %arg14: memref<!tpu.dma_semaphore, #tpu.memory_space<semaphore_mem>>) attributes {dimension_semantics = [#tpu.dimension_semantics<core_parallel>, #tpu.dimension_semantics<subcore_parallel>], iteration_bounds = array<i64: 2, 16>, scalar_prefetch = 0 : i64, scratch_operands = 10 : i64, tpu.core_type = #tpu.core_type<sc_vector_subcore>, window_params = [{transform_indices = #map}, {transform_indices = #map}, {transform_indices = #map}]} {
    %mul3A = arith.constant 2 : i32
    %mul3A_0 = arith.muli %arg1, %mul3A : i32
    %add3A = arith.addi %mul3A_0, %arg0 : i32
    %mul3A_1 = arith.constant 3200 : i32
    %mul3A_2 = arith.muli %add3A, %mul3A_1 : i32
    %run_scoped3A = arith.constant 0 : i32
    "tpu.region"() ({
      %run_scoped3A_428 = tpu.sem_alloc : memref<!tpu.dma_semaphore, #tpu.memory_space<semaphore_mem>>
      %dma_start3A_429 = arith.constant 0 : i32
      %dma_start3A_430 = arith.constant 0 : i32
      %dma_start3A_431 = tpu.memref_slice %arg5[%run_scoped3A, %dma_start3A_429, %dma_start3A_430] : memref<2x6x128xi32, #tpu.memory_space<vmem>> -> memref<1x6x128xi32, #tpu.memory_space<vmem>>
      %dma_start3A_432 = tpu.memref_squeeze %dma_start3A_431 : memref<1x6x128xi32, #tpu.memory_space<vmem>> -> memref<6x128xi32, #tpu.memory_space<vmem>>
      %dma_start3A_433 = arith.constant 0 : i32
      %dma_start3A_434 = tpu.memref_slice %arg3[%dma_start3A_433, %mul3A_2] : memref<6x102400xi32, #tpu.memory_space<hbm>> -> memref<6x128xi32, #tpu.memory_space<hbm>>
      %dma_start3A_435 = arith.constant 0 : i32
      %dma_start3A_436 = arith.constant 0 : i32
      %dma_start3A_437 = tpu.memref_slice %arg5[%run_scoped3A, %dma_start3A_435, %dma_start3A_436] : memref<2x6x128xi32, #tpu.memory_space<vmem>> -> memref<1x6x128xi32, #tpu.memory_space<vmem>>
      %dma_start3A_438 = tpu.memref_squeeze %dma_start3A_437 : memref<1x6x128xi32, #tpu.memory_space<vmem>> -> memref<6x128xi32, #tpu.memory_space<vmem>>
      %dma_start3A_439 = arith.constant 0 : i32
      %dma_start3A_440 = tpu.memref_slice %arg3[%dma_start3A_439, %mul3A_2] : memref<6x102400xi32, #tpu.memory_space<hbm>> -> memref<6x128xi32, #tpu.memory_space<hbm>>
      tpu.enqueue_dma source(%dma_start3A_440 : memref<6x128xi32, #tpu.memory_space<hbm>>) target(%dma_start3A_438 : memref<6x128xi32, #tpu.memory_space<vmem>>) target_semaphore(%run_scoped3A_428 : memref<!tpu.dma_semaphore, #tpu.memory_space<semaphore_mem>>)
      %dma_wait3A_441 = arith.constant 0 : i32
      %dma_wait3A_442 = arith.constant 0 : i32
      %dma_wait3A_443 = tpu.memref_slice %arg5[%run_scoped3A, %dma_wait3A_441, %dma_wait3A_442] : memref<2x6x128xi32, #tpu.memory_space<vmem>> -> memref<1x6x128xi32, #tpu.memory_space<vmem>>
      %dma_wait3A_444 = tpu.memref_squeeze %dma_wait3A_443 : memref<1x6x128xi32, #tpu.memory_space<vmem>> -> memref<6x128xi32, #tpu.memory_space<vmem>>
      %dma_wait3A_445 = arith.constant 0 : i32
      %dma_wait3A_446 = tpu.memref_slice %arg3[%dma_wait3A_445, %mul3A_2] : memref<6x102400xi32, #tpu.memory_space<hbm>> -> memref<6x128xi32, #tpu.memory_space<hbm>>
      %dma_wait3A_447 = arith.constant 0 : i32
      %dma_wait3A_448 = arith.constant 0 : i32
      %dma_wait3A_449 = tpu.memref_slice %arg5[%run_scoped3A, %dma_wait3A_447, %dma_wait3A_448] : memref<2x6x128xi32, #tpu.memory_space<vmem>> -> memref<1x6x128xi32, #tpu.memory_space<vmem>>
      %dma_wait3A_450 = tpu.memref_squeeze %dma_wait3A_449 : memref<1x6x128xi32, #tpu.memory_space<vmem>> -> memref<6x128xi32, #tpu.memory_space<vmem>>
      %dma_wait3A_451 = arith.constant 0 : i32
      %dma_wait3A_452 = tpu.memref_slice %arg3[%dma_wait3A_451, %mul3A_2] : memref<6x102400xi32, #tpu.memory_space<hbm>> -> memref<6x128xi32, #tpu.memory_space<hbm>>
      tpu.wait_dma2 semaphore(%run_scoped3A_428 : memref<!tpu.dma_semaphore, #tpu.memory_space<semaphore_mem>>) src(%dma_wait3A_452 : memref<6x128xi32, #tpu.memory_space<hbm>>) dst(%dma_wait3A_450 : memref<6x128xi32, #tpu.memory_space<vmem>>)
      tpu.yield
    }) : () -> ()
    %dma_start3A = arith.constant 0 : i32
    %dma_start3A_3 = arith.constant 0 : i32
    %dma_start3A_4 = arith.constant 0 : i32
    %dma_start3A_5 = arith.constant 0 : i32
    %dma_start3A_6 = arith.constant 0 : i32
    %dma_start3A_7 = tpu.memref_slice %arg6[%dma_start3A_4, %dma_start3A_5, %dma_start3A_6] : memref<2x128x128xf32, #tpu.memory_space<vmem>> -> memref<1x128x128xf32, #tpu.memory_space<vmem>>
    %dma_start3A_8 = tpu.memref_squeeze %dma_start3A_7 : memref<1x128x128xf32, #tpu.memory_space<vmem>> -> memref<128x128xf32, #tpu.memory_space<vmem>>
    %dma_start3A_9 = arith.constant 0 : i32
    %dma_start3A_10 = tpu.memref_slice %arg5[%dma_start3A, %dma_start3A_3, %dma_start3A_9] : memref<2x6x128xi32, #tpu.memory_space<vmem>> -> memref<1x1x128xi32, #tpu.memory_space<vmem>>
    %dma_start3A_11 = tpu.memref_squeeze %dma_start3A_10 : memref<1x1x128xi32, #tpu.memory_space<vmem>> -> memref<128xi32, #tpu.memory_space<vmem>>
    %dma_start3A_12 = arith.constant 0 : i32
    %dma_start3A_13 = arith.constant 0 : i32
    %dma_start3A_14 = tpu.memref_slice %arg2[%dma_start3A_12, %dma_start3A_13] : memref<200000x128xf32, #tpu.memory_space<hbm>> -> memref<200000x128xf32, #tpu.memory_space<hbm>>
    tpu.enqueue_indirect_dma source(%dma_start3A_14 : memref<200000x128xf32, #tpu.memory_space<hbm>>) target(%dma_start3A_8 : memref<128x128xf32, #tpu.memory_space<vmem>>) offsets(%dma_start3A_11 : memref<128xi32, #tpu.memory_space<vmem>>) semaphore(%arg9 : memref<!tpu.dma_semaphore, #tpu.memory_space<semaphore_mem>>)
    %dma_wait3A = arith.constant 0 : i32
    %dma_wait3A_15 = arith.constant 0 : i32
    %dma_wait3A_16 = arith.constant 0 : i32
    %dma_wait3A_17 = arith.constant 0 : i32
    %dma_wait3A_18 = arith.constant 0 : i32
    %dma_wait3A_19 = tpu.memref_slice %arg6[%dma_wait3A_16, %dma_wait3A_17, %dma_wait3A_18] : memref<2x128x128xf32, #tpu.memory_space<vmem>> -> memref<1x128x128xf32, #tpu.memory_space<vmem>>
    %dma_wait3A_20 = tpu.memref_squeeze %dma_wait3A_19 : memref<1x128x128xf32, #tpu.memory_space<vmem>> -> memref<128x128xf32, #tpu.memory_space<vmem>>
    %dma_wait3A_21 = arith.constant 0 : i32
    %dma_wait3A_22 = tpu.memref_slice %arg5[%dma_wait3A, %dma_wait3A_15, %dma_wait3A_21] : memref<2x6x128xi32, #tpu.memory_space<vmem>> -> memref<1x1x128xi32, #tpu.memory_space<vmem>>
    %dma_wait3A_23 = tpu.memref_squeeze %dma_wait3A_22 : memref<1x1x128xi32, #tpu.memory_space<vmem>> -> memref<128xi32, #tpu.memory_space<vmem>>
    %dma_wait3A_24 = arith.constant 0 : i32
    %dma_wait3A_25 = arith.constant 0 : i32
    %dma_wait3A_26 = tpu.memref_slice %arg2[%dma_wait3A_24, %dma_wait3A_25] : memref<200000x128xf32, #tpu.memory_space<hbm>> -> memref<200000x128xf32, #tpu.memory_space<hbm>>
    tpu.wait_indirect_dma semaphore(%arg9 : memref<!tpu.dma_semaphore, #tpu.memory_space<semaphore_mem>>) src(%dma_wait3A_26 : memref<200000x128xf32, #tpu.memory_space<hbm>>) dst(%dma_wait3A_20 : memref<128x128xf32, #tpu.memory_space<vmem>>)
    %dma_start3A_27 = arith.constant 0 : i32
    %dma_start3A_28 = arith.constant 1 : i32
    %dma_start3A_29 = arith.constant 0 : i32
    %dma_start3A_30 = arith.constant 0 : i32
    %dma_start3A_31 = arith.constant 0 : i32
    %dma_start3A_32 = tpu.memref_slice %arg6[%dma_start3A_29, %dma_start3A_30, %dma_start3A_31] : memref<2x128x128xf32, #tpu.memory_space<vmem>> -> memref<1x128x128xf32, #tpu.memory_space<vmem>>
    %dma_start3A_33 = tpu.memref_squeeze %dma_start3A_32 : memref<1x128x128xf32, #tpu.memory_space<vmem>> -> memref<128x128xf32, #tpu.memory_space<vmem>>
    %dma_start3A_34 = arith.constant 0 : i32
    %dma_start3A_35 = tpu.memref_slice %arg5[%dma_start3A_27, %dma_start3A_28, %dma_start3A_34] : memref<2x6x128xi32, #tpu.memory_space<vmem>> -> memref<1x1x128xi32, #tpu.memory_space<vmem>>
    %dma_start3A_36 = tpu.memref_squeeze %dma_start3A_35 : memref<1x1x128xi32, #tpu.memory_space<vmem>> -> memref<128xi32, #tpu.memory_space<vmem>>
    %dma_start3A_37 = arith.constant 0 : i32
    %dma_start3A_38 = arith.constant 0 : i32
    %dma_start3A_39 = tpu.memref_slice %arg2[%dma_start3A_37, %dma_start3A_38] : memref<200000x128xf32, #tpu.memory_space<hbm>> -> memref<200000x128xf32, #tpu.memory_space<hbm>>
    tpu.enqueue_indirect_dma source(%dma_start3A_39 : memref<200000x128xf32, #tpu.memory_space<hbm>>) target(%dma_start3A_33 : memref<128x128xf32, #tpu.memory_space<vmem>>) offsets(%dma_start3A_36 : memref<128xi32, #tpu.memory_space<vmem>>) semaphore(%arg11 : memref<!tpu.dma_semaphore, #tpu.memory_space<semaphore_mem>>) {add = true}
    %dma_start3A_40 = arith.constant 0 : i32
    %dma_start3A_41 = arith.constant 2 : i32
    %dma_start3A_42 = arith.constant 0 : i32
    %dma_start3A_43 = arith.constant 0 : i32
    %dma_start3A_44 = arith.constant 0 : i32
    %dma_start3A_45 = tpu.memref_slice %arg6[%dma_start3A_42, %dma_start3A_43, %dma_start3A_44] : memref<2x128x128xf32, #tpu.memory_space<vmem>> -> memref<1x128x128xf32, #tpu.memory_space<vmem>>
    %dma_start3A_46 = tpu.memref_squeeze %dma_start3A_45 : memref<1x128x128xf32, #tpu.memory_space<vmem>> -> memref<128x128xf32, #tpu.memory_space<vmem>>
    %dma_start3A_47 = arith.constant 0 : i32
    %dma_start3A_48 = tpu.memref_slice %arg5[%dma_start3A_40, %dma_start3A_41, %dma_start3A_47] : memref<2x6x128xi32, #tpu.memory_space<vmem>> -> memref<1x1x128xi32, #tpu.memory_space<vmem>>
    %dma_start3A_49 = tpu.memref_squeeze %dma_start3A_48 : memref<1x1x128xi32, #tpu.memory_space<vmem>> -> memref<128xi32, #tpu.memory_space<vmem>>
    %dma_start3A_50 = arith.constant 0 : i32
    %dma_start3A_51 = arith.constant 0 : i32
    %dma_start3A_52 = tpu.memref_slice %arg2[%dma_start3A_50, %dma_start3A_51] : memref<200000x128xf32, #tpu.memory_space<hbm>> -> memref<200000x128xf32, #tpu.memory_space<hbm>>
    tpu.enqueue_indirect_dma source(%dma_start3A_52 : memref<200000x128xf32, #tpu.memory_space<hbm>>) target(%dma_start3A_46 : memref<128x128xf32, #tpu.memory_space<vmem>>) offsets(%dma_start3A_49 : memref<128xi32, #tpu.memory_space<vmem>>) semaphore(%arg11 : memref<!tpu.dma_semaphore, #tpu.memory_space<semaphore_mem>>) {add = true}
    %dma_start3A_53 = arith.constant 0 : i32
    %dma_start3A_54 = arith.constant 3 : i32
    %dma_start3A_55 = arith.constant 0 : i32
    %dma_start3A_56 = arith.constant 0 : i32
    %dma_start3A_57 = arith.constant 0 : i32
    %dma_start3A_58 = tpu.memref_slice %arg6[%dma_start3A_55, %dma_start3A_56, %dma_start3A_57] : memref<2x128x128xf32, #tpu.memory_space<vmem>> -> memref<1x128x128xf32, #tpu.memory_space<vmem>>
    %dma_start3A_59 = tpu.memref_squeeze %dma_start3A_58 : memref<1x128x128xf32, #tpu.memory_space<vmem>> -> memref<128x128xf32, #tpu.memory_space<vmem>>
    %dma_start3A_60 = arith.constant 0 : i32
    %dma_start3A_61 = tpu.memref_slice %arg5[%dma_start3A_53, %dma_start3A_54, %dma_start3A_60] : memref<2x6x128xi32, #tpu.memory_space<vmem>> -> memref<1x1x128xi32, #tpu.memory_space<vmem>>
    %dma_start3A_62 = tpu.memref_squeeze %dma_start3A_61 : memref<1x1x128xi32, #tpu.memory_space<vmem>> -> memref<128xi32, #tpu.memory_space<vmem>>
    %dma_start3A_63 = arith.constant 0 : i32
    %dma_start3A_64 = arith.constant 0 : i32
    %dma_start3A_65 = tpu.memref_slice %arg2[%dma_start3A_63, %dma_start3A_64] : memref<200000x128xf32, #tpu.memory_space<hbm>> -> memref<200000x128xf32, #tpu.memory_space<hbm>>
    tpu.enqueue_indirect_dma source(%dma_start3A_65 : memref<200000x128xf32, #tpu.memory_space<hbm>>) target(%dma_start3A_59 : memref<128x128xf32, #tpu.memory_space<vmem>>) offsets(%dma_start3A_62 : memref<128xi32, #tpu.memory_space<vmem>>) semaphore(%arg11 : memref<!tpu.dma_semaphore, #tpu.memory_space<semaphore_mem>>) {add = true}
    %dma_start3A_66 = arith.constant 0 : i32
    %dma_start3A_67 = arith.constant 4 : i32
    %dma_start3A_68 = arith.constant 0 : i32
    %dma_start3A_69 = arith.constant 0 : i32
    %dma_start3A_70 = arith.constant 0 : i32
    %dma_start3A_71 = tpu.memref_slice %arg6[%dma_start3A_68, %dma_start3A_69, %dma_start3A_70] : memref<2x128x128xf32, #tpu.memory_space<vmem>> -> memref<1x128x128xf32, #tpu.memory_space<vmem>>
    %dma_start3A_72 = tpu.memref_squeeze %dma_start3A_71 : memref<1x128x128xf32, #tpu.memory_space<vmem>> -> memref<128x128xf32, #tpu.memory_space<vmem>>
    %dma_start3A_73 = arith.constant 0 : i32
    %dma_start3A_74 = tpu.memref_slice %arg5[%dma_start3A_66, %dma_start3A_67, %dma_start3A_73] : memref<2x6x128xi32, #tpu.memory_space<vmem>> -> memref<1x1x128xi32, #tpu.memory_space<vmem>>
    %dma_start3A_75 = tpu.memref_squeeze %dma_start3A_74 : memref<1x1x128xi32, #tpu.memory_space<vmem>> -> memref<128xi32, #tpu.memory_space<vmem>>
    %dma_start3A_76 = arith.constant 0 : i32
    %dma_start3A_77 = arith.constant 0 : i32
    %dma_start3A_78 = tpu.memref_slice %arg2[%dma_start3A_76, %dma_start3A_77] : memref<200000x128xf32, #tpu.memory_space<hbm>> -> memref<200000x128xf32, #tpu.memory_space<hbm>>
    tpu.enqueue_indirect_dma source(%dma_start3A_78 : memref<200000x128xf32, #tpu.memory_space<hbm>>) target(%dma_start3A_72 : memref<128x128xf32, #tpu.memory_space<vmem>>) offsets(%dma_start3A_75 : memref<128xi32, #tpu.memory_space<vmem>>) semaphore(%arg11 : memref<!tpu.dma_semaphore, #tpu.memory_space<semaphore_mem>>) {add = true}
    %dma_start3A_79 = arith.constant 0 : i32
    %dma_start3A_80 = arith.constant 5 : i32
    %dma_start3A_81 = arith.constant 0 : i32
    %dma_start3A_82 = arith.constant 0 : i32
    %dma_start3A_83 = arith.constant 0 : i32
    %dma_start3A_84 = tpu.memref_slice %arg6[%dma_start3A_81, %dma_start3A_82, %dma_start3A_83] : memref<2x128x128xf32, #tpu.memory_space<vmem>> -> memref<1x128x128xf32, #tpu.memory_space<vmem>>
    %dma_start3A_85 = tpu.memref_squeeze %dma_start3A_84 : memref<1x128x128xf32, #tpu.memory_space<vmem>> -> memref<128x128xf32, #tpu.memory_space<vmem>>
    %dma_start3A_86 = arith.constant 0 : i32
    %dma_start3A_87 = tpu.memref_slice %arg5[%dma_start3A_79, %dma_start3A_80, %dma_start3A_86] : memref<2x6x128xi32, #tpu.memory_space<vmem>> -> memref<1x1x128xi32, #tpu.memory_space<vmem>>
    %dma_start3A_88 = tpu.memref_squeeze %dma_start3A_87 : memref<1x1x128xi32, #tpu.memory_space<vmem>> -> memref<128xi32, #tpu.memory_space<vmem>>
    %dma_start3A_89 = arith.constant 0 : i32
    %dma_start3A_90 = arith.constant 0 : i32
    %dma_start3A_91 = tpu.memref_slice %arg2[%dma_start3A_89, %dma_start3A_90] : memref<200000x128xf32, #tpu.memory_space<hbm>> -> memref<200000x128xf32, #tpu.memory_space<hbm>>
    tpu.enqueue_indirect_dma source(%dma_start3A_91 : memref<200000x128xf32, #tpu.memory_space<hbm>>) target(%dma_start3A_85 : memref<128x128xf32, #tpu.memory_space<vmem>>) offsets(%dma_start3A_88 : memref<128xi32, #tpu.memory_space<vmem>>) semaphore(%arg11 : memref<!tpu.dma_semaphore, #tpu.memory_space<semaphore_mem>>) {add = true}
    %min3A = arith.constant 1 : i32
    %min3A_92 = arith.constant 24 : i32
    %min3A_93 = arith.minsi %min3A, %min3A_92 : i32
    %mul3A_94 = arith.constant 128 : i32
    %mul3A_95 = arith.muli %mul3A_94, %min3A_93 : i32
    %add3A_96 = arith.addi %mul3A_2, %mul3A_95 : i32
    %multiple_of3A = tpu.assume_multiple %add3A_96, 128 : i32
    %dma_start3A_97 = arith.constant 1 : i32
    %dma_start3A_98 = arith.constant 0 : i32
    %dma_start3A_99 = arith.constant 0 : i32
    %dma_start3A_100 = tpu.memref_slice %arg5[%dma_start3A_97, %dma_start3A_98, %dma_start3A_99] : memref<2x6x128xi32, #tpu.memory_space<vmem>> -> memref<1x6x128xi32, #tpu.memory_space<vmem>>
    %dma_start3A_101 = tpu.memref_squeeze %dma_start3A_100 : memref<1x6x128xi32, #tpu.memory_space<vmem>> -> memref<6x128xi32, #tpu.memory_space<vmem>>
    %dma_start3A_102 = arith.constant 0 : i32
    %dma_start3A_103 = tpu.memref_slice %arg3[%dma_start3A_102, %multiple_of3A] : memref<6x102400xi32, #tpu.memory_space<hbm>> -> memref<6x128xi32, #tpu.memory_space<hbm>>
    %dma_start3A_104 = arith.constant 0 : i32
    %dma_start3A_105 = arith.constant 0 : i32
    %dma_start3A_106 = tpu.memref_slice %arg5[%dma_start3A_97, %dma_start3A_104, %dma_start3A_105] : memref<2x6x128xi32, #tpu.memory_space<vmem>> -> memref<1x6x128xi32, #tpu.memory_space<vmem>>
    %dma_start3A_107 = tpu.memref_squeeze %dma_start3A_106 : memref<1x6x128xi32, #tpu.memory_space<vmem>> -> memref<6x128xi32, #tpu.memory_space<vmem>>
    %dma_start3A_108 = arith.constant 0 : i32
    %dma_start3A_109 = tpu.memref_slice %arg3[%dma_start3A_108, %multiple_of3A] : memref<6x102400xi32, #tpu.memory_space<hbm>> -> memref<6x128xi32, #tpu.memory_space<hbm>>
    tpu.enqueue_dma source(%dma_start3A_109 : memref<6x128xi32, #tpu.memory_space<hbm>>) target(%dma_start3A_107 : memref<6x128xi32, #tpu.memory_space<vmem>>) target_semaphore(%arg8 : memref<!tpu.dma_semaphore, #tpu.memory_space<semaphore_mem>>)
    %scan3A = arith.constant 0 : i32
    %scan3A_110 = arith.constant 0 : i32
    %scan3A_111 = arith.constant 12 : i32
    %scan3A_112 = arith.addi %scan3A_110, %scan3A_111 : i32
    %scan3A_113 = arith.constant 1 : i32
    scf.for %scan3A_428 = %scan3A_110 to %scan3A_112 step %scan3A_113  : i32 {
      %mul3A_429 = arith.constant 2 : i32
      %mul3A_430 = arith.muli %mul3A_429, %scan3A_428 : i32
      %gt3A = arith.constant 0 : i32
      %gt3A_431 = arith.cmpi sgt, %scan3A_428, %gt3A : i32
      %dma_wait3A_432 = arith.constant 1 : i32
      %dma_wait3A_433 = arith.constant 0 : i32
      %dma_wait3A_434 = arith.constant 0 : i32
      %dma_wait3A_435 = tpu.memref_slice %arg5[%dma_wait3A_432, %dma_wait3A_433, %dma_wait3A_434] : memref<2x6x128xi32, #tpu.memory_space<vmem>> -> memref<1x6x128xi32, #tpu.memory_space<vmem>>
      %dma_wait3A_436 = tpu.memref_squeeze %dma_wait3A_435 : memref<1x6x128xi32, #tpu.memory_space<vmem>> -> memref<6x128xi32, #tpu.memory_space<vmem>>
      %dma_wait3A_437 = arith.constant 0 : i32
      %dma_wait3A_438 = tpu.memref_slice %arg3[%dma_wait3A_437, %mul3A_2] : memref<6x102400xi32, #tpu.memory_space<hbm>> -> memref<6x128xi32, #tpu.memory_space<hbm>>
      %dma_wait3A_439 = arith.constant 0 : i32
      %dma_wait3A_440 = arith.constant 0 : i32
      %dma_wait3A_441 = tpu.memref_slice %arg5[%dma_wait3A_432, %dma_wait3A_439, %dma_wait3A_440] : memref<2x6x128xi32, #tpu.memory_space<vmem>> -> memref<1x6x128xi32, #tpu.memory_space<vmem>>
      %dma_wait3A_442 = tpu.memref_squeeze %dma_wait3A_441 : memref<1x6x128xi32, #tpu.memory_space<vmem>> -> memref<6x128xi32, #tpu.memory_space<vmem>>
      %dma_wait3A_443 = arith.constant 0 : i32
      %dma_wait3A_444 = tpu.memref_slice %arg3[%dma_wait3A_443, %mul3A_2] : memref<6x102400xi32, #tpu.memory_space<hbm>> -> memref<6x128xi32, #tpu.memory_space<hbm>>
      tpu.wait_dma2 semaphore(%arg8 : memref<!tpu.dma_semaphore, #tpu.memory_space<semaphore_mem>>) src(%dma_wait3A_444 : memref<6x128xi32, #tpu.memory_space<hbm>>) dst(%dma_wait3A_442 : memref<6x128xi32, #tpu.memory_space<vmem>>)
      %convert_element_type3A = arith.extui %gt3A_431 : i1 to i32
      %cond3A = arith.constant 0 : i32
      %cond3A_445 = arith.cmpi ne, %convert_element_type3A, %cond3A : i32
      scf.if %cond3A_445 {
        %dma_wait3A_872 = arith.constant 1 : i32
        %dma_wait3A_873 = arith.constant 0 : i32
        %dma_wait3A_874 = arith.constant 0 : i32
        %dma_wait3A_875 = tpu.memref_slice %arg6[%dma_wait3A_872, %dma_wait3A_873, %dma_wait3A_874] : memref<2x128x128xf32, #tpu.memory_space<vmem>> -> memref<1x128x128xf32, #tpu.memory_space<vmem>>
        %dma_wait3A_876 = tpu.memref_squeeze %dma_wait3A_875 : memref<1x128x128xf32, #tpu.memory_space<vmem>> -> memref<128x128xf32, #tpu.memory_space<vmem>>
        %dma_wait3A_877 = arith.constant 0 : i32
        %dma_wait3A_878 = tpu.memref_slice %arg4[%mul3A_2, %dma_wait3A_877] : memref<102400x128xf32, #tpu.memory_space<hbm>> -> memref<128x128xf32, #tpu.memory_space<hbm>>
        %dma_wait3A_879 = arith.constant 0 : i32
        %dma_wait3A_880 = tpu.memref_slice %arg4[%mul3A_2, %dma_wait3A_879] : memref<102400x128xf32, #tpu.memory_space<hbm>> -> memref<128x128xf32, #tpu.memory_space<hbm>>
        %dma_wait3A_881 = arith.constant 0 : i32
        %dma_wait3A_882 = arith.constant 0 : i32
        %dma_wait3A_883 = tpu.memref_slice %arg6[%dma_wait3A_872, %dma_wait3A_881, %dma_wait3A_882] : memref<2x128x128xf32, #tpu.memory_space<vmem>> -> memref<1x128x128xf32, #tpu.memory_space<vmem>>
        %dma_wait3A_884 = tpu.memref_squeeze %dma_wait3A_883 : memref<1x128x128xf32, #tpu.memory_space<vmem>> -> memref<128x128xf32, #tpu.memory_space<vmem>>
        tpu.wait_dma2 semaphore(%arg14 : memref<!tpu.dma_semaphore, #tpu.memory_space<semaphore_mem>>) src(%dma_wait3A_884 : memref<128x128xf32, #tpu.memory_space<vmem>>) dst(%dma_wait3A_880 : memref<128x128xf32, #tpu.memory_space<hbm>>)
      } else {
      }
      %add3A_446 = arith.constant 1 : i32
      %add3A_447 = arith.addi %mul3A_430, %add3A_446 : i32
      %dma_start3A_448 = arith.constant 1 : i32
      %dma_start3A_449 = arith.constant 0 : i32
      %dma_start3A_450 = arith.constant 1 : i32
      %dma_start3A_451 = arith.constant 0 : i32
      %dma_start3A_452 = arith.constant 0 : i32
      %dma_start3A_453 = tpu.memref_slice %arg6[%dma_start3A_450, %dma_start3A_451, %dma_start3A_452] : memref<2x128x128xf32, #tpu.memory_space<vmem>> -> memref<1x128x128xf32, #tpu.memory_space<vmem>>
      %dma_start3A_454 = tpu.memref_squeeze %dma_start3A_453 : memref<1x128x128xf32, #tpu.memory_space<vmem>> -> memref<128x128xf32, #tpu.memory_space<vmem>>
      %dma_start3A_455 = arith.constant 0 : i32
      %dma_start3A_456 = tpu.memref_slice %arg5[%dma_start3A_448, %dma_start3A_449, %dma_start3A_455] : memref<2x6x128xi32, #tpu.memory_space<vmem>> -> memref<1x1x128xi32, #tpu.memory_space<vmem>>
      %dma_start3A_457 = tpu.memref_squeeze %dma_start3A_456 : memref<1x1x128xi32, #tpu.memory_space<vmem>> -> memref<128xi32, #tpu.memory_space<vmem>>
      %dma_start3A_458 = arith.constant 0 : i32
      %dma_start3A_459 = arith.constant 0 : i32
      %dma_start3A_460 = tpu.memref_slice %arg2[%dma_start3A_458, %dma_start3A_459] : memref<200000x128xf32, #tpu.memory_space<hbm>> -> memref<200000x128xf32, #tpu.memory_space<hbm>>
      tpu.enqueue_indirect_dma source(%dma_start3A_460 : memref<200000x128xf32, #tpu.memory_space<hbm>>) target(%dma_start3A_454 : memref<128x128xf32, #tpu.memory_space<vmem>>) offsets(%dma_start3A_457 : memref<128xi32, #tpu.memory_space<vmem>>) semaphore(%arg10 : memref<!tpu.dma_semaphore, #tpu.memory_space<semaphore_mem>>)
      %dma_wait3A_461 = arith.constant 0 : i32
      %dma_wait3A_462 = arith.constant 0 : i32
      %dma_wait3A_463 = arith.constant 0 : i32
      %dma_wait3A_464 = tpu.memref_slice %arg6[%dma_wait3A_461, %dma_wait3A_462, %dma_wait3A_463] : memref<2x128x128xf32, #tpu.memory_space<vmem>> -> memref<1x128x128xf32, #tpu.memory_space<vmem>>
      %dma_wait3A_465 = tpu.memref_squeeze %dma_wait3A_464 : memref<1x128x128xf32, #tpu.memory_space<vmem>> -> memref<128x128xf32, #tpu.memory_space<vmem>>
      %dma_wait3A_466 = arith.constant 0 : i32
      %dma_wait3A_467 = tpu.memref_slice %arg4[%mul3A_2, %dma_wait3A_466] : memref<102400x128xf32, #tpu.memory_space<hbm>> -> memref<128x128xf32, #tpu.memory_space<hbm>>
      %dma_wait3A_468 = arith.constant 0 : i32
      %dma_wait3A_469 = arith.constant 0 : i32
      %dma_wait3A_470 = tpu.memref_slice %arg6[%dma_wait3A_461, %dma_wait3A_468, %dma_wait3A_469] : memref<2x128x128xf32, #tpu.memory_space<vmem>> -> memref<1x128x128xf32, #tpu.memory_space<vmem>>
      %dma_wait3A_471 = tpu.memref_squeeze %dma_wait3A_470 : memref<1x128x128xf32, #tpu.memory_space<vmem>> -> memref<128x128xf32, #tpu.memory_space<vmem>>
      %dma_wait3A_472 = arith.constant 0 : i32
      %dma_wait3A_473 = tpu.memref_slice %arg4[%mul3A_2, %dma_wait3A_472] : memref<102400x128xf32, #tpu.memory_space<hbm>> -> memref<128x128xf32, #tpu.memory_space<hbm>>
      tpu.wait_dma2 semaphore(%arg11 : memref<!tpu.dma_semaphore, #tpu.memory_space<semaphore_mem>>) src(%dma_wait3A_473 : memref<128x128xf32, #tpu.memory_space<hbm>>) dst(%dma_wait3A_471 : memref<128x128xf32, #tpu.memory_space<vmem>>)
      %dma_wait3A_474 = arith.constant 0 : i32
      %dma_wait3A_475 = arith.constant 0 : i32
      %dma_wait3A_476 = arith.constant 0 : i32
      %dma_wait3A_477 = tpu.memref_slice %arg6[%dma_wait3A_474, %dma_wait3A_475, %dma_wait3A_476] : memref<2x128x128xf32, #tpu.memory_space<vmem>> -> memref<1x128x128xf32, #tpu.memory_space<vmem>>
      %dma_wait3A_478 = tpu.memref_squeeze %dma_wait3A_477 : memref<1x128x128xf32, #tpu.memory_space<vmem>> -> memref<128x128xf32, #tpu.memory_space<vmem>>
      %dma_wait3A_479 = arith.constant 0 : i32
      %dma_wait3A_480 = tpu.memref_slice %arg4[%mul3A_2, %dma_wait3A_479] : memref<102400x128xf32, #tpu.memory_space<hbm>> -> memref<128x128xf32, #tpu.memory_space<hbm>>
      %dma_wait3A_481 = arith.constant 0 : i32
      %dma_wait3A_482 = arith.constant 0 : i32
      %dma_wait3A_483 = tpu.memref_slice %arg6[%dma_wait3A_474, %dma_wait3A_481, %dma_wait3A_482] : memref<2x128x128xf32, #tpu.memory_space<vmem>> -> memref<1x128x128xf32, #tpu.memory_space<vmem>>
      %dma_wait3A_484 = tpu.memref_squeeze %dma_wait3A_483 : memref<1x128x128xf32, #tpu.memory_space<vmem>> -> memref<128x128xf32, #tpu.memory_space<vmem>>
      %dma_wait3A_485 = arith.constant 0 : i32
      %dma_wait3A_486 = tpu.memref_slice %arg4[%mul3A_2, %dma_wait3A_485] : memref<102400x128xf32, #tpu.memory_space<hbm>> -> memref<128x128xf32, #tpu.memory_space<hbm>>
      tpu.wait_dma2 semaphore(%arg11 : memref<!tpu.dma_semaphore, #tpu.memory_space<semaphore_mem>>) src(%dma_wait3A_486 : memref<128x128xf32, #tpu.memory_space<hbm>>) dst(%dma_wait3A_484 : memref<128x128xf32, #tpu.memory_space<vmem>>)
      %dma_wait3A_487 = arith.constant 0 : i32
      %dma_wait3A_488 = arith.constant 0 : i32
      %dma_wait3A_489 = arith.constant 0 : i32
      %dma_wait3A_490 = tpu.memref_slice %arg6[%dma_wait3A_487, %dma_wait3A_488, %dma_wait3A_489] : memref<2x128x128xf32, #tpu.memory_space<vmem>> -> memref<1x128x128xf32, #tpu.memory_space<vmem>>
      %dma_wait3A_491 = tpu.memref_squeeze %dma_wait3A_490 : memref<1x128x128xf32, #tpu.memory_space<vmem>> -> memref<128x128xf32, #tpu.memory_space<vmem>>
      %dma_wait3A_492 = arith.constant 0 : i32
      %dma_wait3A_493 = tpu.memref_slice %arg4[%mul3A_2, %dma_wait3A_492] : memref<102400x128xf32, #tpu.memory_space<hbm>> -> memref<128x128xf32, #tpu.memory_space<hbm>>
      %dma_wait3A_494 = arith.constant 0 : i32
      %dma_wait3A_495 = arith.constant 0 : i32
      %dma_wait3A_496 = tpu.memref_slice %arg6[%dma_wait3A_487, %dma_wait3A_494, %dma_wait3A_495] : memref<2x128x128xf32, #tpu.memory_space<vmem>> -> memref<1x128x128xf32, #tpu.memory_space<vmem>>
      %dma_wait3A_497 = tpu.memref_squeeze %dma_wait3A_496 : memref<1x128x128xf32, #tpu.memory_space<vmem>> -> memref<128x128xf32, #tpu.memory_space<vmem>>
      %dma_wait3A_498 = arith.constant 0 : i32
      %dma_wait3A_499 = tpu.memref_slice %arg4[%mul3A_2, %dma_wait3A_498] : memref<102400x128xf32, #tpu.memory_space<hbm>> -> memref<128x128xf32, #tpu.memory_space<hbm>>
      tpu.wait_dma2 semaphore(%arg11 : memref<!tpu.dma_semaphore, #tpu.memory_space<semaphore_mem>>) src(%dma_wait3A_499 : memref<128x128xf32, #tpu.memory_space<hbm>>) dst(%dma_wait3A_497 : memref<128x128xf32, #tpu.memory_space<vmem>>)
      %dma_wait3A_500 = arith.constant 0 : i32
      %dma_wait3A_501 = arith.constant 0 : i32
      %dma_wait3A_502 = arith.constant 0 : i32
      %dma_wait3A_503 = tpu.memref_slice %arg6[%dma_wait3A_500, %dma_wait3A_501, %dma_wait3A_502] : memref<2x128x128xf32, #tpu.memory_space<vmem>> -> memref<1x128x128xf32, #tpu.memory_space<vmem>>
      %dma_wait3A_504 = tpu.memref_squeeze %dma_wait3A_503 : memref<1x128x128xf32, #tpu.memory_space<vmem>> -> memref<128x128xf32, #tpu.memory_space<vmem>>
      %dma_wait3A_505 = arith.constant 0 : i32
      %dma_wait3A_506 = tpu.memref_slice %arg4[%mul3A_2, %dma_wait3A_505] : memref<102400x128xf32, #tpu.memory_space<hbm>> -> memref<128x128xf32, #tpu.memory_space<hbm>>
      %dma_wait3A_507 = arith.constant 0 : i32
      %dma_wait3A_508 = arith.constant 0 : i32
      %dma_wait3A_509 = tpu.memref_slice %arg6[%dma_wait3A_500, %dma_wait3A_507, %dma_wait3A_508] : memref<2x128x128xf32, #tpu.memory_space<vmem>> -> memref<1x128x128xf32, #tpu.memory_space<vmem>>
      %dma_wait3A_510 = tpu.memref_squeeze %dma_wait3A_509 : memref<1x128x128xf32, #tpu.memory_space<vmem>> -> memref<128x128xf32, #tpu.memory_space<vmem>>
      %dma_wait3A_511 = arith.constant 0 : i32
      %dma_wait3A_512 = tpu.memref_slice %arg4[%mul3A_2, %dma_wait3A_511] : memref<102400x128xf32, #tpu.memory_space<hbm>> -> memref<128x128xf32, #tpu.memory_space<hbm>>
      tpu.wait_dma2 semaphore(%arg11 : memref<!tpu.dma_semaphore, #tpu.memory_space<semaphore_mem>>) src(%dma_wait3A_512 : memref<128x128xf32, #tpu.memory_space<hbm>>) dst(%dma_wait3A_510 : memref<128x128xf32, #tpu.memory_space<vmem>>)
      %dma_wait3A_513 = arith.constant 0 : i32
      %dma_wait3A_514 = arith.constant 0 : i32
      %dma_wait3A_515 = arith.constant 0 : i32
      %dma_wait3A_516 = tpu.memref_slice %arg6[%dma_wait3A_513, %dma_wait3A_514, %dma_wait3A_515] : memref<2x128x128xf32, #tpu.memory_space<vmem>> -> memref<1x128x128xf32, #tpu.memory_space<vmem>>
      %dma_wait3A_517 = tpu.memref_squeeze %dma_wait3A_516 : memref<1x128x128xf32, #tpu.memory_space<vmem>> -> memref<128x128xf32, #tpu.memory_space<vmem>>
      %dma_wait3A_518 = arith.constant 0 : i32
      %dma_wait3A_519 = tpu.memref_slice %arg4[%mul3A_2, %dma_wait3A_518] : memref<102400x128xf32, #tpu.memory_space<hbm>> -> memref<128x128xf32, #tpu.memory_space<hbm>>
      %dma_wait3A_520 = arith.constant 0 : i32
      %dma_wait3A_521 = arith.constant 0 : i32
      %dma_wait3A_522 = tpu.memref_slice %arg6[%dma_wait3A_513, %dma_wait3A_520, %dma_wait3A_521] : memref<2x128x128xf32, #tpu.memory_space<vmem>> -> memref<1x128x128xf32, #tpu.memory_space<vmem>>
      %dma_wait3A_523 = tpu.memref_squeeze %dma_wait3A_522 : memref<1x128x128xf32, #tpu.memory_space<vmem>> -> memref<128x128xf32, #tpu.memory_space<vmem>>
      %dma_wait3A_524 = arith.constant 0 : i32
      %dma_wait3A_525 = tpu.memref_slice %arg4[%mul3A_2, %dma_wait3A_524] : memref<102400x128xf32, #tpu.memory_space<hbm>> -> memref<128x128xf32, #tpu.memory_space<hbm>>
      tpu.wait_dma2 semaphore(%arg11 : memref<!tpu.dma_semaphore, #tpu.memory_space<semaphore_mem>>) src(%dma_wait3A_525 : memref<128x128xf32, #tpu.memory_space<hbm>>) dst(%dma_wait3A_523 : memref<128x128xf32, #tpu.memory_space<vmem>>)
      %min3A_526 = arith.constant 24 : i32
      %min3A_527 = arith.minsi %mul3A_430, %min3A_526 : i32
      %mul3A_528 = arith.constant 128 : i32
      %mul3A_529 = arith.muli %mul3A_528, %min3A_527 : i32
      %add3A_530 = arith.addi %mul3A_2, %mul3A_529 : i32
      %multiple_of3A_531 = tpu.assume_multiple %add3A_530, 128 : i32
      %dma_start3A_532 = arith.constant 0 : i32
      %dma_start3A_533 = arith.constant 0 : i32
      %dma_start3A_534 = arith.constant 0 : i32
      %dma_start3A_535 = tpu.memref_slice %arg6[%dma_start3A_532, %dma_start3A_533, %dma_start3A_534] : memref<2x128x128xf32, #tpu.memory_space<vmem>> -> memref<1x128x128xf32, #tpu.memory_space<vmem>>
      %dma_start3A_536 = tpu.memref_squeeze %dma_start3A_535 : memref<1x128x128xf32, #tpu.memory_space<vmem>> -> memref<128x128xf32, #tpu.memory_space<vmem>>
      %dma_start3A_537 = arith.constant 0 : i32
      %dma_start3A_538 = tpu.memref_slice %arg4[%multiple_of3A_531, %dma_start3A_537] : memref<102400x128xf32, #tpu.memory_space<hbm>> -> memref<128x128xf32, #tpu.memory_space<hbm>>
      %dma_start3A_539 = arith.constant 0 : i32
      %dma_start3A_540 = tpu.memref_slice %arg4[%multiple_of3A_531, %dma_start3A_539] : memref<102400x128xf32, #tpu.memory_space<hbm>> -> memref<128x128xf32, #tpu.memory_space<hbm>>
      %dma_start3A_541 = arith.constant 0 : i32
      %dma_start3A_542 = arith.constant 0 : i32
      %dma_start3A_543 = tpu.memref_slice %arg6[%dma_start3A_532, %dma_start3A_541, %dma_start3A_542] : memref<2x128x128xf32, #tpu.memory_space<vmem>> -> memref<1x128x128xf32, #tpu.memory_space<vmem>>
      %dma_start3A_544 = tpu.memref_squeeze %dma_start3A_543 : memref<1x128x128xf32, #tpu.memory_space<vmem>> -> memref<128x128xf32, #tpu.memory_space<vmem>>
      tpu.enqueue_dma source(%dma_start3A_544 : memref<128x128xf32, #tpu.memory_space<vmem>>) target(%dma_start3A_540 : memref<128x128xf32, #tpu.memory_space<hbm>>) target_semaphore(%arg13 : memref<!tpu.dma_semaphore, #tpu.memory_space<semaphore_mem>>)
      %add3A_545 = arith.constant 2 : i32
      %add3A_546 = arith.addi %mul3A_430, %add3A_545 : i32
      %min3A_547 = arith.constant 24 : i32
      %min3A_548 = arith.minsi %add3A_546, %min3A_547 : i32
      %mul3A_549 = arith.constant 128 : i32
      %mul3A_550 = arith.muli %mul3A_549, %min3A_548 : i32
      %add3A_551 = arith.addi %mul3A_2, %mul3A_550 : i32
      %multiple_of3A_552 = tpu.assume_multiple %add3A_551, 128 : i32
      %dma_start3A_553 = arith.constant 0 : i32
      %dma_start3A_554 = arith.constant 0 : i32
      %dma_start3A_555 = arith.constant 0 : i32
      %dma_start3A_556 = tpu.memref_slice %arg5[%dma_start3A_553, %dma_start3A_554, %dma_start3A_555] : memref<2x6x128xi32, #tpu.memory_space<vmem>> -> memref<1x6x128xi32, #tpu.memory_space<vmem>>
      %dma_start3A_557 = tpu.memref_squeeze %dma_start3A_556 : memref<1x6x128xi32, #tpu.memory_space<vmem>> -> memref<6x128xi32, #tpu.memory_space<vmem>>
      %dma_start3A_558 = arith.constant 0 : i32
      %dma_start3A_559 = tpu.memref_slice %arg3[%dma_start3A_558, %multiple_of3A_552] : memref<6x102400xi32, #tpu.memory_space<hbm>> -> memref<6x128xi32, #tpu.memory_space<hbm>>
      %dma_start3A_560 = arith.constant 0 : i32
      %dma_start3A_561 = arith.constant 0 : i32
      %dma_start3A_562 = tpu.memref_slice %arg5[%dma_start3A_553, %dma_start3A_560, %dma_start3A_561] : memref<2x6x128xi32, #tpu.memory_space<vmem>> -> memref<1x6x128xi32, #tpu.memory_space<vmem>>
      %dma_start3A_563 = tpu.memref_squeeze %dma_start3A_562 : memref<1x6x128xi32, #tpu.memory_space<vmem>> -> memref<6x128xi32, #tpu.memory_space<vmem>>
      %dma_start3A_564 = arith.constant 0 : i32
      %dma_start3A_565 = tpu.memref_slice %arg3[%dma_start3A_564, %multiple_of3A_552] : memref<6x102400xi32, #tpu.memory_space<hbm>> -> memref<6x128xi32, #tpu.memory_space<hbm>>
      tpu.enqueue_dma source(%dma_start3A_565 : memref<6x128xi32, #tpu.memory_space<hbm>>) target(%dma_start3A_563 : memref<6x128xi32, #tpu.memory_space<vmem>>) target_semaphore(%arg7 : memref<!tpu.dma_semaphore, #tpu.memory_space<semaphore_mem>>)
      %dma_wait3A_566 = arith.constant 1 : i32
      %dma_wait3A_567 = arith.constant 0 : i32
      %dma_wait3A_568 = arith.constant 0 : i32
      %dma_wait3A_569 = tpu.memref_slice %arg6[%dma_wait3A_566, %dma_wait3A_567, %dma_wait3A_568] : memref<2x128x128xf32, #tpu.memory_space<vmem>> -> memref<1x128x128xf32, #tpu.memory_space<vmem>>
      %dma_wait3A_570 = tpu.memref_squeeze %dma_wait3A_569 : memref<1x128x128xf32, #tpu.memory_space<vmem>> -> memref<128x128xf32, #tpu.memory_space<vmem>>
      %dma_wait3A_571 = arith.constant 0 : i32
      %dma_wait3A_572 = tpu.memref_slice %arg4[%mul3A_2, %dma_wait3A_571] : memref<102400x128xf32, #tpu.memory_space<hbm>> -> memref<128x128xf32, #tpu.memory_space<hbm>>
      %dma_wait3A_573 = arith.constant 0 : i32
      %dma_wait3A_574 = arith.constant 0 : i32
      %dma_wait3A_575 = tpu.memref_slice %arg6[%dma_wait3A_566, %dma_wait3A_573, %dma_wait3A_574] : memref<2x128x128xf32, #tpu.memory_space<vmem>> -> memref<1x128x128xf32, #tpu.memory_space<vmem>>
      %dma_wait3A_576 = tpu.memref_squeeze %dma_wait3A_575 : memref<1x128x128xf32, #tpu.memory_space<vmem>> -> memref<128x128xf32, #tpu.memory_space<vmem>>
      %dma_wait3A_577 = arith.constant 0 : i32
      %dma_wait3A_578 = tpu.memref_slice %arg4[%mul3A_2, %dma_wait3A_577] : memref<102400x128xf32, #tpu.memory_space<hbm>> -> memref<128x128xf32, #tpu.memory_space<hbm>>
      tpu.wait_dma2 semaphore(%arg10 : memref<!tpu.dma_semaphore, #tpu.memory_space<semaphore_mem>>) src(%dma_wait3A_578 : memref<128x128xf32, #tpu.memory_space<hbm>>) dst(%dma_wait3A_576 : memref<128x128xf32, #tpu.memory_space<vmem>>)
      %dma_start3A_579 = arith.constant 1 : i32
      %dma_start3A_580 = arith.constant 1 : i32
      %dma_start3A_581 = arith.constant 1 : i32
      %dma_start3A_582 = arith.constant 0 : i32
      %dma_start3A_583 = arith.constant 0 : i32
      %dma_start3A_584 = tpu.memref_slice %arg6[%dma_start3A_581, %dma_start3A_582, %dma_start3A_583] : memref<2x128x128xf32, #tpu.memory_space<vmem>> -> memref<1x128x128xf32, #tpu.memory_space<vmem>>
      %dma_start3A_585 = tpu.memref_squeeze %dma_start3A_584 : memref<1x128x128xf32, #tpu.memory_space<vmem>> -> memref<128x128xf32, #tpu.memory_space<vmem>>
      %dma_start3A_586 = arith.constant 0 : i32
      %dma_start3A_587 = tpu.memref_slice %arg5[%dma_start3A_579, %dma_start3A_580, %dma_start3A_586] : memref<2x6x128xi32, #tpu.memory_space<vmem>> -> memref<1x1x128xi32, #tpu.memory_space<vmem>>
      %dma_start3A_588 = tpu.memref_squeeze %dma_start3A_587 : memref<1x1x128xi32, #tpu.memory_space<vmem>> -> memref<128xi32, #tpu.memory_space<vmem>>
      %dma_start3A_589 = arith.constant 0 : i32
      %dma_start3A_590 = arith.constant 0 : i32
      %dma_start3A_591 = tpu.memref_slice %arg2[%dma_start3A_589, %dma_start3A_590] : memref<200000x128xf32, #tpu.memory_space<hbm>> -> memref<200000x128xf32, #tpu.memory_space<hbm>>
      tpu.enqueue_indirect_dma source(%dma_start3A_591 : memref<200000x128xf32, #tpu.memory_space<hbm>>) target(%dma_start3A_585 : memref<128x128xf32, #tpu.memory_space<vmem>>) offsets(%dma_start3A_588 : memref<128xi32, #tpu.memory_space<vmem>>) semaphore(%arg12 : memref<!tpu.dma_semaphore, #tpu.memory_space<semaphore_mem>>) {add = true}
      %dma_start3A_592 = arith.constant 1 : i32
      %dma_start3A_593 = arith.constant 2 : i32
      %dma_start3A_594 = arith.constant 1 : i32
      %dma_start3A_595 = arith.constant 0 : i32
      %dma_start3A_596 = arith.constant 0 : i32
      %dma_start3A_597 = tpu.memref_slice %arg6[%dma_start3A_594, %dma_start3A_595, %dma_start3A_596] : memref<2x128x128xf32, #tpu.memory_space<vmem>> -> memref<1x128x128xf32, #tpu.memory_space<vmem>>
      %dma_start3A_598 = tpu.memref_squeeze %dma_start3A_597 : memref<1x128x128xf32, #tpu.memory_space<vmem>> -> memref<128x128xf32, #tpu.memory_space<vmem>>
      %dma_start3A_599 = arith.constant 0 : i32
      %dma_start3A_600 = tpu.memref_slice %arg5[%dma_start3A_592, %dma_start3A_593, %dma_start3A_599] : memref<2x6x128xi32, #tpu.memory_space<vmem>> -> memref<1x1x128xi32, #tpu.memory_space<vmem>>
      %dma_start3A_601 = tpu.memref_squeeze %dma_start3A_600 : memref<1x1x128xi32, #tpu.memory_space<vmem>> -> memref<128xi32, #tpu.memory_space<vmem>>
      %dma_start3A_602 = arith.constant 0 : i32
      %dma_start3A_603 = arith.constant 0 : i32
      %dma_start3A_604 = tpu.memref_slice %arg2[%dma_start3A_602, %dma_start3A_603] : memref<200000x128xf32, #tpu.memory_space<hbm>> -> memref<200000x128xf32, #tpu.memory_space<hbm>>
      tpu.enqueue_indirect_dma source(%dma_start3A_604 : memref<200000x128xf32, #tpu.memory_space<hbm>>) target(%dma_start3A_598 : memref<128x128xf32, #tpu.memory_space<vmem>>) offsets(%dma_start3A_601 : memref<128xi32, #tpu.memory_space<vmem>>) semaphore(%arg12 : memref<!tpu.dma_semaphore, #tpu.memory_space<semaphore_mem>>) {add = true}
      %dma_start3A_605 = arith.constant 1 : i32
      %dma_start3A_606 = arith.constant 3 : i32
      %dma_start3A_607 = arith.constant 1 : i32
      %dma_start3A_608 = arith.constant 0 : i32
      %dma_start3A_609 = arith.constant 0 : i32
      %dma_start3A_610 = tpu.memref_slice %arg6[%dma_start3A_607, %dma_start3A_608, %dma_start3A_609] : memref<2x128x128xf32, #tpu.memory_space<vmem>> -> memref<1x128x128xf32, #tpu.memory_space<vmem>>
      %dma_start3A_611 = tpu.memref_squeeze %dma_start3A_610 : memref<1x128x128xf32, #tpu.memory_space<vmem>> -> memref<128x128xf32, #tpu.memory_space<vmem>>
      %dma_start3A_612 = arith.constant 0 : i32
      %dma_start3A_613 = tpu.memref_slice %arg5[%dma_start3A_605, %dma_start3A_606, %dma_start3A_612] : memref<2x6x128xi32, #tpu.memory_space<vmem>> -> memref<1x1x128xi32, #tpu.memory_space<vmem>>
      %dma_start3A_614 = tpu.memref_squeeze %dma_start3A_613 : memref<1x1x128xi32, #tpu.memory_space<vmem>> -> memref<128xi32, #tpu.memory_space<vmem>>
      %dma_start3A_615 = arith.constant 0 : i32
      %dma_start3A_616 = arith.constant 0 : i32
      %dma_start3A_617 = tpu.memref_slice %arg2[%dma_start3A_615, %dma_start3A_616] : memref<200000x128xf32, #tpu.memory_space<hbm>> -> memref<200000x128xf32, #tpu.memory_space<hbm>>
      tpu.enqueue_indirect_dma source(%dma_start3A_617 : memref<200000x128xf32, #tpu.memory_space<hbm>>) target(%dma_start3A_611 : memref<128x128xf32, #tpu.memory_space<vmem>>) offsets(%dma_start3A_614 : memref<128xi32, #tpu.memory_space<vmem>>) semaphore(%arg12 : memref<!tpu.dma_semaphore, #tpu.memory_space<semaphore_mem>>) {add = true}
      %dma_start3A_618 = arith.constant 1 : i32
      %dma_start3A_619 = arith.constant 4 : i32
      %dma_start3A_620 = arith.constant 1 : i32
      %dma_start3A_621 = arith.constant 0 : i32
      %dma_start3A_622 = arith.constant 0 : i32
      %dma_start3A_623 = tpu.memref_slice %arg6[%dma_start3A_620, %dma_start3A_621, %dma_start3A_622] : memref<2x128x128xf32, #tpu.memory_space<vmem>> -> memref<1x128x128xf32, #tpu.memory_space<vmem>>
      %dma_start3A_624 = tpu.memref_squeeze %dma_start3A_623 : memref<1x128x128xf32, #tpu.memory_space<vmem>> -> memref<128x128xf32, #tpu.memory_space<vmem>>
      %dma_start3A_625 = arith.constant 0 : i32
      %dma_start3A_626 = tpu.memref_slice %arg5[%dma_start3A_618, %dma_start3A_619, %dma_start3A_625] : memref<2x6x128xi32, #tpu.memory_space<vmem>> -> memref<1x1x128xi32, #tpu.memory_space<vmem>>
      %dma_start3A_627 = tpu.memref_squeeze %dma_start3A_626 : memref<1x1x128xi32, #tpu.memory_space<vmem>> -> memref<128xi32, #tpu.memory_space<vmem>>
      %dma_start3A_628 = arith.constant 0 : i32
      %dma_start3A_629 = arith.constant 0 : i32
      %dma_start3A_630 = tpu.memref_slice %arg2[%dma_start3A_628, %dma_start3A_629] : memref<200000x128xf32, #tpu.memory_space<hbm>> -> memref<200000x128xf32, #tpu.memory_space<hbm>>
      tpu.enqueue_indirect_dma source(%dma_start3A_630 : memref<200000x128xf32, #tpu.memory_space<hbm>>) target(%dma_start3A_624 : memref<128x128xf32, #tpu.memory_space<vmem>>) offsets(%dma_start3A_627 : memref<128xi32, #tpu.memory_space<vmem>>) semaphore(%arg12 : memref<!tpu.dma_semaphore, #tpu.memory_space<semaphore_mem>>) {add = true}
      %dma_start3A_631 = arith.constant 1 : i32
      %dma_start3A_632 = arith.constant 5 : i32
      %dma_start3A_633 = arith.constant 1 : i32
      %dma_start3A_634 = arith.constant 0 : i32
      %dma_start3A_635 = arith.constant 0 : i32
      %dma_start3A_636 = tpu.memref_slice %arg6[%dma_start3A_633, %dma_start3A_634, %dma_start3A_635] : memref<2x128x128xf32, #tpu.memory_space<vmem>> -> memref<1x128x128xf32, #tpu.memory_space<vmem>>
      %dma_start3A_637 = tpu.memref_squeeze %dma_start3A_636 : memref<1x128x128xf32, #tpu.memory_space<vmem>> -> memref<128x128xf32, #tpu.memory_space<vmem>>
      %dma_start3A_638 = arith.constant 0 : i32
      %dma_start3A_639 = tpu.memref_slice %arg5[%dma_start3A_631, %dma_start3A_632, %dma_start3A_638] : memref<2x6x128xi32, #tpu.memory_space<vmem>> -> memref<1x1x128xi32, #tpu.memory_space<vmem>>
      %dma_start3A_640 = tpu.memref_squeeze %dma_start3A_639 : memref<1x1x128xi32, #tpu.memory_space<vmem>> -> memref<128xi32, #tpu.memory_space<vmem>>
      %dma_start3A_641 = arith.constant 0 : i32
      %dma_start3A_642 = arith.constant 0 : i32
      %dma_start3A_643 = tpu.memref_slice %arg2[%dma_start3A_641, %dma_start3A_642] : memref<200000x128xf32, #tpu.memory_space<hbm>> -> memref<200000x128xf32, #tpu.memory_space<hbm>>
      tpu.enqueue_indirect_dma source(%dma_start3A_643 : memref<200000x128xf32, #tpu.memory_space<hbm>>) target(%dma_start3A_637 : memref<128x128xf32, #tpu.memory_space<vmem>>) offsets(%dma_start3A_640 : memref<128xi32, #tpu.memory_space<vmem>>) semaphore(%arg12 : memref<!tpu.dma_semaphore, #tpu.memory_space<semaphore_mem>>) {add = true}
      %mul3A_644 = arith.constant 2 : i32
      %mul3A_645 = arith.muli %mul3A_644, %scan3A_428 : i32
      %add3A_646 = arith.constant 1 : i32
      %add3A_647 = arith.addi %mul3A_645, %add3A_646 : i32
      %dma_wait3A_648 = arith.constant 0 : i32
      %dma_wait3A_649 = arith.constant 0 : i32
      %dma_wait3A_650 = arith.constant 0 : i32
      %dma_wait3A_651 = tpu.memref_slice %arg5[%dma_wait3A_648, %dma_wait3A_649, %dma_wait3A_650] : memref<2x6x128xi32, #tpu.memory_space<vmem>> -> memref<1x6x128xi32, #tpu.memory_space<vmem>>
      %dma_wait3A_652 = tpu.memref_squeeze %dma_wait3A_651 : memref<1x6x128xi32, #tpu.memory_space<vmem>> -> memref<6x128xi32, #tpu.memory_space<vmem>>
      %dma_wait3A_653 = arith.constant 0 : i32
      %dma_wait3A_654 = tpu.memref_slice %arg3[%dma_wait3A_653, %mul3A_2] : memref<6x102400xi32, #tpu.memory_space<hbm>> -> memref<6x128xi32, #tpu.memory_space<hbm>>
      %dma_wait3A_655 = arith.constant 0 : i32
      %dma_wait3A_656 = arith.constant 0 : i32
      %dma_wait3A_657 = tpu.memref_slice %arg5[%dma_wait3A_648, %dma_wait3A_655, %dma_wait3A_656] : memref<2x6x128xi32, #tpu.memory_space<vmem>> -> memref<1x6x128xi32, #tpu.memory_space<vmem>>
      %dma_wait3A_658 = tpu.memref_squeeze %dma_wait3A_657 : memref<1x6x128xi32, #tpu.memory_space<vmem>> -> memref<6x128xi32, #tpu.memory_space<vmem>>
      %dma_wait3A_659 = arith.constant 0 : i32
      %dma_wait3A_660 = tpu.memref_slice %arg3[%dma_wait3A_659, %mul3A_2] : memref<6x102400xi32, #tpu.memory_space<hbm>> -> memref<6x128xi32, #tpu.memory_space<hbm>>
      tpu.wait_dma2 semaphore(%arg7 : memref<!tpu.dma_semaphore, #tpu.memory_space<semaphore_mem>>) src(%dma_wait3A_660 : memref<6x128xi32, #tpu.memory_space<hbm>>) dst(%dma_wait3A_658 : memref<6x128xi32, #tpu.memory_space<vmem>>)
      %dma_wait3A_661 = arith.constant 0 : i32
      %dma_wait3A_662 = arith.constant 0 : i32
      %dma_wait3A_663 = arith.constant 0 : i32
      %dma_wait3A_664 = tpu.memref_slice %arg6[%dma_wait3A_661, %dma_wait3A_662, %dma_wait3A_663] : memref<2x128x128xf32, #tpu.memory_space<vmem>> -> memref<1x128x128xf32, #tpu.memory_space<vmem>>
      %dma_wait3A_665 = tpu.memref_squeeze %dma_wait3A_664 : memref<1x128x128xf32, #tpu.memory_space<vmem>> -> memref<128x128xf32, #tpu.memory_space<vmem>>
      %dma_wait3A_666 = arith.constant 0 : i32
      %dma_wait3A_667 = tpu.memref_slice %arg4[%mul3A_2, %dma_wait3A_666] : memref<102400x128xf32, #tpu.memory_space<hbm>> -> memref<128x128xf32, #tpu.memory_space<hbm>>
      %dma_wait3A_668 = arith.constant 0 : i32
      %dma_wait3A_669 = tpu.memref_slice %arg4[%mul3A_2, %dma_wait3A_668] : memref<102400x128xf32, #tpu.memory_space<hbm>> -> memref<128x128xf32, #tpu.memory_space<hbm>>
      %dma_wait3A_670 = arith.constant 0 : i32
      %dma_wait3A_671 = arith.constant 0 : i32
      %dma_wait3A_672 = tpu.memref_slice %arg6[%dma_wait3A_661, %dma_wait3A_670, %dma_wait3A_671] : memref<2x128x128xf32, #tpu.memory_space<vmem>> -> memref<1x128x128xf32, #tpu.memory_space<vmem>>
      %dma_wait3A_673 = tpu.memref_squeeze %dma_wait3A_672 : memref<1x128x128xf32, #tpu.memory_space<vmem>> -> memref<128x128xf32, #tpu.memory_space<vmem>>
      tpu.wait_dma2 semaphore(%arg13 : memref<!tpu.dma_semaphore, #tpu.memory_space<semaphore_mem>>) src(%dma_wait3A_673 : memref<128x128xf32, #tpu.memory_space<vmem>>) dst(%dma_wait3A_669 : memref<128x128xf32, #tpu.memory_space<hbm>>)
      %add3A_674 = arith.constant 1 : i32
      %add3A_675 = arith.addi %add3A_647, %add3A_674 : i32
      %dma_start3A_676 = arith.constant 0 : i32
      %dma_start3A_677 = arith.constant 0 : i32
      %dma_start3A_678 = arith.constant 0 : i32
      %dma_start3A_679 = arith.constant 0 : i32
      %dma_start3A_680 = arith.constant 0 : i32
      %dma_start3A_681 = tpu.memref_slice %arg6[%dma_start3A_678, %dma_start3A_679, %dma_start3A_680] : memref<2x128x128xf32, #tpu.memory_space<vmem>> -> memref<1x128x128xf32, #tpu.memory_space<vmem>>
      %dma_start3A_682 = tpu.memref_squeeze %dma_start3A_681 : memref<1x128x128xf32, #tpu.memory_space<vmem>> -> memref<128x128xf32, #tpu.memory_space<vmem>>
      %dma_start3A_683 = arith.constant 0 : i32
      %dma_start3A_684 = tpu.memref_slice %arg5[%dma_start3A_676, %dma_start3A_677, %dma_start3A_683] : memref<2x6x128xi32, #tpu.memory_space<vmem>> -> memref<1x1x128xi32, #tpu.memory_space<vmem>>
      %dma_start3A_685 = tpu.memref_squeeze %dma_start3A_684 : memref<1x1x128xi32, #tpu.memory_space<vmem>> -> memref<128xi32, #tpu.memory_space<vmem>>
      %dma_start3A_686 = arith.constant 0 : i32
      %dma_start3A_687 = arith.constant 0 : i32
      %dma_start3A_688 = tpu.memref_slice %arg2[%dma_start3A_686, %dma_start3A_687] : memref<200000x128xf32, #tpu.memory_space<hbm>> -> memref<200000x128xf32, #tpu.memory_space<hbm>>
      tpu.enqueue_indirect_dma source(%dma_start3A_688 : memref<200000x128xf32, #tpu.memory_space<hbm>>) target(%dma_start3A_682 : memref<128x128xf32, #tpu.memory_space<vmem>>) offsets(%dma_start3A_685 : memref<128xi32, #tpu.memory_space<vmem>>) semaphore(%arg9 : memref<!tpu.dma_semaphore, #tpu.memory_space<semaphore_mem>>)
      %dma_wait3A_689 = arith.constant 1 : i32
      %dma_wait3A_690 = arith.constant 0 : i32
      %dma_wait3A_691 = arith.constant 0 : i32
      %dma_wait3A_692 = tpu.memref_slice %arg6[%dma_wait3A_689, %dma_wait3A_690, %dma_wait3A_691] : memref<2x128x128xf32, #tpu.memory_space<vmem>> -> memref<1x128x128xf32, #tpu.memory_space<vmem>>
      %dma_wait3A_693 = tpu.memref_squeeze %dma_wait3A_692 : memref<1x128x128xf32, #tpu.memory_space<vmem>> -> memref<128x128xf32, #tpu.memory_space<vmem>>
      %dma_wait3A_694 = arith.constant 0 : i32
      %dma_wait3A_695 = tpu.memref_slice %arg4[%mul3A_2, %dma_wait3A_694] : memref<102400x128xf32, #tpu.memory_space<hbm>> -> memref<128x128xf32, #tpu.memory_space<hbm>>
      %dma_wait3A_696 = arith.constant 0 : i32
      %dma_wait3A_697 = arith.constant 0 : i32
      %dma_wait3A_698 = tpu.memref_slice %arg6[%dma_wait3A_689, %dma_wait3A_696, %dma_wait3A_697] : memref<2x128x128xf32, #tpu.memory_space<vmem>> -> memref<1x128x128xf32, #tpu.memory_space<vmem>>
      %dma_wait3A_699 = tpu.memref_squeeze %dma_wait3A_698 : memref<1x128x128xf32, #tpu.memory_space<vmem>> -> memref<128x128xf32, #tpu.memory_space<vmem>>
      %dma_wait3A_700 = arith.constant 0 : i32
      %dma_wait3A_701 = tpu.memref_slice %arg4[%mul3A_2, %dma_wait3A_700] : memref<102400x128xf32, #tpu.memory_space<hbm>> -> memref<128x128xf32, #tpu.memory_space<hbm>>
      tpu.wait_dma2 semaphore(%arg12 : memref<!tpu.dma_semaphore, #tpu.memory_space<semaphore_mem>>) src(%dma_wait3A_701 : memref<128x128xf32, #tpu.memory_space<hbm>>) dst(%dma_wait3A_699 : memref<128x128xf32, #tpu.memory_space<vmem>>)
      %dma_wait3A_702 = arith.constant 1 : i32
      %dma_wait3A_703 = arith.constant 0 : i32
      %dma_wait3A_704 = arith.constant 0 : i32
      %dma_wait3A_705 = tpu.memref_slice %arg6[%dma_wait3A_702, %dma_wait3A_703, %dma_wait3A_704] : memref<2x128x128xf32, #tpu.memory_space<vmem>> -> memref<1x128x128xf32, #tpu.memory_space<vmem>>
      %dma_wait3A_706 = tpu.memref_squeeze %dma_wait3A_705 : memref<1x128x128xf32, #tpu.memory_space<vmem>> -> memref<128x128xf32, #tpu.memory_space<vmem>>
      %dma_wait3A_707 = arith.constant 0 : i32
      %dma_wait3A_708 = tpu.memref_slice %arg4[%mul3A_2, %dma_wait3A_707] : memref<102400x128xf32, #tpu.memory_space<hbm>> -> memref<128x128xf32, #tpu.memory_space<hbm>>
      %dma_wait3A_709 = arith.constant 0 : i32
      %dma_wait3A_710 = arith.constant 0 : i32
      %dma_wait3A_711 = tpu.memref_slice %arg6[%dma_wait3A_702, %dma_wait3A_709, %dma_wait3A_710] : memref<2x128x128xf32, #tpu.memory_space<vmem>> -> memref<1x128x128xf32, #tpu.memory_space<vmem>>
      %dma_wait3A_712 = tpu.memref_squeeze %dma_wait3A_711 : memref<1x128x128xf32, #tpu.memory_space<vmem>> -> memref<128x128xf32, #tpu.memory_space<vmem>>
      %dma_wait3A_713 = arith.constant 0 : i32
      %dma_wait3A_714 = tpu.memref_slice %arg4[%mul3A_2, %dma_wait3A_713] : memref<102400x128xf32, #tpu.memory_space<hbm>> -> memref<128x128xf32, #tpu.memory_space<hbm>>
      tpu.wait_dma2 semaphore(%arg12 : memref<!tpu.dma_semaphore, #tpu.memory_space<semaphore_mem>>) src(%dma_wait3A_714 : memref<128x128xf32, #tpu.memory_space<hbm>>) dst(%dma_wait3A_712 : memref<128x128xf32, #tpu.memory_space<vmem>>)
      %dma_wait3A_715 = arith.constant 1 : i32
      %dma_wait3A_716 = arith.constant 0 : i32
      %dma_wait3A_717 = arith.constant 0 : i32
      %dma_wait3A_718 = tpu.memref_slice %arg6[%dma_wait3A_715, %dma_wait3A_716, %dma_wait3A_717] : memref<2x128x128xf32, #tpu.memory_space<vmem>> -> memref<1x128x128xf32, #tpu.memory_space<vmem>>
      %dma_wait3A_719 = tpu.memref_squeeze %dma_wait3A_718 : memref<1x128x128xf32, #tpu.memory_space<vmem>> -> memref<128x128xf32, #tpu.memory_space<vmem>>
      %dma_wait3A_720 = arith.constant 0 : i32
      %dma_wait3A_721 = tpu.memref_slice %arg4[%mul3A_2, %dma_wait3A_720] : memref<102400x128xf32, #tpu.memory_space<hbm>> -> memref<128x128xf32, #tpu.memory_space<hbm>>
      %dma_wait3A_722 = arith.constant 0 : i32
      %dma_wait3A_723 = arith.constant 0 : i32
      %dma_wait3A_724 = tpu.memref_slice %arg6[%dma_wait3A_715, %dma_wait3A_722, %dma_wait3A_723] : memref<2x128x128xf32, #tpu.memory_space<vmem>> -> memref<1x128x128xf32, #tpu.memory_space<vmem>>
      %dma_wait3A_725 = tpu.memref_squeeze %dma_wait3A_724 : memref<1x128x128xf32, #tpu.memory_space<vmem>> -> memref<128x128xf32, #tpu.memory_space<vmem>>
      %dma_wait3A_726 = arith.constant 0 : i32
      %dma_wait3A_727 = tpu.memref_slice %arg4[%mul3A_2, %dma_wait3A_726] : memref<102400x128xf32, #tpu.memory_space<hbm>> -> memref<128x128xf32, #tpu.memory_space<hbm>>
      tpu.wait_dma2 semaphore(%arg12 : memref<!tpu.dma_semaphore, #tpu.memory_space<semaphore_mem>>) src(%dma_wait3A_727 : memref<128x128xf32, #tpu.memory_space<hbm>>) dst(%dma_wait3A_725 : memref<128x128xf32, #tpu.memory_space<vmem>>)
      %dma_wait3A_728 = arith.constant 1 : i32
      %dma_wait3A_729 = arith.constant 0 : i32
      %dma_wait3A_730 = arith.constant 0 : i32
      %dma_wait3A_731 = tpu.memref_slice %arg6[%dma_wait3A_728, %dma_wait3A_729, %dma_wait3A_730] : memref<2x128x128xf32, #tpu.memory_space<vmem>> -> memref<1x128x128xf32, #tpu.memory_space<vmem>>
      %dma_wait3A_732 = tpu.memref_squeeze %dma_wait3A_731 : memref<1x128x128xf32, #tpu.memory_space<vmem>> -> memref<128x128xf32, #tpu.memory_space<vmem>>
      %dma_wait3A_733 = arith.constant 0 : i32
      %dma_wait3A_734 = tpu.memref_slice %arg4[%mul3A_2, %dma_wait3A_733] : memref<102400x128xf32, #tpu.memory_space<hbm>> -> memref<128x128xf32, #tpu.memory_space<hbm>>
      %dma_wait3A_735 = arith.constant 0 : i32
      %dma_wait3A_736 = arith.constant 0 : i32
      %dma_wait3A_737 = tpu.memref_slice %arg6[%dma_wait3A_728, %dma_wait3A_735, %dma_wait3A_736] : memref<2x128x128xf32, #tpu.memory_space<vmem>> -> memref<1x128x128xf32, #tpu.memory_space<vmem>>
      %dma_wait3A_738 = tpu.memref_squeeze %dma_wait3A_737 : memref<1x128x128xf32, #tpu.memory_space<vmem>> -> memref<128x128xf32, #tpu.memory_space<vmem>>
      %dma_wait3A_739 = arith.constant 0 : i32
      %dma_wait3A_740 = tpu.memref_slice %arg4[%mul3A_2, %dma_wait3A_739] : memref<102400x128xf32, #tpu.memory_space<hbm>> -> memref<128x128xf32, #tpu.memory_space<hbm>>
      tpu.wait_dma2 semaphore(%arg12 : memref<!tpu.dma_semaphore, #tpu.memory_space<semaphore_mem>>) src(%dma_wait3A_740 : memref<128x128xf32, #tpu.memory_space<hbm>>) dst(%dma_wait3A_738 : memref<128x128xf32, #tpu.memory_space<vmem>>)
      %dma_wait3A_741 = arith.constant 1 : i32
      %dma_wait3A_742 = arith.constant 0 : i32
      %dma_wait3A_743 = arith.constant 0 : i32
      %dma_wait3A_744 = tpu.memref_slice %arg6[%dma_wait3A_741, %dma_wait3A_742, %dma_wait3A_743] : memref<2x128x128xf32, #tpu.memory_space<vmem>> -> memref<1x128x128xf32, #tpu.memory_space<vmem>>
      %dma_wait3A_745 = tpu.memref_squeeze %dma_wait3A_744 : memref<1x128x128xf32, #tpu.memory_space<vmem>> -> memref<128x128xf32, #tpu.memory_space<vmem>>
      %dma_wait3A_746 = arith.constant 0 : i32
      %dma_wait3A_747 = tpu.memref_slice %arg4[%mul3A_2, %dma_wait3A_746] : memref<102400x128xf32, #tpu.memory_space<hbm>> -> memref<128x128xf32, #tpu.memory_space<hbm>>
      %dma_wait3A_748 = arith.constant 0 : i32
      %dma_wait3A_749 = arith.constant 0 : i32
      %dma_wait3A_750 = tpu.memref_slice %arg6[%dma_wait3A_741, %dma_wait3A_748, %dma_wait3A_749] : memref<2x128x128xf32, #tpu.memory_space<vmem>> -> memref<1x128x128xf32, #tpu.memory_space<vmem>>
      %dma_wait3A_751 = tpu.memref_squeeze %dma_wait3A_750 : memref<1x128x128xf32, #tpu.memory_space<vmem>> -> memref<128x128xf32, #tpu.memory_space<vmem>>
      %dma_wait3A_752 = arith.constant 0 : i32
      %dma_wait3A_753 = tpu.memref_slice %arg4[%mul3A_2, %dma_wait3A_752] : memref<102400x128xf32, #tpu.memory_space<hbm>> -> memref<128x128xf32, #tpu.memory_space<hbm>>
      tpu.wait_dma2 semaphore(%arg12 : memref<!tpu.dma_semaphore, #tpu.memory_space<semaphore_mem>>) src(%dma_wait3A_753 : memref<128x128xf32, #tpu.memory_space<hbm>>) dst(%dma_wait3A_751 : memref<128x128xf32, #tpu.memory_space<vmem>>)
      %min3A_754 = arith.constant 24 : i32
      %min3A_755 = arith.minsi %add3A_647, %min3A_754 : i32
      %mul3A_756 = arith.constant 128 : i32
      %mul3A_757 = arith.muli %mul3A_756, %min3A_755 : i32
      %add3A_758 = arith.addi %mul3A_2, %mul3A_757 : i32
      %multiple_of3A_759 = tpu.assume_multiple %add3A_758, 128 : i32
      %dma_start3A_760 = arith.constant 1 : i32
      %dma_start3A_761 = arith.constant 0 : i32
      %dma_start3A_762 = arith.constant 0 : i32
      %dma_start3A_763 = tpu.memref_slice %arg6[%dma_start3A_760, %dma_start3A_761, %dma_start3A_762] : memref<2x128x128xf32, #tpu.memory_space<vmem>> -> memref<1x128x128xf32, #tpu.memory_space<vmem>>
      %dma_start3A_764 = tpu.memref_squeeze %dma_start3A_763 : memref<1x128x128xf32, #tpu.memory_space<vmem>> -> memref<128x128xf32, #tpu.memory_space<vmem>>
      %dma_start3A_765 = arith.constant 0 : i32
      %dma_start3A_766 = tpu.memref_slice %arg4[%multiple_of3A_759, %dma_start3A_765] : memref<102400x128xf32, #tpu.memory_space<hbm>> -> memref<128x128xf32, #tpu.memory_space<hbm>>
      %dma_start3A_767 = arith.constant 0 : i32
      %dma_start3A_768 = tpu.memref_slice %arg4[%multiple_of3A_759, %dma_start3A_767] : memref<102400x128xf32, #tpu.memory_space<hbm>> -> memref<128x128xf32, #tpu.memory_space<hbm>>
      %dma_start3A_769 = arith.constant 0 : i32
      %dma_start3A_770 = arith.constant 0 : i32
      %dma_start3A_771 = tpu.memref_slice %arg6[%dma_start3A_760, %dma_start3A_769, %dma_start3A_770] : memref<2x128x128xf32, #tpu.memory_space<vmem>> -> memref<1x128x128xf32, #tpu.memory_space<vmem>>
      %dma_start3A_772 = tpu.memref_squeeze %dma_start3A_771 : memref<1x128x128xf32, #tpu.memory_space<vmem>> -> memref<128x128xf32, #tpu.memory_space<vmem>>
      tpu.enqueue_dma source(%dma_start3A_772 : memref<128x128xf32, #tpu.memory_space<vmem>>) target(%dma_start3A_768 : memref<128x128xf32, #tpu.memory_space<hbm>>) target_semaphore(%arg14 : memref<!tpu.dma_semaphore, #tpu.memory_space<semaphore_mem>>)
      %add3A_773 = arith.constant 2 : i32
      %add3A_774 = arith.addi %add3A_647, %add3A_773 : i32
      %min3A_775 = arith.constant 24 : i32
      %min3A_776 = arith.minsi %add3A_774, %min3A_775 : i32
      %mul3A_777 = arith.constant 128 : i32
      %mul3A_778 = arith.muli %mul3A_777, %min3A_776 : i32
      %add3A_779 = arith.addi %mul3A_2, %mul3A_778 : i32
      %multiple_of3A_780 = tpu.assume_multiple %add3A_779, 128 : i32
      %dma_start3A_781 = arith.constant 1 : i32
      %dma_start3A_782 = arith.constant 0 : i32
      %dma_start3A_783 = arith.constant 0 : i32
      %dma_start3A_784 = tpu.memref_slice %arg5[%dma_start3A_781, %dma_start3A_782, %dma_start3A_783] : memref<2x6x128xi32, #tpu.memory_space<vmem>> -> memref<1x6x128xi32, #tpu.memory_space<vmem>>
      %dma_start3A_785 = tpu.memref_squeeze %dma_start3A_784 : memref<1x6x128xi32, #tpu.memory_space<vmem>> -> memref<6x128xi32, #tpu.memory_space<vmem>>
      %dma_start3A_786 = arith.constant 0 : i32
      %dma_start3A_787 = tpu.memref_slice %arg3[%dma_start3A_786, %multiple_of3A_780] : memref<6x102400xi32, #tpu.memory_space<hbm>> -> memref<6x128xi32, #tpu.memory_space<hbm>>
      %dma_start3A_788 = arith.constant 0 : i32
      %dma_start3A_789 = arith.constant 0 : i32
      %dma_start3A_790 = tpu.memref_slice %arg5[%dma_start3A_781, %dma_start3A_788, %dma_start3A_789] : memref<2x6x128xi32, #tpu.memory_space<vmem>> -> memref<1x6x128xi32, #tpu.memory_space<vmem>>
      %dma_start3A_791 = tpu.memref_squeeze %dma_start3A_790 : memref<1x6x128xi32, #tpu.memory_space<vmem>> -> memref<6x128xi32, #tpu.memory_space<vmem>>
      %dma_start3A_792 = arith.constant 0 : i32
      %dma_start3A_793 = tpu.memref_slice %arg3[%dma_start3A_792, %multiple_of3A_780] : memref<6x102400xi32, #tpu.memory_space<hbm>> -> memref<6x128xi32, #tpu.memory_space<hbm>>
      tpu.enqueue_dma source(%dma_start3A_793 : memref<6x128xi32, #tpu.memory_space<hbm>>) target(%dma_start3A_791 : memref<6x128xi32, #tpu.memory_space<vmem>>) target_semaphore(%arg8 : memref<!tpu.dma_semaphore, #tpu.memory_space<semaphore_mem>>)
      %dma_wait3A_794 = arith.constant 0 : i32
      %dma_wait3A_795 = arith.constant 0 : i32
      %dma_wait3A_796 = arith.constant 0 : i32
      %dma_wait3A_797 = tpu.memref_slice %arg6[%dma_wait3A_794, %dma_wait3A_795, %dma_wait3A_796] : memref<2x128x128xf32, #tpu.memory_space<vmem>> -> memref<1x128x128xf32, #tpu.memory_space<vmem>>
      %dma_wait3A_798 = tpu.memref_squeeze %dma_wait3A_797 : memref<1x128x128xf32, #tpu.memory_space<vmem>> -> memref<128x128xf32, #tpu.memory_space<vmem>>
      %dma_wait3A_799 = arith.constant 0 : i32
      %dma_wait3A_800 = tpu.memref_slice %arg4[%mul3A_2, %dma_wait3A_799] : memref<102400x128xf32, #tpu.memory_space<hbm>> -> memref<128x128xf32, #tpu.memory_space<hbm>>
      %dma_wait3A_801 = arith.constant 0 : i32
      %dma_wait3A_802 = arith.constant 0 : i32
      %dma_wait3A_803 = tpu.memref_slice %arg6[%dma_wait3A_794, %dma_wait3A_801, %dma_wait3A_802] : memref<2x128x128xf32, #tpu.memory_space<vmem>> -> memref<1x128x128xf32, #tpu.memory_space<vmem>>
      %dma_wait3A_804 = tpu.memref_squeeze %dma_wait3A_803 : memref<1x128x128xf32, #tpu.memory_space<vmem>> -> memref<128x128xf32, #tpu.memory_space<vmem>>
      %dma_wait3A_805 = arith.constant 0 : i32
      %dma_wait3A_806 = tpu.memref_slice %arg4[%mul3A_2, %dma_wait3A_805] : memref<102400x128xf32, #tpu.memory_space<hbm>> -> memref<128x128xf32, #tpu.memory_space<hbm>>
      tpu.wait_dma2 semaphore(%arg9 : memref<!tpu.dma_semaphore, #tpu.memory_space<semaphore_mem>>) src(%dma_wait3A_806 : memref<128x128xf32, #tpu.memory_space<hbm>>) dst(%dma_wait3A_804 : memref<128x128xf32, #tpu.memory_space<vmem>>)
      %dma_start3A_807 = arith.constant 0 : i32
      %dma_start3A_808 = arith.constant 1 : i32
      %dma_start3A_809 = arith.constant 0 : i32
      %dma_start3A_810 = arith.constant 0 : i32
      %dma_start3A_811 = arith.constant 0 : i32
      %dma_start3A_812 = tpu.memref_slice %arg6[%dma_start3A_809, %dma_start3A_810, %dma_start3A_811] : memref<2x128x128xf32, #tpu.memory_space<vmem>> -> memref<1x128x128xf32, #tpu.memory_space<vmem>>
      %dma_start3A_813 = tpu.memref_squeeze %dma_start3A_812 : memref<1x128x128xf32, #tpu.memory_space<vmem>> -> memref<128x128xf32, #tpu.memory_space<vmem>>
      %dma_start3A_814 = arith.constant 0 : i32
      %dma_start3A_815 = tpu.memref_slice %arg5[%dma_start3A_807, %dma_start3A_808, %dma_start3A_814] : memref<2x6x128xi32, #tpu.memory_space<vmem>> -> memref<1x1x128xi32, #tpu.memory_space<vmem>>
      %dma_start3A_816 = tpu.memref_squeeze %dma_start3A_815 : memref<1x1x128xi32, #tpu.memory_space<vmem>> -> memref<128xi32, #tpu.memory_space<vmem>>
      %dma_start3A_817 = arith.constant 0 : i32
      %dma_start3A_818 = arith.constant 0 : i32
      %dma_start3A_819 = tpu.memref_slice %arg2[%dma_start3A_817, %dma_start3A_818] : memref<200000x128xf32, #tpu.memory_space<hbm>> -> memref<200000x128xf32, #tpu.memory_space<hbm>>
      tpu.enqueue_indirect_dma source(%dma_start3A_819 : memref<200000x128xf32, #tpu.memory_space<hbm>>) target(%dma_start3A_813 : memref<128x128xf32, #tpu.memory_space<vmem>>) offsets(%dma_start3A_816 : memref<128xi32, #tpu.memory_space<vmem>>) semaphore(%arg11 : memref<!tpu.dma_semaphore, #tpu.memory_space<semaphore_mem>>) {add = true}
      %dma_start3A_820 = arith.constant 0 : i32
      %dma_start3A_821 = arith.constant 2 : i32
      %dma_start3A_822 = arith.constant 0 : i32
      %dma_start3A_823 = arith.constant 0 : i32
      %dma_start3A_824 = arith.constant 0 : i32
      %dma_start3A_825 = tpu.memref_slice %arg6[%dma_start3A_822, %dma_start3A_823, %dma_start3A_824] : memref<2x128x128xf32, #tpu.memory_space<vmem>> -> memref<1x128x128xf32, #tpu.memory_space<vmem>>
      %dma_start3A_826 = tpu.memref_squeeze %dma_start3A_825 : memref<1x128x128xf32, #tpu.memory_space<vmem>> -> memref<128x128xf32, #tpu.memory_space<vmem>>
      %dma_start3A_827 = arith.constant 0 : i32
      %dma_start3A_828 = tpu.memref_slice %arg5[%dma_start3A_820, %dma_start3A_821, %dma_start3A_827] : memref<2x6x128xi32, #tpu.memory_space<vmem>> -> memref<1x1x128xi32, #tpu.memory_space<vmem>>
      %dma_start3A_829 = tpu.memref_squeeze %dma_start3A_828 : memref<1x1x128xi32, #tpu.memory_space<vmem>> -> memref<128xi32, #tpu.memory_space<vmem>>
      %dma_start3A_830 = arith.constant 0 : i32
      %dma_start3A_831 = arith.constant 0 : i32
      %dma_start3A_832 = tpu.memref_slice %arg2[%dma_start3A_830, %dma_start3A_831] : memref<200000x128xf32, #tpu.memory_space<hbm>> -> memref<200000x128xf32, #tpu.memory_space<hbm>>
      tpu.enqueue_indirect_dma source(%dma_start3A_832 : memref<200000x128xf32, #tpu.memory_space<hbm>>) target(%dma_start3A_826 : memref<128x128xf32, #tpu.memory_space<vmem>>) offsets(%dma_start3A_829 : memref<128xi32, #tpu.memory_space<vmem>>) semaphore(%arg11 : memref<!tpu.dma_semaphore, #tpu.memory_space<semaphore_mem>>) {add = true}
      %dma_start3A_833 = arith.constant 0 : i32
      %dma_start3A_834 = arith.constant 3 : i32
      %dma_start3A_835 = arith.constant 0 : i32
      %dma_start3A_836 = arith.constant 0 : i32
      %dma_start3A_837 = arith.constant 0 : i32
      %dma_start3A_838 = tpu.memref_slice %arg6[%dma_start3A_835, %dma_start3A_836, %dma_start3A_837] : memref<2x128x128xf32, #tpu.memory_space<vmem>> -> memref<1x128x128xf32, #tpu.memory_space<vmem>>
      %dma_start3A_839 = tpu.memref_squeeze %dma_start3A_838 : memref<1x128x128xf32, #tpu.memory_space<vmem>> -> memref<128x128xf32, #tpu.memory_space<vmem>>
      %dma_start3A_840 = arith.constant 0 : i32
      %dma_start3A_841 = tpu.memref_slice %arg5[%dma_start3A_833, %dma_start3A_834, %dma_start3A_840] : memref<2x6x128xi32, #tpu.memory_space<vmem>> -> memref<1x1x128xi32, #tpu.memory_space<vmem>>
      %dma_start3A_842 = tpu.memref_squeeze %dma_start3A_841 : memref<1x1x128xi32, #tpu.memory_space<vmem>> -> memref<128xi32, #tpu.memory_space<vmem>>
      %dma_start3A_843 = arith.constant 0 : i32
      %dma_start3A_844 = arith.constant 0 : i32
      %dma_start3A_845 = tpu.memref_slice %arg2[%dma_start3A_843, %dma_start3A_844] : memref<200000x128xf32, #tpu.memory_space<hbm>> -> memref<200000x128xf32, #tpu.memory_space<hbm>>
      tpu.enqueue_indirect_dma source(%dma_start3A_845 : memref<200000x128xf32, #tpu.memory_space<hbm>>) target(%dma_start3A_839 : memref<128x128xf32, #tpu.memory_space<vmem>>) offsets(%dma_start3A_842 : memref<128xi32, #tpu.memory_space<vmem>>) semaphore(%arg11 : memref<!tpu.dma_semaphore, #tpu.memory_space<semaphore_mem>>) {add = true}
      %dma_start3A_846 = arith.constant 0 : i32
      %dma_start3A_847 = arith.constant 4 : i32
      %dma_start3A_848 = arith.constant 0 : i32
      %dma_start3A_849 = arith.constant 0 : i32
      %dma_start3A_850 = arith.constant 0 : i32
      %dma_start3A_851 = tpu.memref_slice %arg6[%dma_start3A_848, %dma_start3A_849, %dma_start3A_850] : memref<2x128x128xf32, #tpu.memory_space<vmem>> -> memref<1x128x128xf32, #tpu.memory_space<vmem>>
      %dma_start3A_852 = tpu.memref_squeeze %dma_start3A_851 : memref<1x128x128xf32, #tpu.memory_space<vmem>> -> memref<128x128xf32, #tpu.memory_space<vmem>>
      %dma_start3A_853 = arith.constant 0 : i32
      %dma_start3A_854 = tpu.memref_slice %arg5[%dma_start3A_846, %dma_start3A_847, %dma_start3A_853] : memref<2x6x128xi32, #tpu.memory_space<vmem>> -> memref<1x1x128xi32, #tpu.memory_space<vmem>>
      %dma_start3A_855 = tpu.memref_squeeze %dma_start3A_854 : memref<1x1x128xi32, #tpu.memory_space<vmem>> -> memref<128xi32, #tpu.memory_space<vmem>>
      %dma_start3A_856 = arith.constant 0 : i32
      %dma_start3A_857 = arith.constant 0 : i32
      %dma_start3A_858 = tpu.memref_slice %arg2[%dma_start3A_856, %dma_start3A_857] : memref<200000x128xf32, #tpu.memory_space<hbm>> -> memref<200000x128xf32, #tpu.memory_space<hbm>>
      tpu.enqueue_indirect_dma source(%dma_start3A_858 : memref<200000x128xf32, #tpu.memory_space<hbm>>) target(%dma_start3A_852 : memref<128x128xf32, #tpu.memory_space<vmem>>) offsets(%dma_start3A_855 : memref<128xi32, #tpu.memory_space<vmem>>) semaphore(%arg11 : memref<!tpu.dma_semaphore, #tpu.memory_space<semaphore_mem>>) {add = true}
      %dma_start3A_859 = arith.constant 0 : i32
      %dma_start3A_860 = arith.constant 5 : i32
      %dma_start3A_861 = arith.constant 0 : i32
      %dma_start3A_862 = arith.constant 0 : i32
      %dma_start3A_863 = arith.constant 0 : i32
      %dma_start3A_864 = tpu.memref_slice %arg6[%dma_start3A_861, %dma_start3A_862, %dma_start3A_863] : memref<2x128x128xf32, #tpu.memory_space<vmem>> -> memref<1x128x128xf32, #tpu.memory_space<vmem>>
      %dma_start3A_865 = tpu.memref_squeeze %dma_start3A_864 : memref<1x128x128xf32, #tpu.memory_space<vmem>> -> memref<128x128xf32, #tpu.memory_space<vmem>>
      %dma_start3A_866 = arith.constant 0 : i32
      %dma_start3A_867 = tpu.memref_slice %arg5[%dma_start3A_859, %dma_start3A_860, %dma_start3A_866] : memref<2x6x128xi32, #tpu.memory_space<vmem>> -> memref<1x1x128xi32, #tpu.memory_space<vmem>>
      %dma_start3A_868 = tpu.memref_squeeze %dma_start3A_867 : memref<1x1x128xi32, #tpu.memory_space<vmem>> -> memref<128xi32, #tpu.memory_space<vmem>>
      %dma_start3A_869 = arith.constant 0 : i32
      %dma_start3A_870 = arith.constant 0 : i32
      %dma_start3A_871 = tpu.memref_slice %arg2[%dma_start3A_869, %dma_start3A_870] : memref<200000x128xf32, #tpu.memory_space<hbm>> -> memref<200000x128xf32, #tpu.memory_space<hbm>>
      tpu.enqueue_indirect_dma source(%dma_start3A_871 : memref<200000x128xf32, #tpu.memory_space<hbm>>) target(%dma_start3A_865 : memref<128x128xf32, #tpu.memory_space<vmem>>) offsets(%dma_start3A_868 : memref<128xi32, #tpu.memory_space<vmem>>) semaphore(%arg11 : memref<!tpu.dma_semaphore, #tpu.memory_space<semaphore_mem>>) {add = true}
    }
    %scan3A_114 = arith.constant 12 : i32
    %dma_wait3A_115 = arith.constant 1 : i32
    %dma_wait3A_116 = arith.constant 0 : i32
    %dma_wait3A_117 = arith.constant 0 : i32
    %dma_wait3A_118 = tpu.memref_slice %arg5[%dma_wait3A_115, %dma_wait3A_116, %dma_wait3A_117] : memref<2x6x128xi32, #tpu.memory_space<vmem>> -> memref<1x6x128xi32, #tpu.memory_space<vmem>>
    %dma_wait3A_119 = tpu.memref_squeeze %dma_wait3A_118 : memref<1x6x128xi32, #tpu.memory_space<vmem>> -> memref<6x128xi32, #tpu.memory_space<vmem>>
    %dma_wait3A_120 = arith.constant 0 : i32
    %dma_wait3A_121 = tpu.memref_slice %arg3[%dma_wait3A_120, %mul3A_2] : memref<6x102400xi32, #tpu.memory_space<hbm>> -> memref<6x128xi32, #tpu.memory_space<hbm>>
    %dma_wait3A_122 = arith.constant 0 : i32
    %dma_wait3A_123 = arith.constant 0 : i32
    %dma_wait3A_124 = tpu.memref_slice %arg5[%dma_wait3A_115, %dma_wait3A_122, %dma_wait3A_123] : memref<2x6x128xi32, #tpu.memory_space<vmem>> -> memref<1x6x128xi32, #tpu.memory_space<vmem>>
    %dma_wait3A_125 = tpu.memref_squeeze %dma_wait3A_124 : memref<1x6x128xi32, #tpu.memory_space<vmem>> -> memref<6x128xi32, #tpu.memory_space<vmem>>
    %dma_wait3A_126 = arith.constant 0 : i32
    %dma_wait3A_127 = tpu.memref_slice %arg3[%dma_wait3A_126, %mul3A_2] : memref<6x102400xi32, #tpu.memory_space<hbm>> -> memref<6x128xi32, #tpu.memory_space<hbm>>
    tpu.wait_dma2 semaphore(%arg8 : memref<!tpu.dma_semaphore, #tpu.memory_space<semaphore_mem>>) src(%dma_wait3A_127 : memref<6x128xi32, #tpu.memory_space<hbm>>) dst(%dma_wait3A_125 : memref<6x128xi32, #tpu.memory_space<vmem>>)
    %dma_wait3A_128 = arith.constant 1 : i32
    %dma_wait3A_129 = arith.constant 0 : i32
    %dma_wait3A_130 = arith.constant 0 : i32
    %dma_wait3A_131 = tpu.memref_slice %arg6[%dma_wait3A_128, %dma_wait3A_129, %dma_wait3A_130] : memref<2x128x128xf32, #tpu.memory_space<vmem>> -> memref<1x128x128xf32, #tpu.memory_space<vmem>>
    %dma_wait3A_132 = tpu.memref_squeeze %dma_wait3A_131 : memref<1x128x128xf32, #tpu.memory_space<vmem>> -> memref<128x128xf32, #tpu.memory_space<vmem>>
    %dma_wait3A_133 = arith.constant 0 : i32
    %dma_wait3A_134 = tpu.memref_slice %arg4[%mul3A_2, %dma_wait3A_133] : memref<102400x128xf32, #tpu.memory_space<hbm>> -> memref<128x128xf32, #tpu.memory_space<hbm>>
    %dma_wait3A_135 = arith.constant 0 : i32
    %dma_wait3A_136 = tpu.memref_slice %arg4[%mul3A_2, %dma_wait3A_135] : memref<102400x128xf32, #tpu.memory_space<hbm>> -> memref<128x128xf32, #tpu.memory_space<hbm>>
    %dma_wait3A_137 = arith.constant 0 : i32
    %dma_wait3A_138 = arith.constant 0 : i32
    %dma_wait3A_139 = tpu.memref_slice %arg6[%dma_wait3A_128, %dma_wait3A_137, %dma_wait3A_138] : memref<2x128x128xf32, #tpu.memory_space<vmem>> -> memref<1x128x128xf32, #tpu.memory_space<vmem>>
    %dma_wait3A_140 = tpu.memref_squeeze %dma_wait3A_139 : memref<1x128x128xf32, #tpu.memory_space<vmem>> -> memref<128x128xf32, #tpu.memory_space<vmem>>
    tpu.wait_dma2 semaphore(%arg14 : memref<!tpu.dma_semaphore, #tpu.memory_space<semaphore_mem>>) src(%dma_wait3A_140 : memref<128x128xf32, #tpu.memory_space<vmem>>) dst(%dma_wait3A_136 : memref<128x128xf32, #tpu.memory_space<hbm>>)
    %dma_start3A_141 = arith.constant 1 : i32
    %dma_start3A_142 = arith.constant 0 : i32
    %dma_start3A_143 = arith.constant 1 : i32
    %dma_start3A_144 = arith.constant 0 : i32
    %dma_start3A_145 = arith.constant 0 : i32
    %dma_start3A_146 = tpu.memref_slice %arg6[%dma_start3A_143, %dma_start3A_144, %dma_start3A_145] : memref<2x128x128xf32, #tpu.memory_space<vmem>> -> memref<1x128x128xf32, #tpu.memory_space<vmem>>
    %dma_start3A_147 = tpu.memref_squeeze %dma_start3A_146 : memref<1x128x128xf32, #tpu.memory_space<vmem>> -> memref<128x128xf32, #tpu.memory_space<vmem>>
    %dma_start3A_148 = arith.constant 0 : i32
    %dma_start3A_149 = tpu.memref_slice %arg5[%dma_start3A_141, %dma_start3A_142, %dma_start3A_148] : memref<2x6x128xi32, #tpu.memory_space<vmem>> -> memref<1x1x128xi32, #tpu.memory_space<vmem>>
    %dma_start3A_150 = tpu.memref_squeeze %dma_start3A_149 : memref<1x1x128xi32, #tpu.memory_space<vmem>> -> memref<128xi32, #tpu.memory_space<vmem>>
    %dma_start3A_151 = arith.constant 0 : i32
    %dma_start3A_152 = arith.constant 0 : i32
    %dma_start3A_153 = tpu.memref_slice %arg2[%dma_start3A_151, %dma_start3A_152] : memref<200000x128xf32, #tpu.memory_space<hbm>> -> memref<200000x128xf32, #tpu.memory_space<hbm>>
    tpu.enqueue_indirect_dma source(%dma_start3A_153 : memref<200000x128xf32, #tpu.memory_space<hbm>>) target(%dma_start3A_147 : memref<128x128xf32, #tpu.memory_space<vmem>>) offsets(%dma_start3A_150 : memref<128xi32, #tpu.memory_space<vmem>>) semaphore(%arg10 : memref<!tpu.dma_semaphore, #tpu.memory_space<semaphore_mem>>)
    %dma_wait3A_154 = arith.constant 0 : i32
    %dma_wait3A_155 = arith.constant 0 : i32
    %dma_wait3A_156 = arith.constant 0 : i32
    %dma_wait3A_157 = tpu.memref_slice %arg6[%dma_wait3A_154, %dma_wait3A_155, %dma_wait3A_156] : memref<2x128x128xf32, #tpu.memory_space<vmem>> -> memref<1x128x128xf32, #tpu.memory_space<vmem>>
    %dma_wait3A_158 = tpu.memref_squeeze %dma_wait3A_157 : memref<1x128x128xf32, #tpu.memory_space<vmem>> -> memref<128x128xf32, #tpu.memory_space<vmem>>
    %dma_wait3A_159 = arith.constant 0 : i32
    %dma_wait3A_160 = tpu.memref_slice %arg4[%mul3A_2, %dma_wait3A_159] : memref<102400x128xf32, #tpu.memory_space<hbm>> -> memref<128x128xf32, #tpu.memory_space<hbm>>
    %dma_wait3A_161 = arith.constant 0 : i32
    %dma_wait3A_162 = arith.constant 0 : i32
    %dma_wait3A_163 = tpu.memref_slice %arg6[%dma_wait3A_154, %dma_wait3A_161, %dma_wait3A_162] : memref<2x128x128xf32, #tpu.memory_space<vmem>> -> memref<1x128x128xf32, #tpu.memory_space<vmem>>
    %dma_wait3A_164 = tpu.memref_squeeze %dma_wait3A_163 : memref<1x128x128xf32, #tpu.memory_space<vmem>> -> memref<128x128xf32, #tpu.memory_space<vmem>>
    %dma_wait3A_165 = arith.constant 0 : i32
    %dma_wait3A_166 = tpu.memref_slice %arg4[%mul3A_2, %dma_wait3A_165] : memref<102400x128xf32, #tpu.memory_space<hbm>> -> memref<128x128xf32, #tpu.memory_space<hbm>>
    tpu.wait_dma2 semaphore(%arg11 : memref<!tpu.dma_semaphore, #tpu.memory_space<semaphore_mem>>) src(%dma_wait3A_166 : memref<128x128xf32, #tpu.memory_space<hbm>>) dst(%dma_wait3A_164 : memref<128x128xf32, #tpu.memory_space<vmem>>)
    %dma_wait3A_167 = arith.constant 0 : i32
    %dma_wait3A_168 = arith.constant 0 : i32
    %dma_wait3A_169 = arith.constant 0 : i32
    %dma_wait3A_170 = tpu.memref_slice %arg6[%dma_wait3A_167, %dma_wait3A_168, %dma_wait3A_169] : memref<2x128x128xf32, #tpu.memory_space<vmem>> -> memref<1x128x128xf32, #tpu.memory_space<vmem>>
    %dma_wait3A_171 = tpu.memref_squeeze %dma_wait3A_170 : memref<1x128x128xf32, #tpu.memory_space<vmem>> -> memref<128x128xf32, #tpu.memory_space<vmem>>
    %dma_wait3A_172 = arith.constant 0 : i32
    %dma_wait3A_173 = tpu.memref_slice %arg4[%mul3A_2, %dma_wait3A_172] : memref<102400x128xf32, #tpu.memory_space<hbm>> -> memref<128x128xf32, #tpu.memory_space<hbm>>
    %dma_wait3A_174 = arith.constant 0 : i32
    %dma_wait3A_175 = arith.constant 0 : i32
    %dma_wait3A_176 = tpu.memref_slice %arg6[%dma_wait3A_167, %dma_wait3A_174, %dma_wait3A_175] : memref<2x128x128xf32, #tpu.memory_space<vmem>> -> memref<1x128x128xf32, #tpu.memory_space<vmem>>
    %dma_wait3A_177 = tpu.memref_squeeze %dma_wait3A_176 : memref<1x128x128xf32, #tpu.memory_space<vmem>> -> memref<128x128xf32, #tpu.memory_space<vmem>>
    %dma_wait3A_178 = arith.constant 0 : i32
    %dma_wait3A_179 = tpu.memref_slice %arg4[%mul3A_2, %dma_wait3A_178] : memref<102400x128xf32, #tpu.memory_space<hbm>> -> memref<128x128xf32, #tpu.memory_space<hbm>>
    tpu.wait_dma2 semaphore(%arg11 : memref<!tpu.dma_semaphore, #tpu.memory_space<semaphore_mem>>) src(%dma_wait3A_179 : memref<128x128xf32, #tpu.memory_space<hbm>>) dst(%dma_wait3A_177 : memref<128x128xf32, #tpu.memory_space<vmem>>)
    %dma_wait3A_180 = arith.constant 0 : i32
    %dma_wait3A_181 = arith.constant 0 : i32
    %dma_wait3A_182 = arith.constant 0 : i32
    %dma_wait3A_183 = tpu.memref_slice %arg6[%dma_wait3A_180, %dma_wait3A_181, %dma_wait3A_182] : memref<2x128x128xf32, #tpu.memory_space<vmem>> -> memref<1x128x128xf32, #tpu.memory_space<vmem>>
    %dma_wait3A_184 = tpu.memref_squeeze %dma_wait3A_183 : memref<1x128x128xf32, #tpu.memory_space<vmem>> -> memref<128x128xf32, #tpu.memory_space<vmem>>
    %dma_wait3A_185 = arith.constant 0 : i32
    %dma_wait3A_186 = tpu.memref_slice %arg4[%mul3A_2, %dma_wait3A_185] : memref<102400x128xf32, #tpu.memory_space<hbm>> -> memref<128x128xf32, #tpu.memory_space<hbm>>
    %dma_wait3A_187 = arith.constant 0 : i32
    %dma_wait3A_188 = arith.constant 0 : i32
    %dma_wait3A_189 = tpu.memref_slice %arg6[%dma_wait3A_180, %dma_wait3A_187, %dma_wait3A_188] : memref<2x128x128xf32, #tpu.memory_space<vmem>> -> memref<1x128x128xf32, #tpu.memory_space<vmem>>
    %dma_wait3A_190 = tpu.memref_squeeze %dma_wait3A_189 : memref<1x128x128xf32, #tpu.memory_space<vmem>> -> memref<128x128xf32, #tpu.memory_space<vmem>>
    %dma_wait3A_191 = arith.constant 0 : i32
    %dma_wait3A_192 = tpu.memref_slice %arg4[%mul3A_2, %dma_wait3A_191] : memref<102400x128xf32, #tpu.memory_space<hbm>> -> memref<128x128xf32, #tpu.memory_space<hbm>>
    tpu.wait_dma2 semaphore(%arg11 : memref<!tpu.dma_semaphore, #tpu.memory_space<semaphore_mem>>) src(%dma_wait3A_192 : memref<128x128xf32, #tpu.memory_space<hbm>>) dst(%dma_wait3A_190 : memref<128x128xf32, #tpu.memory_space<vmem>>)
    %dma_wait3A_193 = arith.constant 0 : i32
    %dma_wait3A_194 = arith.constant 0 : i32
    %dma_wait3A_195 = arith.constant 0 : i32
    %dma_wait3A_196 = tpu.memref_slice %arg6[%dma_wait3A_193, %dma_wait3A_194, %dma_wait3A_195] : memref<2x128x128xf32, #tpu.memory_space<vmem>> -> memref<1x128x128xf32, #tpu.memory_space<vmem>>
    %dma_wait3A_197 = tpu.memref_squeeze %dma_wait3A_196 : memref<1x128x128xf32, #tpu.memory_space<vmem>> -> memref<128x128xf32, #tpu.memory_space<vmem>>
    %dma_wait3A_198 = arith.constant 0 : i32
    %dma_wait3A_199 = tpu.memref_slice %arg4[%mul3A_2, %dma_wait3A_198] : memref<102400x128xf32, #tpu.memory_space<hbm>> -> memref<128x128xf32, #tpu.memory_space<hbm>>
    %dma_wait3A_200 = arith.constant 0 : i32
    %dma_wait3A_201 = arith.constant 0 : i32
    %dma_wait3A_202 = tpu.memref_slice %arg6[%dma_wait3A_193, %dma_wait3A_200, %dma_wait3A_201] : memref<2x128x128xf32, #tpu.memory_space<vmem>> -> memref<1x128x128xf32, #tpu.memory_space<vmem>>
    %dma_wait3A_203 = tpu.memref_squeeze %dma_wait3A_202 : memref<1x128x128xf32, #tpu.memory_space<vmem>> -> memref<128x128xf32, #tpu.memory_space<vmem>>
    %dma_wait3A_204 = arith.constant 0 : i32
    %dma_wait3A_205 = tpu.memref_slice %arg4[%mul3A_2, %dma_wait3A_204] : memref<102400x128xf32, #tpu.memory_space<hbm>> -> memref<128x128xf32, #tpu.memory_space<hbm>>
    tpu.wait_dma2 semaphore(%arg11 : memref<!tpu.dma_semaphore, #tpu.memory_space<semaphore_mem>>) src(%dma_wait3A_205 : memref<128x128xf32, #tpu.memory_space<hbm>>) dst(%dma_wait3A_203 : memref<128x128xf32, #tpu.memory_space<vmem>>)
    %dma_wait3A_206 = arith.constant 0 : i32
    %dma_wait3A_207 = arith.constant 0 : i32
    %dma_wait3A_208 = arith.constant 0 : i32
    %dma_wait3A_209 = tpu.memref_slice %arg6[%dma_wait3A_206, %dma_wait3A_207, %dma_wait3A_208] : memref<2x128x128xf32, #tpu.memory_space<vmem>> -> memref<1x128x128xf32, #tpu.memory_space<vmem>>
    %dma_wait3A_210 = tpu.memref_squeeze %dma_wait3A_209 : memref<1x128x128xf32, #tpu.memory_space<vmem>> -> memref<128x128xf32, #tpu.memory_space<vmem>>
    %dma_wait3A_211 = arith.constant 0 : i32
    %dma_wait3A_212 = tpu.memref_slice %arg4[%mul3A_2, %dma_wait3A_211] : memref<102400x128xf32, #tpu.memory_space<hbm>> -> memref<128x128xf32, #tpu.memory_space<hbm>>
    %dma_wait3A_213 = arith.constant 0 : i32
    %dma_wait3A_214 = arith.constant 0 : i32
    %dma_wait3A_215 = tpu.memref_slice %arg6[%dma_wait3A_206, %dma_wait3A_213, %dma_wait3A_214] : memref<2x128x128xf32, #tpu.memory_space<vmem>> -> memref<1x128x128xf32, #tpu.memory_space<vmem>>
    %dma_wait3A_216 = tpu.memref_squeeze %dma_wait3A_215 : memref<1x128x128xf32, #tpu.memory_space<vmem>> -> memref<128x128xf32, #tpu.memory_space<vmem>>
    %dma_wait3A_217 = arith.constant 0 : i32
    %dma_wait3A_218 = tpu.memref_slice %arg4[%mul3A_2, %dma_wait3A_217] : memref<102400x128xf32, #tpu.memory_space<hbm>> -> memref<128x128xf32, #tpu.memory_space<hbm>>
    tpu.wait_dma2 semaphore(%arg11 : memref<!tpu.dma_semaphore, #tpu.memory_space<semaphore_mem>>) src(%dma_wait3A_218 : memref<128x128xf32, #tpu.memory_space<hbm>>) dst(%dma_wait3A_216 : memref<128x128xf32, #tpu.memory_space<vmem>>)
    %min3A_219 = arith.constant 24 : i32
    %min3A_220 = arith.constant 24 : i32
    %min3A_221 = arith.minsi %min3A_219, %min3A_220 : i32
    %mul3A_222 = arith.constant 128 : i32
    %mul3A_223 = arith.muli %mul3A_222, %min3A_221 : i32
    %add3A_224 = arith.addi %mul3A_2, %mul3A_223 : i32
    %multiple_of3A_225 = tpu.assume_multiple %add3A_224, 128 : i32
    %dma_start3A_226 = arith.constant 0 : i32
    %dma_start3A_227 = arith.constant 0 : i32
    %dma_start3A_228 = arith.constant 0 : i32
    %dma_start3A_229 = tpu.memref_slice %arg6[%dma_start3A_226, %dma_start3A_227, %dma_start3A_228] : memref<2x128x128xf32, #tpu.memory_space<vmem>> -> memref<1x128x128xf32, #tpu.memory_space<vmem>>
    %dma_start3A_230 = tpu.memref_squeeze %dma_start3A_229 : memref<1x128x128xf32, #tpu.memory_space<vmem>> -> memref<128x128xf32, #tpu.memory_space<vmem>>
    %dma_start3A_231 = arith.constant 0 : i32
    %dma_start3A_232 = tpu.memref_slice %arg4[%multiple_of3A_225, %dma_start3A_231] : memref<102400x128xf32, #tpu.memory_space<hbm>> -> memref<128x128xf32, #tpu.memory_space<hbm>>
    %dma_start3A_233 = arith.constant 0 : i32
    %dma_start3A_234 = tpu.memref_slice %arg4[%multiple_of3A_225, %dma_start3A_233] : memref<102400x128xf32, #tpu.memory_space<hbm>> -> memref<128x128xf32, #tpu.memory_space<hbm>>
    %dma_start3A_235 = arith.constant 0 : i32
    %dma_start3A_236 = arith.constant 0 : i32
    %dma_start3A_237 = tpu.memref_slice %arg6[%dma_start3A_226, %dma_start3A_235, %dma_start3A_236] : memref<2x128x128xf32, #tpu.memory_space<vmem>> -> memref<1x128x128xf32, #tpu.memory_space<vmem>>
    %dma_start3A_238 = tpu.memref_squeeze %dma_start3A_237 : memref<1x128x128xf32, #tpu.memory_space<vmem>> -> memref<128x128xf32, #tpu.memory_space<vmem>>
    tpu.enqueue_dma source(%dma_start3A_238 : memref<128x128xf32, #tpu.memory_space<vmem>>) target(%dma_start3A_234 : memref<128x128xf32, #tpu.memory_space<hbm>>) target_semaphore(%arg13 : memref<!tpu.dma_semaphore, #tpu.memory_space<semaphore_mem>>)
    %min3A_239 = arith.constant 26 : i32
    %min3A_240 = arith.constant 24 : i32
    %min3A_241 = arith.minsi %min3A_239, %min3A_240 : i32
    %mul3A_242 = arith.constant 128 : i32
    %mul3A_243 = arith.muli %mul3A_242, %min3A_241 : i32
    %add3A_244 = arith.addi %mul3A_2, %mul3A_243 : i32
    %multiple_of3A_245 = tpu.assume_multiple %add3A_244, 128 : i32
    %dma_start3A_246 = arith.constant 0 : i32
    %dma_start3A_247 = arith.constant 0 : i32
    %dma_start3A_248 = arith.constant 0 : i32
    %dma_start3A_249 = tpu.memref_slice %arg5[%dma_start3A_246, %dma_start3A_247, %dma_start3A_248] : memref<2x6x128xi32, #tpu.memory_space<vmem>> -> memref<1x6x128xi32, #tpu.memory_space<vmem>>
    %dma_start3A_250 = tpu.memref_squeeze %dma_start3A_249 : memref<1x6x128xi32, #tpu.memory_space<vmem>> -> memref<6x128xi32, #tpu.memory_space<vmem>>
    %dma_start3A_251 = arith.constant 0 : i32
    %dma_start3A_252 = tpu.memref_slice %arg3[%dma_start3A_251, %multiple_of3A_245] : memref<6x102400xi32, #tpu.memory_space<hbm>> -> memref<6x128xi32, #tpu.memory_space<hbm>>
    %dma_start3A_253 = arith.constant 0 : i32
    %dma_start3A_254 = arith.constant 0 : i32
    %dma_start3A_255 = tpu.memref_slice %arg5[%dma_start3A_246, %dma_start3A_253, %dma_start3A_254] : memref<2x6x128xi32, #tpu.memory_space<vmem>> -> memref<1x6x128xi32, #tpu.memory_space<vmem>>
    %dma_start3A_256 = tpu.memref_squeeze %dma_start3A_255 : memref<1x6x128xi32, #tpu.memory_space<vmem>> -> memref<6x128xi32, #tpu.memory_space<vmem>>
    %dma_start3A_257 = arith.constant 0 : i32
    %dma_start3A_258 = tpu.memref_slice %arg3[%dma_start3A_257, %multiple_of3A_245] : memref<6x102400xi32, #tpu.memory_space<hbm>> -> memref<6x128xi32, #tpu.memory_space<hbm>>
    tpu.enqueue_dma source(%dma_start3A_258 : memref<6x128xi32, #tpu.memory_space<hbm>>) target(%dma_start3A_256 : memref<6x128xi32, #tpu.memory_space<vmem>>) target_semaphore(%arg7 : memref<!tpu.dma_semaphore, #tpu.memory_space<semaphore_mem>>)
    %dma_wait3A_259 = arith.constant 1 : i32
    %dma_wait3A_260 = arith.constant 0 : i32
    %dma_wait3A_261 = arith.constant 0 : i32
    %dma_wait3A_262 = tpu.memref_slice %arg6[%dma_wait3A_259, %dma_wait3A_260, %dma_wait3A_261] : memref<2x128x128xf32, #tpu.memory_space<vmem>> -> memref<1x128x128xf32, #tpu.memory_space<vmem>>
    %dma_wait3A_263 = tpu.memref_squeeze %dma_wait3A_262 : memref<1x128x128xf32, #tpu.memory_space<vmem>> -> memref<128x128xf32, #tpu.memory_space<vmem>>
    %dma_wait3A_264 = arith.constant 0 : i32
    %dma_wait3A_265 = tpu.memref_slice %arg4[%mul3A_2, %dma_wait3A_264] : memref<102400x128xf32, #tpu.memory_space<hbm>> -> memref<128x128xf32, #tpu.memory_space<hbm>>
    %dma_wait3A_266 = arith.constant 0 : i32
    %dma_wait3A_267 = arith.constant 0 : i32
    %dma_wait3A_268 = tpu.memref_slice %arg6[%dma_wait3A_259, %dma_wait3A_266, %dma_wait3A_267] : memref<2x128x128xf32, #tpu.memory_space<vmem>> -> memref<1x128x128xf32, #tpu.memory_space<vmem>>
    %dma_wait3A_269 = tpu.memref_squeeze %dma_wait3A_268 : memref<1x128x128xf32, #tpu.memory_space<vmem>> -> memref<128x128xf32, #tpu.memory_space<vmem>>
    %dma_wait3A_270 = arith.constant 0 : i32
    %dma_wait3A_271 = tpu.memref_slice %arg4[%mul3A_2, %dma_wait3A_270] : memref<102400x128xf32, #tpu.memory_space<hbm>> -> memref<128x128xf32, #tpu.memory_space<hbm>>
    tpu.wait_dma2 semaphore(%arg10 : memref<!tpu.dma_semaphore, #tpu.memory_space<semaphore_mem>>) src(%dma_wait3A_271 : memref<128x128xf32, #tpu.memory_space<hbm>>) dst(%dma_wait3A_269 : memref<128x128xf32, #tpu.memory_space<vmem>>)
    %dma_start3A_272 = arith.constant 1 : i32
    %dma_start3A_273 = arith.constant 1 : i32
    %dma_start3A_274 = arith.constant 1 : i32
    %dma_start3A_275 = arith.constant 0 : i32
    %dma_start3A_276 = arith.constant 0 : i32
    %dma_start3A_277 = tpu.memref_slice %arg6[%dma_start3A_274, %dma_start3A_275, %dma_start3A_276] : memref<2x128x128xf32, #tpu.memory_space<vmem>> -> memref<1x128x128xf32, #tpu.memory_space<vmem>>
    %dma_start3A_278 = tpu.memref_squeeze %dma_start3A_277 : memref<1x128x128xf32, #tpu.memory_space<vmem>> -> memref<128x128xf32, #tpu.memory_space<vmem>>
    %dma_start3A_279 = arith.constant 0 : i32
    %dma_start3A_280 = tpu.memref_slice %arg5[%dma_start3A_272, %dma_start3A_273, %dma_start3A_279] : memref<2x6x128xi32, #tpu.memory_space<vmem>> -> memref<1x1x128xi32, #tpu.memory_space<vmem>>
    %dma_start3A_281 = tpu.memref_squeeze %dma_start3A_280 : memref<1x1x128xi32, #tpu.memory_space<vmem>> -> memref<128xi32, #tpu.memory_space<vmem>>
    %dma_start3A_282 = arith.constant 0 : i32
    %dma_start3A_283 = arith.constant 0 : i32
    %dma_start3A_284 = tpu.memref_slice %arg2[%dma_start3A_282, %dma_start3A_283] : memref<200000x128xf32, #tpu.memory_space<hbm>> -> memref<200000x128xf32, #tpu.memory_space<hbm>>
    tpu.enqueue_indirect_dma source(%dma_start3A_284 : memref<200000x128xf32, #tpu.memory_space<hbm>>) target(%dma_start3A_278 : memref<128x128xf32, #tpu.memory_space<vmem>>) offsets(%dma_start3A_281 : memref<128xi32, #tpu.memory_space<vmem>>) semaphore(%arg12 : memref<!tpu.dma_semaphore, #tpu.memory_space<semaphore_mem>>) {add = true}
    %dma_start3A_285 = arith.constant 1 : i32
    %dma_start3A_286 = arith.constant 2 : i32
    %dma_start3A_287 = arith.constant 1 : i32
    %dma_start3A_288 = arith.constant 0 : i32
    %dma_start3A_289 = arith.constant 0 : i32
    %dma_start3A_290 = tpu.memref_slice %arg6[%dma_start3A_287, %dma_start3A_288, %dma_start3A_289] : memref<2x128x128xf32, #tpu.memory_space<vmem>> -> memref<1x128x128xf32, #tpu.memory_space<vmem>>
    %dma_start3A_291 = tpu.memref_squeeze %dma_start3A_290 : memref<1x128x128xf32, #tpu.memory_space<vmem>> -> memref<128x128xf32, #tpu.memory_space<vmem>>
    %dma_start3A_292 = arith.constant 0 : i32
    %dma_start3A_293 = tpu.memref_slice %arg5[%dma_start3A_285, %dma_start3A_286, %dma_start3A_292] : memref<2x6x128xi32, #tpu.memory_space<vmem>> -> memref<1x1x128xi32, #tpu.memory_space<vmem>>
    %dma_start3A_294 = tpu.memref_squeeze %dma_start3A_293 : memref<1x1x128xi32, #tpu.memory_space<vmem>> -> memref<128xi32, #tpu.memory_space<vmem>>
    %dma_start3A_295 = arith.constant 0 : i32
    %dma_start3A_296 = arith.constant 0 : i32
    %dma_start3A_297 = tpu.memref_slice %arg2[%dma_start3A_295, %dma_start3A_296] : memref<200000x128xf32, #tpu.memory_space<hbm>> -> memref<200000x128xf32, #tpu.memory_space<hbm>>
    tpu.enqueue_indirect_dma source(%dma_start3A_297 : memref<200000x128xf32, #tpu.memory_space<hbm>>) target(%dma_start3A_291 : memref<128x128xf32, #tpu.memory_space<vmem>>) offsets(%dma_start3A_294 : memref<128xi32, #tpu.memory_space<vmem>>) semaphore(%arg12 : memref<!tpu.dma_semaphore, #tpu.memory_space<semaphore_mem>>) {add = true}
    %dma_start3A_298 = arith.constant 1 : i32
    %dma_start3A_299 = arith.constant 3 : i32
    %dma_start3A_300 = arith.constant 1 : i32
    %dma_start3A_301 = arith.constant 0 : i32
    %dma_start3A_302 = arith.constant 0 : i32
    %dma_start3A_303 = tpu.memref_slice %arg6[%dma_start3A_300, %dma_start3A_301, %dma_start3A_302] : memref<2x128x128xf32, #tpu.memory_space<vmem>> -> memref<1x128x128xf32, #tpu.memory_space<vmem>>
    %dma_start3A_304 = tpu.memref_squeeze %dma_start3A_303 : memref<1x128x128xf32, #tpu.memory_space<vmem>> -> memref<128x128xf32, #tpu.memory_space<vmem>>
    %dma_start3A_305 = arith.constant 0 : i32
    %dma_start3A_306 = tpu.memref_slice %arg5[%dma_start3A_298, %dma_start3A_299, %dma_start3A_305] : memref<2x6x128xi32, #tpu.memory_space<vmem>> -> memref<1x1x128xi32, #tpu.memory_space<vmem>>
    %dma_start3A_307 = tpu.memref_squeeze %dma_start3A_306 : memref<1x1x128xi32, #tpu.memory_space<vmem>> -> memref<128xi32, #tpu.memory_space<vmem>>
    %dma_start3A_308 = arith.constant 0 : i32
    %dma_start3A_309 = arith.constant 0 : i32
    %dma_start3A_310 = tpu.memref_slice %arg2[%dma_start3A_308, %dma_start3A_309] : memref<200000x128xf32, #tpu.memory_space<hbm>> -> memref<200000x128xf32, #tpu.memory_space<hbm>>
    tpu.enqueue_indirect_dma source(%dma_start3A_310 : memref<200000x128xf32, #tpu.memory_space<hbm>>) target(%dma_start3A_304 : memref<128x128xf32, #tpu.memory_space<vmem>>) offsets(%dma_start3A_307 : memref<128xi32, #tpu.memory_space<vmem>>) semaphore(%arg12 : memref<!tpu.dma_semaphore, #tpu.memory_space<semaphore_mem>>) {add = true}
    %dma_start3A_311 = arith.constant 1 : i32
    %dma_start3A_312 = arith.constant 4 : i32
    %dma_start3A_313 = arith.constant 1 : i32
    %dma_start3A_314 = arith.constant 0 : i32
    %dma_start3A_315 = arith.constant 0 : i32
    %dma_start3A_316 = tpu.memref_slice %arg6[%dma_start3A_313, %dma_start3A_314, %dma_start3A_315] : memref<2x128x128xf32, #tpu.memory_space<vmem>> -> memref<1x128x128xf32, #tpu.memory_space<vmem>>
    %dma_start3A_317 = tpu.memref_squeeze %dma_start3A_316 : memref<1x128x128xf32, #tpu.memory_space<vmem>> -> memref<128x128xf32, #tpu.memory_space<vmem>>
    %dma_start3A_318 = arith.constant 0 : i32
    %dma_start3A_319 = tpu.memref_slice %arg5[%dma_start3A_311, %dma_start3A_312, %dma_start3A_318] : memref<2x6x128xi32, #tpu.memory_space<vmem>> -> memref<1x1x128xi32, #tpu.memory_space<vmem>>
    %dma_start3A_320 = tpu.memref_squeeze %dma_start3A_319 : memref<1x1x128xi32, #tpu.memory_space<vmem>> -> memref<128xi32, #tpu.memory_space<vmem>>
    %dma_start3A_321 = arith.constant 0 : i32
    %dma_start3A_322 = arith.constant 0 : i32
    %dma_start3A_323 = tpu.memref_slice %arg2[%dma_start3A_321, %dma_start3A_322] : memref<200000x128xf32, #tpu.memory_space<hbm>> -> memref<200000x128xf32, #tpu.memory_space<hbm>>
    tpu.enqueue_indirect_dma source(%dma_start3A_323 : memref<200000x128xf32, #tpu.memory_space<hbm>>) target(%dma_start3A_317 : memref<128x128xf32, #tpu.memory_space<vmem>>) offsets(%dma_start3A_320 : memref<128xi32, #tpu.memory_space<vmem>>) semaphore(%arg12 : memref<!tpu.dma_semaphore, #tpu.memory_space<semaphore_mem>>) {add = true}
    %dma_start3A_324 = arith.constant 1 : i32
    %dma_start3A_325 = arith.constant 5 : i32
    %dma_start3A_326 = arith.constant 1 : i32
    %dma_start3A_327 = arith.constant 0 : i32
    %dma_start3A_328 = arith.constant 0 : i32
    %dma_start3A_329 = tpu.memref_slice %arg6[%dma_start3A_326, %dma_start3A_327, %dma_start3A_328] : memref<2x128x128xf32, #tpu.memory_space<vmem>> -> memref<1x128x128xf32, #tpu.memory_space<vmem>>
    %dma_start3A_330 = tpu.memref_squeeze %dma_start3A_329 : memref<1x128x128xf32, #tpu.memory_space<vmem>> -> memref<128x128xf32, #tpu.memory_space<vmem>>
    %dma_start3A_331 = arith.constant 0 : i32
    %dma_start3A_332 = tpu.memref_slice %arg5[%dma_start3A_324, %dma_start3A_325, %dma_start3A_331] : memref<2x6x128xi32, #tpu.memory_space<vmem>> -> memref<1x1x128xi32, #tpu.memory_space<vmem>>
    %dma_start3A_333 = tpu.memref_squeeze %dma_start3A_332 : memref<1x1x128xi32, #tpu.memory_space<vmem>> -> memref<128xi32, #tpu.memory_space<vmem>>
    %dma_start3A_334 = arith.constant 0 : i32
    %dma_start3A_335 = arith.constant 0 : i32
    %dma_start3A_336 = tpu.memref_slice %arg2[%dma_start3A_334, %dma_start3A_335] : memref<200000x128xf32, #tpu.memory_space<hbm>> -> memref<200000x128xf32, #tpu.memory_space<hbm>>
    tpu.enqueue_indirect_dma source(%dma_start3A_336 : memref<200000x128xf32, #tpu.memory_space<hbm>>) target(%dma_start3A_330 : memref<128x128xf32, #tpu.memory_space<vmem>>) offsets(%dma_start3A_333 : memref<128xi32, #tpu.memory_space<vmem>>) semaphore(%arg12 : memref<!tpu.dma_semaphore, #tpu.memory_space<semaphore_mem>>) {add = true}
    %dma_wait3A_337 = arith.constant 1 : i32
    %dma_wait3A_338 = arith.constant 0 : i32
    %dma_wait3A_339 = arith.constant 0 : i32
    %dma_wait3A_340 = tpu.memref_slice %arg6[%dma_wait3A_337, %dma_wait3A_338, %dma_wait3A_339] : memref<2x128x128xf32, #tpu.memory_space<vmem>> -> memref<1x128x128xf32, #tpu.memory_space<vmem>>
    %dma_wait3A_341 = tpu.memref_squeeze %dma_wait3A_340 : memref<1x128x128xf32, #tpu.memory_space<vmem>> -> memref<128x128xf32, #tpu.memory_space<vmem>>
    %dma_wait3A_342 = arith.constant 0 : i32
    %dma_wait3A_343 = tpu.memref_slice %arg4[%mul3A_2, %dma_wait3A_342] : memref<102400x128xf32, #tpu.memory_space<hbm>> -> memref<128x128xf32, #tpu.memory_space<hbm>>
    %dma_wait3A_344 = arith.constant 0 : i32
    %dma_wait3A_345 = arith.constant 0 : i32
    %dma_wait3A_346 = tpu.memref_slice %arg6[%dma_wait3A_337, %dma_wait3A_344, %dma_wait3A_345] : memref<2x128x128xf32, #tpu.memory_space<vmem>> -> memref<1x128x128xf32, #tpu.memory_space<vmem>>
    %dma_wait3A_347 = tpu.memref_squeeze %dma_wait3A_346 : memref<1x128x128xf32, #tpu.memory_space<vmem>> -> memref<128x128xf32, #tpu.memory_space<vmem>>
    %dma_wait3A_348 = arith.constant 0 : i32
    %dma_wait3A_349 = tpu.memref_slice %arg4[%mul3A_2, %dma_wait3A_348] : memref<102400x128xf32, #tpu.memory_space<hbm>> -> memref<128x128xf32, #tpu.memory_space<hbm>>
    tpu.wait_dma2 semaphore(%arg12 : memref<!tpu.dma_semaphore, #tpu.memory_space<semaphore_mem>>) src(%dma_wait3A_349 : memref<128x128xf32, #tpu.memory_space<hbm>>) dst(%dma_wait3A_347 : memref<128x128xf32, #tpu.memory_space<vmem>>)
    %dma_wait3A_350 = arith.constant 1 : i32
    %dma_wait3A_351 = arith.constant 0 : i32
    %dma_wait3A_352 = arith.constant 0 : i32
    %dma_wait3A_353 = tpu.memref_slice %arg6[%dma_wait3A_350, %dma_wait3A_351, %dma_wait3A_352] : memref<2x128x128xf32, #tpu.memory_space<vmem>> -> memref<1x128x128xf32, #tpu.memory_space<vmem>>
    %dma_wait3A_354 = tpu.memref_squeeze %dma_wait3A_353 : memref<1x128x128xf32, #tpu.memory_space<vmem>> -> memref<128x128xf32, #tpu.memory_space<vmem>>
    %dma_wait3A_355 = arith.constant 0 : i32
    %dma_wait3A_356 = tpu.memref_slice %arg4[%mul3A_2, %dma_wait3A_355] : memref<102400x128xf32, #tpu.memory_space<hbm>> -> memref<128x128xf32, #tpu.memory_space<hbm>>
    %dma_wait3A_357 = arith.constant 0 : i32
    %dma_wait3A_358 = arith.constant 0 : i32
    %dma_wait3A_359 = tpu.memref_slice %arg6[%dma_wait3A_350, %dma_wait3A_357, %dma_wait3A_358] : memref<2x128x128xf32, #tpu.memory_space<vmem>> -> memref<1x128x128xf32, #tpu.memory_space<vmem>>
    %dma_wait3A_360 = tpu.memref_squeeze %dma_wait3A_359 : memref<1x128x128xf32, #tpu.memory_space<vmem>> -> memref<128x128xf32, #tpu.memory_space<vmem>>
    %dma_wait3A_361 = arith.constant 0 : i32
    %dma_wait3A_362 = tpu.memref_slice %arg4[%mul3A_2, %dma_wait3A_361] : memref<102400x128xf32, #tpu.memory_space<hbm>> -> memref<128x128xf32, #tpu.memory_space<hbm>>
    tpu.wait_dma2 semaphore(%arg12 : memref<!tpu.dma_semaphore, #tpu.memory_space<semaphore_mem>>) src(%dma_wait3A_362 : memref<128x128xf32, #tpu.memory_space<hbm>>) dst(%dma_wait3A_360 : memref<128x128xf32, #tpu.memory_space<vmem>>)
    %dma_wait3A_363 = arith.constant 1 : i32
    %dma_wait3A_364 = arith.constant 0 : i32
    %dma_wait3A_365 = arith.constant 0 : i32
    %dma_wait3A_366 = tpu.memref_slice %arg6[%dma_wait3A_363, %dma_wait3A_364, %dma_wait3A_365] : memref<2x128x128xf32, #tpu.memory_space<vmem>> -> memref<1x128x128xf32, #tpu.memory_space<vmem>>
    %dma_wait3A_367 = tpu.memref_squeeze %dma_wait3A_366 : memref<1x128x128xf32, #tpu.memory_space<vmem>> -> memref<128x128xf32, #tpu.memory_space<vmem>>
    %dma_wait3A_368 = arith.constant 0 : i32
    %dma_wait3A_369 = tpu.memref_slice %arg4[%mul3A_2, %dma_wait3A_368] : memref<102400x128xf32, #tpu.memory_space<hbm>> -> memref<128x128xf32, #tpu.memory_space<hbm>>
    %dma_wait3A_370 = arith.constant 0 : i32
    %dma_wait3A_371 = arith.constant 0 : i32
    %dma_wait3A_372 = tpu.memref_slice %arg6[%dma_wait3A_363, %dma_wait3A_370, %dma_wait3A_371] : memref<2x128x128xf32, #tpu.memory_space<vmem>> -> memref<1x128x128xf32, #tpu.memory_space<vmem>>
    %dma_wait3A_373 = tpu.memref_squeeze %dma_wait3A_372 : memref<1x128x128xf32, #tpu.memory_space<vmem>> -> memref<128x128xf32, #tpu.memory_space<vmem>>
    %dma_wait3A_374 = arith.constant 0 : i32
    %dma_wait3A_375 = tpu.memref_slice %arg4[%mul3A_2, %dma_wait3A_374] : memref<102400x128xf32, #tpu.memory_space<hbm>> -> memref<128x128xf32, #tpu.memory_space<hbm>>
    tpu.wait_dma2 semaphore(%arg12 : memref<!tpu.dma_semaphore, #tpu.memory_space<semaphore_mem>>) src(%dma_wait3A_375 : memref<128x128xf32, #tpu.memory_space<hbm>>) dst(%dma_wait3A_373 : memref<128x128xf32, #tpu.memory_space<vmem>>)
    %dma_wait3A_376 = arith.constant 1 : i32
    %dma_wait3A_377 = arith.constant 0 : i32
    %dma_wait3A_378 = arith.constant 0 : i32
    %dma_wait3A_379 = tpu.memref_slice %arg6[%dma_wait3A_376, %dma_wait3A_377, %dma_wait3A_378] : memref<2x128x128xf32, #tpu.memory_space<vmem>> -> memref<1x128x128xf32, #tpu.memory_space<vmem>>
    %dma_wait3A_380 = tpu.memref_squeeze %dma_wait3A_379 : memref<1x128x128xf32, #tpu.memory_space<vmem>> -> memref<128x128xf32, #tpu.memory_space<vmem>>
    %dma_wait3A_381 = arith.constant 0 : i32
    %dma_wait3A_382 = tpu.memref_slice %arg4[%mul3A_2, %dma_wait3A_381] : memref<102400x128xf32, #tpu.memory_space<hbm>> -> memref<128x128xf32, #tpu.memory_space<hbm>>
    %dma_wait3A_383 = arith.constant 0 : i32
    %dma_wait3A_384 = arith.constant 0 : i32
    %dma_wait3A_385 = tpu.memref_slice %arg6[%dma_wait3A_376, %dma_wait3A_383, %dma_wait3A_384] : memref<2x128x128xf32, #tpu.memory_space<vmem>> -> memref<1x128x128xf32, #tpu.memory_space<vmem>>
    %dma_wait3A_386 = tpu.memref_squeeze %dma_wait3A_385 : memref<1x128x128xf32, #tpu.memory_space<vmem>> -> memref<128x128xf32, #tpu.memory_space<vmem>>
    %dma_wait3A_387 = arith.constant 0 : i32
    %dma_wait3A_388 = tpu.memref_slice %arg4[%mul3A_2, %dma_wait3A_387] : memref<102400x128xf32, #tpu.memory_space<hbm>> -> memref<128x128xf32, #tpu.memory_space<hbm>>
    tpu.wait_dma2 semaphore(%arg12 : memref<!tpu.dma_semaphore, #tpu.memory_space<semaphore_mem>>) src(%dma_wait3A_388 : memref<128x128xf32, #tpu.memory_space<hbm>>) dst(%dma_wait3A_386 : memref<128x128xf32, #tpu.memory_space<vmem>>)
    %dma_wait3A_389 = arith.constant 1 : i32
    %dma_wait3A_390 = arith.constant 0 : i32
    %dma_wait3A_391 = arith.constant 0 : i32
    %dma_wait3A_392 = tpu.memref_slice %arg6[%dma_wait3A_389, %dma_wait3A_390, %dma_wait3A_391] : memref<2x128x128xf32, #tpu.memory_space<vmem>> -> memref<1x128x128xf32, #tpu.memory_space<vmem>>
    %dma_wait3A_393 = tpu.memref_squeeze %dma_wait3A_392 : memref<1x128x128xf32, #tpu.memory_space<vmem>> -> memref<128x128xf32, #tpu.memory_space<vmem>>
    %dma_wait3A_394 = arith.constant 0 : i32
    %dma_wait3A_395 = tpu.memref_slice %arg4[%mul3A_2, %dma_wait3A_394] : memref<102400x128xf32, #tpu.memory_space<hbm>> -> memref<128x128xf32, #tpu.memory_space<hbm>>
    %dma_wait3A_396 = arith.constant 0 : i32
    %dma_wait3A_397 = arith.constant 0 : i32
    %dma_wait3A_398 = tpu.memref_slice %arg6[%dma_wait3A_389, %dma_wait3A_396, %dma_wait3A_397] : memref<2x128x128xf32, #tpu.memory_space<vmem>> -> memref<1x128x128xf32, #tpu.memory_space<vmem>>
    %dma_wait3A_399 = tpu.memref_squeeze %dma_wait3A_398 : memref<1x128x128xf32, #tpu.memory_space<vmem>> -> memref<128x128xf32, #tpu.memory_space<vmem>>
    %dma_wait3A_400 = arith.constant 0 : i32
    %dma_wait3A_401 = tpu.memref_slice %arg4[%mul3A_2, %dma_wait3A_400] : memref<102400x128xf32, #tpu.memory_space<hbm>> -> memref<128x128xf32, #tpu.memory_space<hbm>>
    tpu.wait_dma2 semaphore(%arg12 : memref<!tpu.dma_semaphore, #tpu.memory_space<semaphore_mem>>) src(%dma_wait3A_401 : memref<128x128xf32, #tpu.memory_space<hbm>>) dst(%dma_wait3A_399 : memref<128x128xf32, #tpu.memory_space<vmem>>)
    %dma_wait3A_402 = arith.constant 0 : i32
    %dma_wait3A_403 = arith.constant 0 : i32
    %dma_wait3A_404 = arith.constant 0 : i32
    %dma_wait3A_405 = tpu.memref_slice %arg6[%dma_wait3A_402, %dma_wait3A_403, %dma_wait3A_404] : memref<2x128x128xf32, #tpu.memory_space<vmem>> -> memref<1x128x128xf32, #tpu.memory_space<vmem>>
    %dma_wait3A_406 = tpu.memref_squeeze %dma_wait3A_405 : memref<1x128x128xf32, #tpu.memory_space<vmem>> -> memref<128x128xf32, #tpu.memory_space<vmem>>
    %dma_wait3A_407 = arith.constant 0 : i32
    %dma_wait3A_408 = tpu.memref_slice %arg4[%mul3A_2, %dma_wait3A_407] : memref<102400x128xf32, #tpu.memory_space<hbm>> -> memref<128x128xf32, #tpu.memory_space<hbm>>
    %dma_wait3A_409 = arith.constant 0 : i32
    %dma_wait3A_410 = tpu.memref_slice %arg4[%mul3A_2, %dma_wait3A_409] : memref<102400x128xf32, #tpu.memory_space<hbm>> -> memref<128x128xf32, #tpu.memory_space<hbm>>
    %dma_wait3A_411 = arith.constant 0 : i32
    %dma_wait3A_412 = arith.constant 0 : i32
    %dma_wait3A_413 = tpu.memref_slice %arg6[%dma_wait3A_402, %dma_wait3A_411, %dma_wait3A_412] : memref<2x128x128xf32, #tpu.memory_space<vmem>> -> memref<1x128x128xf32, #tpu.memory_space<vmem>>
    %dma_wait3A_414 = tpu.memref_squeeze %dma_wait3A_413 : memref<1x128x128xf32, #tpu.memory_space<vmem>> -> memref<128x128xf32, #tpu.memory_space<vmem>>
    tpu.wait_dma2 semaphore(%arg13 : memref<!tpu.dma_semaphore, #tpu.memory_space<semaphore_mem>>) src(%dma_wait3A_414 : memref<128x128xf32, #tpu.memory_space<vmem>>) dst(%dma_wait3A_410 : memref<128x128xf32, #tpu.memory_space<hbm>>)
    %dma_wait3A_415 = arith.constant 0 : i32
    %dma_wait3A_416 = arith.constant 0 : i32
    %dma_wait3A_417 = arith.constant 0 : i32
    %dma_wait3A_418 = tpu.memref_slice %arg5[%dma_wait3A_415, %dma_wait3A_416, %dma_wait3A_417] : memref<2x6x128xi32, #tpu.memory_space<vmem>> -> memref<1x6x128xi32, #tpu.memory_space<vmem>>
    %dma_wait3A_419 = tpu.memref_squeeze %dma_wait3A_418 : memref<1x6x128xi32, #tpu.memory_space<vmem>> -> memref<6x128xi32, #tpu.memory_space<vmem>>
    %dma_wait3A_420 = arith.constant 0 : i32
    %dma_wait3A_421 = tpu.memref_slice %arg3[%dma_wait3A_420, %mul3A_2] : memref<6x102400xi32, #tpu.memory_space<hbm>> -> memref<6x128xi32, #tpu.memory_space<hbm>>
    %dma_wait3A_422 = arith.constant 0 : i32
    %dma_wait3A_423 = arith.constant 0 : i32
    %dma_wait3A_424 = tpu.memref_slice %arg5[%dma_wait3A_415, %dma_wait3A_422, %dma_wait3A_423] : memref<2x6x128xi32, #tpu.memory_space<vmem>> -> memref<1x6x128xi32, #tpu.memory_space<vmem>>
    %dma_wait3A_425 = tpu.memref_squeeze %dma_wait3A_424 : memref<1x6x128xi32, #tpu.memory_space<vmem>> -> memref<6x128xi32, #tpu.memory_space<vmem>>
    %dma_wait3A_426 = arith.constant 0 : i32
    %dma_wait3A_427 = tpu.memref_slice %arg3[%dma_wait3A_426, %mul3A_2] : memref<6x102400xi32, #tpu.memory_space<hbm>> -> memref<6x128xi32, #tpu.memory_space<hbm>>
    tpu.wait_dma2 semaphore(%arg7 : memref<!tpu.dma_semaphore, #tpu.memory_space<semaphore_mem>>) src(%dma_wait3A_427 : memref<6x128xi32, #tpu.memory_space<hbm>>) dst(%dma_wait3A_425 : memref<6x128xi32, #tpu.memory_space<vmem>>)
    return
  }
}

#map = affine_map<(d0, d1) -> (0, 0)>
module attributes {stable_mosaic.version = 14 : i64} {
  func.func @k(%arg0: i32, %arg1: i32, %arg2: memref<200000x128xf32, #tpu.memory_space<hbm>>, %arg3: memref<6x200704xi32, #tpu.memory_space<hbm>>, %arg4: memref<200704x128xf32, #tpu.memory_space<hbm>>, %arg5: memref<2x6x128xi32, #tpu.memory_space<vmem>>, %arg6: memref<2x128x128xf32, #tpu.memory_space<vmem>>, %arg7: memref<!tpu.dma_semaphore, #tpu.memory_space<semaphore_mem>>, %arg8: memref<!tpu.dma_semaphore, #tpu.memory_space<semaphore_mem>>, %arg9: memref<!tpu.dma_semaphore, #tpu.memory_space<semaphore_mem>>, %arg10: memref<!tpu.dma_semaphore, #tpu.memory_space<semaphore_mem>>, %arg11: memref<!tpu.dma_semaphore, #tpu.memory_space<semaphore_mem>>, %arg12: memref<!tpu.dma_semaphore, #tpu.memory_space<semaphore_mem>>, %arg13: memref<!tpu.dma_semaphore, #tpu.memory_space<semaphore_mem>>, %arg14: memref<!tpu.dma_semaphore, #tpu.memory_space<semaphore_mem>>) attributes {dimension_semantics = [#tpu.dimension_semantics<core_parallel>, #tpu.dimension_semantics<subcore_parallel>], iteration_bounds = array<i64: 2, 16>, scalar_prefetch = 0 : i64, scratch_operands = 10 : i64, tpu.core_type = #tpu.core_type<sc_vector_subcore>, window_params = [{transform_indices = #map}, {transform_indices = #map}, {transform_indices = #map}]} {
    %mul3A = arith.constant 2 : i32
    %mul3A_0 = arith.muli %arg1, %mul3A : i32
    %add3A = arith.addi %mul3A_0, %arg0 : i32
    %mul3A_1 = arith.constant 6272 : i32
    %mul3A_2 = arith.muli %add3A, %mul3A_1 : i32
    %run_scoped3A = arith.constant 0 : i32
    "tpu.region"() ({
      %run_scoped3A_428 = tpu.sem_alloc : memref<!tpu.dma_semaphore, #tpu.memory_space<semaphore_mem>>
      %dma_start3A_429 = arith.constant 0 : i32
      %dma_start3A_430 = arith.constant 0 : i32
      %dma_start3A_431 = tpu.memref_slice %arg5[%run_scoped3A, %dma_start3A_429, %dma_start3A_430] : memref<2x6x128xi32, #tpu.memory_space<vmem>> -> memref<1x6x128xi32, #tpu.memory_space<vmem>>
      %dma_start3A_432 = tpu.memref_squeeze %dma_start3A_431 : memref<1x6x128xi32, #tpu.memory_space<vmem>> -> memref<6x128xi32, #tpu.memory_space<vmem>>
      %dma_start3A_433 = arith.constant 0 : i32
      %dma_start3A_434 = tpu.memref_slice %arg3[%dma_start3A_433, %mul3A_2] : memref<6x200704xi32, #tpu.memory_space<hbm>> -> memref<6x128xi32, #tpu.memory_space<hbm>>
      %dma_start3A_435 = arith.constant 0 : i32
      %dma_start3A_436 = arith.constant 0 : i32
      %dma_start3A_437 = tpu.memref_slice %arg5[%run_scoped3A, %dma_start3A_435, %dma_start3A_436] : memref<2x6x128xi32, #tpu.memory_space<vmem>> -> memref<1x6x128xi32, #tpu.memory_space<vmem>>
      %dma_start3A_438 = tpu.memref_squeeze %dma_start3A_437 : memref<1x6x128xi32, #tpu.memory_space<vmem>> -> memref<6x128xi32, #tpu.memory_space<vmem>>
      %dma_start3A_439 = arith.constant 0 : i32
      %dma_start3A_440 = tpu.memref_slice %arg3[%dma_start3A_439, %mul3A_2] : memref<6x200704xi32, #tpu.memory_space<hbm>> -> memref<6x128xi32, #tpu.memory_space<hbm>>
      tpu.enqueue_dma source(%dma_start3A_440 : memref<6x128xi32, #tpu.memory_space<hbm>>) target(%dma_start3A_438 : memref<6x128xi32, #tpu.memory_space<vmem>>) target_semaphore(%run_scoped3A_428 : memref<!tpu.dma_semaphore, #tpu.memory_space<semaphore_mem>>)
      %dma_wait3A_441 = arith.constant 0 : i32
      %dma_wait3A_442 = arith.constant 0 : i32
      %dma_wait3A_443 = tpu.memref_slice %arg5[%run_scoped3A, %dma_wait3A_441, %dma_wait3A_442] : memref<2x6x128xi32, #tpu.memory_space<vmem>> -> memref<1x6x128xi32, #tpu.memory_space<vmem>>
      %dma_wait3A_444 = tpu.memref_squeeze %dma_wait3A_443 : memref<1x6x128xi32, #tpu.memory_space<vmem>> -> memref<6x128xi32, #tpu.memory_space<vmem>>
      %dma_wait3A_445 = arith.constant 0 : i32
      %dma_wait3A_446 = tpu.memref_slice %arg3[%dma_wait3A_445, %mul3A_2] : memref<6x200704xi32, #tpu.memory_space<hbm>> -> memref<6x128xi32, #tpu.memory_space<hbm>>
      %dma_wait3A_447 = arith.constant 0 : i32
      %dma_wait3A_448 = arith.constant 0 : i32
      %dma_wait3A_449 = tpu.memref_slice %arg5[%run_scoped3A, %dma_wait3A_447, %dma_wait3A_448] : memref<2x6x128xi32, #tpu.memory_space<vmem>> -> memref<1x6x128xi32, #tpu.memory_space<vmem>>
      %dma_wait3A_450 = tpu.memref_squeeze %dma_wait3A_449 : memref<1x6x128xi32, #tpu.memory_space<vmem>> -> memref<6x128xi32, #tpu.memory_space<vmem>>
      %dma_wait3A_451 = arith.constant 0 : i32
      %dma_wait3A_452 = tpu.memref_slice %arg3[%dma_wait3A_451, %mul3A_2] : memref<6x200704xi32, #tpu.memory_space<hbm>> -> memref<6x128xi32, #tpu.memory_space<hbm>>
      tpu.wait_dma2 semaphore(%run_scoped3A_428 : memref<!tpu.dma_semaphore, #tpu.memory_space<semaphore_mem>>) src(%dma_wait3A_452 : memref<6x128xi32, #tpu.memory_space<hbm>>) dst(%dma_wait3A_450 : memref<6x128xi32, #tpu.memory_space<vmem>>)
      tpu.yield
    }) : () -> ()
    %dma_start3A = arith.constant 0 : i32
    %dma_start3A_3 = arith.constant 0 : i32
    %dma_start3A_4 = arith.constant 0 : i32
    %dma_start3A_5 = arith.constant 0 : i32
    %dma_start3A_6 = arith.constant 0 : i32
    %dma_start3A_7 = tpu.memref_slice %arg6[%dma_start3A_4, %dma_start3A_5, %dma_start3A_6] : memref<2x128x128xf32, #tpu.memory_space<vmem>> -> memref<1x128x128xf32, #tpu.memory_space<vmem>>
    %dma_start3A_8 = tpu.memref_squeeze %dma_start3A_7 : memref<1x128x128xf32, #tpu.memory_space<vmem>> -> memref<128x128xf32, #tpu.memory_space<vmem>>
    %dma_start3A_9 = arith.constant 0 : i32
    %dma_start3A_10 = tpu.memref_slice %arg5[%dma_start3A, %dma_start3A_3, %dma_start3A_9] : memref<2x6x128xi32, #tpu.memory_space<vmem>> -> memref<1x1x128xi32, #tpu.memory_space<vmem>>
    %dma_start3A_11 = tpu.memref_squeeze %dma_start3A_10 : memref<1x1x128xi32, #tpu.memory_space<vmem>> -> memref<128xi32, #tpu.memory_space<vmem>>
    %dma_start3A_12 = arith.constant 0 : i32
    %dma_start3A_13 = arith.constant 0 : i32
    %dma_start3A_14 = tpu.memref_slice %arg2[%dma_start3A_12, %dma_start3A_13] : memref<200000x128xf32, #tpu.memory_space<hbm>> -> memref<200000x128xf32, #tpu.memory_space<hbm>>
    tpu.enqueue_indirect_dma source(%dma_start3A_14 : memref<200000x128xf32, #tpu.memory_space<hbm>>) target(%dma_start3A_8 : memref<128x128xf32, #tpu.memory_space<vmem>>) offsets(%dma_start3A_11 : memref<128xi32, #tpu.memory_space<vmem>>) semaphore(%arg9 : memref<!tpu.dma_semaphore, #tpu.memory_space<semaphore_mem>>)
    %dma_wait3A = arith.constant 0 : i32
    %dma_wait3A_15 = arith.constant 0 : i32
    %dma_wait3A_16 = arith.constant 0 : i32
    %dma_wait3A_17 = arith.constant 0 : i32
    %dma_wait3A_18 = arith.constant 0 : i32
    %dma_wait3A_19 = tpu.memref_slice %arg6[%dma_wait3A_16, %dma_wait3A_17, %dma_wait3A_18] : memref<2x128x128xf32, #tpu.memory_space<vmem>> -> memref<1x128x128xf32, #tpu.memory_space<vmem>>
    %dma_wait3A_20 = tpu.memref_squeeze %dma_wait3A_19 : memref<1x128x128xf32, #tpu.memory_space<vmem>> -> memref<128x128xf32, #tpu.memory_space<vmem>>
    %dma_wait3A_21 = arith.constant 0 : i32
    %dma_wait3A_22 = tpu.memref_slice %arg5[%dma_wait3A, %dma_wait3A_15, %dma_wait3A_21] : memref<2x6x128xi32, #tpu.memory_space<vmem>> -> memref<1x1x128xi32, #tpu.memory_space<vmem>>
    %dma_wait3A_23 = tpu.memref_squeeze %dma_wait3A_22 : memref<1x1x128xi32, #tpu.memory_space<vmem>> -> memref<128xi32, #tpu.memory_space<vmem>>
    %dma_wait3A_24 = arith.constant 0 : i32
    %dma_wait3A_25 = arith.constant 0 : i32
    %dma_wait3A_26 = tpu.memref_slice %arg2[%dma_wait3A_24, %dma_wait3A_25] : memref<200000x128xf32, #tpu.memory_space<hbm>> -> memref<200000x128xf32, #tpu.memory_space<hbm>>
    tpu.wait_indirect_dma semaphore(%arg9 : memref<!tpu.dma_semaphore, #tpu.memory_space<semaphore_mem>>) src(%dma_wait3A_26 : memref<200000x128xf32, #tpu.memory_space<hbm>>) dst(%dma_wait3A_20 : memref<128x128xf32, #tpu.memory_space<vmem>>)
    %dma_start3A_27 = arith.constant 0 : i32
    %dma_start3A_28 = arith.constant 1 : i32
    %dma_start3A_29 = arith.constant 0 : i32
    %dma_start3A_30 = arith.constant 0 : i32
    %dma_start3A_31 = arith.constant 0 : i32
    %dma_start3A_32 = tpu.memref_slice %arg6[%dma_start3A_29, %dma_start3A_30, %dma_start3A_31] : memref<2x128x128xf32, #tpu.memory_space<vmem>> -> memref<1x128x128xf32, #tpu.memory_space<vmem>>
    %dma_start3A_33 = tpu.memref_squeeze %dma_start3A_32 : memref<1x128x128xf32, #tpu.memory_space<vmem>> -> memref<128x128xf32, #tpu.memory_space<vmem>>
    %dma_start3A_34 = arith.constant 0 : i32
    %dma_start3A_35 = tpu.memref_slice %arg5[%dma_start3A_27, %dma_start3A_28, %dma_start3A_34] : memref<2x6x128xi32, #tpu.memory_space<vmem>> -> memref<1x1x128xi32, #tpu.memory_space<vmem>>
    %dma_start3A_36 = tpu.memref_squeeze %dma_start3A_35 : memref<1x1x128xi32, #tpu.memory_space<vmem>> -> memref<128xi32, #tpu.memory_space<vmem>>
    %dma_start3A_37 = arith.constant 0 : i32
    %dma_start3A_38 = arith.constant 0 : i32
    %dma_start3A_39 = tpu.memref_slice %arg2[%dma_start3A_37, %dma_start3A_38] : memref<200000x128xf32, #tpu.memory_space<hbm>> -> memref<200000x128xf32, #tpu.memory_space<hbm>>
    tpu.enqueue_indirect_dma source(%dma_start3A_39 : memref<200000x128xf32, #tpu.memory_space<hbm>>) target(%dma_start3A_33 : memref<128x128xf32, #tpu.memory_space<vmem>>) offsets(%dma_start3A_36 : memref<128xi32, #tpu.memory_space<vmem>>) semaphore(%arg11 : memref<!tpu.dma_semaphore, #tpu.memory_space<semaphore_mem>>) {add = true}
    %dma_start3A_40 = arith.constant 0 : i32
    %dma_start3A_41 = arith.constant 2 : i32
    %dma_start3A_42 = arith.constant 0 : i32
    %dma_start3A_43 = arith.constant 0 : i32
    %dma_start3A_44 = arith.constant 0 : i32
    %dma_start3A_45 = tpu.memref_slice %arg6[%dma_start3A_42, %dma_start3A_43, %dma_start3A_44] : memref<2x128x128xf32, #tpu.memory_space<vmem>> -> memref<1x128x128xf32, #tpu.memory_space<vmem>>
    %dma_start3A_46 = tpu.memref_squeeze %dma_start3A_45 : memref<1x128x128xf32, #tpu.memory_space<vmem>> -> memref<128x128xf32, #tpu.memory_space<vmem>>
    %dma_start3A_47 = arith.constant 0 : i32
    %dma_start3A_48 = tpu.memref_slice %arg5[%dma_start3A_40, %dma_start3A_41, %dma_start3A_47] : memref<2x6x128xi32, #tpu.memory_space<vmem>> -> memref<1x1x128xi32, #tpu.memory_space<vmem>>
    %dma_start3A_49 = tpu.memref_squeeze %dma_start3A_48 : memref<1x1x128xi32, #tpu.memory_space<vmem>> -> memref<128xi32, #tpu.memory_space<vmem>>
    %dma_start3A_50 = arith.constant 0 : i32
    %dma_start3A_51 = arith.constant 0 : i32
    %dma_start3A_52 = tpu.memref_slice %arg2[%dma_start3A_50, %dma_start3A_51] : memref<200000x128xf32, #tpu.memory_space<hbm>> -> memref<200000x128xf32, #tpu.memory_space<hbm>>
    tpu.enqueue_indirect_dma source(%dma_start3A_52 : memref<200000x128xf32, #tpu.memory_space<hbm>>) target(%dma_start3A_46 : memref<128x128xf32, #tpu.memory_space<vmem>>) offsets(%dma_start3A_49 : memref<128xi32, #tpu.memory_space<vmem>>) semaphore(%arg11 : memref<!tpu.dma_semaphore, #tpu.memory_space<semaphore_mem>>) {add = true}
    %dma_start3A_53 = arith.constant 0 : i32
    %dma_start3A_54 = arith.constant 3 : i32
    %dma_start3A_55 = arith.constant 0 : i32
    %dma_start3A_56 = arith.constant 0 : i32
    %dma_start3A_57 = arith.constant 0 : i32
    %dma_start3A_58 = tpu.memref_slice %arg6[%dma_start3A_55, %dma_start3A_56, %dma_start3A_57] : memref<2x128x128xf32, #tpu.memory_space<vmem>> -> memref<1x128x128xf32, #tpu.memory_space<vmem>>
    %dma_start3A_59 = tpu.memref_squeeze %dma_start3A_58 : memref<1x128x128xf32, #tpu.memory_space<vmem>> -> memref<128x128xf32, #tpu.memory_space<vmem>>
    %dma_start3A_60 = arith.constant 0 : i32
    %dma_start3A_61 = tpu.memref_slice %arg5[%dma_start3A_53, %dma_start3A_54, %dma_start3A_60] : memref<2x6x128xi32, #tpu.memory_space<vmem>> -> memref<1x1x128xi32, #tpu.memory_space<vmem>>
    %dma_start3A_62 = tpu.memref_squeeze %dma_start3A_61 : memref<1x1x128xi32, #tpu.memory_space<vmem>> -> memref<128xi32, #tpu.memory_space<vmem>>
    %dma_start3A_63 = arith.constant 0 : i32
    %dma_start3A_64 = arith.constant 0 : i32
    %dma_start3A_65 = tpu.memref_slice %arg2[%dma_start3A_63, %dma_start3A_64] : memref<200000x128xf32, #tpu.memory_space<hbm>> -> memref<200000x128xf32, #tpu.memory_space<hbm>>
    tpu.enqueue_indirect_dma source(%dma_start3A_65 : memref<200000x128xf32, #tpu.memory_space<hbm>>) target(%dma_start3A_59 : memref<128x128xf32, #tpu.memory_space<vmem>>) offsets(%dma_start3A_62 : memref<128xi32, #tpu.memory_space<vmem>>) semaphore(%arg11 : memref<!tpu.dma_semaphore, #tpu.memory_space<semaphore_mem>>) {add = true}
    %dma_start3A_66 = arith.constant 0 : i32
    %dma_start3A_67 = arith.constant 4 : i32
    %dma_start3A_68 = arith.constant 0 : i32
    %dma_start3A_69 = arith.constant 0 : i32
    %dma_start3A_70 = arith.constant 0 : i32
    %dma_start3A_71 = tpu.memref_slice %arg6[%dma_start3A_68, %dma_start3A_69, %dma_start3A_70] : memref<2x128x128xf32, #tpu.memory_space<vmem>> -> memref<1x128x128xf32, #tpu.memory_space<vmem>>
    %dma_start3A_72 = tpu.memref_squeeze %dma_start3A_71 : memref<1x128x128xf32, #tpu.memory_space<vmem>> -> memref<128x128xf32, #tpu.memory_space<vmem>>
    %dma_start3A_73 = arith.constant 0 : i32
    %dma_start3A_74 = tpu.memref_slice %arg5[%dma_start3A_66, %dma_start3A_67, %dma_start3A_73] : memref<2x6x128xi32, #tpu.memory_space<vmem>> -> memref<1x1x128xi32, #tpu.memory_space<vmem>>
    %dma_start3A_75 = tpu.memref_squeeze %dma_start3A_74 : memref<1x1x128xi32, #tpu.memory_space<vmem>> -> memref<128xi32, #tpu.memory_space<vmem>>
    %dma_start3A_76 = arith.constant 0 : i32
    %dma_start3A_77 = arith.constant 0 : i32
    %dma_start3A_78 = tpu.memref_slice %arg2[%dma_start3A_76, %dma_start3A_77] : memref<200000x128xf32, #tpu.memory_space<hbm>> -> memref<200000x128xf32, #tpu.memory_space<hbm>>
    tpu.enqueue_indirect_dma source(%dma_start3A_78 : memref<200000x128xf32, #tpu.memory_space<hbm>>) target(%dma_start3A_72 : memref<128x128xf32, #tpu.memory_space<vmem>>) offsets(%dma_start3A_75 : memref<128xi32, #tpu.memory_space<vmem>>) semaphore(%arg11 : memref<!tpu.dma_semaphore, #tpu.memory_space<semaphore_mem>>) {add = true}
    %dma_start3A_79 = arith.constant 0 : i32
    %dma_start3A_80 = arith.constant 5 : i32
    %dma_start3A_81 = arith.constant 0 : i32
    %dma_start3A_82 = arith.constant 0 : i32
    %dma_start3A_83 = arith.constant 0 : i32
    %dma_start3A_84 = tpu.memref_slice %arg6[%dma_start3A_81, %dma_start3A_82, %dma_start3A_83] : memref<2x128x128xf32, #tpu.memory_space<vmem>> -> memref<1x128x128xf32, #tpu.memory_space<vmem>>
    %dma_start3A_85 = tpu.memref_squeeze %dma_start3A_84 : memref<1x128x128xf32, #tpu.memory_space<vmem>> -> memref<128x128xf32, #tpu.memory_space<vmem>>
    %dma_start3A_86 = arith.constant 0 : i32
    %dma_start3A_87 = tpu.memref_slice %arg5[%dma_start3A_79, %dma_start3A_80, %dma_start3A_86] : memref<2x6x128xi32, #tpu.memory_space<vmem>> -> memref<1x1x128xi32, #tpu.memory_space<vmem>>
    %dma_start3A_88 = tpu.memref_squeeze %dma_start3A_87 : memref<1x1x128xi32, #tpu.memory_space<vmem>> -> memref<128xi32, #tpu.memory_space<vmem>>
    %dma_start3A_89 = arith.constant 0 : i32
    %dma_start3A_90 = arith.constant 0 : i32
    %dma_start3A_91 = tpu.memref_slice %arg2[%dma_start3A_89, %dma_start3A_90] : memref<200000x128xf32, #tpu.memory_space<hbm>> -> memref<200000x128xf32, #tpu.memory_space<hbm>>
    tpu.enqueue_indirect_dma source(%dma_start3A_91 : memref<200000x128xf32, #tpu.memory_space<hbm>>) target(%dma_start3A_85 : memref<128x128xf32, #tpu.memory_space<vmem>>) offsets(%dma_start3A_88 : memref<128xi32, #tpu.memory_space<vmem>>) semaphore(%arg11 : memref<!tpu.dma_semaphore, #tpu.memory_space<semaphore_mem>>) {add = true}
    %min3A = arith.constant 1 : i32
    %min3A_92 = arith.constant 48 : i32
    %min3A_93 = arith.minsi %min3A, %min3A_92 : i32
    %mul3A_94 = arith.constant 128 : i32
    %mul3A_95 = arith.muli %mul3A_94, %min3A_93 : i32
    %add3A_96 = arith.addi %mul3A_2, %mul3A_95 : i32
    %multiple_of3A = tpu.assume_multiple %add3A_96, 128 : i32
    %dma_start3A_97 = arith.constant 1 : i32
    %dma_start3A_98 = arith.constant 0 : i32
    %dma_start3A_99 = arith.constant 0 : i32
    %dma_start3A_100 = tpu.memref_slice %arg5[%dma_start3A_97, %dma_start3A_98, %dma_start3A_99] : memref<2x6x128xi32, #tpu.memory_space<vmem>> -> memref<1x6x128xi32, #tpu.memory_space<vmem>>
    %dma_start3A_101 = tpu.memref_squeeze %dma_start3A_100 : memref<1x6x128xi32, #tpu.memory_space<vmem>> -> memref<6x128xi32, #tpu.memory_space<vmem>>
    %dma_start3A_102 = arith.constant 0 : i32
    %dma_start3A_103 = tpu.memref_slice %arg3[%dma_start3A_102, %multiple_of3A] : memref<6x200704xi32, #tpu.memory_space<hbm>> -> memref<6x128xi32, #tpu.memory_space<hbm>>
    %dma_start3A_104 = arith.constant 0 : i32
    %dma_start3A_105 = arith.constant 0 : i32
    %dma_start3A_106 = tpu.memref_slice %arg5[%dma_start3A_97, %dma_start3A_104, %dma_start3A_105] : memref<2x6x128xi32, #tpu.memory_space<vmem>> -> memref<1x6x128xi32, #tpu.memory_space<vmem>>
    %dma_start3A_107 = tpu.memref_squeeze %dma_start3A_106 : memref<1x6x128xi32, #tpu.memory_space<vmem>> -> memref<6x128xi32, #tpu.memory_space<vmem>>
    %dma_start3A_108 = arith.constant 0 : i32
    %dma_start3A_109 = tpu.memref_slice %arg3[%dma_start3A_108, %multiple_of3A] : memref<6x200704xi32, #tpu.memory_space<hbm>> -> memref<6x128xi32, #tpu.memory_space<hbm>>
    tpu.enqueue_dma source(%dma_start3A_109 : memref<6x128xi32, #tpu.memory_space<hbm>>) target(%dma_start3A_107 : memref<6x128xi32, #tpu.memory_space<vmem>>) target_semaphore(%arg8 : memref<!tpu.dma_semaphore, #tpu.memory_space<semaphore_mem>>)
    %scan3A = arith.constant 0 : i32
    %scan3A_110 = arith.constant 0 : i32
    %scan3A_111 = arith.constant 24 : i32
    %scan3A_112 = arith.addi %scan3A_110, %scan3A_111 : i32
    %scan3A_113 = arith.constant 1 : i32
    scf.for %scan3A_428 = %scan3A_110 to %scan3A_112 step %scan3A_113  : i32 {
      %mul3A_429 = arith.constant 2 : i32
      %mul3A_430 = arith.muli %mul3A_429, %scan3A_428 : i32
      %gt3A = arith.constant 0 : i32
      %gt3A_431 = arith.cmpi sgt, %scan3A_428, %gt3A : i32
      %dma_wait3A_432 = arith.constant 1 : i32
      %dma_wait3A_433 = arith.constant 0 : i32
      %dma_wait3A_434 = arith.constant 0 : i32
      %dma_wait3A_435 = tpu.memref_slice %arg5[%dma_wait3A_432, %dma_wait3A_433, %dma_wait3A_434] : memref<2x6x128xi32, #tpu.memory_space<vmem>> -> memref<1x6x128xi32, #tpu.memory_space<vmem>>
      %dma_wait3A_436 = tpu.memref_squeeze %dma_wait3A_435 : memref<1x6x128xi32, #tpu.memory_space<vmem>> -> memref<6x128xi32, #tpu.memory_space<vmem>>
      %dma_wait3A_437 = arith.constant 0 : i32
      %dma_wait3A_438 = tpu.memref_slice %arg3[%dma_wait3A_437, %mul3A_2] : memref<6x200704xi32, #tpu.memory_space<hbm>> -> memref<6x128xi32, #tpu.memory_space<hbm>>
      %dma_wait3A_439 = arith.constant 0 : i32
      %dma_wait3A_440 = arith.constant 0 : i32
      %dma_wait3A_441 = tpu.memref_slice %arg5[%dma_wait3A_432, %dma_wait3A_439, %dma_wait3A_440] : memref<2x6x128xi32, #tpu.memory_space<vmem>> -> memref<1x6x128xi32, #tpu.memory_space<vmem>>
      %dma_wait3A_442 = tpu.memref_squeeze %dma_wait3A_441 : memref<1x6x128xi32, #tpu.memory_space<vmem>> -> memref<6x128xi32, #tpu.memory_space<vmem>>
      %dma_wait3A_443 = arith.constant 0 : i32
      %dma_wait3A_444 = tpu.memref_slice %arg3[%dma_wait3A_443, %mul3A_2] : memref<6x200704xi32, #tpu.memory_space<hbm>> -> memref<6x128xi32, #tpu.memory_space<hbm>>
      tpu.wait_dma2 semaphore(%arg8 : memref<!tpu.dma_semaphore, #tpu.memory_space<semaphore_mem>>) src(%dma_wait3A_444 : memref<6x128xi32, #tpu.memory_space<hbm>>) dst(%dma_wait3A_442 : memref<6x128xi32, #tpu.memory_space<vmem>>)
      %convert_element_type3A = arith.extui %gt3A_431 : i1 to i32
      %cond3A = arith.constant 0 : i32
      %cond3A_445 = arith.cmpi ne, %convert_element_type3A, %cond3A : i32
      scf.if %cond3A_445 {
        %dma_wait3A_872 = arith.constant 1 : i32
        %dma_wait3A_873 = arith.constant 0 : i32
        %dma_wait3A_874 = arith.constant 0 : i32
        %dma_wait3A_875 = tpu.memref_slice %arg6[%dma_wait3A_872, %dma_wait3A_873, %dma_wait3A_874] : memref<2x128x128xf32, #tpu.memory_space<vmem>> -> memref<1x128x128xf32, #tpu.memory_space<vmem>>
        %dma_wait3A_876 = tpu.memref_squeeze %dma_wait3A_875 : memref<1x128x128xf32, #tpu.memory_space<vmem>> -> memref<128x128xf32, #tpu.memory_space<vmem>>
        %dma_wait3A_877 = arith.constant 0 : i32
        %dma_wait3A_878 = tpu.memref_slice %arg4[%mul3A_2, %dma_wait3A_877] : memref<200704x128xf32, #tpu.memory_space<hbm>> -> memref<128x128xf32, #tpu.memory_space<hbm>>
        %dma_wait3A_879 = arith.constant 0 : i32
        %dma_wait3A_880 = tpu.memref_slice %arg4[%mul3A_2, %dma_wait3A_879] : memref<200704x128xf32, #tpu.memory_space<hbm>> -> memref<128x128xf32, #tpu.memory_space<hbm>>
        %dma_wait3A_881 = arith.constant 0 : i32
        %dma_wait3A_882 = arith.constant 0 : i32
        %dma_wait3A_883 = tpu.memref_slice %arg6[%dma_wait3A_872, %dma_wait3A_881, %dma_wait3A_882] : memref<2x128x128xf32, #tpu.memory_space<vmem>> -> memref<1x128x128xf32, #tpu.memory_space<vmem>>
        %dma_wait3A_884 = tpu.memref_squeeze %dma_wait3A_883 : memref<1x128x128xf32, #tpu.memory_space<vmem>> -> memref<128x128xf32, #tpu.memory_space<vmem>>
        tpu.wait_dma2 semaphore(%arg14 : memref<!tpu.dma_semaphore, #tpu.memory_space<semaphore_mem>>) src(%dma_wait3A_884 : memref<128x128xf32, #tpu.memory_space<vmem>>) dst(%dma_wait3A_880 : memref<128x128xf32, #tpu.memory_space<hbm>>)
      } else {
      }
      %add3A_446 = arith.constant 1 : i32
      %add3A_447 = arith.addi %mul3A_430, %add3A_446 : i32
      %dma_start3A_448 = arith.constant 1 : i32
      %dma_start3A_449 = arith.constant 0 : i32
      %dma_start3A_450 = arith.constant 1 : i32
      %dma_start3A_451 = arith.constant 0 : i32
      %dma_start3A_452 = arith.constant 0 : i32
      %dma_start3A_453 = tpu.memref_slice %arg6[%dma_start3A_450, %dma_start3A_451, %dma_start3A_452] : memref<2x128x128xf32, #tpu.memory_space<vmem>> -> memref<1x128x128xf32, #tpu.memory_space<vmem>>
      %dma_start3A_454 = tpu.memref_squeeze %dma_start3A_453 : memref<1x128x128xf32, #tpu.memory_space<vmem>> -> memref<128x128xf32, #tpu.memory_space<vmem>>
      %dma_start3A_455 = arith.constant 0 : i32
      %dma_start3A_456 = tpu.memref_slice %arg5[%dma_start3A_448, %dma_start3A_449, %dma_start3A_455] : memref<2x6x128xi32, #tpu.memory_space<vmem>> -> memref<1x1x128xi32, #tpu.memory_space<vmem>>
      %dma_start3A_457 = tpu.memref_squeeze %dma_start3A_456 : memref<1x1x128xi32, #tpu.memory_space<vmem>> -> memref<128xi32, #tpu.memory_space<vmem>>
      %dma_start3A_458 = arith.constant 0 : i32
      %dma_start3A_459 = arith.constant 0 : i32
      %dma_start3A_460 = tpu.memref_slice %arg2[%dma_start3A_458, %dma_start3A_459] : memref<200000x128xf32, #tpu.memory_space<hbm>> -> memref<200000x128xf32, #tpu.memory_space<hbm>>
      tpu.enqueue_indirect_dma source(%dma_start3A_460 : memref<200000x128xf32, #tpu.memory_space<hbm>>) target(%dma_start3A_454 : memref<128x128xf32, #tpu.memory_space<vmem>>) offsets(%dma_start3A_457 : memref<128xi32, #tpu.memory_space<vmem>>) semaphore(%arg10 : memref<!tpu.dma_semaphore, #tpu.memory_space<semaphore_mem>>)
      %dma_wait3A_461 = arith.constant 0 : i32
      %dma_wait3A_462 = arith.constant 0 : i32
      %dma_wait3A_463 = arith.constant 0 : i32
      %dma_wait3A_464 = tpu.memref_slice %arg6[%dma_wait3A_461, %dma_wait3A_462, %dma_wait3A_463] : memref<2x128x128xf32, #tpu.memory_space<vmem>> -> memref<1x128x128xf32, #tpu.memory_space<vmem>>
      %dma_wait3A_465 = tpu.memref_squeeze %dma_wait3A_464 : memref<1x128x128xf32, #tpu.memory_space<vmem>> -> memref<128x128xf32, #tpu.memory_space<vmem>>
      %dma_wait3A_466 = arith.constant 0 : i32
      %dma_wait3A_467 = tpu.memref_slice %arg4[%mul3A_2, %dma_wait3A_466] : memref<200704x128xf32, #tpu.memory_space<hbm>> -> memref<128x128xf32, #tpu.memory_space<hbm>>
      %dma_wait3A_468 = arith.constant 0 : i32
      %dma_wait3A_469 = arith.constant 0 : i32
      %dma_wait3A_470 = tpu.memref_slice %arg6[%dma_wait3A_461, %dma_wait3A_468, %dma_wait3A_469] : memref<2x128x128xf32, #tpu.memory_space<vmem>> -> memref<1x128x128xf32, #tpu.memory_space<vmem>>
      %dma_wait3A_471 = tpu.memref_squeeze %dma_wait3A_470 : memref<1x128x128xf32, #tpu.memory_space<vmem>> -> memref<128x128xf32, #tpu.memory_space<vmem>>
      %dma_wait3A_472 = arith.constant 0 : i32
      %dma_wait3A_473 = tpu.memref_slice %arg4[%mul3A_2, %dma_wait3A_472] : memref<200704x128xf32, #tpu.memory_space<hbm>> -> memref<128x128xf32, #tpu.memory_space<hbm>>
      tpu.wait_dma2 semaphore(%arg11 : memref<!tpu.dma_semaphore, #tpu.memory_space<semaphore_mem>>) src(%dma_wait3A_473 : memref<128x128xf32, #tpu.memory_space<hbm>>) dst(%dma_wait3A_471 : memref<128x128xf32, #tpu.memory_space<vmem>>)
      %dma_wait3A_474 = arith.constant 0 : i32
      %dma_wait3A_475 = arith.constant 0 : i32
      %dma_wait3A_476 = arith.constant 0 : i32
      %dma_wait3A_477 = tpu.memref_slice %arg6[%dma_wait3A_474, %dma_wait3A_475, %dma_wait3A_476] : memref<2x128x128xf32, #tpu.memory_space<vmem>> -> memref<1x128x128xf32, #tpu.memory_space<vmem>>
      %dma_wait3A_478 = tpu.memref_squeeze %dma_wait3A_477 : memref<1x128x128xf32, #tpu.memory_space<vmem>> -> memref<128x128xf32, #tpu.memory_space<vmem>>
      %dma_wait3A_479 = arith.constant 0 : i32
      %dma_wait3A_480 = tpu.memref_slice %arg4[%mul3A_2, %dma_wait3A_479] : memref<200704x128xf32, #tpu.memory_space<hbm>> -> memref<128x128xf32, #tpu.memory_space<hbm>>
      %dma_wait3A_481 = arith.constant 0 : i32
      %dma_wait3A_482 = arith.constant 0 : i32
      %dma_wait3A_483 = tpu.memref_slice %arg6[%dma_wait3A_474, %dma_wait3A_481, %dma_wait3A_482] : memref<2x128x128xf32, #tpu.memory_space<vmem>> -> memref<1x128x128xf32, #tpu.memory_space<vmem>>
      %dma_wait3A_484 = tpu.memref_squeeze %dma_wait3A_483 : memref<1x128x128xf32, #tpu.memory_space<vmem>> -> memref<128x128xf32, #tpu.memory_space<vmem>>
      %dma_wait3A_485 = arith.constant 0 : i32
      %dma_wait3A_486 = tpu.memref_slice %arg4[%mul3A_2, %dma_wait3A_485] : memref<200704x128xf32, #tpu.memory_space<hbm>> -> memref<128x128xf32, #tpu.memory_space<hbm>>
      tpu.wait_dma2 semaphore(%arg11 : memref<!tpu.dma_semaphore, #tpu.memory_space<semaphore_mem>>) src(%dma_wait3A_486 : memref<128x128xf32, #tpu.memory_space<hbm>>) dst(%dma_wait3A_484 : memref<128x128xf32, #tpu.memory_space<vmem>>)
      %dma_wait3A_487 = arith.constant 0 : i32
      %dma_wait3A_488 = arith.constant 0 : i32
      %dma_wait3A_489 = arith.constant 0 : i32
      %dma_wait3A_490 = tpu.memref_slice %arg6[%dma_wait3A_487, %dma_wait3A_488, %dma_wait3A_489] : memref<2x128x128xf32, #tpu.memory_space<vmem>> -> memref<1x128x128xf32, #tpu.memory_space<vmem>>
      %dma_wait3A_491 = tpu.memref_squeeze %dma_wait3A_490 : memref<1x128x128xf32, #tpu.memory_space<vmem>> -> memref<128x128xf32, #tpu.memory_space<vmem>>
      %dma_wait3A_492 = arith.constant 0 : i32
      %dma_wait3A_493 = tpu.memref_slice %arg4[%mul3A_2, %dma_wait3A_492] : memref<200704x128xf32, #tpu.memory_space<hbm>> -> memref<128x128xf32, #tpu.memory_space<hbm>>
      %dma_wait3A_494 = arith.constant 0 : i32
      %dma_wait3A_495 = arith.constant 0 : i32
      %dma_wait3A_496 = tpu.memref_slice %arg6[%dma_wait3A_487, %dma_wait3A_494, %dma_wait3A_495] : memref<2x128x128xf32, #tpu.memory_space<vmem>> -> memref<1x128x128xf32, #tpu.memory_space<vmem>>
      %dma_wait3A_497 = tpu.memref_squeeze %dma_wait3A_496 : memref<1x128x128xf32, #tpu.memory_space<vmem>> -> memref<128x128xf32, #tpu.memory_space<vmem>>
      %dma_wait3A_498 = arith.constant 0 : i32
      %dma_wait3A_499 = tpu.memref_slice %arg4[%mul3A_2, %dma_wait3A_498] : memref<200704x128xf32, #tpu.memory_space<hbm>> -> memref<128x128xf32, #tpu.memory_space<hbm>>
      tpu.wait_dma2 semaphore(%arg11 : memref<!tpu.dma_semaphore, #tpu.memory_space<semaphore_mem>>) src(%dma_wait3A_499 : memref<128x128xf32, #tpu.memory_space<hbm>>) dst(%dma_wait3A_497 : memref<128x128xf32, #tpu.memory_space<vmem>>)
      %dma_wait3A_500 = arith.constant 0 : i32
      %dma_wait3A_501 = arith.constant 0 : i32
      %dma_wait3A_502 = arith.constant 0 : i32
      %dma_wait3A_503 = tpu.memref_slice %arg6[%dma_wait3A_500, %dma_wait3A_501, %dma_wait3A_502] : memref<2x128x128xf32, #tpu.memory_space<vmem>> -> memref<1x128x128xf32, #tpu.memory_space<vmem>>
      %dma_wait3A_504 = tpu.memref_squeeze %dma_wait3A_503 : memref<1x128x128xf32, #tpu.memory_space<vmem>> -> memref<128x128xf32, #tpu.memory_space<vmem>>
      %dma_wait3A_505 = arith.constant 0 : i32
      %dma_wait3A_506 = tpu.memref_slice %arg4[%mul3A_2, %dma_wait3A_505] : memref<200704x128xf32, #tpu.memory_space<hbm>> -> memref<128x128xf32, #tpu.memory_space<hbm>>
      %dma_wait3A_507 = arith.constant 0 : i32
      %dma_wait3A_508 = arith.constant 0 : i32
      %dma_wait3A_509 = tpu.memref_slice %arg6[%dma_wait3A_500, %dma_wait3A_507, %dma_wait3A_508] : memref<2x128x128xf32, #tpu.memory_space<vmem>> -> memref<1x128x128xf32, #tpu.memory_space<vmem>>
      %dma_wait3A_510 = tpu.memref_squeeze %dma_wait3A_509 : memref<1x128x128xf32, #tpu.memory_space<vmem>> -> memref<128x128xf32, #tpu.memory_space<vmem>>
      %dma_wait3A_511 = arith.constant 0 : i32
      %dma_wait3A_512 = tpu.memref_slice %arg4[%mul3A_2, %dma_wait3A_511] : memref<200704x128xf32, #tpu.memory_space<hbm>> -> memref<128x128xf32, #tpu.memory_space<hbm>>
      tpu.wait_dma2 semaphore(%arg11 : memref<!tpu.dma_semaphore, #tpu.memory_space<semaphore_mem>>) src(%dma_wait3A_512 : memref<128x128xf32, #tpu.memory_space<hbm>>) dst(%dma_wait3A_510 : memref<128x128xf32, #tpu.memory_space<vmem>>)
      %dma_wait3A_513 = arith.constant 0 : i32
      %dma_wait3A_514 = arith.constant 0 : i32
      %dma_wait3A_515 = arith.constant 0 : i32
      %dma_wait3A_516 = tpu.memref_slice %arg6[%dma_wait3A_513, %dma_wait3A_514, %dma_wait3A_515] : memref<2x128x128xf32, #tpu.memory_space<vmem>> -> memref<1x128x128xf32, #tpu.memory_space<vmem>>
      %dma_wait3A_517 = tpu.memref_squeeze %dma_wait3A_516 : memref<1x128x128xf32, #tpu.memory_space<vmem>> -> memref<128x128xf32, #tpu.memory_space<vmem>>
      %dma_wait3A_518 = arith.constant 0 : i32
      %dma_wait3A_519 = tpu.memref_slice %arg4[%mul3A_2, %dma_wait3A_518] : memref<200704x128xf32, #tpu.memory_space<hbm>> -> memref<128x128xf32, #tpu.memory_space<hbm>>
      %dma_wait3A_520 = arith.constant 0 : i32
      %dma_wait3A_521 = arith.constant 0 : i32
      %dma_wait3A_522 = tpu.memref_slice %arg6[%dma_wait3A_513, %dma_wait3A_520, %dma_wait3A_521] : memref<2x128x128xf32, #tpu.memory_space<vmem>> -> memref<1x128x128xf32, #tpu.memory_space<vmem>>
      %dma_wait3A_523 = tpu.memref_squeeze %dma_wait3A_522 : memref<1x128x128xf32, #tpu.memory_space<vmem>> -> memref<128x128xf32, #tpu.memory_space<vmem>>
      %dma_wait3A_524 = arith.constant 0 : i32
      %dma_wait3A_525 = tpu.memref_slice %arg4[%mul3A_2, %dma_wait3A_524] : memref<200704x128xf32, #tpu.memory_space<hbm>> -> memref<128x128xf32, #tpu.memory_space<hbm>>
      tpu.wait_dma2 semaphore(%arg11 : memref<!tpu.dma_semaphore, #tpu.memory_space<semaphore_mem>>) src(%dma_wait3A_525 : memref<128x128xf32, #tpu.memory_space<hbm>>) dst(%dma_wait3A_523 : memref<128x128xf32, #tpu.memory_space<vmem>>)
      %min3A_526 = arith.constant 48 : i32
      %min3A_527 = arith.minsi %mul3A_430, %min3A_526 : i32
      %mul3A_528 = arith.constant 128 : i32
      %mul3A_529 = arith.muli %mul3A_528, %min3A_527 : i32
      %add3A_530 = arith.addi %mul3A_2, %mul3A_529 : i32
      %multiple_of3A_531 = tpu.assume_multiple %add3A_530, 128 : i32
      %dma_start3A_532 = arith.constant 0 : i32
      %dma_start3A_533 = arith.constant 0 : i32
      %dma_start3A_534 = arith.constant 0 : i32
      %dma_start3A_535 = tpu.memref_slice %arg6[%dma_start3A_532, %dma_start3A_533, %dma_start3A_534] : memref<2x128x128xf32, #tpu.memory_space<vmem>> -> memref<1x128x128xf32, #tpu.memory_space<vmem>>
      %dma_start3A_536 = tpu.memref_squeeze %dma_start3A_535 : memref<1x128x128xf32, #tpu.memory_space<vmem>> -> memref<128x128xf32, #tpu.memory_space<vmem>>
      %dma_start3A_537 = arith.constant 0 : i32
      %dma_start3A_538 = tpu.memref_slice %arg4[%multiple_of3A_531, %dma_start3A_537] : memref<200704x128xf32, #tpu.memory_space<hbm>> -> memref<128x128xf32, #tpu.memory_space<hbm>>
      %dma_start3A_539 = arith.constant 0 : i32
      %dma_start3A_540 = tpu.memref_slice %arg4[%multiple_of3A_531, %dma_start3A_539] : memref<200704x128xf32, #tpu.memory_space<hbm>> -> memref<128x128xf32, #tpu.memory_space<hbm>>
      %dma_start3A_541 = arith.constant 0 : i32
      %dma_start3A_542 = arith.constant 0 : i32
      %dma_start3A_543 = tpu.memref_slice %arg6[%dma_start3A_532, %dma_start3A_541, %dma_start3A_542] : memref<2x128x128xf32, #tpu.memory_space<vmem>> -> memref<1x128x128xf32, #tpu.memory_space<vmem>>
      %dma_start3A_544 = tpu.memref_squeeze %dma_start3A_543 : memref<1x128x128xf32, #tpu.memory_space<vmem>> -> memref<128x128xf32, #tpu.memory_space<vmem>>
      tpu.enqueue_dma source(%dma_start3A_544 : memref<128x128xf32, #tpu.memory_space<vmem>>) target(%dma_start3A_540 : memref<128x128xf32, #tpu.memory_space<hbm>>) target_semaphore(%arg13 : memref<!tpu.dma_semaphore, #tpu.memory_space<semaphore_mem>>)
      %add3A_545 = arith.constant 2 : i32
      %add3A_546 = arith.addi %mul3A_430, %add3A_545 : i32
      %min3A_547 = arith.constant 48 : i32
      %min3A_548 = arith.minsi %add3A_546, %min3A_547 : i32
      %mul3A_549 = arith.constant 128 : i32
      %mul3A_550 = arith.muli %mul3A_549, %min3A_548 : i32
      %add3A_551 = arith.addi %mul3A_2, %mul3A_550 : i32
      %multiple_of3A_552 = tpu.assume_multiple %add3A_551, 128 : i32
      %dma_start3A_553 = arith.constant 0 : i32
      %dma_start3A_554 = arith.constant 0 : i32
      %dma_start3A_555 = arith.constant 0 : i32
      %dma_start3A_556 = tpu.memref_slice %arg5[%dma_start3A_553, %dma_start3A_554, %dma_start3A_555] : memref<2x6x128xi32, #tpu.memory_space<vmem>> -> memref<1x6x128xi32, #tpu.memory_space<vmem>>
      %dma_start3A_557 = tpu.memref_squeeze %dma_start3A_556 : memref<1x6x128xi32, #tpu.memory_space<vmem>> -> memref<6x128xi32, #tpu.memory_space<vmem>>
      %dma_start3A_558 = arith.constant 0 : i32
      %dma_start3A_559 = tpu.memref_slice %arg3[%dma_start3A_558, %multiple_of3A_552] : memref<6x200704xi32, #tpu.memory_space<hbm>> -> memref<6x128xi32, #tpu.memory_space<hbm>>
      %dma_start3A_560 = arith.constant 0 : i32
      %dma_start3A_561 = arith.constant 0 : i32
      %dma_start3A_562 = tpu.memref_slice %arg5[%dma_start3A_553, %dma_start3A_560, %dma_start3A_561] : memref<2x6x128xi32, #tpu.memory_space<vmem>> -> memref<1x6x128xi32, #tpu.memory_space<vmem>>
      %dma_start3A_563 = tpu.memref_squeeze %dma_start3A_562 : memref<1x6x128xi32, #tpu.memory_space<vmem>> -> memref<6x128xi32, #tpu.memory_space<vmem>>
      %dma_start3A_564 = arith.constant 0 : i32
      %dma_start3A_565 = tpu.memref_slice %arg3[%dma_start3A_564, %multiple_of3A_552] : memref<6x200704xi32, #tpu.memory_space<hbm>> -> memref<6x128xi32, #tpu.memory_space<hbm>>
      tpu.enqueue_dma source(%dma_start3A_565 : memref<6x128xi32, #tpu.memory_space<hbm>>) target(%dma_start3A_563 : memref<6x128xi32, #tpu.memory_space<vmem>>) target_semaphore(%arg7 : memref<!tpu.dma_semaphore, #tpu.memory_space<semaphore_mem>>)
      %dma_wait3A_566 = arith.constant 1 : i32
      %dma_wait3A_567 = arith.constant 0 : i32
      %dma_wait3A_568 = arith.constant 0 : i32
      %dma_wait3A_569 = tpu.memref_slice %arg6[%dma_wait3A_566, %dma_wait3A_567, %dma_wait3A_568] : memref<2x128x128xf32, #tpu.memory_space<vmem>> -> memref<1x128x128xf32, #tpu.memory_space<vmem>>
      %dma_wait3A_570 = tpu.memref_squeeze %dma_wait3A_569 : memref<1x128x128xf32, #tpu.memory_space<vmem>> -> memref<128x128xf32, #tpu.memory_space<vmem>>
      %dma_wait3A_571 = arith.constant 0 : i32
      %dma_wait3A_572 = tpu.memref_slice %arg4[%mul3A_2, %dma_wait3A_571] : memref<200704x128xf32, #tpu.memory_space<hbm>> -> memref<128x128xf32, #tpu.memory_space<hbm>>
      %dma_wait3A_573 = arith.constant 0 : i32
      %dma_wait3A_574 = arith.constant 0 : i32
      %dma_wait3A_575 = tpu.memref_slice %arg6[%dma_wait3A_566, %dma_wait3A_573, %dma_wait3A_574] : memref<2x128x128xf32, #tpu.memory_space<vmem>> -> memref<1x128x128xf32, #tpu.memory_space<vmem>>
      %dma_wait3A_576 = tpu.memref_squeeze %dma_wait3A_575 : memref<1x128x128xf32, #tpu.memory_space<vmem>> -> memref<128x128xf32, #tpu.memory_space<vmem>>
      %dma_wait3A_577 = arith.constant 0 : i32
      %dma_wait3A_578 = tpu.memref_slice %arg4[%mul3A_2, %dma_wait3A_577] : memref<200704x128xf32, #tpu.memory_space<hbm>> -> memref<128x128xf32, #tpu.memory_space<hbm>>
      tpu.wait_dma2 semaphore(%arg10 : memref<!tpu.dma_semaphore, #tpu.memory_space<semaphore_mem>>) src(%dma_wait3A_578 : memref<128x128xf32, #tpu.memory_space<hbm>>) dst(%dma_wait3A_576 : memref<128x128xf32, #tpu.memory_space<vmem>>)
      %dma_start3A_579 = arith.constant 1 : i32
      %dma_start3A_580 = arith.constant 1 : i32
      %dma_start3A_581 = arith.constant 1 : i32
      %dma_start3A_582 = arith.constant 0 : i32
      %dma_start3A_583 = arith.constant 0 : i32
      %dma_start3A_584 = tpu.memref_slice %arg6[%dma_start3A_581, %dma_start3A_582, %dma_start3A_583] : memref<2x128x128xf32, #tpu.memory_space<vmem>> -> memref<1x128x128xf32, #tpu.memory_space<vmem>>
      %dma_start3A_585 = tpu.memref_squeeze %dma_start3A_584 : memref<1x128x128xf32, #tpu.memory_space<vmem>> -> memref<128x128xf32, #tpu.memory_space<vmem>>
      %dma_start3A_586 = arith.constant 0 : i32
      %dma_start3A_587 = tpu.memref_slice %arg5[%dma_start3A_579, %dma_start3A_580, %dma_start3A_586] : memref<2x6x128xi32, #tpu.memory_space<vmem>> -> memref<1x1x128xi32, #tpu.memory_space<vmem>>
      %dma_start3A_588 = tpu.memref_squeeze %dma_start3A_587 : memref<1x1x128xi32, #tpu.memory_space<vmem>> -> memref<128xi32, #tpu.memory_space<vmem>>
      %dma_start3A_589 = arith.constant 0 : i32
      %dma_start3A_590 = arith.constant 0 : i32
      %dma_start3A_591 = tpu.memref_slice %arg2[%dma_start3A_589, %dma_start3A_590] : memref<200000x128xf32, #tpu.memory_space<hbm>> -> memref<200000x128xf32, #tpu.memory_space<hbm>>
      tpu.enqueue_indirect_dma source(%dma_start3A_591 : memref<200000x128xf32, #tpu.memory_space<hbm>>) target(%dma_start3A_585 : memref<128x128xf32, #tpu.memory_space<vmem>>) offsets(%dma_start3A_588 : memref<128xi32, #tpu.memory_space<vmem>>) semaphore(%arg12 : memref<!tpu.dma_semaphore, #tpu.memory_space<semaphore_mem>>) {add = true}
      %dma_start3A_592 = arith.constant 1 : i32
      %dma_start3A_593 = arith.constant 2 : i32
      %dma_start3A_594 = arith.constant 1 : i32
      %dma_start3A_595 = arith.constant 0 : i32
      %dma_start3A_596 = arith.constant 0 : i32
      %dma_start3A_597 = tpu.memref_slice %arg6[%dma_start3A_594, %dma_start3A_595, %dma_start3A_596] : memref<2x128x128xf32, #tpu.memory_space<vmem>> -> memref<1x128x128xf32, #tpu.memory_space<vmem>>
      %dma_start3A_598 = tpu.memref_squeeze %dma_start3A_597 : memref<1x128x128xf32, #tpu.memory_space<vmem>> -> memref<128x128xf32, #tpu.memory_space<vmem>>
      %dma_start3A_599 = arith.constant 0 : i32
      %dma_start3A_600 = tpu.memref_slice %arg5[%dma_start3A_592, %dma_start3A_593, %dma_start3A_599] : memref<2x6x128xi32, #tpu.memory_space<vmem>> -> memref<1x1x128xi32, #tpu.memory_space<vmem>>
      %dma_start3A_601 = tpu.memref_squeeze %dma_start3A_600 : memref<1x1x128xi32, #tpu.memory_space<vmem>> -> memref<128xi32, #tpu.memory_space<vmem>>
      %dma_start3A_602 = arith.constant 0 : i32
      %dma_start3A_603 = arith.constant 0 : i32
      %dma_start3A_604 = tpu.memref_slice %arg2[%dma_start3A_602, %dma_start3A_603] : memref<200000x128xf32, #tpu.memory_space<hbm>> -> memref<200000x128xf32, #tpu.memory_space<hbm>>
      tpu.enqueue_indirect_dma source(%dma_start3A_604 : memref<200000x128xf32, #tpu.memory_space<hbm>>) target(%dma_start3A_598 : memref<128x128xf32, #tpu.memory_space<vmem>>) offsets(%dma_start3A_601 : memref<128xi32, #tpu.memory_space<vmem>>) semaphore(%arg12 : memref<!tpu.dma_semaphore, #tpu.memory_space<semaphore_mem>>) {add = true}
      %dma_start3A_605 = arith.constant 1 : i32
      %dma_start3A_606 = arith.constant 3 : i32
      %dma_start3A_607 = arith.constant 1 : i32
      %dma_start3A_608 = arith.constant 0 : i32
      %dma_start3A_609 = arith.constant 0 : i32
      %dma_start3A_610 = tpu.memref_slice %arg6[%dma_start3A_607, %dma_start3A_608, %dma_start3A_609] : memref<2x128x128xf32, #tpu.memory_space<vmem>> -> memref<1x128x128xf32, #tpu.memory_space<vmem>>
      %dma_start3A_611 = tpu.memref_squeeze %dma_start3A_610 : memref<1x128x128xf32, #tpu.memory_space<vmem>> -> memref<128x128xf32, #tpu.memory_space<vmem>>
      %dma_start3A_612 = arith.constant 0 : i32
      %dma_start3A_613 = tpu.memref_slice %arg5[%dma_start3A_605, %dma_start3A_606, %dma_start3A_612] : memref<2x6x128xi32, #tpu.memory_space<vmem>> -> memref<1x1x128xi32, #tpu.memory_space<vmem>>
      %dma_start3A_614 = tpu.memref_squeeze %dma_start3A_613 : memref<1x1x128xi32, #tpu.memory_space<vmem>> -> memref<128xi32, #tpu.memory_space<vmem>>
      %dma_start3A_615 = arith.constant 0 : i32
      %dma_start3A_616 = arith.constant 0 : i32
      %dma_start3A_617 = tpu.memref_slice %arg2[%dma_start3A_615, %dma_start3A_616] : memref<200000x128xf32, #tpu.memory_space<hbm>> -> memref<200000x128xf32, #tpu.memory_space<hbm>>
      tpu.enqueue_indirect_dma source(%dma_start3A_617 : memref<200000x128xf32, #tpu.memory_space<hbm>>) target(%dma_start3A_611 : memref<128x128xf32, #tpu.memory_space<vmem>>) offsets(%dma_start3A_614 : memref<128xi32, #tpu.memory_space<vmem>>) semaphore(%arg12 : memref<!tpu.dma_semaphore, #tpu.memory_space<semaphore_mem>>) {add = true}
      %dma_start3A_618 = arith.constant 1 : i32
      %dma_start3A_619 = arith.constant 4 : i32
      %dma_start3A_620 = arith.constant 1 : i32
      %dma_start3A_621 = arith.constant 0 : i32
      %dma_start3A_622 = arith.constant 0 : i32
      %dma_start3A_623 = tpu.memref_slice %arg6[%dma_start3A_620, %dma_start3A_621, %dma_start3A_622] : memref<2x128x128xf32, #tpu.memory_space<vmem>> -> memref<1x128x128xf32, #tpu.memory_space<vmem>>
      %dma_start3A_624 = tpu.memref_squeeze %dma_start3A_623 : memref<1x128x128xf32, #tpu.memory_space<vmem>> -> memref<128x128xf32, #tpu.memory_space<vmem>>
      %dma_start3A_625 = arith.constant 0 : i32
      %dma_start3A_626 = tpu.memref_slice %arg5[%dma_start3A_618, %dma_start3A_619, %dma_start3A_625] : memref<2x6x128xi32, #tpu.memory_space<vmem>> -> memref<1x1x128xi32, #tpu.memory_space<vmem>>
      %dma_start3A_627 = tpu.memref_squeeze %dma_start3A_626 : memref<1x1x128xi32, #tpu.memory_space<vmem>> -> memref<128xi32, #tpu.memory_space<vmem>>
      %dma_start3A_628 = arith.constant 0 : i32
      %dma_start3A_629 = arith.constant 0 : i32
      %dma_start3A_630 = tpu.memref_slice %arg2[%dma_start3A_628, %dma_start3A_629] : memref<200000x128xf32, #tpu.memory_space<hbm>> -> memref<200000x128xf32, #tpu.memory_space<hbm>>
      tpu.enqueue_indirect_dma source(%dma_start3A_630 : memref<200000x128xf32, #tpu.memory_space<hbm>>) target(%dma_start3A_624 : memref<128x128xf32, #tpu.memory_space<vmem>>) offsets(%dma_start3A_627 : memref<128xi32, #tpu.memory_space<vmem>>) semaphore(%arg12 : memref<!tpu.dma_semaphore, #tpu.memory_space<semaphore_mem>>) {add = true}
      %dma_start3A_631 = arith.constant 1 : i32
      %dma_start3A_632 = arith.constant 5 : i32
      %dma_start3A_633 = arith.constant 1 : i32
      %dma_start3A_634 = arith.constant 0 : i32
      %dma_start3A_635 = arith.constant 0 : i32
      %dma_start3A_636 = tpu.memref_slice %arg6[%dma_start3A_633, %dma_start3A_634, %dma_start3A_635] : memref<2x128x128xf32, #tpu.memory_space<vmem>> -> memref<1x128x128xf32, #tpu.memory_space<vmem>>
      %dma_start3A_637 = tpu.memref_squeeze %dma_start3A_636 : memref<1x128x128xf32, #tpu.memory_space<vmem>> -> memref<128x128xf32, #tpu.memory_space<vmem>>
      %dma_start3A_638 = arith.constant 0 : i32
      %dma_start3A_639 = tpu.memref_slice %arg5[%dma_start3A_631, %dma_start3A_632, %dma_start3A_638] : memref<2x6x128xi32, #tpu.memory_space<vmem>> -> memref<1x1x128xi32, #tpu.memory_space<vmem>>
      %dma_start3A_640 = tpu.memref_squeeze %dma_start3A_639 : memref<1x1x128xi32, #tpu.memory_space<vmem>> -> memref<128xi32, #tpu.memory_space<vmem>>
      %dma_start3A_641 = arith.constant 0 : i32
      %dma_start3A_642 = arith.constant 0 : i32
      %dma_start3A_643 = tpu.memref_slice %arg2[%dma_start3A_641, %dma_start3A_642] : memref<200000x128xf32, #tpu.memory_space<hbm>> -> memref<200000x128xf32, #tpu.memory_space<hbm>>
      tpu.enqueue_indirect_dma source(%dma_start3A_643 : memref<200000x128xf32, #tpu.memory_space<hbm>>) target(%dma_start3A_637 : memref<128x128xf32, #tpu.memory_space<vmem>>) offsets(%dma_start3A_640 : memref<128xi32, #tpu.memory_space<vmem>>) semaphore(%arg12 : memref<!tpu.dma_semaphore, #tpu.memory_space<semaphore_mem>>) {add = true}
      %mul3A_644 = arith.constant 2 : i32
      %mul3A_645 = arith.muli %mul3A_644, %scan3A_428 : i32
      %add3A_646 = arith.constant 1 : i32
      %add3A_647 = arith.addi %mul3A_645, %add3A_646 : i32
      %dma_wait3A_648 = arith.constant 0 : i32
      %dma_wait3A_649 = arith.constant 0 : i32
      %dma_wait3A_650 = arith.constant 0 : i32
      %dma_wait3A_651 = tpu.memref_slice %arg5[%dma_wait3A_648, %dma_wait3A_649, %dma_wait3A_650] : memref<2x6x128xi32, #tpu.memory_space<vmem>> -> memref<1x6x128xi32, #tpu.memory_space<vmem>>
      %dma_wait3A_652 = tpu.memref_squeeze %dma_wait3A_651 : memref<1x6x128xi32, #tpu.memory_space<vmem>> -> memref<6x128xi32, #tpu.memory_space<vmem>>
      %dma_wait3A_653 = arith.constant 0 : i32
      %dma_wait3A_654 = tpu.memref_slice %arg3[%dma_wait3A_653, %mul3A_2] : memref<6x200704xi32, #tpu.memory_space<hbm>> -> memref<6x128xi32, #tpu.memory_space<hbm>>
      %dma_wait3A_655 = arith.constant 0 : i32
      %dma_wait3A_656 = arith.constant 0 : i32
      %dma_wait3A_657 = tpu.memref_slice %arg5[%dma_wait3A_648, %dma_wait3A_655, %dma_wait3A_656] : memref<2x6x128xi32, #tpu.memory_space<vmem>> -> memref<1x6x128xi32, #tpu.memory_space<vmem>>
      %dma_wait3A_658 = tpu.memref_squeeze %dma_wait3A_657 : memref<1x6x128xi32, #tpu.memory_space<vmem>> -> memref<6x128xi32, #tpu.memory_space<vmem>>
      %dma_wait3A_659 = arith.constant 0 : i32
      %dma_wait3A_660 = tpu.memref_slice %arg3[%dma_wait3A_659, %mul3A_2] : memref<6x200704xi32, #tpu.memory_space<hbm>> -> memref<6x128xi32, #tpu.memory_space<hbm>>
      tpu.wait_dma2 semaphore(%arg7 : memref<!tpu.dma_semaphore, #tpu.memory_space<semaphore_mem>>) src(%dma_wait3A_660 : memref<6x128xi32, #tpu.memory_space<hbm>>) dst(%dma_wait3A_658 : memref<6x128xi32, #tpu.memory_space<vmem>>)
      %dma_wait3A_661 = arith.constant 0 : i32
      %dma_wait3A_662 = arith.constant 0 : i32
      %dma_wait3A_663 = arith.constant 0 : i32
      %dma_wait3A_664 = tpu.memref_slice %arg6[%dma_wait3A_661, %dma_wait3A_662, %dma_wait3A_663] : memref<2x128x128xf32, #tpu.memory_space<vmem>> -> memref<1x128x128xf32, #tpu.memory_space<vmem>>
      %dma_wait3A_665 = tpu.memref_squeeze %dma_wait3A_664 : memref<1x128x128xf32, #tpu.memory_space<vmem>> -> memref<128x128xf32, #tpu.memory_space<vmem>>
      %dma_wait3A_666 = arith.constant 0 : i32
      %dma_wait3A_667 = tpu.memref_slice %arg4[%mul3A_2, %dma_wait3A_666] : memref<200704x128xf32, #tpu.memory_space<hbm>> -> memref<128x128xf32, #tpu.memory_space<hbm>>
      %dma_wait3A_668 = arith.constant 0 : i32
      %dma_wait3A_669 = tpu.memref_slice %arg4[%mul3A_2, %dma_wait3A_668] : memref<200704x128xf32, #tpu.memory_space<hbm>> -> memref<128x128xf32, #tpu.memory_space<hbm>>
      %dma_wait3A_670 = arith.constant 0 : i32
      %dma_wait3A_671 = arith.constant 0 : i32
      %dma_wait3A_672 = tpu.memref_slice %arg6[%dma_wait3A_661, %dma_wait3A_670, %dma_wait3A_671] : memref<2x128x128xf32, #tpu.memory_space<vmem>> -> memref<1x128x128xf32, #tpu.memory_space<vmem>>
      %dma_wait3A_673 = tpu.memref_squeeze %dma_wait3A_672 : memref<1x128x128xf32, #tpu.memory_space<vmem>> -> memref<128x128xf32, #tpu.memory_space<vmem>>
      tpu.wait_dma2 semaphore(%arg13 : memref<!tpu.dma_semaphore, #tpu.memory_space<semaphore_mem>>) src(%dma_wait3A_673 : memref<128x128xf32, #tpu.memory_space<vmem>>) dst(%dma_wait3A_669 : memref<128x128xf32, #tpu.memory_space<hbm>>)
      %add3A_674 = arith.constant 1 : i32
      %add3A_675 = arith.addi %add3A_647, %add3A_674 : i32
      %dma_start3A_676 = arith.constant 0 : i32
      %dma_start3A_677 = arith.constant 0 : i32
      %dma_start3A_678 = arith.constant 0 : i32
      %dma_start3A_679 = arith.constant 0 : i32
      %dma_start3A_680 = arith.constant 0 : i32
      %dma_start3A_681 = tpu.memref_slice %arg6[%dma_start3A_678, %dma_start3A_679, %dma_start3A_680] : memref<2x128x128xf32, #tpu.memory_space<vmem>> -> memref<1x128x128xf32, #tpu.memory_space<vmem>>
      %dma_start3A_682 = tpu.memref_squeeze %dma_start3A_681 : memref<1x128x128xf32, #tpu.memory_space<vmem>> -> memref<128x128xf32, #tpu.memory_space<vmem>>
      %dma_start3A_683 = arith.constant 0 : i32
      %dma_start3A_684 = tpu.memref_slice %arg5[%dma_start3A_676, %dma_start3A_677, %dma_start3A_683] : memref<2x6x128xi32, #tpu.memory_space<vmem>> -> memref<1x1x128xi32, #tpu.memory_space<vmem>>
      %dma_start3A_685 = tpu.memref_squeeze %dma_start3A_684 : memref<1x1x128xi32, #tpu.memory_space<vmem>> -> memref<128xi32, #tpu.memory_space<vmem>>
      %dma_start3A_686 = arith.constant 0 : i32
      %dma_start3A_687 = arith.constant 0 : i32
      %dma_start3A_688 = tpu.memref_slice %arg2[%dma_start3A_686, %dma_start3A_687] : memref<200000x128xf32, #tpu.memory_space<hbm>> -> memref<200000x128xf32, #tpu.memory_space<hbm>>
      tpu.enqueue_indirect_dma source(%dma_start3A_688 : memref<200000x128xf32, #tpu.memory_space<hbm>>) target(%dma_start3A_682 : memref<128x128xf32, #tpu.memory_space<vmem>>) offsets(%dma_start3A_685 : memref<128xi32, #tpu.memory_space<vmem>>) semaphore(%arg9 : memref<!tpu.dma_semaphore, #tpu.memory_space<semaphore_mem>>)
      %dma_wait3A_689 = arith.constant 1 : i32
      %dma_wait3A_690 = arith.constant 0 : i32
      %dma_wait3A_691 = arith.constant 0 : i32
      %dma_wait3A_692 = tpu.memref_slice %arg6[%dma_wait3A_689, %dma_wait3A_690, %dma_wait3A_691] : memref<2x128x128xf32, #tpu.memory_space<vmem>> -> memref<1x128x128xf32, #tpu.memory_space<vmem>>
      %dma_wait3A_693 = tpu.memref_squeeze %dma_wait3A_692 : memref<1x128x128xf32, #tpu.memory_space<vmem>> -> memref<128x128xf32, #tpu.memory_space<vmem>>
      %dma_wait3A_694 = arith.constant 0 : i32
      %dma_wait3A_695 = tpu.memref_slice %arg4[%mul3A_2, %dma_wait3A_694] : memref<200704x128xf32, #tpu.memory_space<hbm>> -> memref<128x128xf32, #tpu.memory_space<hbm>>
      %dma_wait3A_696 = arith.constant 0 : i32
      %dma_wait3A_697 = arith.constant 0 : i32
      %dma_wait3A_698 = tpu.memref_slice %arg6[%dma_wait3A_689, %dma_wait3A_696, %dma_wait3A_697] : memref<2x128x128xf32, #tpu.memory_space<vmem>> -> memref<1x128x128xf32, #tpu.memory_space<vmem>>
      %dma_wait3A_699 = tpu.memref_squeeze %dma_wait3A_698 : memref<1x128x128xf32, #tpu.memory_space<vmem>> -> memref<128x128xf32, #tpu.memory_space<vmem>>
      %dma_wait3A_700 = arith.constant 0 : i32
      %dma_wait3A_701 = tpu.memref_slice %arg4[%mul3A_2, %dma_wait3A_700] : memref<200704x128xf32, #tpu.memory_space<hbm>> -> memref<128x128xf32, #tpu.memory_space<hbm>>
      tpu.wait_dma2 semaphore(%arg12 : memref<!tpu.dma_semaphore, #tpu.memory_space<semaphore_mem>>) src(%dma_wait3A_701 : memref<128x128xf32, #tpu.memory_space<hbm>>) dst(%dma_wait3A_699 : memref<128x128xf32, #tpu.memory_space<vmem>>)
      %dma_wait3A_702 = arith.constant 1 : i32
      %dma_wait3A_703 = arith.constant 0 : i32
      %dma_wait3A_704 = arith.constant 0 : i32
      %dma_wait3A_705 = tpu.memref_slice %arg6[%dma_wait3A_702, %dma_wait3A_703, %dma_wait3A_704] : memref<2x128x128xf32, #tpu.memory_space<vmem>> -> memref<1x128x128xf32, #tpu.memory_space<vmem>>
      %dma_wait3A_706 = tpu.memref_squeeze %dma_wait3A_705 : memref<1x128x128xf32, #tpu.memory_space<vmem>> -> memref<128x128xf32, #tpu.memory_space<vmem>>
      %dma_wait3A_707 = arith.constant 0 : i32
      %dma_wait3A_708 = tpu.memref_slice %arg4[%mul3A_2, %dma_wait3A_707] : memref<200704x128xf32, #tpu.memory_space<hbm>> -> memref<128x128xf32, #tpu.memory_space<hbm>>
      %dma_wait3A_709 = arith.constant 0 : i32
      %dma_wait3A_710 = arith.constant 0 : i32
      %dma_wait3A_711 = tpu.memref_slice %arg6[%dma_wait3A_702, %dma_wait3A_709, %dma_wait3A_710] : memref<2x128x128xf32, #tpu.memory_space<vmem>> -> memref<1x128x128xf32, #tpu.memory_space<vmem>>
      %dma_wait3A_712 = tpu.memref_squeeze %dma_wait3A_711 : memref<1x128x128xf32, #tpu.memory_space<vmem>> -> memref<128x128xf32, #tpu.memory_space<vmem>>
      %dma_wait3A_713 = arith.constant 0 : i32
      %dma_wait3A_714 = tpu.memref_slice %arg4[%mul3A_2, %dma_wait3A_713] : memref<200704x128xf32, #tpu.memory_space<hbm>> -> memref<128x128xf32, #tpu.memory_space<hbm>>
      tpu.wait_dma2 semaphore(%arg12 : memref<!tpu.dma_semaphore, #tpu.memory_space<semaphore_mem>>) src(%dma_wait3A_714 : memref<128x128xf32, #tpu.memory_space<hbm>>) dst(%dma_wait3A_712 : memref<128x128xf32, #tpu.memory_space<vmem>>)
      %dma_wait3A_715 = arith.constant 1 : i32
      %dma_wait3A_716 = arith.constant 0 : i32
      %dma_wait3A_717 = arith.constant 0 : i32
      %dma_wait3A_718 = tpu.memref_slice %arg6[%dma_wait3A_715, %dma_wait3A_716, %dma_wait3A_717] : memref<2x128x128xf32, #tpu.memory_space<vmem>> -> memref<1x128x128xf32, #tpu.memory_space<vmem>>
      %dma_wait3A_719 = tpu.memref_squeeze %dma_wait3A_718 : memref<1x128x128xf32, #tpu.memory_space<vmem>> -> memref<128x128xf32, #tpu.memory_space<vmem>>
      %dma_wait3A_720 = arith.constant 0 : i32
      %dma_wait3A_721 = tpu.memref_slice %arg4[%mul3A_2, %dma_wait3A_720] : memref<200704x128xf32, #tpu.memory_space<hbm>> -> memref<128x128xf32, #tpu.memory_space<hbm>>
      %dma_wait3A_722 = arith.constant 0 : i32
      %dma_wait3A_723 = arith.constant 0 : i32
      %dma_wait3A_724 = tpu.memref_slice %arg6[%dma_wait3A_715, %dma_wait3A_722, %dma_wait3A_723] : memref<2x128x128xf32, #tpu.memory_space<vmem>> -> memref<1x128x128xf32, #tpu.memory_space<vmem>>
      %dma_wait3A_725 = tpu.memref_squeeze %dma_wait3A_724 : memref<1x128x128xf32, #tpu.memory_space<vmem>> -> memref<128x128xf32, #tpu.memory_space<vmem>>
      %dma_wait3A_726 = arith.constant 0 : i32
      %dma_wait3A_727 = tpu.memref_slice %arg4[%mul3A_2, %dma_wait3A_726] : memref<200704x128xf32, #tpu.memory_space<hbm>> -> memref<128x128xf32, #tpu.memory_space<hbm>>
      tpu.wait_dma2 semaphore(%arg12 : memref<!tpu.dma_semaphore, #tpu.memory_space<semaphore_mem>>) src(%dma_wait3A_727 : memref<128x128xf32, #tpu.memory_space<hbm>>) dst(%dma_wait3A_725 : memref<128x128xf32, #tpu.memory_space<vmem>>)
      %dma_wait3A_728 = arith.constant 1 : i32
      %dma_wait3A_729 = arith.constant 0 : i32
      %dma_wait3A_730 = arith.constant 0 : i32
      %dma_wait3A_731 = tpu.memref_slice %arg6[%dma_wait3A_728, %dma_wait3A_729, %dma_wait3A_730] : memref<2x128x128xf32, #tpu.memory_space<vmem>> -> memref<1x128x128xf32, #tpu.memory_space<vmem>>
      %dma_wait3A_732 = tpu.memref_squeeze %dma_wait3A_731 : memref<1x128x128xf32, #tpu.memory_space<vmem>> -> memref<128x128xf32, #tpu.memory_space<vmem>>
      %dma_wait3A_733 = arith.constant 0 : i32
      %dma_wait3A_734 = tpu.memref_slice %arg4[%mul3A_2, %dma_wait3A_733] : memref<200704x128xf32, #tpu.memory_space<hbm>> -> memref<128x128xf32, #tpu.memory_space<hbm>>
      %dma_wait3A_735 = arith.constant 0 : i32
      %dma_wait3A_736 = arith.constant 0 : i32
      %dma_wait3A_737 = tpu.memref_slice %arg6[%dma_wait3A_728, %dma_wait3A_735, %dma_wait3A_736] : memref<2x128x128xf32, #tpu.memory_space<vmem>> -> memref<1x128x128xf32, #tpu.memory_space<vmem>>
      %dma_wait3A_738 = tpu.memref_squeeze %dma_wait3A_737 : memref<1x128x128xf32, #tpu.memory_space<vmem>> -> memref<128x128xf32, #tpu.memory_space<vmem>>
      %dma_wait3A_739 = arith.constant 0 : i32
      %dma_wait3A_740 = tpu.memref_slice %arg4[%mul3A_2, %dma_wait3A_739] : memref<200704x128xf32, #tpu.memory_space<hbm>> -> memref<128x128xf32, #tpu.memory_space<hbm>>
      tpu.wait_dma2 semaphore(%arg12 : memref<!tpu.dma_semaphore, #tpu.memory_space<semaphore_mem>>) src(%dma_wait3A_740 : memref<128x128xf32, #tpu.memory_space<hbm>>) dst(%dma_wait3A_738 : memref<128x128xf32, #tpu.memory_space<vmem>>)
      %dma_wait3A_741 = arith.constant 1 : i32
      %dma_wait3A_742 = arith.constant 0 : i32
      %dma_wait3A_743 = arith.constant 0 : i32
      %dma_wait3A_744 = tpu.memref_slice %arg6[%dma_wait3A_741, %dma_wait3A_742, %dma_wait3A_743] : memref<2x128x128xf32, #tpu.memory_space<vmem>> -> memref<1x128x128xf32, #tpu.memory_space<vmem>>
      %dma_wait3A_745 = tpu.memref_squeeze %dma_wait3A_744 : memref<1x128x128xf32, #tpu.memory_space<vmem>> -> memref<128x128xf32, #tpu.memory_space<vmem>>
      %dma_wait3A_746 = arith.constant 0 : i32
      %dma_wait3A_747 = tpu.memref_slice %arg4[%mul3A_2, %dma_wait3A_746] : memref<200704x128xf32, #tpu.memory_space<hbm>> -> memref<128x128xf32, #tpu.memory_space<hbm>>
      %dma_wait3A_748 = arith.constant 0 : i32
      %dma_wait3A_749 = arith.constant 0 : i32
      %dma_wait3A_750 = tpu.memref_slice %arg6[%dma_wait3A_741, %dma_wait3A_748, %dma_wait3A_749] : memref<2x128x128xf32, #tpu.memory_space<vmem>> -> memref<1x128x128xf32, #tpu.memory_space<vmem>>
      %dma_wait3A_751 = tpu.memref_squeeze %dma_wait3A_750 : memref<1x128x128xf32, #tpu.memory_space<vmem>> -> memref<128x128xf32, #tpu.memory_space<vmem>>
      %dma_wait3A_752 = arith.constant 0 : i32
      %dma_wait3A_753 = tpu.memref_slice %arg4[%mul3A_2, %dma_wait3A_752] : memref<200704x128xf32, #tpu.memory_space<hbm>> -> memref<128x128xf32, #tpu.memory_space<hbm>>
      tpu.wait_dma2 semaphore(%arg12 : memref<!tpu.dma_semaphore, #tpu.memory_space<semaphore_mem>>) src(%dma_wait3A_753 : memref<128x128xf32, #tpu.memory_space<hbm>>) dst(%dma_wait3A_751 : memref<128x128xf32, #tpu.memory_space<vmem>>)
      %min3A_754 = arith.constant 48 : i32
      %min3A_755 = arith.minsi %add3A_647, %min3A_754 : i32
      %mul3A_756 = arith.constant 128 : i32
      %mul3A_757 = arith.muli %mul3A_756, %min3A_755 : i32
      %add3A_758 = arith.addi %mul3A_2, %mul3A_757 : i32
      %multiple_of3A_759 = tpu.assume_multiple %add3A_758, 128 : i32
      %dma_start3A_760 = arith.constant 1 : i32
      %dma_start3A_761 = arith.constant 0 : i32
      %dma_start3A_762 = arith.constant 0 : i32
      %dma_start3A_763 = tpu.memref_slice %arg6[%dma_start3A_760, %dma_start3A_761, %dma_start3A_762] : memref<2x128x128xf32, #tpu.memory_space<vmem>> -> memref<1x128x128xf32, #tpu.memory_space<vmem>>
      %dma_start3A_764 = tpu.memref_squeeze %dma_start3A_763 : memref<1x128x128xf32, #tpu.memory_space<vmem>> -> memref<128x128xf32, #tpu.memory_space<vmem>>
      %dma_start3A_765 = arith.constant 0 : i32
      %dma_start3A_766 = tpu.memref_slice %arg4[%multiple_of3A_759, %dma_start3A_765] : memref<200704x128xf32, #tpu.memory_space<hbm>> -> memref<128x128xf32, #tpu.memory_space<hbm>>
      %dma_start3A_767 = arith.constant 0 : i32
      %dma_start3A_768 = tpu.memref_slice %arg4[%multiple_of3A_759, %dma_start3A_767] : memref<200704x128xf32, #tpu.memory_space<hbm>> -> memref<128x128xf32, #tpu.memory_space<hbm>>
      %dma_start3A_769 = arith.constant 0 : i32
      %dma_start3A_770 = arith.constant 0 : i32
      %dma_start3A_771 = tpu.memref_slice %arg6[%dma_start3A_760, %dma_start3A_769, %dma_start3A_770] : memref<2x128x128xf32, #tpu.memory_space<vmem>> -> memref<1x128x128xf32, #tpu.memory_space<vmem>>
      %dma_start3A_772 = tpu.memref_squeeze %dma_start3A_771 : memref<1x128x128xf32, #tpu.memory_space<vmem>> -> memref<128x128xf32, #tpu.memory_space<vmem>>
      tpu.enqueue_dma source(%dma_start3A_772 : memref<128x128xf32, #tpu.memory_space<vmem>>) target(%dma_start3A_768 : memref<128x128xf32, #tpu.memory_space<hbm>>) target_semaphore(%arg14 : memref<!tpu.dma_semaphore, #tpu.memory_space<semaphore_mem>>)
      %add3A_773 = arith.constant 2 : i32
      %add3A_774 = arith.addi %add3A_647, %add3A_773 : i32
      %min3A_775 = arith.constant 48 : i32
      %min3A_776 = arith.minsi %add3A_774, %min3A_775 : i32
      %mul3A_777 = arith.constant 128 : i32
      %mul3A_778 = arith.muli %mul3A_777, %min3A_776 : i32
      %add3A_779 = arith.addi %mul3A_2, %mul3A_778 : i32
      %multiple_of3A_780 = tpu.assume_multiple %add3A_779, 128 : i32
      %dma_start3A_781 = arith.constant 1 : i32
      %dma_start3A_782 = arith.constant 0 : i32
      %dma_start3A_783 = arith.constant 0 : i32
      %dma_start3A_784 = tpu.memref_slice %arg5[%dma_start3A_781, %dma_start3A_782, %dma_start3A_783] : memref<2x6x128xi32, #tpu.memory_space<vmem>> -> memref<1x6x128xi32, #tpu.memory_space<vmem>>
      %dma_start3A_785 = tpu.memref_squeeze %dma_start3A_784 : memref<1x6x128xi32, #tpu.memory_space<vmem>> -> memref<6x128xi32, #tpu.memory_space<vmem>>
      %dma_start3A_786 = arith.constant 0 : i32
      %dma_start3A_787 = tpu.memref_slice %arg3[%dma_start3A_786, %multiple_of3A_780] : memref<6x200704xi32, #tpu.memory_space<hbm>> -> memref<6x128xi32, #tpu.memory_space<hbm>>
      %dma_start3A_788 = arith.constant 0 : i32
      %dma_start3A_789 = arith.constant 0 : i32
      %dma_start3A_790 = tpu.memref_slice %arg5[%dma_start3A_781, %dma_start3A_788, %dma_start3A_789] : memref<2x6x128xi32, #tpu.memory_space<vmem>> -> memref<1x6x128xi32, #tpu.memory_space<vmem>>
      %dma_start3A_791 = tpu.memref_squeeze %dma_start3A_790 : memref<1x6x128xi32, #tpu.memory_space<vmem>> -> memref<6x128xi32, #tpu.memory_space<vmem>>
      %dma_start3A_792 = arith.constant 0 : i32
      %dma_start3A_793 = tpu.memref_slice %arg3[%dma_start3A_792, %multiple_of3A_780] : memref<6x200704xi32, #tpu.memory_space<hbm>> -> memref<6x128xi32, #tpu.memory_space<hbm>>
      tpu.enqueue_dma source(%dma_start3A_793 : memref<6x128xi32, #tpu.memory_space<hbm>>) target(%dma_start3A_791 : memref<6x128xi32, #tpu.memory_space<vmem>>) target_semaphore(%arg8 : memref<!tpu.dma_semaphore, #tpu.memory_space<semaphore_mem>>)
      %dma_wait3A_794 = arith.constant 0 : i32
      %dma_wait3A_795 = arith.constant 0 : i32
      %dma_wait3A_796 = arith.constant 0 : i32
      %dma_wait3A_797 = tpu.memref_slice %arg6[%dma_wait3A_794, %dma_wait3A_795, %dma_wait3A_796] : memref<2x128x128xf32, #tpu.memory_space<vmem>> -> memref<1x128x128xf32, #tpu.memory_space<vmem>>
      %dma_wait3A_798 = tpu.memref_squeeze %dma_wait3A_797 : memref<1x128x128xf32, #tpu.memory_space<vmem>> -> memref<128x128xf32, #tpu.memory_space<vmem>>
      %dma_wait3A_799 = arith.constant 0 : i32
      %dma_wait3A_800 = tpu.memref_slice %arg4[%mul3A_2, %dma_wait3A_799] : memref<200704x128xf32, #tpu.memory_space<hbm>> -> memref<128x128xf32, #tpu.memory_space<hbm>>
      %dma_wait3A_801 = arith.constant 0 : i32
      %dma_wait3A_802 = arith.constant 0 : i32
      %dma_wait3A_803 = tpu.memref_slice %arg6[%dma_wait3A_794, %dma_wait3A_801, %dma_wait3A_802] : memref<2x128x128xf32, #tpu.memory_space<vmem>> -> memref<1x128x128xf32, #tpu.memory_space<vmem>>
      %dma_wait3A_804 = tpu.memref_squeeze %dma_wait3A_803 : memref<1x128x128xf32, #tpu.memory_space<vmem>> -> memref<128x128xf32, #tpu.memory_space<vmem>>
      %dma_wait3A_805 = arith.constant 0 : i32
      %dma_wait3A_806 = tpu.memref_slice %arg4[%mul3A_2, %dma_wait3A_805] : memref<200704x128xf32, #tpu.memory_space<hbm>> -> memref<128x128xf32, #tpu.memory_space<hbm>>
      tpu.wait_dma2 semaphore(%arg9 : memref<!tpu.dma_semaphore, #tpu.memory_space<semaphore_mem>>) src(%dma_wait3A_806 : memref<128x128xf32, #tpu.memory_space<hbm>>) dst(%dma_wait3A_804 : memref<128x128xf32, #tpu.memory_space<vmem>>)
      %dma_start3A_807 = arith.constant 0 : i32
      %dma_start3A_808 = arith.constant 1 : i32
      %dma_start3A_809 = arith.constant 0 : i32
      %dma_start3A_810 = arith.constant 0 : i32
      %dma_start3A_811 = arith.constant 0 : i32
      %dma_start3A_812 = tpu.memref_slice %arg6[%dma_start3A_809, %dma_start3A_810, %dma_start3A_811] : memref<2x128x128xf32, #tpu.memory_space<vmem>> -> memref<1x128x128xf32, #tpu.memory_space<vmem>>
      %dma_start3A_813 = tpu.memref_squeeze %dma_start3A_812 : memref<1x128x128xf32, #tpu.memory_space<vmem>> -> memref<128x128xf32, #tpu.memory_space<vmem>>
      %dma_start3A_814 = arith.constant 0 : i32
      %dma_start3A_815 = tpu.memref_slice %arg5[%dma_start3A_807, %dma_start3A_808, %dma_start3A_814] : memref<2x6x128xi32, #tpu.memory_space<vmem>> -> memref<1x1x128xi32, #tpu.memory_space<vmem>>
      %dma_start3A_816 = tpu.memref_squeeze %dma_start3A_815 : memref<1x1x128xi32, #tpu.memory_space<vmem>> -> memref<128xi32, #tpu.memory_space<vmem>>
      %dma_start3A_817 = arith.constant 0 : i32
      %dma_start3A_818 = arith.constant 0 : i32
      %dma_start3A_819 = tpu.memref_slice %arg2[%dma_start3A_817, %dma_start3A_818] : memref<200000x128xf32, #tpu.memory_space<hbm>> -> memref<200000x128xf32, #tpu.memory_space<hbm>>
      tpu.enqueue_indirect_dma source(%dma_start3A_819 : memref<200000x128xf32, #tpu.memory_space<hbm>>) target(%dma_start3A_813 : memref<128x128xf32, #tpu.memory_space<vmem>>) offsets(%dma_start3A_816 : memref<128xi32, #tpu.memory_space<vmem>>) semaphore(%arg11 : memref<!tpu.dma_semaphore, #tpu.memory_space<semaphore_mem>>) {add = true}
      %dma_start3A_820 = arith.constant 0 : i32
      %dma_start3A_821 = arith.constant 2 : i32
      %dma_start3A_822 = arith.constant 0 : i32
      %dma_start3A_823 = arith.constant 0 : i32
      %dma_start3A_824 = arith.constant 0 : i32
      %dma_start3A_825 = tpu.memref_slice %arg6[%dma_start3A_822, %dma_start3A_823, %dma_start3A_824] : memref<2x128x128xf32, #tpu.memory_space<vmem>> -> memref<1x128x128xf32, #tpu.memory_space<vmem>>
      %dma_start3A_826 = tpu.memref_squeeze %dma_start3A_825 : memref<1x128x128xf32, #tpu.memory_space<vmem>> -> memref<128x128xf32, #tpu.memory_space<vmem>>
      %dma_start3A_827 = arith.constant 0 : i32
      %dma_start3A_828 = tpu.memref_slice %arg5[%dma_start3A_820, %dma_start3A_821, %dma_start3A_827] : memref<2x6x128xi32, #tpu.memory_space<vmem>> -> memref<1x1x128xi32, #tpu.memory_space<vmem>>
      %dma_start3A_829 = tpu.memref_squeeze %dma_start3A_828 : memref<1x1x128xi32, #tpu.memory_space<vmem>> -> memref<128xi32, #tpu.memory_space<vmem>>
      %dma_start3A_830 = arith.constant 0 : i32
      %dma_start3A_831 = arith.constant 0 : i32
      %dma_start3A_832 = tpu.memref_slice %arg2[%dma_start3A_830, %dma_start3A_831] : memref<200000x128xf32, #tpu.memory_space<hbm>> -> memref<200000x128xf32, #tpu.memory_space<hbm>>
      tpu.enqueue_indirect_dma source(%dma_start3A_832 : memref<200000x128xf32, #tpu.memory_space<hbm>>) target(%dma_start3A_826 : memref<128x128xf32, #tpu.memory_space<vmem>>) offsets(%dma_start3A_829 : memref<128xi32, #tpu.memory_space<vmem>>) semaphore(%arg11 : memref<!tpu.dma_semaphore, #tpu.memory_space<semaphore_mem>>) {add = true}
      %dma_start3A_833 = arith.constant 0 : i32
      %dma_start3A_834 = arith.constant 3 : i32
      %dma_start3A_835 = arith.constant 0 : i32
      %dma_start3A_836 = arith.constant 0 : i32
      %dma_start3A_837 = arith.constant 0 : i32
      %dma_start3A_838 = tpu.memref_slice %arg6[%dma_start3A_835, %dma_start3A_836, %dma_start3A_837] : memref<2x128x128xf32, #tpu.memory_space<vmem>> -> memref<1x128x128xf32, #tpu.memory_space<vmem>>
      %dma_start3A_839 = tpu.memref_squeeze %dma_start3A_838 : memref<1x128x128xf32, #tpu.memory_space<vmem>> -> memref<128x128xf32, #tpu.memory_space<vmem>>
      %dma_start3A_840 = arith.constant 0 : i32
      %dma_start3A_841 = tpu.memref_slice %arg5[%dma_start3A_833, %dma_start3A_834, %dma_start3A_840] : memref<2x6x128xi32, #tpu.memory_space<vmem>> -> memref<1x1x128xi32, #tpu.memory_space<vmem>>
      %dma_start3A_842 = tpu.memref_squeeze %dma_start3A_841 : memref<1x1x128xi32, #tpu.memory_space<vmem>> -> memref<128xi32, #tpu.memory_space<vmem>>
      %dma_start3A_843 = arith.constant 0 : i32
      %dma_start3A_844 = arith.constant 0 : i32
      %dma_start3A_845 = tpu.memref_slice %arg2[%dma_start3A_843, %dma_start3A_844] : memref<200000x128xf32, #tpu.memory_space<hbm>> -> memref<200000x128xf32, #tpu.memory_space<hbm>>
      tpu.enqueue_indirect_dma source(%dma_start3A_845 : memref<200000x128xf32, #tpu.memory_space<hbm>>) target(%dma_start3A_839 : memref<128x128xf32, #tpu.memory_space<vmem>>) offsets(%dma_start3A_842 : memref<128xi32, #tpu.memory_space<vmem>>) semaphore(%arg11 : memref<!tpu.dma_semaphore, #tpu.memory_space<semaphore_mem>>) {add = true}
      %dma_start3A_846 = arith.constant 0 : i32
      %dma_start3A_847 = arith.constant 4 : i32
      %dma_start3A_848 = arith.constant 0 : i32
      %dma_start3A_849 = arith.constant 0 : i32
      %dma_start3A_850 = arith.constant 0 : i32
      %dma_start3A_851 = tpu.memref_slice %arg6[%dma_start3A_848, %dma_start3A_849, %dma_start3A_850] : memref<2x128x128xf32, #tpu.memory_space<vmem>> -> memref<1x128x128xf32, #tpu.memory_space<vmem>>
      %dma_start3A_852 = tpu.memref_squeeze %dma_start3A_851 : memref<1x128x128xf32, #tpu.memory_space<vmem>> -> memref<128x128xf32, #tpu.memory_space<vmem>>
      %dma_start3A_853 = arith.constant 0 : i32
      %dma_start3A_854 = tpu.memref_slice %arg5[%dma_start3A_846, %dma_start3A_847, %dma_start3A_853] : memref<2x6x128xi32, #tpu.memory_space<vmem>> -> memref<1x1x128xi32, #tpu.memory_space<vmem>>
      %dma_start3A_855 = tpu.memref_squeeze %dma_start3A_854 : memref<1x1x128xi32, #tpu.memory_space<vmem>> -> memref<128xi32, #tpu.memory_space<vmem>>
      %dma_start3A_856 = arith.constant 0 : i32
      %dma_start3A_857 = arith.constant 0 : i32
      %dma_start3A_858 = tpu.memref_slice %arg2[%dma_start3A_856, %dma_start3A_857] : memref<200000x128xf32, #tpu.memory_space<hbm>> -> memref<200000x128xf32, #tpu.memory_space<hbm>>
      tpu.enqueue_indirect_dma source(%dma_start3A_858 : memref<200000x128xf32, #tpu.memory_space<hbm>>) target(%dma_start3A_852 : memref<128x128xf32, #tpu.memory_space<vmem>>) offsets(%dma_start3A_855 : memref<128xi32, #tpu.memory_space<vmem>>) semaphore(%arg11 : memref<!tpu.dma_semaphore, #tpu.memory_space<semaphore_mem>>) {add = true}
      %dma_start3A_859 = arith.constant 0 : i32
      %dma_start3A_860 = arith.constant 5 : i32
      %dma_start3A_861 = arith.constant 0 : i32
      %dma_start3A_862 = arith.constant 0 : i32
      %dma_start3A_863 = arith.constant 0 : i32
      %dma_start3A_864 = tpu.memref_slice %arg6[%dma_start3A_861, %dma_start3A_862, %dma_start3A_863] : memref<2x128x128xf32, #tpu.memory_space<vmem>> -> memref<1x128x128xf32, #tpu.memory_space<vmem>>
      %dma_start3A_865 = tpu.memref_squeeze %dma_start3A_864 : memref<1x128x128xf32, #tpu.memory_space<vmem>> -> memref<128x128xf32, #tpu.memory_space<vmem>>
      %dma_start3A_866 = arith.constant 0 : i32
      %dma_start3A_867 = tpu.memref_slice %arg5[%dma_start3A_859, %dma_start3A_860, %dma_start3A_866] : memref<2x6x128xi32, #tpu.memory_space<vmem>> -> memref<1x1x128xi32, #tpu.memory_space<vmem>>
      %dma_start3A_868 = tpu.memref_squeeze %dma_start3A_867 : memref<1x1x128xi32, #tpu.memory_space<vmem>> -> memref<128xi32, #tpu.memory_space<vmem>>
      %dma_start3A_869 = arith.constant 0 : i32
      %dma_start3A_870 = arith.constant 0 : i32
      %dma_start3A_871 = tpu.memref_slice %arg2[%dma_start3A_869, %dma_start3A_870] : memref<200000x128xf32, #tpu.memory_space<hbm>> -> memref<200000x128xf32, #tpu.memory_space<hbm>>
      tpu.enqueue_indirect_dma source(%dma_start3A_871 : memref<200000x128xf32, #tpu.memory_space<hbm>>) target(%dma_start3A_865 : memref<128x128xf32, #tpu.memory_space<vmem>>) offsets(%dma_start3A_868 : memref<128xi32, #tpu.memory_space<vmem>>) semaphore(%arg11 : memref<!tpu.dma_semaphore, #tpu.memory_space<semaphore_mem>>) {add = true}
    }
    %scan3A_114 = arith.constant 24 : i32
    %dma_wait3A_115 = arith.constant 1 : i32
    %dma_wait3A_116 = arith.constant 0 : i32
    %dma_wait3A_117 = arith.constant 0 : i32
    %dma_wait3A_118 = tpu.memref_slice %arg5[%dma_wait3A_115, %dma_wait3A_116, %dma_wait3A_117] : memref<2x6x128xi32, #tpu.memory_space<vmem>> -> memref<1x6x128xi32, #tpu.memory_space<vmem>>
    %dma_wait3A_119 = tpu.memref_squeeze %dma_wait3A_118 : memref<1x6x128xi32, #tpu.memory_space<vmem>> -> memref<6x128xi32, #tpu.memory_space<vmem>>
    %dma_wait3A_120 = arith.constant 0 : i32
    %dma_wait3A_121 = tpu.memref_slice %arg3[%dma_wait3A_120, %mul3A_2] : memref<6x200704xi32, #tpu.memory_space<hbm>> -> memref<6x128xi32, #tpu.memory_space<hbm>>
    %dma_wait3A_122 = arith.constant 0 : i32
    %dma_wait3A_123 = arith.constant 0 : i32
    %dma_wait3A_124 = tpu.memref_slice %arg5[%dma_wait3A_115, %dma_wait3A_122, %dma_wait3A_123] : memref<2x6x128xi32, #tpu.memory_space<vmem>> -> memref<1x6x128xi32, #tpu.memory_space<vmem>>
    %dma_wait3A_125 = tpu.memref_squeeze %dma_wait3A_124 : memref<1x6x128xi32, #tpu.memory_space<vmem>> -> memref<6x128xi32, #tpu.memory_space<vmem>>
    %dma_wait3A_126 = arith.constant 0 : i32
    %dma_wait3A_127 = tpu.memref_slice %arg3[%dma_wait3A_126, %mul3A_2] : memref<6x200704xi32, #tpu.memory_space<hbm>> -> memref<6x128xi32, #tpu.memory_space<hbm>>
    tpu.wait_dma2 semaphore(%arg8 : memref<!tpu.dma_semaphore, #tpu.memory_space<semaphore_mem>>) src(%dma_wait3A_127 : memref<6x128xi32, #tpu.memory_space<hbm>>) dst(%dma_wait3A_125 : memref<6x128xi32, #tpu.memory_space<vmem>>)
    %dma_wait3A_128 = arith.constant 1 : i32
    %dma_wait3A_129 = arith.constant 0 : i32
    %dma_wait3A_130 = arith.constant 0 : i32
    %dma_wait3A_131 = tpu.memref_slice %arg6[%dma_wait3A_128, %dma_wait3A_129, %dma_wait3A_130] : memref<2x128x128xf32, #tpu.memory_space<vmem>> -> memref<1x128x128xf32, #tpu.memory_space<vmem>>
    %dma_wait3A_132 = tpu.memref_squeeze %dma_wait3A_131 : memref<1x128x128xf32, #tpu.memory_space<vmem>> -> memref<128x128xf32, #tpu.memory_space<vmem>>
    %dma_wait3A_133 = arith.constant 0 : i32
    %dma_wait3A_134 = tpu.memref_slice %arg4[%mul3A_2, %dma_wait3A_133] : memref<200704x128xf32, #tpu.memory_space<hbm>> -> memref<128x128xf32, #tpu.memory_space<hbm>>
    %dma_wait3A_135 = arith.constant 0 : i32
    %dma_wait3A_136 = tpu.memref_slice %arg4[%mul3A_2, %dma_wait3A_135] : memref<200704x128xf32, #tpu.memory_space<hbm>> -> memref<128x128xf32, #tpu.memory_space<hbm>>
    %dma_wait3A_137 = arith.constant 0 : i32
    %dma_wait3A_138 = arith.constant 0 : i32
    %dma_wait3A_139 = tpu.memref_slice %arg6[%dma_wait3A_128, %dma_wait3A_137, %dma_wait3A_138] : memref<2x128x128xf32, #tpu.memory_space<vmem>> -> memref<1x128x128xf32, #tpu.memory_space<vmem>>
    %dma_wait3A_140 = tpu.memref_squeeze %dma_wait3A_139 : memref<1x128x128xf32, #tpu.memory_space<vmem>> -> memref<128x128xf32, #tpu.memory_space<vmem>>
    tpu.wait_dma2 semaphore(%arg14 : memref<!tpu.dma_semaphore, #tpu.memory_space<semaphore_mem>>) src(%dma_wait3A_140 : memref<128x128xf32, #tpu.memory_space<vmem>>) dst(%dma_wait3A_136 : memref<128x128xf32, #tpu.memory_space<hbm>>)
    %dma_start3A_141 = arith.constant 1 : i32
    %dma_start3A_142 = arith.constant 0 : i32
    %dma_start3A_143 = arith.constant 1 : i32
    %dma_start3A_144 = arith.constant 0 : i32
    %dma_start3A_145 = arith.constant 0 : i32
    %dma_start3A_146 = tpu.memref_slice %arg6[%dma_start3A_143, %dma_start3A_144, %dma_start3A_145] : memref<2x128x128xf32, #tpu.memory_space<vmem>> -> memref<1x128x128xf32, #tpu.memory_space<vmem>>
    %dma_start3A_147 = tpu.memref_squeeze %dma_start3A_146 : memref<1x128x128xf32, #tpu.memory_space<vmem>> -> memref<128x128xf32, #tpu.memory_space<vmem>>
    %dma_start3A_148 = arith.constant 0 : i32
    %dma_start3A_149 = tpu.memref_slice %arg5[%dma_start3A_141, %dma_start3A_142, %dma_start3A_148] : memref<2x6x128xi32, #tpu.memory_space<vmem>> -> memref<1x1x128xi32, #tpu.memory_space<vmem>>
    %dma_start3A_150 = tpu.memref_squeeze %dma_start3A_149 : memref<1x1x128xi32, #tpu.memory_space<vmem>> -> memref<128xi32, #tpu.memory_space<vmem>>
    %dma_start3A_151 = arith.constant 0 : i32
    %dma_start3A_152 = arith.constant 0 : i32
    %dma_start3A_153 = tpu.memref_slice %arg2[%dma_start3A_151, %dma_start3A_152] : memref<200000x128xf32, #tpu.memory_space<hbm>> -> memref<200000x128xf32, #tpu.memory_space<hbm>>
    tpu.enqueue_indirect_dma source(%dma_start3A_153 : memref<200000x128xf32, #tpu.memory_space<hbm>>) target(%dma_start3A_147 : memref<128x128xf32, #tpu.memory_space<vmem>>) offsets(%dma_start3A_150 : memref<128xi32, #tpu.memory_space<vmem>>) semaphore(%arg10 : memref<!tpu.dma_semaphore, #tpu.memory_space<semaphore_mem>>)
    %dma_wait3A_154 = arith.constant 0 : i32
    %dma_wait3A_155 = arith.constant 0 : i32
    %dma_wait3A_156 = arith.constant 0 : i32
    %dma_wait3A_157 = tpu.memref_slice %arg6[%dma_wait3A_154, %dma_wait3A_155, %dma_wait3A_156] : memref<2x128x128xf32, #tpu.memory_space<vmem>> -> memref<1x128x128xf32, #tpu.memory_space<vmem>>
    %dma_wait3A_158 = tpu.memref_squeeze %dma_wait3A_157 : memref<1x128x128xf32, #tpu.memory_space<vmem>> -> memref<128x128xf32, #tpu.memory_space<vmem>>
    %dma_wait3A_159 = arith.constant 0 : i32
    %dma_wait3A_160 = tpu.memref_slice %arg4[%mul3A_2, %dma_wait3A_159] : memref<200704x128xf32, #tpu.memory_space<hbm>> -> memref<128x128xf32, #tpu.memory_space<hbm>>
    %dma_wait3A_161 = arith.constant 0 : i32
    %dma_wait3A_162 = arith.constant 0 : i32
    %dma_wait3A_163 = tpu.memref_slice %arg6[%dma_wait3A_154, %dma_wait3A_161, %dma_wait3A_162] : memref<2x128x128xf32, #tpu.memory_space<vmem>> -> memref<1x128x128xf32, #tpu.memory_space<vmem>>
    %dma_wait3A_164 = tpu.memref_squeeze %dma_wait3A_163 : memref<1x128x128xf32, #tpu.memory_space<vmem>> -> memref<128x128xf32, #tpu.memory_space<vmem>>
    %dma_wait3A_165 = arith.constant 0 : i32
    %dma_wait3A_166 = tpu.memref_slice %arg4[%mul3A_2, %dma_wait3A_165] : memref<200704x128xf32, #tpu.memory_space<hbm>> -> memref<128x128xf32, #tpu.memory_space<hbm>>
    tpu.wait_dma2 semaphore(%arg11 : memref<!tpu.dma_semaphore, #tpu.memory_space<semaphore_mem>>) src(%dma_wait3A_166 : memref<128x128xf32, #tpu.memory_space<hbm>>) dst(%dma_wait3A_164 : memref<128x128xf32, #tpu.memory_space<vmem>>)
    %dma_wait3A_167 = arith.constant 0 : i32
    %dma_wait3A_168 = arith.constant 0 : i32
    %dma_wait3A_169 = arith.constant 0 : i32
    %dma_wait3A_170 = tpu.memref_slice %arg6[%dma_wait3A_167, %dma_wait3A_168, %dma_wait3A_169] : memref<2x128x128xf32, #tpu.memory_space<vmem>> -> memref<1x128x128xf32, #tpu.memory_space<vmem>>
    %dma_wait3A_171 = tpu.memref_squeeze %dma_wait3A_170 : memref<1x128x128xf32, #tpu.memory_space<vmem>> -> memref<128x128xf32, #tpu.memory_space<vmem>>
    %dma_wait3A_172 = arith.constant 0 : i32
    %dma_wait3A_173 = tpu.memref_slice %arg4[%mul3A_2, %dma_wait3A_172] : memref<200704x128xf32, #tpu.memory_space<hbm>> -> memref<128x128xf32, #tpu.memory_space<hbm>>
    %dma_wait3A_174 = arith.constant 0 : i32
    %dma_wait3A_175 = arith.constant 0 : i32
    %dma_wait3A_176 = tpu.memref_slice %arg6[%dma_wait3A_167, %dma_wait3A_174, %dma_wait3A_175] : memref<2x128x128xf32, #tpu.memory_space<vmem>> -> memref<1x128x128xf32, #tpu.memory_space<vmem>>
    %dma_wait3A_177 = tpu.memref_squeeze %dma_wait3A_176 : memref<1x128x128xf32, #tpu.memory_space<vmem>> -> memref<128x128xf32, #tpu.memory_space<vmem>>
    %dma_wait3A_178 = arith.constant 0 : i32
    %dma_wait3A_179 = tpu.memref_slice %arg4[%mul3A_2, %dma_wait3A_178] : memref<200704x128xf32, #tpu.memory_space<hbm>> -> memref<128x128xf32, #tpu.memory_space<hbm>>
    tpu.wait_dma2 semaphore(%arg11 : memref<!tpu.dma_semaphore, #tpu.memory_space<semaphore_mem>>) src(%dma_wait3A_179 : memref<128x128xf32, #tpu.memory_space<hbm>>) dst(%dma_wait3A_177 : memref<128x128xf32, #tpu.memory_space<vmem>>)
    %dma_wait3A_180 = arith.constant 0 : i32
    %dma_wait3A_181 = arith.constant 0 : i32
    %dma_wait3A_182 = arith.constant 0 : i32
    %dma_wait3A_183 = tpu.memref_slice %arg6[%dma_wait3A_180, %dma_wait3A_181, %dma_wait3A_182] : memref<2x128x128xf32, #tpu.memory_space<vmem>> -> memref<1x128x128xf32, #tpu.memory_space<vmem>>
    %dma_wait3A_184 = tpu.memref_squeeze %dma_wait3A_183 : memref<1x128x128xf32, #tpu.memory_space<vmem>> -> memref<128x128xf32, #tpu.memory_space<vmem>>
    %dma_wait3A_185 = arith.constant 0 : i32
    %dma_wait3A_186 = tpu.memref_slice %arg4[%mul3A_2, %dma_wait3A_185] : memref<200704x128xf32, #tpu.memory_space<hbm>> -> memref<128x128xf32, #tpu.memory_space<hbm>>
    %dma_wait3A_187 = arith.constant 0 : i32
    %dma_wait3A_188 = arith.constant 0 : i32
    %dma_wait3A_189 = tpu.memref_slice %arg6[%dma_wait3A_180, %dma_wait3A_187, %dma_wait3A_188] : memref<2x128x128xf32, #tpu.memory_space<vmem>> -> memref<1x128x128xf32, #tpu.memory_space<vmem>>
    %dma_wait3A_190 = tpu.memref_squeeze %dma_wait3A_189 : memref<1x128x128xf32, #tpu.memory_space<vmem>> -> memref<128x128xf32, #tpu.memory_space<vmem>>
    %dma_wait3A_191 = arith.constant 0 : i32
    %dma_wait3A_192 = tpu.memref_slice %arg4[%mul3A_2, %dma_wait3A_191] : memref<200704x128xf32, #tpu.memory_space<hbm>> -> memref<128x128xf32, #tpu.memory_space<hbm>>
    tpu.wait_dma2 semaphore(%arg11 : memref<!tpu.dma_semaphore, #tpu.memory_space<semaphore_mem>>) src(%dma_wait3A_192 : memref<128x128xf32, #tpu.memory_space<hbm>>) dst(%dma_wait3A_190 : memref<128x128xf32, #tpu.memory_space<vmem>>)
    %dma_wait3A_193 = arith.constant 0 : i32
    %dma_wait3A_194 = arith.constant 0 : i32
    %dma_wait3A_195 = arith.constant 0 : i32
    %dma_wait3A_196 = tpu.memref_slice %arg6[%dma_wait3A_193, %dma_wait3A_194, %dma_wait3A_195] : memref<2x128x128xf32, #tpu.memory_space<vmem>> -> memref<1x128x128xf32, #tpu.memory_space<vmem>>
    %dma_wait3A_197 = tpu.memref_squeeze %dma_wait3A_196 : memref<1x128x128xf32, #tpu.memory_space<vmem>> -> memref<128x128xf32, #tpu.memory_space<vmem>>
    %dma_wait3A_198 = arith.constant 0 : i32
    %dma_wait3A_199 = tpu.memref_slice %arg4[%mul3A_2, %dma_wait3A_198] : memref<200704x128xf32, #tpu.memory_space<hbm>> -> memref<128x128xf32, #tpu.memory_space<hbm>>
    %dma_wait3A_200 = arith.constant 0 : i32
    %dma_wait3A_201 = arith.constant 0 : i32
    %dma_wait3A_202 = tpu.memref_slice %arg6[%dma_wait3A_193, %dma_wait3A_200, %dma_wait3A_201] : memref<2x128x128xf32, #tpu.memory_space<vmem>> -> memref<1x128x128xf32, #tpu.memory_space<vmem>>
    %dma_wait3A_203 = tpu.memref_squeeze %dma_wait3A_202 : memref<1x128x128xf32, #tpu.memory_space<vmem>> -> memref<128x128xf32, #tpu.memory_space<vmem>>
    %dma_wait3A_204 = arith.constant 0 : i32
    %dma_wait3A_205 = tpu.memref_slice %arg4[%mul3A_2, %dma_wait3A_204] : memref<200704x128xf32, #tpu.memory_space<hbm>> -> memref<128x128xf32, #tpu.memory_space<hbm>>
    tpu.wait_dma2 semaphore(%arg11 : memref<!tpu.dma_semaphore, #tpu.memory_space<semaphore_mem>>) src(%dma_wait3A_205 : memref<128x128xf32, #tpu.memory_space<hbm>>) dst(%dma_wait3A_203 : memref<128x128xf32, #tpu.memory_space<vmem>>)
    %dma_wait3A_206 = arith.constant 0 : i32
    %dma_wait3A_207 = arith.constant 0 : i32
    %dma_wait3A_208 = arith.constant 0 : i32
    %dma_wait3A_209 = tpu.memref_slice %arg6[%dma_wait3A_206, %dma_wait3A_207, %dma_wait3A_208] : memref<2x128x128xf32, #tpu.memory_space<vmem>> -> memref<1x128x128xf32, #tpu.memory_space<vmem>>
    %dma_wait3A_210 = tpu.memref_squeeze %dma_wait3A_209 : memref<1x128x128xf32, #tpu.memory_space<vmem>> -> memref<128x128xf32, #tpu.memory_space<vmem>>
    %dma_wait3A_211 = arith.constant 0 : i32
    %dma_wait3A_212 = tpu.memref_slice %arg4[%mul3A_2, %dma_wait3A_211] : memref<200704x128xf32, #tpu.memory_space<hbm>> -> memref<128x128xf32, #tpu.memory_space<hbm>>
    %dma_wait3A_213 = arith.constant 0 : i32
    %dma_wait3A_214 = arith.constant 0 : i32
    %dma_wait3A_215 = tpu.memref_slice %arg6[%dma_wait3A_206, %dma_wait3A_213, %dma_wait3A_214] : memref<2x128x128xf32, #tpu.memory_space<vmem>> -> memref<1x128x128xf32, #tpu.memory_space<vmem>>
    %dma_wait3A_216 = tpu.memref_squeeze %dma_wait3A_215 : memref<1x128x128xf32, #tpu.memory_space<vmem>> -> memref<128x128xf32, #tpu.memory_space<vmem>>
    %dma_wait3A_217 = arith.constant 0 : i32
    %dma_wait3A_218 = tpu.memref_slice %arg4[%mul3A_2, %dma_wait3A_217] : memref<200704x128xf32, #tpu.memory_space<hbm>> -> memref<128x128xf32, #tpu.memory_space<hbm>>
    tpu.wait_dma2 semaphore(%arg11 : memref<!tpu.dma_semaphore, #tpu.memory_space<semaphore_mem>>) src(%dma_wait3A_218 : memref<128x128xf32, #tpu.memory_space<hbm>>) dst(%dma_wait3A_216 : memref<128x128xf32, #tpu.memory_space<vmem>>)
    %min3A_219 = arith.constant 48 : i32
    %min3A_220 = arith.constant 48 : i32
    %min3A_221 = arith.minsi %min3A_219, %min3A_220 : i32
    %mul3A_222 = arith.constant 128 : i32
    %mul3A_223 = arith.muli %mul3A_222, %min3A_221 : i32
    %add3A_224 = arith.addi %mul3A_2, %mul3A_223 : i32
    %multiple_of3A_225 = tpu.assume_multiple %add3A_224, 128 : i32
    %dma_start3A_226 = arith.constant 0 : i32
    %dma_start3A_227 = arith.constant 0 : i32
    %dma_start3A_228 = arith.constant 0 : i32
    %dma_start3A_229 = tpu.memref_slice %arg6[%dma_start3A_226, %dma_start3A_227, %dma_start3A_228] : memref<2x128x128xf32, #tpu.memory_space<vmem>> -> memref<1x128x128xf32, #tpu.memory_space<vmem>>
    %dma_start3A_230 = tpu.memref_squeeze %dma_start3A_229 : memref<1x128x128xf32, #tpu.memory_space<vmem>> -> memref<128x128xf32, #tpu.memory_space<vmem>>
    %dma_start3A_231 = arith.constant 0 : i32
    %dma_start3A_232 = tpu.memref_slice %arg4[%multiple_of3A_225, %dma_start3A_231] : memref<200704x128xf32, #tpu.memory_space<hbm>> -> memref<128x128xf32, #tpu.memory_space<hbm>>
    %dma_start3A_233 = arith.constant 0 : i32
    %dma_start3A_234 = tpu.memref_slice %arg4[%multiple_of3A_225, %dma_start3A_233] : memref<200704x128xf32, #tpu.memory_space<hbm>> -> memref<128x128xf32, #tpu.memory_space<hbm>>
    %dma_start3A_235 = arith.constant 0 : i32
    %dma_start3A_236 = arith.constant 0 : i32
    %dma_start3A_237 = tpu.memref_slice %arg6[%dma_start3A_226, %dma_start3A_235, %dma_start3A_236] : memref<2x128x128xf32, #tpu.memory_space<vmem>> -> memref<1x128x128xf32, #tpu.memory_space<vmem>>
    %dma_start3A_238 = tpu.memref_squeeze %dma_start3A_237 : memref<1x128x128xf32, #tpu.memory_space<vmem>> -> memref<128x128xf32, #tpu.memory_space<vmem>>
    tpu.enqueue_dma source(%dma_start3A_238 : memref<128x128xf32, #tpu.memory_space<vmem>>) target(%dma_start3A_234 : memref<128x128xf32, #tpu.memory_space<hbm>>) target_semaphore(%arg13 : memref<!tpu.dma_semaphore, #tpu.memory_space<semaphore_mem>>)
    %min3A_239 = arith.constant 50 : i32
    %min3A_240 = arith.constant 48 : i32
    %min3A_241 = arith.minsi %min3A_239, %min3A_240 : i32
    %mul3A_242 = arith.constant 128 : i32
    %mul3A_243 = arith.muli %mul3A_242, %min3A_241 : i32
    %add3A_244 = arith.addi %mul3A_2, %mul3A_243 : i32
    %multiple_of3A_245 = tpu.assume_multiple %add3A_244, 128 : i32
    %dma_start3A_246 = arith.constant 0 : i32
    %dma_start3A_247 = arith.constant 0 : i32
    %dma_start3A_248 = arith.constant 0 : i32
    %dma_start3A_249 = tpu.memref_slice %arg5[%dma_start3A_246, %dma_start3A_247, %dma_start3A_248] : memref<2x6x128xi32, #tpu.memory_space<vmem>> -> memref<1x6x128xi32, #tpu.memory_space<vmem>>
    %dma_start3A_250 = tpu.memref_squeeze %dma_start3A_249 : memref<1x6x128xi32, #tpu.memory_space<vmem>> -> memref<6x128xi32, #tpu.memory_space<vmem>>
    %dma_start3A_251 = arith.constant 0 : i32
    %dma_start3A_252 = tpu.memref_slice %arg3[%dma_start3A_251, %multiple_of3A_245] : memref<6x200704xi32, #tpu.memory_space<hbm>> -> memref<6x128xi32, #tpu.memory_space<hbm>>
    %dma_start3A_253 = arith.constant 0 : i32
    %dma_start3A_254 = arith.constant 0 : i32
    %dma_start3A_255 = tpu.memref_slice %arg5[%dma_start3A_246, %dma_start3A_253, %dma_start3A_254] : memref<2x6x128xi32, #tpu.memory_space<vmem>> -> memref<1x6x128xi32, #tpu.memory_space<vmem>>
    %dma_start3A_256 = tpu.memref_squeeze %dma_start3A_255 : memref<1x6x128xi32, #tpu.memory_space<vmem>> -> memref<6x128xi32, #tpu.memory_space<vmem>>
    %dma_start3A_257 = arith.constant 0 : i32
    %dma_start3A_258 = tpu.memref_slice %arg3[%dma_start3A_257, %multiple_of3A_245] : memref<6x200704xi32, #tpu.memory_space<hbm>> -> memref<6x128xi32, #tpu.memory_space<hbm>>
    tpu.enqueue_dma source(%dma_start3A_258 : memref<6x128xi32, #tpu.memory_space<hbm>>) target(%dma_start3A_256 : memref<6x128xi32, #tpu.memory_space<vmem>>) target_semaphore(%arg7 : memref<!tpu.dma_semaphore, #tpu.memory_space<semaphore_mem>>)
    %dma_wait3A_259 = arith.constant 1 : i32
    %dma_wait3A_260 = arith.constant 0 : i32
    %dma_wait3A_261 = arith.constant 0 : i32
    %dma_wait3A_262 = tpu.memref_slice %arg6[%dma_wait3A_259, %dma_wait3A_260, %dma_wait3A_261] : memref<2x128x128xf32, #tpu.memory_space<vmem>> -> memref<1x128x128xf32, #tpu.memory_space<vmem>>
    %dma_wait3A_263 = tpu.memref_squeeze %dma_wait3A_262 : memref<1x128x128xf32, #tpu.memory_space<vmem>> -> memref<128x128xf32, #tpu.memory_space<vmem>>
    %dma_wait3A_264 = arith.constant 0 : i32
    %dma_wait3A_265 = tpu.memref_slice %arg4[%mul3A_2, %dma_wait3A_264] : memref<200704x128xf32, #tpu.memory_space<hbm>> -> memref<128x128xf32, #tpu.memory_space<hbm>>
    %dma_wait3A_266 = arith.constant 0 : i32
    %dma_wait3A_267 = arith.constant 0 : i32
    %dma_wait3A_268 = tpu.memref_slice %arg6[%dma_wait3A_259, %dma_wait3A_266, %dma_wait3A_267] : memref<2x128x128xf32, #tpu.memory_space<vmem>> -> memref<1x128x128xf32, #tpu.memory_space<vmem>>
    %dma_wait3A_269 = tpu.memref_squeeze %dma_wait3A_268 : memref<1x128x128xf32, #tpu.memory_space<vmem>> -> memref<128x128xf32, #tpu.memory_space<vmem>>
    %dma_wait3A_270 = arith.constant 0 : i32
    %dma_wait3A_271 = tpu.memref_slice %arg4[%mul3A_2, %dma_wait3A_270] : memref<200704x128xf32, #tpu.memory_space<hbm>> -> memref<128x128xf32, #tpu.memory_space<hbm>>
    tpu.wait_dma2 semaphore(%arg10 : memref<!tpu.dma_semaphore, #tpu.memory_space<semaphore_mem>>) src(%dma_wait3A_271 : memref<128x128xf32, #tpu.memory_space<hbm>>) dst(%dma_wait3A_269 : memref<128x128xf32, #tpu.memory_space<vmem>>)
    %dma_start3A_272 = arith.constant 1 : i32
    %dma_start3A_273 = arith.constant 1 : i32
    %dma_start3A_274 = arith.constant 1 : i32
    %dma_start3A_275 = arith.constant 0 : i32
    %dma_start3A_276 = arith.constant 0 : i32
    %dma_start3A_277 = tpu.memref_slice %arg6[%dma_start3A_274, %dma_start3A_275, %dma_start3A_276] : memref<2x128x128xf32, #tpu.memory_space<vmem>> -> memref<1x128x128xf32, #tpu.memory_space<vmem>>
    %dma_start3A_278 = tpu.memref_squeeze %dma_start3A_277 : memref<1x128x128xf32, #tpu.memory_space<vmem>> -> memref<128x128xf32, #tpu.memory_space<vmem>>
    %dma_start3A_279 = arith.constant 0 : i32
    %dma_start3A_280 = tpu.memref_slice %arg5[%dma_start3A_272, %dma_start3A_273, %dma_start3A_279] : memref<2x6x128xi32, #tpu.memory_space<vmem>> -> memref<1x1x128xi32, #tpu.memory_space<vmem>>
    %dma_start3A_281 = tpu.memref_squeeze %dma_start3A_280 : memref<1x1x128xi32, #tpu.memory_space<vmem>> -> memref<128xi32, #tpu.memory_space<vmem>>
    %dma_start3A_282 = arith.constant 0 : i32
    %dma_start3A_283 = arith.constant 0 : i32
    %dma_start3A_284 = tpu.memref_slice %arg2[%dma_start3A_282, %dma_start3A_283] : memref<200000x128xf32, #tpu.memory_space<hbm>> -> memref<200000x128xf32, #tpu.memory_space<hbm>>
    tpu.enqueue_indirect_dma source(%dma_start3A_284 : memref<200000x128xf32, #tpu.memory_space<hbm>>) target(%dma_start3A_278 : memref<128x128xf32, #tpu.memory_space<vmem>>) offsets(%dma_start3A_281 : memref<128xi32, #tpu.memory_space<vmem>>) semaphore(%arg12 : memref<!tpu.dma_semaphore, #tpu.memory_space<semaphore_mem>>) {add = true}
    %dma_start3A_285 = arith.constant 1 : i32
    %dma_start3A_286 = arith.constant 2 : i32
    %dma_start3A_287 = arith.constant 1 : i32
    %dma_start3A_288 = arith.constant 0 : i32
    %dma_start3A_289 = arith.constant 0 : i32
    %dma_start3A_290 = tpu.memref_slice %arg6[%dma_start3A_287, %dma_start3A_288, %dma_start3A_289] : memref<2x128x128xf32, #tpu.memory_space<vmem>> -> memref<1x128x128xf32, #tpu.memory_space<vmem>>
    %dma_start3A_291 = tpu.memref_squeeze %dma_start3A_290 : memref<1x128x128xf32, #tpu.memory_space<vmem>> -> memref<128x128xf32, #tpu.memory_space<vmem>>
    %dma_start3A_292 = arith.constant 0 : i32
    %dma_start3A_293 = tpu.memref_slice %arg5[%dma_start3A_285, %dma_start3A_286, %dma_start3A_292] : memref<2x6x128xi32, #tpu.memory_space<vmem>> -> memref<1x1x128xi32, #tpu.memory_space<vmem>>
    %dma_start3A_294 = tpu.memref_squeeze %dma_start3A_293 : memref<1x1x128xi32, #tpu.memory_space<vmem>> -> memref<128xi32, #tpu.memory_space<vmem>>
    %dma_start3A_295 = arith.constant 0 : i32
    %dma_start3A_296 = arith.constant 0 : i32
    %dma_start3A_297 = tpu.memref_slice %arg2[%dma_start3A_295, %dma_start3A_296] : memref<200000x128xf32, #tpu.memory_space<hbm>> -> memref<200000x128xf32, #tpu.memory_space<hbm>>
    tpu.enqueue_indirect_dma source(%dma_start3A_297 : memref<200000x128xf32, #tpu.memory_space<hbm>>) target(%dma_start3A_291 : memref<128x128xf32, #tpu.memory_space<vmem>>) offsets(%dma_start3A_294 : memref<128xi32, #tpu.memory_space<vmem>>) semaphore(%arg12 : memref<!tpu.dma_semaphore, #tpu.memory_space<semaphore_mem>>) {add = true}
    %dma_start3A_298 = arith.constant 1 : i32
    %dma_start3A_299 = arith.constant 3 : i32
    %dma_start3A_300 = arith.constant 1 : i32
    %dma_start3A_301 = arith.constant 0 : i32
    %dma_start3A_302 = arith.constant 0 : i32
    %dma_start3A_303 = tpu.memref_slice %arg6[%dma_start3A_300, %dma_start3A_301, %dma_start3A_302] : memref<2x128x128xf32, #tpu.memory_space<vmem>> -> memref<1x128x128xf32, #tpu.memory_space<vmem>>
    %dma_start3A_304 = tpu.memref_squeeze %dma_start3A_303 : memref<1x128x128xf32, #tpu.memory_space<vmem>> -> memref<128x128xf32, #tpu.memory_space<vmem>>
    %dma_start3A_305 = arith.constant 0 : i32
    %dma_start3A_306 = tpu.memref_slice %arg5[%dma_start3A_298, %dma_start3A_299, %dma_start3A_305] : memref<2x6x128xi32, #tpu.memory_space<vmem>> -> memref<1x1x128xi32, #tpu.memory_space<vmem>>
    %dma_start3A_307 = tpu.memref_squeeze %dma_start3A_306 : memref<1x1x128xi32, #tpu.memory_space<vmem>> -> memref<128xi32, #tpu.memory_space<vmem>>
    %dma_start3A_308 = arith.constant 0 : i32
    %dma_start3A_309 = arith.constant 0 : i32
    %dma_start3A_310 = tpu.memref_slice %arg2[%dma_start3A_308, %dma_start3A_309] : memref<200000x128xf32, #tpu.memory_space<hbm>> -> memref<200000x128xf32, #tpu.memory_space<hbm>>
    tpu.enqueue_indirect_dma source(%dma_start3A_310 : memref<200000x128xf32, #tpu.memory_space<hbm>>) target(%dma_start3A_304 : memref<128x128xf32, #tpu.memory_space<vmem>>) offsets(%dma_start3A_307 : memref<128xi32, #tpu.memory_space<vmem>>) semaphore(%arg12 : memref<!tpu.dma_semaphore, #tpu.memory_space<semaphore_mem>>) {add = true}
    %dma_start3A_311 = arith.constant 1 : i32
    %dma_start3A_312 = arith.constant 4 : i32
    %dma_start3A_313 = arith.constant 1 : i32
    %dma_start3A_314 = arith.constant 0 : i32
    %dma_start3A_315 = arith.constant 0 : i32
    %dma_start3A_316 = tpu.memref_slice %arg6[%dma_start3A_313, %dma_start3A_314, %dma_start3A_315] : memref<2x128x128xf32, #tpu.memory_space<vmem>> -> memref<1x128x128xf32, #tpu.memory_space<vmem>>
    %dma_start3A_317 = tpu.memref_squeeze %dma_start3A_316 : memref<1x128x128xf32, #tpu.memory_space<vmem>> -> memref<128x128xf32, #tpu.memory_space<vmem>>
    %dma_start3A_318 = arith.constant 0 : i32
    %dma_start3A_319 = tpu.memref_slice %arg5[%dma_start3A_311, %dma_start3A_312, %dma_start3A_318] : memref<2x6x128xi32, #tpu.memory_space<vmem>> -> memref<1x1x128xi32, #tpu.memory_space<vmem>>
    %dma_start3A_320 = tpu.memref_squeeze %dma_start3A_319 : memref<1x1x128xi32, #tpu.memory_space<vmem>> -> memref<128xi32, #tpu.memory_space<vmem>>
    %dma_start3A_321 = arith.constant 0 : i32
    %dma_start3A_322 = arith.constant 0 : i32
    %dma_start3A_323 = tpu.memref_slice %arg2[%dma_start3A_321, %dma_start3A_322] : memref<200000x128xf32, #tpu.memory_space<hbm>> -> memref<200000x128xf32, #tpu.memory_space<hbm>>
    tpu.enqueue_indirect_dma source(%dma_start3A_323 : memref<200000x128xf32, #tpu.memory_space<hbm>>) target(%dma_start3A_317 : memref<128x128xf32, #tpu.memory_space<vmem>>) offsets(%dma_start3A_320 : memref<128xi32, #tpu.memory_space<vmem>>) semaphore(%arg12 : memref<!tpu.dma_semaphore, #tpu.memory_space<semaphore_mem>>) {add = true}
    %dma_start3A_324 = arith.constant 1 : i32
    %dma_start3A_325 = arith.constant 5 : i32
    %dma_start3A_326 = arith.constant 1 : i32
    %dma_start3A_327 = arith.constant 0 : i32
    %dma_start3A_328 = arith.constant 0 : i32
    %dma_start3A_329 = tpu.memref_slice %arg6[%dma_start3A_326, %dma_start3A_327, %dma_start3A_328] : memref<2x128x128xf32, #tpu.memory_space<vmem>> -> memref<1x128x128xf32, #tpu.memory_space<vmem>>
    %dma_start3A_330 = tpu.memref_squeeze %dma_start3A_329 : memref<1x128x128xf32, #tpu.memory_space<vmem>> -> memref<128x128xf32, #tpu.memory_space<vmem>>
    %dma_start3A_331 = arith.constant 0 : i32
    %dma_start3A_332 = tpu.memref_slice %arg5[%dma_start3A_324, %dma_start3A_325, %dma_start3A_331] : memref<2x6x128xi32, #tpu.memory_space<vmem>> -> memref<1x1x128xi32, #tpu.memory_space<vmem>>
    %dma_start3A_333 = tpu.memref_squeeze %dma_start3A_332 : memref<1x1x128xi32, #tpu.memory_space<vmem>> -> memref<128xi32, #tpu.memory_space<vmem>>
    %dma_start3A_334 = arith.constant 0 : i32
    %dma_start3A_335 = arith.constant 0 : i32
    %dma_start3A_336 = tpu.memref_slice %arg2[%dma_start3A_334, %dma_start3A_335] : memref<200000x128xf32, #tpu.memory_space<hbm>> -> memref<200000x128xf32, #tpu.memory_space<hbm>>
    tpu.enqueue_indirect_dma source(%dma_start3A_336 : memref<200000x128xf32, #tpu.memory_space<hbm>>) target(%dma_start3A_330 : memref<128x128xf32, #tpu.memory_space<vmem>>) offsets(%dma_start3A_333 : memref<128xi32, #tpu.memory_space<vmem>>) semaphore(%arg12 : memref<!tpu.dma_semaphore, #tpu.memory_space<semaphore_mem>>) {add = true}
    %dma_wait3A_337 = arith.constant 1 : i32
    %dma_wait3A_338 = arith.constant 0 : i32
    %dma_wait3A_339 = arith.constant 0 : i32
    %dma_wait3A_340 = tpu.memref_slice %arg6[%dma_wait3A_337, %dma_wait3A_338, %dma_wait3A_339] : memref<2x128x128xf32, #tpu.memory_space<vmem>> -> memref<1x128x128xf32, #tpu.memory_space<vmem>>
    %dma_wait3A_341 = tpu.memref_squeeze %dma_wait3A_340 : memref<1x128x128xf32, #tpu.memory_space<vmem>> -> memref<128x128xf32, #tpu.memory_space<vmem>>
    %dma_wait3A_342 = arith.constant 0 : i32
    %dma_wait3A_343 = tpu.memref_slice %arg4[%mul3A_2, %dma_wait3A_342] : memref<200704x128xf32, #tpu.memory_space<hbm>> -> memref<128x128xf32, #tpu.memory_space<hbm>>
    %dma_wait3A_344 = arith.constant 0 : i32
    %dma_wait3A_345 = arith.constant 0 : i32
    %dma_wait3A_346 = tpu.memref_slice %arg6[%dma_wait3A_337, %dma_wait3A_344, %dma_wait3A_345] : memref<2x128x128xf32, #tpu.memory_space<vmem>> -> memref<1x128x128xf32, #tpu.memory_space<vmem>>
    %dma_wait3A_347 = tpu.memref_squeeze %dma_wait3A_346 : memref<1x128x128xf32, #tpu.memory_space<vmem>> -> memref<128x128xf32, #tpu.memory_space<vmem>>
    %dma_wait3A_348 = arith.constant 0 : i32
    %dma_wait3A_349 = tpu.memref_slice %arg4[%mul3A_2, %dma_wait3A_348] : memref<200704x128xf32, #tpu.memory_space<hbm>> -> memref<128x128xf32, #tpu.memory_space<hbm>>
    tpu.wait_dma2 semaphore(%arg12 : memref<!tpu.dma_semaphore, #tpu.memory_space<semaphore_mem>>) src(%dma_wait3A_349 : memref<128x128xf32, #tpu.memory_space<hbm>>) dst(%dma_wait3A_347 : memref<128x128xf32, #tpu.memory_space<vmem>>)
    %dma_wait3A_350 = arith.constant 1 : i32
    %dma_wait3A_351 = arith.constant 0 : i32
    %dma_wait3A_352 = arith.constant 0 : i32
    %dma_wait3A_353 = tpu.memref_slice %arg6[%dma_wait3A_350, %dma_wait3A_351, %dma_wait3A_352] : memref<2x128x128xf32, #tpu.memory_space<vmem>> -> memref<1x128x128xf32, #tpu.memory_space<vmem>>
    %dma_wait3A_354 = tpu.memref_squeeze %dma_wait3A_353 : memref<1x128x128xf32, #tpu.memory_space<vmem>> -> memref<128x128xf32, #tpu.memory_space<vmem>>
    %dma_wait3A_355 = arith.constant 0 : i32
    %dma_wait3A_356 = tpu.memref_slice %arg4[%mul3A_2, %dma_wait3A_355] : memref<200704x128xf32, #tpu.memory_space<hbm>> -> memref<128x128xf32, #tpu.memory_space<hbm>>
    %dma_wait3A_357 = arith.constant 0 : i32
    %dma_wait3A_358 = arith.constant 0 : i32
    %dma_wait3A_359 = tpu.memref_slice %arg6[%dma_wait3A_350, %dma_wait3A_357, %dma_wait3A_358] : memref<2x128x128xf32, #tpu.memory_space<vmem>> -> memref<1x128x128xf32, #tpu.memory_space<vmem>>
    %dma_wait3A_360 = tpu.memref_squeeze %dma_wait3A_359 : memref<1x128x128xf32, #tpu.memory_space<vmem>> -> memref<128x128xf32, #tpu.memory_space<vmem>>
    %dma_wait3A_361 = arith.constant 0 : i32
    %dma_wait3A_362 = tpu.memref_slice %arg4[%mul3A_2, %dma_wait3A_361] : memref<200704x128xf32, #tpu.memory_space<hbm>> -> memref<128x128xf32, #tpu.memory_space<hbm>>
    tpu.wait_dma2 semaphore(%arg12 : memref<!tpu.dma_semaphore, #tpu.memory_space<semaphore_mem>>) src(%dma_wait3A_362 : memref<128x128xf32, #tpu.memory_space<hbm>>) dst(%dma_wait3A_360 : memref<128x128xf32, #tpu.memory_space<vmem>>)
    %dma_wait3A_363 = arith.constant 1 : i32
    %dma_wait3A_364 = arith.constant 0 : i32
    %dma_wait3A_365 = arith.constant 0 : i32
    %dma_wait3A_366 = tpu.memref_slice %arg6[%dma_wait3A_363, %dma_wait3A_364, %dma_wait3A_365] : memref<2x128x128xf32, #tpu.memory_space<vmem>> -> memref<1x128x128xf32, #tpu.memory_space<vmem>>
    %dma_wait3A_367 = tpu.memref_squeeze %dma_wait3A_366 : memref<1x128x128xf32, #tpu.memory_space<vmem>> -> memref<128x128xf32, #tpu.memory_space<vmem>>
    %dma_wait3A_368 = arith.constant 0 : i32
    %dma_wait3A_369 = tpu.memref_slice %arg4[%mul3A_2, %dma_wait3A_368] : memref<200704x128xf32, #tpu.memory_space<hbm>> -> memref<128x128xf32, #tpu.memory_space<hbm>>
    %dma_wait3A_370 = arith.constant 0 : i32
    %dma_wait3A_371 = arith.constant 0 : i32
    %dma_wait3A_372 = tpu.memref_slice %arg6[%dma_wait3A_363, %dma_wait3A_370, %dma_wait3A_371] : memref<2x128x128xf32, #tpu.memory_space<vmem>> -> memref<1x128x128xf32, #tpu.memory_space<vmem>>
    %dma_wait3A_373 = tpu.memref_squeeze %dma_wait3A_372 : memref<1x128x128xf32, #tpu.memory_space<vmem>> -> memref<128x128xf32, #tpu.memory_space<vmem>>
    %dma_wait3A_374 = arith.constant 0 : i32
    %dma_wait3A_375 = tpu.memref_slice %arg4[%mul3A_2, %dma_wait3A_374] : memref<200704x128xf32, #tpu.memory_space<hbm>> -> memref<128x128xf32, #tpu.memory_space<hbm>>
    tpu.wait_dma2 semaphore(%arg12 : memref<!tpu.dma_semaphore, #tpu.memory_space<semaphore_mem>>) src(%dma_wait3A_375 : memref<128x128xf32, #tpu.memory_space<hbm>>) dst(%dma_wait3A_373 : memref<128x128xf32, #tpu.memory_space<vmem>>)
    %dma_wait3A_376 = arith.constant 1 : i32
    %dma_wait3A_377 = arith.constant 0 : i32
    %dma_wait3A_378 = arith.constant 0 : i32
    %dma_wait3A_379 = tpu.memref_slice %arg6[%dma_wait3A_376, %dma_wait3A_377, %dma_wait3A_378] : memref<2x128x128xf32, #tpu.memory_space<vmem>> -> memref<1x128x128xf32, #tpu.memory_space<vmem>>
    %dma_wait3A_380 = tpu.memref_squeeze %dma_wait3A_379 : memref<1x128x128xf32, #tpu.memory_space<vmem>> -> memref<128x128xf32, #tpu.memory_space<vmem>>
    %dma_wait3A_381 = arith.constant 0 : i32
    %dma_wait3A_382 = tpu.memref_slice %arg4[%mul3A_2, %dma_wait3A_381] : memref<200704x128xf32, #tpu.memory_space<hbm>> -> memref<128x128xf32, #tpu.memory_space<hbm>>
    %dma_wait3A_383 = arith.constant 0 : i32
    %dma_wait3A_384 = arith.constant 0 : i32
    %dma_wait3A_385 = tpu.memref_slice %arg6[%dma_wait3A_376, %dma_wait3A_383, %dma_wait3A_384] : memref<2x128x128xf32, #tpu.memory_space<vmem>> -> memref<1x128x128xf32, #tpu.memory_space<vmem>>
    %dma_wait3A_386 = tpu.memref_squeeze %dma_wait3A_385 : memref<1x128x128xf32, #tpu.memory_space<vmem>> -> memref<128x128xf32, #tpu.memory_space<vmem>>
    %dma_wait3A_387 = arith.constant 0 : i32
    %dma_wait3A_388 = tpu.memref_slice %arg4[%mul3A_2, %dma_wait3A_387] : memref<200704x128xf32, #tpu.memory_space<hbm>> -> memref<128x128xf32, #tpu.memory_space<hbm>>
    tpu.wait_dma2 semaphore(%arg12 : memref<!tpu.dma_semaphore, #tpu.memory_space<semaphore_mem>>) src(%dma_wait3A_388 : memref<128x128xf32, #tpu.memory_space<hbm>>) dst(%dma_wait3A_386 : memref<128x128xf32, #tpu.memory_space<vmem>>)
    %dma_wait3A_389 = arith.constant 1 : i32
    %dma_wait3A_390 = arith.constant 0 : i32
    %dma_wait3A_391 = arith.constant 0 : i32
    %dma_wait3A_392 = tpu.memref_slice %arg6[%dma_wait3A_389, %dma_wait3A_390, %dma_wait3A_391] : memref<2x128x128xf32, #tpu.memory_space<vmem>> -> memref<1x128x128xf32, #tpu.memory_space<vmem>>
    %dma_wait3A_393 = tpu.memref_squeeze %dma_wait3A_392 : memref<1x128x128xf32, #tpu.memory_space<vmem>> -> memref<128x128xf32, #tpu.memory_space<vmem>>
    %dma_wait3A_394 = arith.constant 0 : i32
    %dma_wait3A_395 = tpu.memref_slice %arg4[%mul3A_2, %dma_wait3A_394] : memref<200704x128xf32, #tpu.memory_space<hbm>> -> memref<128x128xf32, #tpu.memory_space<hbm>>
    %dma_wait3A_396 = arith.constant 0 : i32
    %dma_wait3A_397 = arith.constant 0 : i32
    %dma_wait3A_398 = tpu.memref_slice %arg6[%dma_wait3A_389, %dma_wait3A_396, %dma_wait3A_397] : memref<2x128x128xf32, #tpu.memory_space<vmem>> -> memref<1x128x128xf32, #tpu.memory_space<vmem>>
    %dma_wait3A_399 = tpu.memref_squeeze %dma_wait3A_398 : memref<1x128x128xf32, #tpu.memory_space<vmem>> -> memref<128x128xf32, #tpu.memory_space<vmem>>
    %dma_wait3A_400 = arith.constant 0 : i32
    %dma_wait3A_401 = tpu.memref_slice %arg4[%mul3A_2, %dma_wait3A_400] : memref<200704x128xf32, #tpu.memory_space<hbm>> -> memref<128x128xf32, #tpu.memory_space<hbm>>
    tpu.wait_dma2 semaphore(%arg12 : memref<!tpu.dma_semaphore, #tpu.memory_space<semaphore_mem>>) src(%dma_wait3A_401 : memref<128x128xf32, #tpu.memory_space<hbm>>) dst(%dma_wait3A_399 : memref<128x128xf32, #tpu.memory_space<vmem>>)
    %dma_wait3A_402 = arith.constant 0 : i32
    %dma_wait3A_403 = arith.constant 0 : i32
    %dma_wait3A_404 = arith.constant 0 : i32
    %dma_wait3A_405 = tpu.memref_slice %arg6[%dma_wait3A_402, %dma_wait3A_403, %dma_wait3A_404] : memref<2x128x128xf32, #tpu.memory_space<vmem>> -> memref<1x128x128xf32, #tpu.memory_space<vmem>>
    %dma_wait3A_406 = tpu.memref_squeeze %dma_wait3A_405 : memref<1x128x128xf32, #tpu.memory_space<vmem>> -> memref<128x128xf32, #tpu.memory_space<vmem>>
    %dma_wait3A_407 = arith.constant 0 : i32
    %dma_wait3A_408 = tpu.memref_slice %arg4[%mul3A_2, %dma_wait3A_407] : memref<200704x128xf32, #tpu.memory_space<hbm>> -> memref<128x128xf32, #tpu.memory_space<hbm>>
    %dma_wait3A_409 = arith.constant 0 : i32
    %dma_wait3A_410 = tpu.memref_slice %arg4[%mul3A_2, %dma_wait3A_409] : memref<200704x128xf32, #tpu.memory_space<hbm>> -> memref<128x128xf32, #tpu.memory_space<hbm>>
    %dma_wait3A_411 = arith.constant 0 : i32
    %dma_wait3A_412 = arith.constant 0 : i32
    %dma_wait3A_413 = tpu.memref_slice %arg6[%dma_wait3A_402, %dma_wait3A_411, %dma_wait3A_412] : memref<2x128x128xf32, #tpu.memory_space<vmem>> -> memref<1x128x128xf32, #tpu.memory_space<vmem>>
    %dma_wait3A_414 = tpu.memref_squeeze %dma_wait3A_413 : memref<1x128x128xf32, #tpu.memory_space<vmem>> -> memref<128x128xf32, #tpu.memory_space<vmem>>
    tpu.wait_dma2 semaphore(%arg13 : memref<!tpu.dma_semaphore, #tpu.memory_space<semaphore_mem>>) src(%dma_wait3A_414 : memref<128x128xf32, #tpu.memory_space<vmem>>) dst(%dma_wait3A_410 : memref<128x128xf32, #tpu.memory_space<hbm>>)
    %dma_wait3A_415 = arith.constant 0 : i32
    %dma_wait3A_416 = arith.constant 0 : i32
    %dma_wait3A_417 = arith.constant 0 : i32
    %dma_wait3A_418 = tpu.memref_slice %arg5[%dma_wait3A_415, %dma_wait3A_416, %dma_wait3A_417] : memref<2x6x128xi32, #tpu.memory_space<vmem>> -> memref<1x6x128xi32, #tpu.memory_space<vmem>>
    %dma_wait3A_419 = tpu.memref_squeeze %dma_wait3A_418 : memref<1x6x128xi32, #tpu.memory_space<vmem>> -> memref<6x128xi32, #tpu.memory_space<vmem>>
    %dma_wait3A_420 = arith.constant 0 : i32
    %dma_wait3A_421 = tpu.memref_slice %arg3[%dma_wait3A_420, %mul3A_2] : memref<6x200704xi32, #tpu.memory_space<hbm>> -> memref<6x128xi32, #tpu.memory_space<hbm>>
    %dma_wait3A_422 = arith.constant 0 : i32
    %dma_wait3A_423 = arith.constant 0 : i32
    %dma_wait3A_424 = tpu.memref_slice %arg5[%dma_wait3A_415, %dma_wait3A_422, %dma_wait3A_423] : memref<2x6x128xi32, #tpu.memory_space<vmem>> -> memref<1x6x128xi32, #tpu.memory_space<vmem>>
    %dma_wait3A_425 = tpu.memref_squeeze %dma_wait3A_424 : memref<1x6x128xi32, #tpu.memory_space<vmem>> -> memref<6x128xi32, #tpu.memory_space<vmem>>
    %dma_wait3A_426 = arith.constant 0 : i32
    %dma_wait3A_427 = tpu.memref_slice %arg3[%dma_wait3A_426, %mul3A_2] : memref<6x200704xi32, #tpu.memory_space<hbm>> -> memref<6x128xi32, #tpu.memory_space<hbm>>
    tpu.wait_dma2 semaphore(%arg7 : memref<!tpu.dma_semaphore, #tpu.memory_space<semaphore_mem>>) src(%dma_wait3A_427 : memref<6x128xi32, #tpu.memory_space<hbm>>) dst(%dma_wait3A_425 : memref<6x128xi32, #tpu.memory_space<vmem>>)
    return
  }
}

#map = affine_map<(d0, d1) -> (0, 0)>
module attributes {stable_mosaic.version = 14 : i64} {
  func.func @k(%arg0: i32, %arg1: i32, %arg2: memref<200000x128xf32, #tpu.memory_space<hbm>>, %arg3: memref<6x200704xi32, #tpu.memory_space<hbm>>, %arg4: memref<200704x128xf32, #tpu.memory_space<hbm>>, %arg5: memref<2x6x128xi32, #tpu.memory_space<vmem>>, %arg6: memref<2x128x128xf32, #tpu.memory_space<vmem>>, %arg7: memref<!tpu.dma_semaphore, #tpu.memory_space<semaphore_mem>>, %arg8: memref<!tpu.dma_semaphore, #tpu.memory_space<semaphore_mem>>, %arg9: memref<!tpu.dma_semaphore, #tpu.memory_space<semaphore_mem>>, %arg10: memref<!tpu.dma_semaphore, #tpu.memory_space<semaphore_mem>>, %arg11: memref<!tpu.dma_semaphore, #tpu.memory_space<semaphore_mem>>, %arg12: memref<!tpu.dma_semaphore, #tpu.memory_space<semaphore_mem>>, %arg13: memref<!tpu.dma_semaphore, #tpu.memory_space<semaphore_mem>>, %arg14: memref<!tpu.dma_semaphore, #tpu.memory_space<semaphore_mem>>) attributes {dimension_semantics = [#tpu.dimension_semantics<core_parallel>, #tpu.dimension_semantics<subcore_parallel>], iteration_bounds = array<i64: 2, 16>, scalar_prefetch = 0 : i64, scratch_operands = 10 : i64, tpu.core_type = #tpu.core_type<sc_vector_subcore>, window_params = [{transform_indices = #map}, {transform_indices = #map}, {transform_indices = #map}]} {
    %mul3A = arith.constant 2 : i32
    %mul3A_0 = arith.muli %arg1, %mul3A : i32
    %add3A = arith.addi %mul3A_0, %arg0 : i32
    %mul3A_1 = arith.constant 6272 : i32
    %mul3A_2 = arith.muli %add3A, %mul3A_1 : i32
    %run_scoped3A = arith.constant 0 : i32
    "tpu.region"() ({
      %run_scoped3A_428 = tpu.sem_alloc : memref<!tpu.dma_semaphore, #tpu.memory_space<semaphore_mem>>
      %dma_start3A_429 = arith.constant 0 : i32
      %dma_start3A_430 = arith.constant 0 : i32
      %dma_start3A_431 = tpu.memref_slice %arg5[%run_scoped3A, %dma_start3A_429, %dma_start3A_430] : memref<2x6x128xi32, #tpu.memory_space<vmem>> -> memref<1x6x128xi32, #tpu.memory_space<vmem>>
      %dma_start3A_432 = tpu.memref_squeeze %dma_start3A_431 : memref<1x6x128xi32, #tpu.memory_space<vmem>> -> memref<6x128xi32, #tpu.memory_space<vmem>>
      %dma_start3A_433 = arith.constant 0 : i32
      %dma_start3A_434 = tpu.memref_slice %arg3[%dma_start3A_433, %mul3A_2] : memref<6x200704xi32, #tpu.memory_space<hbm>> -> memref<6x128xi32, #tpu.memory_space<hbm>>
      %dma_start3A_435 = arith.constant 0 : i32
      %dma_start3A_436 = arith.constant 0 : i32
      %dma_start3A_437 = tpu.memref_slice %arg5[%run_scoped3A, %dma_start3A_435, %dma_start3A_436] : memref<2x6x128xi32, #tpu.memory_space<vmem>> -> memref<1x6x128xi32, #tpu.memory_space<vmem>>
      %dma_start3A_438 = tpu.memref_squeeze %dma_start3A_437 : memref<1x6x128xi32, #tpu.memory_space<vmem>> -> memref<6x128xi32, #tpu.memory_space<vmem>>
      %dma_start3A_439 = arith.constant 0 : i32
      %dma_start3A_440 = tpu.memref_slice %arg3[%dma_start3A_439, %mul3A_2] : memref<6x200704xi32, #tpu.memory_space<hbm>> -> memref<6x128xi32, #tpu.memory_space<hbm>>
      tpu.enqueue_dma source(%dma_start3A_440 : memref<6x128xi32, #tpu.memory_space<hbm>>) target(%dma_start3A_438 : memref<6x128xi32, #tpu.memory_space<vmem>>) target_semaphore(%run_scoped3A_428 : memref<!tpu.dma_semaphore, #tpu.memory_space<semaphore_mem>>)
      %dma_wait3A_441 = arith.constant 0 : i32
      %dma_wait3A_442 = arith.constant 0 : i32
      %dma_wait3A_443 = tpu.memref_slice %arg5[%run_scoped3A, %dma_wait3A_441, %dma_wait3A_442] : memref<2x6x128xi32, #tpu.memory_space<vmem>> -> memref<1x6x128xi32, #tpu.memory_space<vmem>>
      %dma_wait3A_444 = tpu.memref_squeeze %dma_wait3A_443 : memref<1x6x128xi32, #tpu.memory_space<vmem>> -> memref<6x128xi32, #tpu.memory_space<vmem>>
      %dma_wait3A_445 = arith.constant 0 : i32
      %dma_wait3A_446 = tpu.memref_slice %arg3[%dma_wait3A_445, %mul3A_2] : memref<6x200704xi32, #tpu.memory_space<hbm>> -> memref<6x128xi32, #tpu.memory_space<hbm>>
      %dma_wait3A_447 = arith.constant 0 : i32
      %dma_wait3A_448 = arith.constant 0 : i32
      %dma_wait3A_449 = tpu.memref_slice %arg5[%run_scoped3A, %dma_wait3A_447, %dma_wait3A_448] : memref<2x6x128xi32, #tpu.memory_space<vmem>> -> memref<1x6x128xi32, #tpu.memory_space<vmem>>
      %dma_wait3A_450 = tpu.memref_squeeze %dma_wait3A_449 : memref<1x6x128xi32, #tpu.memory_space<vmem>> -> memref<6x128xi32, #tpu.memory_space<vmem>>
      %dma_wait3A_451 = arith.constant 0 : i32
      %dma_wait3A_452 = tpu.memref_slice %arg3[%dma_wait3A_451, %mul3A_2] : memref<6x200704xi32, #tpu.memory_space<hbm>> -> memref<6x128xi32, #tpu.memory_space<hbm>>
      tpu.wait_dma2 semaphore(%run_scoped3A_428 : memref<!tpu.dma_semaphore, #tpu.memory_space<semaphore_mem>>) src(%dma_wait3A_452 : memref<6x128xi32, #tpu.memory_space<hbm>>) dst(%dma_wait3A_450 : memref<6x128xi32, #tpu.memory_space<vmem>>)
      tpu.yield
    }) : () -> ()
    %dma_start3A = arith.constant 0 : i32
    %dma_start3A_3 = arith.constant 0 : i32
    %dma_start3A_4 = arith.constant 0 : i32
    %dma_start3A_5 = arith.constant 0 : i32
    %dma_start3A_6 = arith.constant 0 : i32
    %dma_start3A_7 = tpu.memref_slice %arg6[%dma_start3A_4, %dma_start3A_5, %dma_start3A_6] : memref<2x128x128xf32, #tpu.memory_space<vmem>> -> memref<1x128x128xf32, #tpu.memory_space<vmem>>
    %dma_start3A_8 = tpu.memref_squeeze %dma_start3A_7 : memref<1x128x128xf32, #tpu.memory_space<vmem>> -> memref<128x128xf32, #tpu.memory_space<vmem>>
    %dma_start3A_9 = arith.constant 0 : i32
    %dma_start3A_10 = tpu.memref_slice %arg5[%dma_start3A, %dma_start3A_3, %dma_start3A_9] : memref<2x6x128xi32, #tpu.memory_space<vmem>> -> memref<1x1x128xi32, #tpu.memory_space<vmem>>
    %dma_start3A_11 = tpu.memref_squeeze %dma_start3A_10 : memref<1x1x128xi32, #tpu.memory_space<vmem>> -> memref<128xi32, #tpu.memory_space<vmem>>
    %dma_start3A_12 = arith.constant 0 : i32
    %dma_start3A_13 = arith.constant 0 : i32
    %dma_start3A_14 = tpu.memref_slice %arg2[%dma_start3A_12, %dma_start3A_13] : memref<200000x128xf32, #tpu.memory_space<hbm>> -> memref<200000x128xf32, #tpu.memory_space<hbm>>
    tpu.enqueue_indirect_dma source(%dma_start3A_14 : memref<200000x128xf32, #tpu.memory_space<hbm>>) target(%dma_start3A_8 : memref<128x128xf32, #tpu.memory_space<vmem>>) offsets(%dma_start3A_11 : memref<128xi32, #tpu.memory_space<vmem>>) semaphore(%arg9 : memref<!tpu.dma_semaphore, #tpu.memory_space<semaphore_mem>>)
    %dma_wait3A = arith.constant 0 : i32
    %dma_wait3A_15 = arith.constant 0 : i32
    %dma_wait3A_16 = arith.constant 0 : i32
    %dma_wait3A_17 = arith.constant 0 : i32
    %dma_wait3A_18 = arith.constant 0 : i32
    %dma_wait3A_19 = tpu.memref_slice %arg6[%dma_wait3A_16, %dma_wait3A_17, %dma_wait3A_18] : memref<2x128x128xf32, #tpu.memory_space<vmem>> -> memref<1x128x128xf32, #tpu.memory_space<vmem>>
    %dma_wait3A_20 = tpu.memref_squeeze %dma_wait3A_19 : memref<1x128x128xf32, #tpu.memory_space<vmem>> -> memref<128x128xf32, #tpu.memory_space<vmem>>
    %dma_wait3A_21 = arith.constant 0 : i32
    %dma_wait3A_22 = tpu.memref_slice %arg5[%dma_wait3A, %dma_wait3A_15, %dma_wait3A_21] : memref<2x6x128xi32, #tpu.memory_space<vmem>> -> memref<1x1x128xi32, #tpu.memory_space<vmem>>
    %dma_wait3A_23 = tpu.memref_squeeze %dma_wait3A_22 : memref<1x1x128xi32, #tpu.memory_space<vmem>> -> memref<128xi32, #tpu.memory_space<vmem>>
    %dma_wait3A_24 = arith.constant 0 : i32
    %dma_wait3A_25 = arith.constant 0 : i32
    %dma_wait3A_26 = tpu.memref_slice %arg2[%dma_wait3A_24, %dma_wait3A_25] : memref<200000x128xf32, #tpu.memory_space<hbm>> -> memref<200000x128xf32, #tpu.memory_space<hbm>>
    tpu.wait_indirect_dma semaphore(%arg9 : memref<!tpu.dma_semaphore, #tpu.memory_space<semaphore_mem>>) src(%dma_wait3A_26 : memref<200000x128xf32, #tpu.memory_space<hbm>>) dst(%dma_wait3A_20 : memref<128x128xf32, #tpu.memory_space<vmem>>)
    %dma_start3A_27 = arith.constant 0 : i32
    %dma_start3A_28 = arith.constant 1 : i32
    %dma_start3A_29 = arith.constant 0 : i32
    %dma_start3A_30 = arith.constant 0 : i32
    %dma_start3A_31 = arith.constant 0 : i32
    %dma_start3A_32 = tpu.memref_slice %arg6[%dma_start3A_29, %dma_start3A_30, %dma_start3A_31] : memref<2x128x128xf32, #tpu.memory_space<vmem>> -> memref<1x128x128xf32, #tpu.memory_space<vmem>>
    %dma_start3A_33 = tpu.memref_squeeze %dma_start3A_32 : memref<1x128x128xf32, #tpu.memory_space<vmem>> -> memref<128x128xf32, #tpu.memory_space<vmem>>
    %dma_start3A_34 = arith.constant 0 : i32
    %dma_start3A_35 = tpu.memref_slice %arg5[%dma_start3A_27, %dma_start3A_28, %dma_start3A_34] : memref<2x6x128xi32, #tpu.memory_space<vmem>> -> memref<1x1x128xi32, #tpu.memory_space<vmem>>
    %dma_start3A_36 = tpu.memref_squeeze %dma_start3A_35 : memref<1x1x128xi32, #tpu.memory_space<vmem>> -> memref<128xi32, #tpu.memory_space<vmem>>
    %dma_start3A_37 = arith.constant 0 : i32
    %dma_start3A_38 = arith.constant 0 : i32
    %dma_start3A_39 = tpu.memref_slice %arg2[%dma_start3A_37, %dma_start3A_38] : memref<200000x128xf32, #tpu.memory_space<hbm>> -> memref<200000x128xf32, #tpu.memory_space<hbm>>
    tpu.enqueue_indirect_dma source(%dma_start3A_39 : memref<200000x128xf32, #tpu.memory_space<hbm>>) target(%dma_start3A_33 : memref<128x128xf32, #tpu.memory_space<vmem>>) offsets(%dma_start3A_36 : memref<128xi32, #tpu.memory_space<vmem>>) semaphore(%arg11 : memref<!tpu.dma_semaphore, #tpu.memory_space<semaphore_mem>>) {add = true}
    %dma_start3A_40 = arith.constant 0 : i32
    %dma_start3A_41 = arith.constant 2 : i32
    %dma_start3A_42 = arith.constant 0 : i32
    %dma_start3A_43 = arith.constant 0 : i32
    %dma_start3A_44 = arith.constant 0 : i32
    %dma_start3A_45 = tpu.memref_slice %arg6[%dma_start3A_42, %dma_start3A_43, %dma_start3A_44] : memref<2x128x128xf32, #tpu.memory_space<vmem>> -> memref<1x128x128xf32, #tpu.memory_space<vmem>>
    %dma_start3A_46 = tpu.memref_squeeze %dma_start3A_45 : memref<1x128x128xf32, #tpu.memory_space<vmem>> -> memref<128x128xf32, #tpu.memory_space<vmem>>
    %dma_start3A_47 = arith.constant 0 : i32
    %dma_start3A_48 = tpu.memref_slice %arg5[%dma_start3A_40, %dma_start3A_41, %dma_start3A_47] : memref<2x6x128xi32, #tpu.memory_space<vmem>> -> memref<1x1x128xi32, #tpu.memory_space<vmem>>
    %dma_start3A_49 = tpu.memref_squeeze %dma_start3A_48 : memref<1x1x128xi32, #tpu.memory_space<vmem>> -> memref<128xi32, #tpu.memory_space<vmem>>
    %dma_start3A_50 = arith.constant 0 : i32
    %dma_start3A_51 = arith.constant 0 : i32
    %dma_start3A_52 = tpu.memref_slice %arg2[%dma_start3A_50, %dma_start3A_51] : memref<200000x128xf32, #tpu.memory_space<hbm>> -> memref<200000x128xf32, #tpu.memory_space<hbm>>
    tpu.enqueue_indirect_dma source(%dma_start3A_52 : memref<200000x128xf32, #tpu.memory_space<hbm>>) target(%dma_start3A_46 : memref<128x128xf32, #tpu.memory_space<vmem>>) offsets(%dma_start3A_49 : memref<128xi32, #tpu.memory_space<vmem>>) semaphore(%arg11 : memref<!tpu.dma_semaphore, #tpu.memory_space<semaphore_mem>>) {add = true}
    %dma_start3A_53 = arith.constant 0 : i32
    %dma_start3A_54 = arith.constant 3 : i32
    %dma_start3A_55 = arith.constant 0 : i32
    %dma_start3A_56 = arith.constant 0 : i32
    %dma_start3A_57 = arith.constant 0 : i32
    %dma_start3A_58 = tpu.memref_slice %arg6[%dma_start3A_55, %dma_start3A_56, %dma_start3A_57] : memref<2x128x128xf32, #tpu.memory_space<vmem>> -> memref<1x128x128xf32, #tpu.memory_space<vmem>>
    %dma_start3A_59 = tpu.memref_squeeze %dma_start3A_58 : memref<1x128x128xf32, #tpu.memory_space<vmem>> -> memref<128x128xf32, #tpu.memory_space<vmem>>
    %dma_start3A_60 = arith.constant 0 : i32
    %dma_start3A_61 = tpu.memref_slice %arg5[%dma_start3A_53, %dma_start3A_54, %dma_start3A_60] : memref<2x6x128xi32, #tpu.memory_space<vmem>> -> memref<1x1x128xi32, #tpu.memory_space<vmem>>
    %dma_start3A_62 = tpu.memref_squeeze %dma_start3A_61 : memref<1x1x128xi32, #tpu.memory_space<vmem>> -> memref<128xi32, #tpu.memory_space<vmem>>
    %dma_start3A_63 = arith.constant 0 : i32
    %dma_start3A_64 = arith.constant 0 : i32
    %dma_start3A_65 = tpu.memref_slice %arg2[%dma_start3A_63, %dma_start3A_64] : memref<200000x128xf32, #tpu.memory_space<hbm>> -> memref<200000x128xf32, #tpu.memory_space<hbm>>
    tpu.enqueue_indirect_dma source(%dma_start3A_65 : memref<200000x128xf32, #tpu.memory_space<hbm>>) target(%dma_start3A_59 : memref<128x128xf32, #tpu.memory_space<vmem>>) offsets(%dma_start3A_62 : memref<128xi32, #tpu.memory_space<vmem>>) semaphore(%arg11 : memref<!tpu.dma_semaphore, #tpu.memory_space<semaphore_mem>>) {add = true}
    %dma_start3A_66 = arith.constant 0 : i32
    %dma_start3A_67 = arith.constant 4 : i32
    %dma_start3A_68 = arith.constant 0 : i32
    %dma_start3A_69 = arith.constant 0 : i32
    %dma_start3A_70 = arith.constant 0 : i32
    %dma_start3A_71 = tpu.memref_slice %arg6[%dma_start3A_68, %dma_start3A_69, %dma_start3A_70] : memref<2x128x128xf32, #tpu.memory_space<vmem>> -> memref<1x128x128xf32, #tpu.memory_space<vmem>>
    %dma_start3A_72 = tpu.memref_squeeze %dma_start3A_71 : memref<1x128x128xf32, #tpu.memory_space<vmem>> -> memref<128x128xf32, #tpu.memory_space<vmem>>
    %dma_start3A_73 = arith.constant 0 : i32
    %dma_start3A_74 = tpu.memref_slice %arg5[%dma_start3A_66, %dma_start3A_67, %dma_start3A_73] : memref<2x6x128xi32, #tpu.memory_space<vmem>> -> memref<1x1x128xi32, #tpu.memory_space<vmem>>
    %dma_start3A_75 = tpu.memref_squeeze %dma_start3A_74 : memref<1x1x128xi32, #tpu.memory_space<vmem>> -> memref<128xi32, #tpu.memory_space<vmem>>
    %dma_start3A_76 = arith.constant 0 : i32
    %dma_start3A_77 = arith.constant 0 : i32
    %dma_start3A_78 = tpu.memref_slice %arg2[%dma_start3A_76, %dma_start3A_77] : memref<200000x128xf32, #tpu.memory_space<hbm>> -> memref<200000x128xf32, #tpu.memory_space<hbm>>
    tpu.enqueue_indirect_dma source(%dma_start3A_78 : memref<200000x128xf32, #tpu.memory_space<hbm>>) target(%dma_start3A_72 : memref<128x128xf32, #tpu.memory_space<vmem>>) offsets(%dma_start3A_75 : memref<128xi32, #tpu.memory_space<vmem>>) semaphore(%arg11 : memref<!tpu.dma_semaphore, #tpu.memory_space<semaphore_mem>>) {add = true}
    %dma_start3A_79 = arith.constant 0 : i32
    %dma_start3A_80 = arith.constant 5 : i32
    %dma_start3A_81 = arith.constant 0 : i32
    %dma_start3A_82 = arith.constant 0 : i32
    %dma_start3A_83 = arith.constant 0 : i32
    %dma_start3A_84 = tpu.memref_slice %arg6[%dma_start3A_81, %dma_start3A_82, %dma_start3A_83] : memref<2x128x128xf32, #tpu.memory_space<vmem>> -> memref<1x128x128xf32, #tpu.memory_space<vmem>>
    %dma_start3A_85 = tpu.memref_squeeze %dma_start3A_84 : memref<1x128x128xf32, #tpu.memory_space<vmem>> -> memref<128x128xf32, #tpu.memory_space<vmem>>
    %dma_start3A_86 = arith.constant 0 : i32
    %dma_start3A_87 = tpu.memref_slice %arg5[%dma_start3A_79, %dma_start3A_80, %dma_start3A_86] : memref<2x6x128xi32, #tpu.memory_space<vmem>> -> memref<1x1x128xi32, #tpu.memory_space<vmem>>
    %dma_start3A_88 = tpu.memref_squeeze %dma_start3A_87 : memref<1x1x128xi32, #tpu.memory_space<vmem>> -> memref<128xi32, #tpu.memory_space<vmem>>
    %dma_start3A_89 = arith.constant 0 : i32
    %dma_start3A_90 = arith.constant 0 : i32
    %dma_start3A_91 = tpu.memref_slice %arg2[%dma_start3A_89, %dma_start3A_90] : memref<200000x128xf32, #tpu.memory_space<hbm>> -> memref<200000x128xf32, #tpu.memory_space<hbm>>
    tpu.enqueue_indirect_dma source(%dma_start3A_91 : memref<200000x128xf32, #tpu.memory_space<hbm>>) target(%dma_start3A_85 : memref<128x128xf32, #tpu.memory_space<vmem>>) offsets(%dma_start3A_88 : memref<128xi32, #tpu.memory_space<vmem>>) semaphore(%arg11 : memref<!tpu.dma_semaphore, #tpu.memory_space<semaphore_mem>>) {add = true}
    %min3A = arith.constant 1 : i32
    %min3A_92 = arith.constant 48 : i32
    %min3A_93 = arith.minsi %min3A, %min3A_92 : i32
    %mul3A_94 = arith.constant 128 : i32
    %mul3A_95 = arith.muli %mul3A_94, %min3A_93 : i32
    %add3A_96 = arith.addi %mul3A_2, %mul3A_95 : i32
    %multiple_of3A = tpu.assume_multiple %add3A_96, 128 : i32
    %dma_start3A_97 = arith.constant 1 : i32
    %dma_start3A_98 = arith.constant 0 : i32
    %dma_start3A_99 = arith.constant 0 : i32
    %dma_start3A_100 = tpu.memref_slice %arg5[%dma_start3A_97, %dma_start3A_98, %dma_start3A_99] : memref<2x6x128xi32, #tpu.memory_space<vmem>> -> memref<1x6x128xi32, #tpu.memory_space<vmem>>
    %dma_start3A_101 = tpu.memref_squeeze %dma_start3A_100 : memref<1x6x128xi32, #tpu.memory_space<vmem>> -> memref<6x128xi32, #tpu.memory_space<vmem>>
    %dma_start3A_102 = arith.constant 0 : i32
    %dma_start3A_103 = tpu.memref_slice %arg3[%dma_start3A_102, %multiple_of3A] : memref<6x200704xi32, #tpu.memory_space<hbm>> -> memref<6x128xi32, #tpu.memory_space<hbm>>
    %dma_start3A_104 = arith.constant 0 : i32
    %dma_start3A_105 = arith.constant 0 : i32
    %dma_start3A_106 = tpu.memref_slice %arg5[%dma_start3A_97, %dma_start3A_104, %dma_start3A_105] : memref<2x6x128xi32, #tpu.memory_space<vmem>> -> memref<1x6x128xi32, #tpu.memory_space<vmem>>
    %dma_start3A_107 = tpu.memref_squeeze %dma_start3A_106 : memref<1x6x128xi32, #tpu.memory_space<vmem>> -> memref<6x128xi32, #tpu.memory_space<vmem>>
    %dma_start3A_108 = arith.constant 0 : i32
    %dma_start3A_109 = tpu.memref_slice %arg3[%dma_start3A_108, %multiple_of3A] : memref<6x200704xi32, #tpu.memory_space<hbm>> -> memref<6x128xi32, #tpu.memory_space<hbm>>
    tpu.enqueue_dma source(%dma_start3A_109 : memref<6x128xi32, #tpu.memory_space<hbm>>) target(%dma_start3A_107 : memref<6x128xi32, #tpu.memory_space<vmem>>) target_semaphore(%arg8 : memref<!tpu.dma_semaphore, #tpu.memory_space<semaphore_mem>>)
    %scan3A = arith.constant 0 : i32
    %scan3A_110 = arith.constant 0 : i32
    %scan3A_111 = arith.constant 24 : i32
    %scan3A_112 = arith.addi %scan3A_110, %scan3A_111 : i32
    %scan3A_113 = arith.constant 1 : i32
    scf.for %scan3A_428 = %scan3A_110 to %scan3A_112 step %scan3A_113  : i32 {
      %mul3A_429 = arith.constant 2 : i32
      %mul3A_430 = arith.muli %mul3A_429, %scan3A_428 : i32
      %gt3A = arith.constant 0 : i32
      %gt3A_431 = arith.cmpi sgt, %scan3A_428, %gt3A : i32
      %dma_wait3A_432 = arith.constant 1 : i32
      %dma_wait3A_433 = arith.constant 0 : i32
      %dma_wait3A_434 = arith.constant 0 : i32
      %dma_wait3A_435 = tpu.memref_slice %arg5[%dma_wait3A_432, %dma_wait3A_433, %dma_wait3A_434] : memref<2x6x128xi32, #tpu.memory_space<vmem>> -> memref<1x6x128xi32, #tpu.memory_space<vmem>>
      %dma_wait3A_436 = tpu.memref_squeeze %dma_wait3A_435 : memref<1x6x128xi32, #tpu.memory_space<vmem>> -> memref<6x128xi32, #tpu.memory_space<vmem>>
      %dma_wait3A_437 = arith.constant 0 : i32
      %dma_wait3A_438 = tpu.memref_slice %arg3[%dma_wait3A_437, %mul3A_2] : memref<6x200704xi32, #tpu.memory_space<hbm>> -> memref<6x128xi32, #tpu.memory_space<hbm>>
      %dma_wait3A_439 = arith.constant 0 : i32
      %dma_wait3A_440 = arith.constant 0 : i32
      %dma_wait3A_441 = tpu.memref_slice %arg5[%dma_wait3A_432, %dma_wait3A_439, %dma_wait3A_440] : memref<2x6x128xi32, #tpu.memory_space<vmem>> -> memref<1x6x128xi32, #tpu.memory_space<vmem>>
      %dma_wait3A_442 = tpu.memref_squeeze %dma_wait3A_441 : memref<1x6x128xi32, #tpu.memory_space<vmem>> -> memref<6x128xi32, #tpu.memory_space<vmem>>
      %dma_wait3A_443 = arith.constant 0 : i32
      %dma_wait3A_444 = tpu.memref_slice %arg3[%dma_wait3A_443, %mul3A_2] : memref<6x200704xi32, #tpu.memory_space<hbm>> -> memref<6x128xi32, #tpu.memory_space<hbm>>
      tpu.wait_dma2 semaphore(%arg8 : memref<!tpu.dma_semaphore, #tpu.memory_space<semaphore_mem>>) src(%dma_wait3A_444 : memref<6x128xi32, #tpu.memory_space<hbm>>) dst(%dma_wait3A_442 : memref<6x128xi32, #tpu.memory_space<vmem>>)
      %convert_element_type3A = arith.extui %gt3A_431 : i1 to i32
      %cond3A = arith.constant 0 : i32
      %cond3A_445 = arith.cmpi ne, %convert_element_type3A, %cond3A : i32
      scf.if %cond3A_445 {
        %dma_wait3A_872 = arith.constant 1 : i32
        %dma_wait3A_873 = arith.constant 0 : i32
        %dma_wait3A_874 = arith.constant 0 : i32
        %dma_wait3A_875 = tpu.memref_slice %arg6[%dma_wait3A_872, %dma_wait3A_873, %dma_wait3A_874] : memref<2x128x128xf32, #tpu.memory_space<vmem>> -> memref<1x128x128xf32, #tpu.memory_space<vmem>>
        %dma_wait3A_876 = tpu.memref_squeeze %dma_wait3A_875 : memref<1x128x128xf32, #tpu.memory_space<vmem>> -> memref<128x128xf32, #tpu.memory_space<vmem>>
        %dma_wait3A_877 = arith.constant 0 : i32
        %dma_wait3A_878 = tpu.memref_slice %arg4[%mul3A_2, %dma_wait3A_877] : memref<200704x128xf32, #tpu.memory_space<hbm>> -> memref<128x128xf32, #tpu.memory_space<hbm>>
        %dma_wait3A_879 = arith.constant 0 : i32
        %dma_wait3A_880 = tpu.memref_slice %arg4[%mul3A_2, %dma_wait3A_879] : memref<200704x128xf32, #tpu.memory_space<hbm>> -> memref<128x128xf32, #tpu.memory_space<hbm>>
        %dma_wait3A_881 = arith.constant 0 : i32
        %dma_wait3A_882 = arith.constant 0 : i32
        %dma_wait3A_883 = tpu.memref_slice %arg6[%dma_wait3A_872, %dma_wait3A_881, %dma_wait3A_882] : memref<2x128x128xf32, #tpu.memory_space<vmem>> -> memref<1x128x128xf32, #tpu.memory_space<vmem>>
        %dma_wait3A_884 = tpu.memref_squeeze %dma_wait3A_883 : memref<1x128x128xf32, #tpu.memory_space<vmem>> -> memref<128x128xf32, #tpu.memory_space<vmem>>
        tpu.wait_dma2 semaphore(%arg14 : memref<!tpu.dma_semaphore, #tpu.memory_space<semaphore_mem>>) src(%dma_wait3A_884 : memref<128x128xf32, #tpu.memory_space<vmem>>) dst(%dma_wait3A_880 : memref<128x128xf32, #tpu.memory_space<hbm>>)
      } else {
      }
      %add3A_446 = arith.constant 1 : i32
      %add3A_447 = arith.addi %mul3A_430, %add3A_446 : i32
      %dma_start3A_448 = arith.constant 1 : i32
      %dma_start3A_449 = arith.constant 0 : i32
      %dma_start3A_450 = arith.constant 1 : i32
      %dma_start3A_451 = arith.constant 0 : i32
      %dma_start3A_452 = arith.constant 0 : i32
      %dma_start3A_453 = tpu.memref_slice %arg6[%dma_start3A_450, %dma_start3A_451, %dma_start3A_452] : memref<2x128x128xf32, #tpu.memory_space<vmem>> -> memref<1x128x128xf32, #tpu.memory_space<vmem>>
      %dma_start3A_454 = tpu.memref_squeeze %dma_start3A_453 : memref<1x128x128xf32, #tpu.memory_space<vmem>> -> memref<128x128xf32, #tpu.memory_space<vmem>>
      %dma_start3A_455 = arith.constant 0 : i32
      %dma_start3A_456 = tpu.memref_slice %arg5[%dma_start3A_448, %dma_start3A_449, %dma_start3A_455] : memref<2x6x128xi32, #tpu.memory_space<vmem>> -> memref<1x1x128xi32, #tpu.memory_space<vmem>>
      %dma_start3A_457 = tpu.memref_squeeze %dma_start3A_456 : memref<1x1x128xi32, #tpu.memory_space<vmem>> -> memref<128xi32, #tpu.memory_space<vmem>>
      %dma_start3A_458 = arith.constant 0 : i32
      %dma_start3A_459 = arith.constant 0 : i32
      %dma_start3A_460 = tpu.memref_slice %arg2[%dma_start3A_458, %dma_start3A_459] : memref<200000x128xf32, #tpu.memory_space<hbm>> -> memref<200000x128xf32, #tpu.memory_space<hbm>>
      tpu.enqueue_indirect_dma source(%dma_start3A_460 : memref<200000x128xf32, #tpu.memory_space<hbm>>) target(%dma_start3A_454 : memref<128x128xf32, #tpu.memory_space<vmem>>) offsets(%dma_start3A_457 : memref<128xi32, #tpu.memory_space<vmem>>) semaphore(%arg10 : memref<!tpu.dma_semaphore, #tpu.memory_space<semaphore_mem>>)
      %dma_wait3A_461 = arith.constant 0 : i32
      %dma_wait3A_462 = arith.constant 0 : i32
      %dma_wait3A_463 = arith.constant 0 : i32
      %dma_wait3A_464 = tpu.memref_slice %arg6[%dma_wait3A_461, %dma_wait3A_462, %dma_wait3A_463] : memref<2x128x128xf32, #tpu.memory_space<vmem>> -> memref<1x128x128xf32, #tpu.memory_space<vmem>>
      %dma_wait3A_465 = tpu.memref_squeeze %dma_wait3A_464 : memref<1x128x128xf32, #tpu.memory_space<vmem>> -> memref<128x128xf32, #tpu.memory_space<vmem>>
      %dma_wait3A_466 = arith.constant 0 : i32
      %dma_wait3A_467 = tpu.memref_slice %arg4[%mul3A_2, %dma_wait3A_466] : memref<200704x128xf32, #tpu.memory_space<hbm>> -> memref<128x128xf32, #tpu.memory_space<hbm>>
      %dma_wait3A_468 = arith.constant 0 : i32
      %dma_wait3A_469 = arith.constant 0 : i32
      %dma_wait3A_470 = tpu.memref_slice %arg6[%dma_wait3A_461, %dma_wait3A_468, %dma_wait3A_469] : memref<2x128x128xf32, #tpu.memory_space<vmem>> -> memref<1x128x128xf32, #tpu.memory_space<vmem>>
      %dma_wait3A_471 = tpu.memref_squeeze %dma_wait3A_470 : memref<1x128x128xf32, #tpu.memory_space<vmem>> -> memref<128x128xf32, #tpu.memory_space<vmem>>
      %dma_wait3A_472 = arith.constant 0 : i32
      %dma_wait3A_473 = tpu.memref_slice %arg4[%mul3A_2, %dma_wait3A_472] : memref<200704x128xf32, #tpu.memory_space<hbm>> -> memref<128x128xf32, #tpu.memory_space<hbm>>
      tpu.wait_dma2 semaphore(%arg11 : memref<!tpu.dma_semaphore, #tpu.memory_space<semaphore_mem>>) src(%dma_wait3A_473 : memref<128x128xf32, #tpu.memory_space<hbm>>) dst(%dma_wait3A_471 : memref<128x128xf32, #tpu.memory_space<vmem>>)
      %dma_wait3A_474 = arith.constant 0 : i32
      %dma_wait3A_475 = arith.constant 0 : i32
      %dma_wait3A_476 = arith.constant 0 : i32
      %dma_wait3A_477 = tpu.memref_slice %arg6[%dma_wait3A_474, %dma_wait3A_475, %dma_wait3A_476] : memref<2x128x128xf32, #tpu.memory_space<vmem>> -> memref<1x128x128xf32, #tpu.memory_space<vmem>>
      %dma_wait3A_478 = tpu.memref_squeeze %dma_wait3A_477 : memref<1x128x128xf32, #tpu.memory_space<vmem>> -> memref<128x128xf32, #tpu.memory_space<vmem>>
      %dma_wait3A_479 = arith.constant 0 : i32
      %dma_wait3A_480 = tpu.memref_slice %arg4[%mul3A_2, %dma_wait3A_479] : memref<200704x128xf32, #tpu.memory_space<hbm>> -> memref<128x128xf32, #tpu.memory_space<hbm>>
      %dma_wait3A_481 = arith.constant 0 : i32
      %dma_wait3A_482 = arith.constant 0 : i32
      %dma_wait3A_483 = tpu.memref_slice %arg6[%dma_wait3A_474, %dma_wait3A_481, %dma_wait3A_482] : memref<2x128x128xf32, #tpu.memory_space<vmem>> -> memref<1x128x128xf32, #tpu.memory_space<vmem>>
      %dma_wait3A_484 = tpu.memref_squeeze %dma_wait3A_483 : memref<1x128x128xf32, #tpu.memory_space<vmem>> -> memref<128x128xf32, #tpu.memory_space<vmem>>
      %dma_wait3A_485 = arith.constant 0 : i32
      %dma_wait3A_486 = tpu.memref_slice %arg4[%mul3A_2, %dma_wait3A_485] : memref<200704x128xf32, #tpu.memory_space<hbm>> -> memref<128x128xf32, #tpu.memory_space<hbm>>
      tpu.wait_dma2 semaphore(%arg11 : memref<!tpu.dma_semaphore, #tpu.memory_space<semaphore_mem>>) src(%dma_wait3A_486 : memref<128x128xf32, #tpu.memory_space<hbm>>) dst(%dma_wait3A_484 : memref<128x128xf32, #tpu.memory_space<vmem>>)
      %dma_wait3A_487 = arith.constant 0 : i32
      %dma_wait3A_488 = arith.constant 0 : i32
      %dma_wait3A_489 = arith.constant 0 : i32
      %dma_wait3A_490 = tpu.memref_slice %arg6[%dma_wait3A_487, %dma_wait3A_488, %dma_wait3A_489] : memref<2x128x128xf32, #tpu.memory_space<vmem>> -> memref<1x128x128xf32, #tpu.memory_space<vmem>>
      %dma_wait3A_491 = tpu.memref_squeeze %dma_wait3A_490 : memref<1x128x128xf32, #tpu.memory_space<vmem>> -> memref<128x128xf32, #tpu.memory_space<vmem>>
      %dma_wait3A_492 = arith.constant 0 : i32
      %dma_wait3A_493 = tpu.memref_slice %arg4[%mul3A_2, %dma_wait3A_492] : memref<200704x128xf32, #tpu.memory_space<hbm>> -> memref<128x128xf32, #tpu.memory_space<hbm>>
      %dma_wait3A_494 = arith.constant 0 : i32
      %dma_wait3A_495 = arith.constant 0 : i32
      %dma_wait3A_496 = tpu.memref_slice %arg6[%dma_wait3A_487, %dma_wait3A_494, %dma_wait3A_495] : memref<2x128x128xf32, #tpu.memory_space<vmem>> -> memref<1x128x128xf32, #tpu.memory_space<vmem>>
      %dma_wait3A_497 = tpu.memref_squeeze %dma_wait3A_496 : memref<1x128x128xf32, #tpu.memory_space<vmem>> -> memref<128x128xf32, #tpu.memory_space<vmem>>
      %dma_wait3A_498 = arith.constant 0 : i32
      %dma_wait3A_499 = tpu.memref_slice %arg4[%mul3A_2, %dma_wait3A_498] : memref<200704x128xf32, #tpu.memory_space<hbm>> -> memref<128x128xf32, #tpu.memory_space<hbm>>
      tpu.wait_dma2 semaphore(%arg11 : memref<!tpu.dma_semaphore, #tpu.memory_space<semaphore_mem>>) src(%dma_wait3A_499 : memref<128x128xf32, #tpu.memory_space<hbm>>) dst(%dma_wait3A_497 : memref<128x128xf32, #tpu.memory_space<vmem>>)
      %dma_wait3A_500 = arith.constant 0 : i32
      %dma_wait3A_501 = arith.constant 0 : i32
      %dma_wait3A_502 = arith.constant 0 : i32
      %dma_wait3A_503 = tpu.memref_slice %arg6[%dma_wait3A_500, %dma_wait3A_501, %dma_wait3A_502] : memref<2x128x128xf32, #tpu.memory_space<vmem>> -> memref<1x128x128xf32, #tpu.memory_space<vmem>>
      %dma_wait3A_504 = tpu.memref_squeeze %dma_wait3A_503 : memref<1x128x128xf32, #tpu.memory_space<vmem>> -> memref<128x128xf32, #tpu.memory_space<vmem>>
      %dma_wait3A_505 = arith.constant 0 : i32
      %dma_wait3A_506 = tpu.memref_slice %arg4[%mul3A_2, %dma_wait3A_505] : memref<200704x128xf32, #tpu.memory_space<hbm>> -> memref<128x128xf32, #tpu.memory_space<hbm>>
      %dma_wait3A_507 = arith.constant 0 : i32
      %dma_wait3A_508 = arith.constant 0 : i32
      %dma_wait3A_509 = tpu.memref_slice %arg6[%dma_wait3A_500, %dma_wait3A_507, %dma_wait3A_508] : memref<2x128x128xf32, #tpu.memory_space<vmem>> -> memref<1x128x128xf32, #tpu.memory_space<vmem>>
      %dma_wait3A_510 = tpu.memref_squeeze %dma_wait3A_509 : memref<1x128x128xf32, #tpu.memory_space<vmem>> -> memref<128x128xf32, #tpu.memory_space<vmem>>
      %dma_wait3A_511 = arith.constant 0 : i32
      %dma_wait3A_512 = tpu.memref_slice %arg4[%mul3A_2, %dma_wait3A_511] : memref<200704x128xf32, #tpu.memory_space<hbm>> -> memref<128x128xf32, #tpu.memory_space<hbm>>
      tpu.wait_dma2 semaphore(%arg11 : memref<!tpu.dma_semaphore, #tpu.memory_space<semaphore_mem>>) src(%dma_wait3A_512 : memref<128x128xf32, #tpu.memory_space<hbm>>) dst(%dma_wait3A_510 : memref<128x128xf32, #tpu.memory_space<vmem>>)
      %dma_wait3A_513 = arith.constant 0 : i32
      %dma_wait3A_514 = arith.constant 0 : i32
      %dma_wait3A_515 = arith.constant 0 : i32
      %dma_wait3A_516 = tpu.memref_slice %arg6[%dma_wait3A_513, %dma_wait3A_514, %dma_wait3A_515] : memref<2x128x128xf32, #tpu.memory_space<vmem>> -> memref<1x128x128xf32, #tpu.memory_space<vmem>>
      %dma_wait3A_517 = tpu.memref_squeeze %dma_wait3A_516 : memref<1x128x128xf32, #tpu.memory_space<vmem>> -> memref<128x128xf32, #tpu.memory_space<vmem>>
      %dma_wait3A_518 = arith.constant 0 : i32
      %dma_wait3A_519 = tpu.memref_slice %arg4[%mul3A_2, %dma_wait3A_518] : memref<200704x128xf32, #tpu.memory_space<hbm>> -> memref<128x128xf32, #tpu.memory_space<hbm>>
      %dma_wait3A_520 = arith.constant 0 : i32
      %dma_wait3A_521 = arith.constant 0 : i32
      %dma_wait3A_522 = tpu.memref_slice %arg6[%dma_wait3A_513, %dma_wait3A_520, %dma_wait3A_521] : memref<2x128x128xf32, #tpu.memory_space<vmem>> -> memref<1x128x128xf32, #tpu.memory_space<vmem>>
      %dma_wait3A_523 = tpu.memref_squeeze %dma_wait3A_522 : memref<1x128x128xf32, #tpu.memory_space<vmem>> -> memref<128x128xf32, #tpu.memory_space<vmem>>
      %dma_wait3A_524 = arith.constant 0 : i32
      %dma_wait3A_525 = tpu.memref_slice %arg4[%mul3A_2, %dma_wait3A_524] : memref<200704x128xf32, #tpu.memory_space<hbm>> -> memref<128x128xf32, #tpu.memory_space<hbm>>
      tpu.wait_dma2 semaphore(%arg11 : memref<!tpu.dma_semaphore, #tpu.memory_space<semaphore_mem>>) src(%dma_wait3A_525 : memref<128x128xf32, #tpu.memory_space<hbm>>) dst(%dma_wait3A_523 : memref<128x128xf32, #tpu.memory_space<vmem>>)
      %min3A_526 = arith.constant 48 : i32
      %min3A_527 = arith.minsi %mul3A_430, %min3A_526 : i32
      %mul3A_528 = arith.constant 128 : i32
      %mul3A_529 = arith.muli %mul3A_528, %min3A_527 : i32
      %add3A_530 = arith.addi %mul3A_2, %mul3A_529 : i32
      %multiple_of3A_531 = tpu.assume_multiple %add3A_530, 128 : i32
      %dma_start3A_532 = arith.constant 0 : i32
      %dma_start3A_533 = arith.constant 0 : i32
      %dma_start3A_534 = arith.constant 0 : i32
      %dma_start3A_535 = tpu.memref_slice %arg6[%dma_start3A_532, %dma_start3A_533, %dma_start3A_534] : memref<2x128x128xf32, #tpu.memory_space<vmem>> -> memref<1x128x128xf32, #tpu.memory_space<vmem>>
      %dma_start3A_536 = tpu.memref_squeeze %dma_start3A_535 : memref<1x128x128xf32, #tpu.memory_space<vmem>> -> memref<128x128xf32, #tpu.memory_space<vmem>>
      %dma_start3A_537 = arith.constant 0 : i32
      %dma_start3A_538 = tpu.memref_slice %arg4[%multiple_of3A_531, %dma_start3A_537] : memref<200704x128xf32, #tpu.memory_space<hbm>> -> memref<128x128xf32, #tpu.memory_space<hbm>>
      %dma_start3A_539 = arith.constant 0 : i32
      %dma_start3A_540 = tpu.memref_slice %arg4[%multiple_of3A_531, %dma_start3A_539] : memref<200704x128xf32, #tpu.memory_space<hbm>> -> memref<128x128xf32, #tpu.memory_space<hbm>>
      %dma_start3A_541 = arith.constant 0 : i32
      %dma_start3A_542 = arith.constant 0 : i32
      %dma_start3A_543 = tpu.memref_slice %arg6[%dma_start3A_532, %dma_start3A_541, %dma_start3A_542] : memref<2x128x128xf32, #tpu.memory_space<vmem>> -> memref<1x128x128xf32, #tpu.memory_space<vmem>>
      %dma_start3A_544 = tpu.memref_squeeze %dma_start3A_543 : memref<1x128x128xf32, #tpu.memory_space<vmem>> -> memref<128x128xf32, #tpu.memory_space<vmem>>
      tpu.enqueue_dma source(%dma_start3A_544 : memref<128x128xf32, #tpu.memory_space<vmem>>) target(%dma_start3A_540 : memref<128x128xf32, #tpu.memory_space<hbm>>) target_semaphore(%arg13 : memref<!tpu.dma_semaphore, #tpu.memory_space<semaphore_mem>>)
      %add3A_545 = arith.constant 2 : i32
      %add3A_546 = arith.addi %mul3A_430, %add3A_545 : i32
      %min3A_547 = arith.constant 48 : i32
      %min3A_548 = arith.minsi %add3A_546, %min3A_547 : i32
      %mul3A_549 = arith.constant 128 : i32
      %mul3A_550 = arith.muli %mul3A_549, %min3A_548 : i32
      %add3A_551 = arith.addi %mul3A_2, %mul3A_550 : i32
      %multiple_of3A_552 = tpu.assume_multiple %add3A_551, 128 : i32
      %dma_start3A_553 = arith.constant 0 : i32
      %dma_start3A_554 = arith.constant 0 : i32
      %dma_start3A_555 = arith.constant 0 : i32
      %dma_start3A_556 = tpu.memref_slice %arg5[%dma_start3A_553, %dma_start3A_554, %dma_start3A_555] : memref<2x6x128xi32, #tpu.memory_space<vmem>> -> memref<1x6x128xi32, #tpu.memory_space<vmem>>
      %dma_start3A_557 = tpu.memref_squeeze %dma_start3A_556 : memref<1x6x128xi32, #tpu.memory_space<vmem>> -> memref<6x128xi32, #tpu.memory_space<vmem>>
      %dma_start3A_558 = arith.constant 0 : i32
      %dma_start3A_559 = tpu.memref_slice %arg3[%dma_start3A_558, %multiple_of3A_552] : memref<6x200704xi32, #tpu.memory_space<hbm>> -> memref<6x128xi32, #tpu.memory_space<hbm>>
      %dma_start3A_560 = arith.constant 0 : i32
      %dma_start3A_561 = arith.constant 0 : i32
      %dma_start3A_562 = tpu.memref_slice %arg5[%dma_start3A_553, %dma_start3A_560, %dma_start3A_561] : memref<2x6x128xi32, #tpu.memory_space<vmem>> -> memref<1x6x128xi32, #tpu.memory_space<vmem>>
      %dma_start3A_563 = tpu.memref_squeeze %dma_start3A_562 : memref<1x6x128xi32, #tpu.memory_space<vmem>> -> memref<6x128xi32, #tpu.memory_space<vmem>>
      %dma_start3A_564 = arith.constant 0 : i32
      %dma_start3A_565 = tpu.memref_slice %arg3[%dma_start3A_564, %multiple_of3A_552] : memref<6x200704xi32, #tpu.memory_space<hbm>> -> memref<6x128xi32, #tpu.memory_space<hbm>>
      tpu.enqueue_dma source(%dma_start3A_565 : memref<6x128xi32, #tpu.memory_space<hbm>>) target(%dma_start3A_563 : memref<6x128xi32, #tpu.memory_space<vmem>>) target_semaphore(%arg7 : memref<!tpu.dma_semaphore, #tpu.memory_space<semaphore_mem>>)
      %dma_wait3A_566 = arith.constant 1 : i32
      %dma_wait3A_567 = arith.constant 0 : i32
      %dma_wait3A_568 = arith.constant 0 : i32
      %dma_wait3A_569 = tpu.memref_slice %arg6[%dma_wait3A_566, %dma_wait3A_567, %dma_wait3A_568] : memref<2x128x128xf32, #tpu.memory_space<vmem>> -> memref<1x128x128xf32, #tpu.memory_space<vmem>>
      %dma_wait3A_570 = tpu.memref_squeeze %dma_wait3A_569 : memref<1x128x128xf32, #tpu.memory_space<vmem>> -> memref<128x128xf32, #tpu.memory_space<vmem>>
      %dma_wait3A_571 = arith.constant 0 : i32
      %dma_wait3A_572 = tpu.memref_slice %arg4[%mul3A_2, %dma_wait3A_571] : memref<200704x128xf32, #tpu.memory_space<hbm>> -> memref<128x128xf32, #tpu.memory_space<hbm>>
      %dma_wait3A_573 = arith.constant 0 : i32
      %dma_wait3A_574 = arith.constant 0 : i32
      %dma_wait3A_575 = tpu.memref_slice %arg6[%dma_wait3A_566, %dma_wait3A_573, %dma_wait3A_574] : memref<2x128x128xf32, #tpu.memory_space<vmem>> -> memref<1x128x128xf32, #tpu.memory_space<vmem>>
      %dma_wait3A_576 = tpu.memref_squeeze %dma_wait3A_575 : memref<1x128x128xf32, #tpu.memory_space<vmem>> -> memref<128x128xf32, #tpu.memory_space<vmem>>
      %dma_wait3A_577 = arith.constant 0 : i32
      %dma_wait3A_578 = tpu.memref_slice %arg4[%mul3A_2, %dma_wait3A_577] : memref<200704x128xf32, #tpu.memory_space<hbm>> -> memref<128x128xf32, #tpu.memory_space<hbm>>
      tpu.wait_dma2 semaphore(%arg10 : memref<!tpu.dma_semaphore, #tpu.memory_space<semaphore_mem>>) src(%dma_wait3A_578 : memref<128x128xf32, #tpu.memory_space<hbm>>) dst(%dma_wait3A_576 : memref<128x128xf32, #tpu.memory_space<vmem>>)
      %dma_start3A_579 = arith.constant 1 : i32
      %dma_start3A_580 = arith.constant 1 : i32
      %dma_start3A_581 = arith.constant 1 : i32
      %dma_start3A_582 = arith.constant 0 : i32
      %dma_start3A_583 = arith.constant 0 : i32
      %dma_start3A_584 = tpu.memref_slice %arg6[%dma_start3A_581, %dma_start3A_582, %dma_start3A_583] : memref<2x128x128xf32, #tpu.memory_space<vmem>> -> memref<1x128x128xf32, #tpu.memory_space<vmem>>
      %dma_start3A_585 = tpu.memref_squeeze %dma_start3A_584 : memref<1x128x128xf32, #tpu.memory_space<vmem>> -> memref<128x128xf32, #tpu.memory_space<vmem>>
      %dma_start3A_586 = arith.constant 0 : i32
      %dma_start3A_587 = tpu.memref_slice %arg5[%dma_start3A_579, %dma_start3A_580, %dma_start3A_586] : memref<2x6x128xi32, #tpu.memory_space<vmem>> -> memref<1x1x128xi32, #tpu.memory_space<vmem>>
      %dma_start3A_588 = tpu.memref_squeeze %dma_start3A_587 : memref<1x1x128xi32, #tpu.memory_space<vmem>> -> memref<128xi32, #tpu.memory_space<vmem>>
      %dma_start3A_589 = arith.constant 0 : i32
      %dma_start3A_590 = arith.constant 0 : i32
      %dma_start3A_591 = tpu.memref_slice %arg2[%dma_start3A_589, %dma_start3A_590] : memref<200000x128xf32, #tpu.memory_space<hbm>> -> memref<200000x128xf32, #tpu.memory_space<hbm>>
      tpu.enqueue_indirect_dma source(%dma_start3A_591 : memref<200000x128xf32, #tpu.memory_space<hbm>>) target(%dma_start3A_585 : memref<128x128xf32, #tpu.memory_space<vmem>>) offsets(%dma_start3A_588 : memref<128xi32, #tpu.memory_space<vmem>>) semaphore(%arg12 : memref<!tpu.dma_semaphore, #tpu.memory_space<semaphore_mem>>) {add = true}
      %dma_start3A_592 = arith.constant 1 : i32
      %dma_start3A_593 = arith.constant 2 : i32
      %dma_start3A_594 = arith.constant 1 : i32
      %dma_start3A_595 = arith.constant 0 : i32
      %dma_start3A_596 = arith.constant 0 : i32
      %dma_start3A_597 = tpu.memref_slice %arg6[%dma_start3A_594, %dma_start3A_595, %dma_start3A_596] : memref<2x128x128xf32, #tpu.memory_space<vmem>> -> memref<1x128x128xf32, #tpu.memory_space<vmem>>
      %dma_start3A_598 = tpu.memref_squeeze %dma_start3A_597 : memref<1x128x128xf32, #tpu.memory_space<vmem>> -> memref<128x128xf32, #tpu.memory_space<vmem>>
      %dma_start3A_599 = arith.constant 0 : i32
      %dma_start3A_600 = tpu.memref_slice %arg5[%dma_start3A_592, %dma_start3A_593, %dma_start3A_599] : memref<2x6x128xi32, #tpu.memory_space<vmem>> -> memref<1x1x128xi32, #tpu.memory_space<vmem>>
      %dma_start3A_601 = tpu.memref_squeeze %dma_start3A_600 : memref<1x1x128xi32, #tpu.memory_space<vmem>> -> memref<128xi32, #tpu.memory_space<vmem>>
      %dma_start3A_602 = arith.constant 0 : i32
      %dma_start3A_603 = arith.constant 0 : i32
      %dma_start3A_604 = tpu.memref_slice %arg2[%dma_start3A_602, %dma_start3A_603] : memref<200000x128xf32, #tpu.memory_space<hbm>> -> memref<200000x128xf32, #tpu.memory_space<hbm>>
      tpu.enqueue_indirect_dma source(%dma_start3A_604 : memref<200000x128xf32, #tpu.memory_space<hbm>>) target(%dma_start3A_598 : memref<128x128xf32, #tpu.memory_space<vmem>>) offsets(%dma_start3A_601 : memref<128xi32, #tpu.memory_space<vmem>>) semaphore(%arg12 : memref<!tpu.dma_semaphore, #tpu.memory_space<semaphore_mem>>) {add = true}
      %dma_start3A_605 = arith.constant 1 : i32
      %dma_start3A_606 = arith.constant 3 : i32
      %dma_start3A_607 = arith.constant 1 : i32
      %dma_start3A_608 = arith.constant 0 : i32
      %dma_start3A_609 = arith.constant 0 : i32
      %dma_start3A_610 = tpu.memref_slice %arg6[%dma_start3A_607, %dma_start3A_608, %dma_start3A_609] : memref<2x128x128xf32, #tpu.memory_space<vmem>> -> memref<1x128x128xf32, #tpu.memory_space<vmem>>
      %dma_start3A_611 = tpu.memref_squeeze %dma_start3A_610 : memref<1x128x128xf32, #tpu.memory_space<vmem>> -> memref<128x128xf32, #tpu.memory_space<vmem>>
      %dma_start3A_612 = arith.constant 0 : i32
      %dma_start3A_613 = tpu.memref_slice %arg5[%dma_start3A_605, %dma_start3A_606, %dma_start3A_612] : memref<2x6x128xi32, #tpu.memory_space<vmem>> -> memref<1x1x128xi32, #tpu.memory_space<vmem>>
      %dma_start3A_614 = tpu.memref_squeeze %dma_start3A_613 : memref<1x1x128xi32, #tpu.memory_space<vmem>> -> memref<128xi32, #tpu.memory_space<vmem>>
      %dma_start3A_615 = arith.constant 0 : i32
      %dma_start3A_616 = arith.constant 0 : i32
      %dma_start3A_617 = tpu.memref_slice %arg2[%dma_start3A_615, %dma_start3A_616] : memref<200000x128xf32, #tpu.memory_space<hbm>> -> memref<200000x128xf32, #tpu.memory_space<hbm>>
      tpu.enqueue_indirect_dma source(%dma_start3A_617 : memref<200000x128xf32, #tpu.memory_space<hbm>>) target(%dma_start3A_611 : memref<128x128xf32, #tpu.memory_space<vmem>>) offsets(%dma_start3A_614 : memref<128xi32, #tpu.memory_space<vmem>>) semaphore(%arg12 : memref<!tpu.dma_semaphore, #tpu.memory_space<semaphore_mem>>) {add = true}
      %dma_start3A_618 = arith.constant 1 : i32
      %dma_start3A_619 = arith.constant 4 : i32
      %dma_start3A_620 = arith.constant 1 : i32
      %dma_start3A_621 = arith.constant 0 : i32
      %dma_start3A_622 = arith.constant 0 : i32
      %dma_start3A_623 = tpu.memref_slice %arg6[%dma_start3A_620, %dma_start3A_621, %dma_start3A_622] : memref<2x128x128xf32, #tpu.memory_space<vmem>> -> memref<1x128x128xf32, #tpu.memory_space<vmem>>
      %dma_start3A_624 = tpu.memref_squeeze %dma_start3A_623 : memref<1x128x128xf32, #tpu.memory_space<vmem>> -> memref<128x128xf32, #tpu.memory_space<vmem>>
      %dma_start3A_625 = arith.constant 0 : i32
      %dma_start3A_626 = tpu.memref_slice %arg5[%dma_start3A_618, %dma_start3A_619, %dma_start3A_625] : memref<2x6x128xi32, #tpu.memory_space<vmem>> -> memref<1x1x128xi32, #tpu.memory_space<vmem>>
      %dma_start3A_627 = tpu.memref_squeeze %dma_start3A_626 : memref<1x1x128xi32, #tpu.memory_space<vmem>> -> memref<128xi32, #tpu.memory_space<vmem>>
      %dma_start3A_628 = arith.constant 0 : i32
      %dma_start3A_629 = arith.constant 0 : i32
      %dma_start3A_630 = tpu.memref_slice %arg2[%dma_start3A_628, %dma_start3A_629] : memref<200000x128xf32, #tpu.memory_space<hbm>> -> memref<200000x128xf32, #tpu.memory_space<hbm>>
      tpu.enqueue_indirect_dma source(%dma_start3A_630 : memref<200000x128xf32, #tpu.memory_space<hbm>>) target(%dma_start3A_624 : memref<128x128xf32, #tpu.memory_space<vmem>>) offsets(%dma_start3A_627 : memref<128xi32, #tpu.memory_space<vmem>>) semaphore(%arg12 : memref<!tpu.dma_semaphore, #tpu.memory_space<semaphore_mem>>) {add = true}
      %dma_start3A_631 = arith.constant 1 : i32
      %dma_start3A_632 = arith.constant 5 : i32
      %dma_start3A_633 = arith.constant 1 : i32
      %dma_start3A_634 = arith.constant 0 : i32
      %dma_start3A_635 = arith.constant 0 : i32
      %dma_start3A_636 = tpu.memref_slice %arg6[%dma_start3A_633, %dma_start3A_634, %dma_start3A_635] : memref<2x128x128xf32, #tpu.memory_space<vmem>> -> memref<1x128x128xf32, #tpu.memory_space<vmem>>
      %dma_start3A_637 = tpu.memref_squeeze %dma_start3A_636 : memref<1x128x128xf32, #tpu.memory_space<vmem>> -> memref<128x128xf32, #tpu.memory_space<vmem>>
      %dma_start3A_638 = arith.constant 0 : i32
      %dma_start3A_639 = tpu.memref_slice %arg5[%dma_start3A_631, %dma_start3A_632, %dma_start3A_638] : memref<2x6x128xi32, #tpu.memory_space<vmem>> -> memref<1x1x128xi32, #tpu.memory_space<vmem>>
      %dma_start3A_640 = tpu.memref_squeeze %dma_start3A_639 : memref<1x1x128xi32, #tpu.memory_space<vmem>> -> memref<128xi32, #tpu.memory_space<vmem>>
      %dma_start3A_641 = arith.constant 0 : i32
      %dma_start3A_642 = arith.constant 0 : i32
      %dma_start3A_643 = tpu.memref_slice %arg2[%dma_start3A_641, %dma_start3A_642] : memref<200000x128xf32, #tpu.memory_space<hbm>> -> memref<200000x128xf32, #tpu.memory_space<hbm>>
      tpu.enqueue_indirect_dma source(%dma_start3A_643 : memref<200000x128xf32, #tpu.memory_space<hbm>>) target(%dma_start3A_637 : memref<128x128xf32, #tpu.memory_space<vmem>>) offsets(%dma_start3A_640 : memref<128xi32, #tpu.memory_space<vmem>>) semaphore(%arg12 : memref<!tpu.dma_semaphore, #tpu.memory_space<semaphore_mem>>) {add = true}
      %mul3A_644 = arith.constant 2 : i32
      %mul3A_645 = arith.muli %mul3A_644, %scan3A_428 : i32
      %add3A_646 = arith.constant 1 : i32
      %add3A_647 = arith.addi %mul3A_645, %add3A_646 : i32
      %dma_wait3A_648 = arith.constant 0 : i32
      %dma_wait3A_649 = arith.constant 0 : i32
      %dma_wait3A_650 = arith.constant 0 : i32
      %dma_wait3A_651 = tpu.memref_slice %arg5[%dma_wait3A_648, %dma_wait3A_649, %dma_wait3A_650] : memref<2x6x128xi32, #tpu.memory_space<vmem>> -> memref<1x6x128xi32, #tpu.memory_space<vmem>>
      %dma_wait3A_652 = tpu.memref_squeeze %dma_wait3A_651 : memref<1x6x128xi32, #tpu.memory_space<vmem>> -> memref<6x128xi32, #tpu.memory_space<vmem>>
      %dma_wait3A_653 = arith.constant 0 : i32
      %dma_wait3A_654 = tpu.memref_slice %arg3[%dma_wait3A_653, %mul3A_2] : memref<6x200704xi32, #tpu.memory_space<hbm>> -> memref<6x128xi32, #tpu.memory_space<hbm>>
      %dma_wait3A_655 = arith.constant 0 : i32
      %dma_wait3A_656 = arith.constant 0 : i32
      %dma_wait3A_657 = tpu.memref_slice %arg5[%dma_wait3A_648, %dma_wait3A_655, %dma_wait3A_656] : memref<2x6x128xi32, #tpu.memory_space<vmem>> -> memref<1x6x128xi32, #tpu.memory_space<vmem>>
      %dma_wait3A_658 = tpu.memref_squeeze %dma_wait3A_657 : memref<1x6x128xi32, #tpu.memory_space<vmem>> -> memref<6x128xi32, #tpu.memory_space<vmem>>
      %dma_wait3A_659 = arith.constant 0 : i32
      %dma_wait3A_660 = tpu.memref_slice %arg3[%dma_wait3A_659, %mul3A_2] : memref<6x200704xi32, #tpu.memory_space<hbm>> -> memref<6x128xi32, #tpu.memory_space<hbm>>
      tpu.wait_dma2 semaphore(%arg7 : memref<!tpu.dma_semaphore, #tpu.memory_space<semaphore_mem>>) src(%dma_wait3A_660 : memref<6x128xi32, #tpu.memory_space<hbm>>) dst(%dma_wait3A_658 : memref<6x128xi32, #tpu.memory_space<vmem>>)
      %dma_wait3A_661 = arith.constant 0 : i32
      %dma_wait3A_662 = arith.constant 0 : i32
      %dma_wait3A_663 = arith.constant 0 : i32
      %dma_wait3A_664 = tpu.memref_slice %arg6[%dma_wait3A_661, %dma_wait3A_662, %dma_wait3A_663] : memref<2x128x128xf32, #tpu.memory_space<vmem>> -> memref<1x128x128xf32, #tpu.memory_space<vmem>>
      %dma_wait3A_665 = tpu.memref_squeeze %dma_wait3A_664 : memref<1x128x128xf32, #tpu.memory_space<vmem>> -> memref<128x128xf32, #tpu.memory_space<vmem>>
      %dma_wait3A_666 = arith.constant 0 : i32
      %dma_wait3A_667 = tpu.memref_slice %arg4[%mul3A_2, %dma_wait3A_666] : memref<200704x128xf32, #tpu.memory_space<hbm>> -> memref<128x128xf32, #tpu.memory_space<hbm>>
      %dma_wait3A_668 = arith.constant 0 : i32
      %dma_wait3A_669 = tpu.memref_slice %arg4[%mul3A_2, %dma_wait3A_668] : memref<200704x128xf32, #tpu.memory_space<hbm>> -> memref<128x128xf32, #tpu.memory_space<hbm>>
      %dma_wait3A_670 = arith.constant 0 : i32
      %dma_wait3A_671 = arith.constant 0 : i32
      %dma_wait3A_672 = tpu.memref_slice %arg6[%dma_wait3A_661, %dma_wait3A_670, %dma_wait3A_671] : memref<2x128x128xf32, #tpu.memory_space<vmem>> -> memref<1x128x128xf32, #tpu.memory_space<vmem>>
      %dma_wait3A_673 = tpu.memref_squeeze %dma_wait3A_672 : memref<1x128x128xf32, #tpu.memory_space<vmem>> -> memref<128x128xf32, #tpu.memory_space<vmem>>
      tpu.wait_dma2 semaphore(%arg13 : memref<!tpu.dma_semaphore, #tpu.memory_space<semaphore_mem>>) src(%dma_wait3A_673 : memref<128x128xf32, #tpu.memory_space<vmem>>) dst(%dma_wait3A_669 : memref<128x128xf32, #tpu.memory_space<hbm>>)
      %add3A_674 = arith.constant 1 : i32
      %add3A_675 = arith.addi %add3A_647, %add3A_674 : i32
      %dma_start3A_676 = arith.constant 0 : i32
      %dma_start3A_677 = arith.constant 0 : i32
      %dma_start3A_678 = arith.constant 0 : i32
      %dma_start3A_679 = arith.constant 0 : i32
      %dma_start3A_680 = arith.constant 0 : i32
      %dma_start3A_681 = tpu.memref_slice %arg6[%dma_start3A_678, %dma_start3A_679, %dma_start3A_680] : memref<2x128x128xf32, #tpu.memory_space<vmem>> -> memref<1x128x128xf32, #tpu.memory_space<vmem>>
      %dma_start3A_682 = tpu.memref_squeeze %dma_start3A_681 : memref<1x128x128xf32, #tpu.memory_space<vmem>> -> memref<128x128xf32, #tpu.memory_space<vmem>>
      %dma_start3A_683 = arith.constant 0 : i32
      %dma_start3A_684 = tpu.memref_slice %arg5[%dma_start3A_676, %dma_start3A_677, %dma_start3A_683] : memref<2x6x128xi32, #tpu.memory_space<vmem>> -> memref<1x1x128xi32, #tpu.memory_space<vmem>>
      %dma_start3A_685 = tpu.memref_squeeze %dma_start3A_684 : memref<1x1x128xi32, #tpu.memory_space<vmem>> -> memref<128xi32, #tpu.memory_space<vmem>>
      %dma_start3A_686 = arith.constant 0 : i32
      %dma_start3A_687 = arith.constant 0 : i32
      %dma_start3A_688 = tpu.memref_slice %arg2[%dma_start3A_686, %dma_start3A_687] : memref<200000x128xf32, #tpu.memory_space<hbm>> -> memref<200000x128xf32, #tpu.memory_space<hbm>>
      tpu.enqueue_indirect_dma source(%dma_start3A_688 : memref<200000x128xf32, #tpu.memory_space<hbm>>) target(%dma_start3A_682 : memref<128x128xf32, #tpu.memory_space<vmem>>) offsets(%dma_start3A_685 : memref<128xi32, #tpu.memory_space<vmem>>) semaphore(%arg9 : memref<!tpu.dma_semaphore, #tpu.memory_space<semaphore_mem>>)
      %dma_wait3A_689 = arith.constant 1 : i32
      %dma_wait3A_690 = arith.constant 0 : i32
      %dma_wait3A_691 = arith.constant 0 : i32
      %dma_wait3A_692 = tpu.memref_slice %arg6[%dma_wait3A_689, %dma_wait3A_690, %dma_wait3A_691] : memref<2x128x128xf32, #tpu.memory_space<vmem>> -> memref<1x128x128xf32, #tpu.memory_space<vmem>>
      %dma_wait3A_693 = tpu.memref_squeeze %dma_wait3A_692 : memref<1x128x128xf32, #tpu.memory_space<vmem>> -> memref<128x128xf32, #tpu.memory_space<vmem>>
      %dma_wait3A_694 = arith.constant 0 : i32
      %dma_wait3A_695 = tpu.memref_slice %arg4[%mul3A_2, %dma_wait3A_694] : memref<200704x128xf32, #tpu.memory_space<hbm>> -> memref<128x128xf32, #tpu.memory_space<hbm>>
      %dma_wait3A_696 = arith.constant 0 : i32
      %dma_wait3A_697 = arith.constant 0 : i32
      %dma_wait3A_698 = tpu.memref_slice %arg6[%dma_wait3A_689, %dma_wait3A_696, %dma_wait3A_697] : memref<2x128x128xf32, #tpu.memory_space<vmem>> -> memref<1x128x128xf32, #tpu.memory_space<vmem>>
      %dma_wait3A_699 = tpu.memref_squeeze %dma_wait3A_698 : memref<1x128x128xf32, #tpu.memory_space<vmem>> -> memref<128x128xf32, #tpu.memory_space<vmem>>
      %dma_wait3A_700 = arith.constant 0 : i32
      %dma_wait3A_701 = tpu.memref_slice %arg4[%mul3A_2, %dma_wait3A_700] : memref<200704x128xf32, #tpu.memory_space<hbm>> -> memref<128x128xf32, #tpu.memory_space<hbm>>
      tpu.wait_dma2 semaphore(%arg12 : memref<!tpu.dma_semaphore, #tpu.memory_space<semaphore_mem>>) src(%dma_wait3A_701 : memref<128x128xf32, #tpu.memory_space<hbm>>) dst(%dma_wait3A_699 : memref<128x128xf32, #tpu.memory_space<vmem>>)
      %dma_wait3A_702 = arith.constant 1 : i32
      %dma_wait3A_703 = arith.constant 0 : i32
      %dma_wait3A_704 = arith.constant 0 : i32
      %dma_wait3A_705 = tpu.memref_slice %arg6[%dma_wait3A_702, %dma_wait3A_703, %dma_wait3A_704] : memref<2x128x128xf32, #tpu.memory_space<vmem>> -> memref<1x128x128xf32, #tpu.memory_space<vmem>>
      %dma_wait3A_706 = tpu.memref_squeeze %dma_wait3A_705 : memref<1x128x128xf32, #tpu.memory_space<vmem>> -> memref<128x128xf32, #tpu.memory_space<vmem>>
      %dma_wait3A_707 = arith.constant 0 : i32
      %dma_wait3A_708 = tpu.memref_slice %arg4[%mul3A_2, %dma_wait3A_707] : memref<200704x128xf32, #tpu.memory_space<hbm>> -> memref<128x128xf32, #tpu.memory_space<hbm>>
      %dma_wait3A_709 = arith.constant 0 : i32
      %dma_wait3A_710 = arith.constant 0 : i32
      %dma_wait3A_711 = tpu.memref_slice %arg6[%dma_wait3A_702, %dma_wait3A_709, %dma_wait3A_710] : memref<2x128x128xf32, #tpu.memory_space<vmem>> -> memref<1x128x128xf32, #tpu.memory_space<vmem>>
      %dma_wait3A_712 = tpu.memref_squeeze %dma_wait3A_711 : memref<1x128x128xf32, #tpu.memory_space<vmem>> -> memref<128x128xf32, #tpu.memory_space<vmem>>
      %dma_wait3A_713 = arith.constant 0 : i32
      %dma_wait3A_714 = tpu.memref_slice %arg4[%mul3A_2, %dma_wait3A_713] : memref<200704x128xf32, #tpu.memory_space<hbm>> -> memref<128x128xf32, #tpu.memory_space<hbm>>
      tpu.wait_dma2 semaphore(%arg12 : memref<!tpu.dma_semaphore, #tpu.memory_space<semaphore_mem>>) src(%dma_wait3A_714 : memref<128x128xf32, #tpu.memory_space<hbm>>) dst(%dma_wait3A_712 : memref<128x128xf32, #tpu.memory_space<vmem>>)
      %dma_wait3A_715 = arith.constant 1 : i32
      %dma_wait3A_716 = arith.constant 0 : i32
      %dma_wait3A_717 = arith.constant 0 : i32
      %dma_wait3A_718 = tpu.memref_slice %arg6[%dma_wait3A_715, %dma_wait3A_716, %dma_wait3A_717] : memref<2x128x128xf32, #tpu.memory_space<vmem>> -> memref<1x128x128xf32, #tpu.memory_space<vmem>>
      %dma_wait3A_719 = tpu.memref_squeeze %dma_wait3A_718 : memref<1x128x128xf32, #tpu.memory_space<vmem>> -> memref<128x128xf32, #tpu.memory_space<vmem>>
      %dma_wait3A_720 = arith.constant 0 : i32
      %dma_wait3A_721 = tpu.memref_slice %arg4[%mul3A_2, %dma_wait3A_720] : memref<200704x128xf32, #tpu.memory_space<hbm>> -> memref<128x128xf32, #tpu.memory_space<hbm>>
      %dma_wait3A_722 = arith.constant 0 : i32
      %dma_wait3A_723 = arith.constant 0 : i32
      %dma_wait3A_724 = tpu.memref_slice %arg6[%dma_wait3A_715, %dma_wait3A_722, %dma_wait3A_723] : memref<2x128x128xf32, #tpu.memory_space<vmem>> -> memref<1x128x128xf32, #tpu.memory_space<vmem>>
      %dma_wait3A_725 = tpu.memref_squeeze %dma_wait3A_724 : memref<1x128x128xf32, #tpu.memory_space<vmem>> -> memref<128x128xf32, #tpu.memory_space<vmem>>
      %dma_wait3A_726 = arith.constant 0 : i32
      %dma_wait3A_727 = tpu.memref_slice %arg4[%mul3A_2, %dma_wait3A_726] : memref<200704x128xf32, #tpu.memory_space<hbm>> -> memref<128x128xf32, #tpu.memory_space<hbm>>
      tpu.wait_dma2 semaphore(%arg12 : memref<!tpu.dma_semaphore, #tpu.memory_space<semaphore_mem>>) src(%dma_wait3A_727 : memref<128x128xf32, #tpu.memory_space<hbm>>) dst(%dma_wait3A_725 : memref<128x128xf32, #tpu.memory_space<vmem>>)
      %dma_wait3A_728 = arith.constant 1 : i32
      %dma_wait3A_729 = arith.constant 0 : i32
      %dma_wait3A_730 = arith.constant 0 : i32
      %dma_wait3A_731 = tpu.memref_slice %arg6[%dma_wait3A_728, %dma_wait3A_729, %dma_wait3A_730] : memref<2x128x128xf32, #tpu.memory_space<vmem>> -> memref<1x128x128xf32, #tpu.memory_space<vmem>>
      %dma_wait3A_732 = tpu.memref_squeeze %dma_wait3A_731 : memref<1x128x128xf32, #tpu.memory_space<vmem>> -> memref<128x128xf32, #tpu.memory_space<vmem>>
      %dma_wait3A_733 = arith.constant 0 : i32
      %dma_wait3A_734 = tpu.memref_slice %arg4[%mul3A_2, %dma_wait3A_733] : memref<200704x128xf32, #tpu.memory_space<hbm>> -> memref<128x128xf32, #tpu.memory_space<hbm>>
      %dma_wait3A_735 = arith.constant 0 : i32
      %dma_wait3A_736 = arith.constant 0 : i32
      %dma_wait3A_737 = tpu.memref_slice %arg6[%dma_wait3A_728, %dma_wait3A_735, %dma_wait3A_736] : memref<2x128x128xf32, #tpu.memory_space<vmem>> -> memref<1x128x128xf32, #tpu.memory_space<vmem>>
      %dma_wait3A_738 = tpu.memref_squeeze %dma_wait3A_737 : memref<1x128x128xf32, #tpu.memory_space<vmem>> -> memref<128x128xf32, #tpu.memory_space<vmem>>
      %dma_wait3A_739 = arith.constant 0 : i32
      %dma_wait3A_740 = tpu.memref_slice %arg4[%mul3A_2, %dma_wait3A_739] : memref<200704x128xf32, #tpu.memory_space<hbm>> -> memref<128x128xf32, #tpu.memory_space<hbm>>
      tpu.wait_dma2 semaphore(%arg12 : memref<!tpu.dma_semaphore, #tpu.memory_space<semaphore_mem>>) src(%dma_wait3A_740 : memref<128x128xf32, #tpu.memory_space<hbm>>) dst(%dma_wait3A_738 : memref<128x128xf32, #tpu.memory_space<vmem>>)
      %dma_wait3A_741 = arith.constant 1 : i32
      %dma_wait3A_742 = arith.constant 0 : i32
      %dma_wait3A_743 = arith.constant 0 : i32
      %dma_wait3A_744 = tpu.memref_slice %arg6[%dma_wait3A_741, %dma_wait3A_742, %dma_wait3A_743] : memref<2x128x128xf32, #tpu.memory_space<vmem>> -> memref<1x128x128xf32, #tpu.memory_space<vmem>>
      %dma_wait3A_745 = tpu.memref_squeeze %dma_wait3A_744 : memref<1x128x128xf32, #tpu.memory_space<vmem>> -> memref<128x128xf32, #tpu.memory_space<vmem>>
      %dma_wait3A_746 = arith.constant 0 : i32
      %dma_wait3A_747 = tpu.memref_slice %arg4[%mul3A_2, %dma_wait3A_746] : memref<200704x128xf32, #tpu.memory_space<hbm>> -> memref<128x128xf32, #tpu.memory_space<hbm>>
      %dma_wait3A_748 = arith.constant 0 : i32
      %dma_wait3A_749 = arith.constant 0 : i32
      %dma_wait3A_750 = tpu.memref_slice %arg6[%dma_wait3A_741, %dma_wait3A_748, %dma_wait3A_749] : memref<2x128x128xf32, #tpu.memory_space<vmem>> -> memref<1x128x128xf32, #tpu.memory_space<vmem>>
      %dma_wait3A_751 = tpu.memref_squeeze %dma_wait3A_750 : memref<1x128x128xf32, #tpu.memory_space<vmem>> -> memref<128x128xf32, #tpu.memory_space<vmem>>
      %dma_wait3A_752 = arith.constant 0 : i32
      %dma_wait3A_753 = tpu.memref_slice %arg4[%mul3A_2, %dma_wait3A_752] : memref<200704x128xf32, #tpu.memory_space<hbm>> -> memref<128x128xf32, #tpu.memory_space<hbm>>
      tpu.wait_dma2 semaphore(%arg12 : memref<!tpu.dma_semaphore, #tpu.memory_space<semaphore_mem>>) src(%dma_wait3A_753 : memref<128x128xf32, #tpu.memory_space<hbm>>) dst(%dma_wait3A_751 : memref<128x128xf32, #tpu.memory_space<vmem>>)
      %min3A_754 = arith.constant 48 : i32
      %min3A_755 = arith.minsi %add3A_647, %min3A_754 : i32
      %mul3A_756 = arith.constant 128 : i32
      %mul3A_757 = arith.muli %mul3A_756, %min3A_755 : i32
      %add3A_758 = arith.addi %mul3A_2, %mul3A_757 : i32
      %multiple_of3A_759 = tpu.assume_multiple %add3A_758, 128 : i32
      %dma_start3A_760 = arith.constant 1 : i32
      %dma_start3A_761 = arith.constant 0 : i32
      %dma_start3A_762 = arith.constant 0 : i32
      %dma_start3A_763 = tpu.memref_slice %arg6[%dma_start3A_760, %dma_start3A_761, %dma_start3A_762] : memref<2x128x128xf32, #tpu.memory_space<vmem>> -> memref<1x128x128xf32, #tpu.memory_space<vmem>>
      %dma_start3A_764 = tpu.memref_squeeze %dma_start3A_763 : memref<1x128x128xf32, #tpu.memory_space<vmem>> -> memref<128x128xf32, #tpu.memory_space<vmem>>
      %dma_start3A_765 = arith.constant 0 : i32
      %dma_start3A_766 = tpu.memref_slice %arg4[%multiple_of3A_759, %dma_start3A_765] : memref<200704x128xf32, #tpu.memory_space<hbm>> -> memref<128x128xf32, #tpu.memory_space<hbm>>
      %dma_start3A_767 = arith.constant 0 : i32
      %dma_start3A_768 = tpu.memref_slice %arg4[%multiple_of3A_759, %dma_start3A_767] : memref<200704x128xf32, #tpu.memory_space<hbm>> -> memref<128x128xf32, #tpu.memory_space<hbm>>
      %dma_start3A_769 = arith.constant 0 : i32
      %dma_start3A_770 = arith.constant 0 : i32
      %dma_start3A_771 = tpu.memref_slice %arg6[%dma_start3A_760, %dma_start3A_769, %dma_start3A_770] : memref<2x128x128xf32, #tpu.memory_space<vmem>> -> memref<1x128x128xf32, #tpu.memory_space<vmem>>
      %dma_start3A_772 = tpu.memref_squeeze %dma_start3A_771 : memref<1x128x128xf32, #tpu.memory_space<vmem>> -> memref<128x128xf32, #tpu.memory_space<vmem>>
      tpu.enqueue_dma source(%dma_start3A_772 : memref<128x128xf32, #tpu.memory_space<vmem>>) target(%dma_start3A_768 : memref<128x128xf32, #tpu.memory_space<hbm>>) target_semaphore(%arg14 : memref<!tpu.dma_semaphore, #tpu.memory_space<semaphore_mem>>)
      %add3A_773 = arith.constant 2 : i32
      %add3A_774 = arith.addi %add3A_647, %add3A_773 : i32
      %min3A_775 = arith.constant 48 : i32
      %min3A_776 = arith.minsi %add3A_774, %min3A_775 : i32
      %mul3A_777 = arith.constant 128 : i32
      %mul3A_778 = arith.muli %mul3A_777, %min3A_776 : i32
      %add3A_779 = arith.addi %mul3A_2, %mul3A_778 : i32
      %multiple_of3A_780 = tpu.assume_multiple %add3A_779, 128 : i32
      %dma_start3A_781 = arith.constant 1 : i32
      %dma_start3A_782 = arith.constant 0 : i32
      %dma_start3A_783 = arith.constant 0 : i32
      %dma_start3A_784 = tpu.memref_slice %arg5[%dma_start3A_781, %dma_start3A_782, %dma_start3A_783] : memref<2x6x128xi32, #tpu.memory_space<vmem>> -> memref<1x6x128xi32, #tpu.memory_space<vmem>>
      %dma_start3A_785 = tpu.memref_squeeze %dma_start3A_784 : memref<1x6x128xi32, #tpu.memory_space<vmem>> -> memref<6x128xi32, #tpu.memory_space<vmem>>
      %dma_start3A_786 = arith.constant 0 : i32
      %dma_start3A_787 = tpu.memref_slice %arg3[%dma_start3A_786, %multiple_of3A_780] : memref<6x200704xi32, #tpu.memory_space<hbm>> -> memref<6x128xi32, #tpu.memory_space<hbm>>
      %dma_start3A_788 = arith.constant 0 : i32
      %dma_start3A_789 = arith.constant 0 : i32
      %dma_start3A_790 = tpu.memref_slice %arg5[%dma_start3A_781, %dma_start3A_788, %dma_start3A_789] : memref<2x6x128xi32, #tpu.memory_space<vmem>> -> memref<1x6x128xi32, #tpu.memory_space<vmem>>
      %dma_start3A_791 = tpu.memref_squeeze %dma_start3A_790 : memref<1x6x128xi32, #tpu.memory_space<vmem>> -> memref<6x128xi32, #tpu.memory_space<vmem>>
      %dma_start3A_792 = arith.constant 0 : i32
      %dma_start3A_793 = tpu.memref_slice %arg3[%dma_start3A_792, %multiple_of3A_780] : memref<6x200704xi32, #tpu.memory_space<hbm>> -> memref<6x128xi32, #tpu.memory_space<hbm>>
      tpu.enqueue_dma source(%dma_start3A_793 : memref<6x128xi32, #tpu.memory_space<hbm>>) target(%dma_start3A_791 : memref<6x128xi32, #tpu.memory_space<vmem>>) target_semaphore(%arg8 : memref<!tpu.dma_semaphore, #tpu.memory_space<semaphore_mem>>)
      %dma_wait3A_794 = arith.constant 0 : i32
      %dma_wait3A_795 = arith.constant 0 : i32
      %dma_wait3A_796 = arith.constant 0 : i32
      %dma_wait3A_797 = tpu.memref_slice %arg6[%dma_wait3A_794, %dma_wait3A_795, %dma_wait3A_796] : memref<2x128x128xf32, #tpu.memory_space<vmem>> -> memref<1x128x128xf32, #tpu.memory_space<vmem>>
      %dma_wait3A_798 = tpu.memref_squeeze %dma_wait3A_797 : memref<1x128x128xf32, #tpu.memory_space<vmem>> -> memref<128x128xf32, #tpu.memory_space<vmem>>
      %dma_wait3A_799 = arith.constant 0 : i32
      %dma_wait3A_800 = tpu.memref_slice %arg4[%mul3A_2, %dma_wait3A_799] : memref<200704x128xf32, #tpu.memory_space<hbm>> -> memref<128x128xf32, #tpu.memory_space<hbm>>
      %dma_wait3A_801 = arith.constant 0 : i32
      %dma_wait3A_802 = arith.constant 0 : i32
      %dma_wait3A_803 = tpu.memref_slice %arg6[%dma_wait3A_794, %dma_wait3A_801, %dma_wait3A_802] : memref<2x128x128xf32, #tpu.memory_space<vmem>> -> memref<1x128x128xf32, #tpu.memory_space<vmem>>
      %dma_wait3A_804 = tpu.memref_squeeze %dma_wait3A_803 : memref<1x128x128xf32, #tpu.memory_space<vmem>> -> memref<128x128xf32, #tpu.memory_space<vmem>>
      %dma_wait3A_805 = arith.constant 0 : i32
      %dma_wait3A_806 = tpu.memref_slice %arg4[%mul3A_2, %dma_wait3A_805] : memref<200704x128xf32, #tpu.memory_space<hbm>> -> memref<128x128xf32, #tpu.memory_space<hbm>>
      tpu.wait_dma2 semaphore(%arg9 : memref<!tpu.dma_semaphore, #tpu.memory_space<semaphore_mem>>) src(%dma_wait3A_806 : memref<128x128xf32, #tpu.memory_space<hbm>>) dst(%dma_wait3A_804 : memref<128x128xf32, #tpu.memory_space<vmem>>)
      %dma_start3A_807 = arith.constant 0 : i32
      %dma_start3A_808 = arith.constant 1 : i32
      %dma_start3A_809 = arith.constant 0 : i32
      %dma_start3A_810 = arith.constant 0 : i32
      %dma_start3A_811 = arith.constant 0 : i32
      %dma_start3A_812 = tpu.memref_slice %arg6[%dma_start3A_809, %dma_start3A_810, %dma_start3A_811] : memref<2x128x128xf32, #tpu.memory_space<vmem>> -> memref<1x128x128xf32, #tpu.memory_space<vmem>>
      %dma_start3A_813 = tpu.memref_squeeze %dma_start3A_812 : memref<1x128x128xf32, #tpu.memory_space<vmem>> -> memref<128x128xf32, #tpu.memory_space<vmem>>
      %dma_start3A_814 = arith.constant 0 : i32
      %dma_start3A_815 = tpu.memref_slice %arg5[%dma_start3A_807, %dma_start3A_808, %dma_start3A_814] : memref<2x6x128xi32, #tpu.memory_space<vmem>> -> memref<1x1x128xi32, #tpu.memory_space<vmem>>
      %dma_start3A_816 = tpu.memref_squeeze %dma_start3A_815 : memref<1x1x128xi32, #tpu.memory_space<vmem>> -> memref<128xi32, #tpu.memory_space<vmem>>
      %dma_start3A_817 = arith.constant 0 : i32
      %dma_start3A_818 = arith.constant 0 : i32
      %dma_start3A_819 = tpu.memref_slice %arg2[%dma_start3A_817, %dma_start3A_818] : memref<200000x128xf32, #tpu.memory_space<hbm>> -> memref<200000x128xf32, #tpu.memory_space<hbm>>
      tpu.enqueue_indirect_dma source(%dma_start3A_819 : memref<200000x128xf32, #tpu.memory_space<hbm>>) target(%dma_start3A_813 : memref<128x128xf32, #tpu.memory_space<vmem>>) offsets(%dma_start3A_816 : memref<128xi32, #tpu.memory_space<vmem>>) semaphore(%arg11 : memref<!tpu.dma_semaphore, #tpu.memory_space<semaphore_mem>>) {add = true}
      %dma_start3A_820 = arith.constant 0 : i32
      %dma_start3A_821 = arith.constant 2 : i32
      %dma_start3A_822 = arith.constant 0 : i32
      %dma_start3A_823 = arith.constant 0 : i32
      %dma_start3A_824 = arith.constant 0 : i32
      %dma_start3A_825 = tpu.memref_slice %arg6[%dma_start3A_822, %dma_start3A_823, %dma_start3A_824] : memref<2x128x128xf32, #tpu.memory_space<vmem>> -> memref<1x128x128xf32, #tpu.memory_space<vmem>>
      %dma_start3A_826 = tpu.memref_squeeze %dma_start3A_825 : memref<1x128x128xf32, #tpu.memory_space<vmem>> -> memref<128x128xf32, #tpu.memory_space<vmem>>
      %dma_start3A_827 = arith.constant 0 : i32
      %dma_start3A_828 = tpu.memref_slice %arg5[%dma_start3A_820, %dma_start3A_821, %dma_start3A_827] : memref<2x6x128xi32, #tpu.memory_space<vmem>> -> memref<1x1x128xi32, #tpu.memory_space<vmem>>
      %dma_start3A_829 = tpu.memref_squeeze %dma_start3A_828 : memref<1x1x128xi32, #tpu.memory_space<vmem>> -> memref<128xi32, #tpu.memory_space<vmem>>
      %dma_start3A_830 = arith.constant 0 : i32
      %dma_start3A_831 = arith.constant 0 : i32
      %dma_start3A_832 = tpu.memref_slice %arg2[%dma_start3A_830, %dma_start3A_831] : memref<200000x128xf32, #tpu.memory_space<hbm>> -> memref<200000x128xf32, #tpu.memory_space<hbm>>
      tpu.enqueue_indirect_dma source(%dma_start3A_832 : memref<200000x128xf32, #tpu.memory_space<hbm>>) target(%dma_start3A_826 : memref<128x128xf32, #tpu.memory_space<vmem>>) offsets(%dma_start3A_829 : memref<128xi32, #tpu.memory_space<vmem>>) semaphore(%arg11 : memref<!tpu.dma_semaphore, #tpu.memory_space<semaphore_mem>>) {add = true}
      %dma_start3A_833 = arith.constant 0 : i32
      %dma_start3A_834 = arith.constant 3 : i32
      %dma_start3A_835 = arith.constant 0 : i32
      %dma_start3A_836 = arith.constant 0 : i32
      %dma_start3A_837 = arith.constant 0 : i32
      %dma_start3A_838 = tpu.memref_slice %arg6[%dma_start3A_835, %dma_start3A_836, %dma_start3A_837] : memref<2x128x128xf32, #tpu.memory_space<vmem>> -> memref<1x128x128xf32, #tpu.memory_space<vmem>>
      %dma_start3A_839 = tpu.memref_squeeze %dma_start3A_838 : memref<1x128x128xf32, #tpu.memory_space<vmem>> -> memref<128x128xf32, #tpu.memory_space<vmem>>
      %dma_start3A_840 = arith.constant 0 : i32
      %dma_start3A_841 = tpu.memref_slice %arg5[%dma_start3A_833, %dma_start3A_834, %dma_start3A_840] : memref<2x6x128xi32, #tpu.memory_space<vmem>> -> memref<1x1x128xi32, #tpu.memory_space<vmem>>
      %dma_start3A_842 = tpu.memref_squeeze %dma_start3A_841 : memref<1x1x128xi32, #tpu.memory_space<vmem>> -> memref<128xi32, #tpu.memory_space<vmem>>
      %dma_start3A_843 = arith.constant 0 : i32
      %dma_start3A_844 = arith.constant 0 : i32
      %dma_start3A_845 = tpu.memref_slice %arg2[%dma_start3A_843, %dma_start3A_844] : memref<200000x128xf32, #tpu.memory_space<hbm>> -> memref<200000x128xf32, #tpu.memory_space<hbm>>
      tpu.enqueue_indirect_dma source(%dma_start3A_845 : memref<200000x128xf32, #tpu.memory_space<hbm>>) target(%dma_start3A_839 : memref<128x128xf32, #tpu.memory_space<vmem>>) offsets(%dma_start3A_842 : memref<128xi32, #tpu.memory_space<vmem>>) semaphore(%arg11 : memref<!tpu.dma_semaphore, #tpu.memory_space<semaphore_mem>>) {add = true}
      %dma_start3A_846 = arith.constant 0 : i32
      %dma_start3A_847 = arith.constant 4 : i32
      %dma_start3A_848 = arith.constant 0 : i32
      %dma_start3A_849 = arith.constant 0 : i32
      %dma_start3A_850 = arith.constant 0 : i32
      %dma_start3A_851 = tpu.memref_slice %arg6[%dma_start3A_848, %dma_start3A_849, %dma_start3A_850] : memref<2x128x128xf32, #tpu.memory_space<vmem>> -> memref<1x128x128xf32, #tpu.memory_space<vmem>>
      %dma_start3A_852 = tpu.memref_squeeze %dma_start3A_851 : memref<1x128x128xf32, #tpu.memory_space<vmem>> -> memref<128x128xf32, #tpu.memory_space<vmem>>
      %dma_start3A_853 = arith.constant 0 : i32
      %dma_start3A_854 = tpu.memref_slice %arg5[%dma_start3A_846, %dma_start3A_847, %dma_start3A_853] : memref<2x6x128xi32, #tpu.memory_space<vmem>> -> memref<1x1x128xi32, #tpu.memory_space<vmem>>
      %dma_start3A_855 = tpu.memref_squeeze %dma_start3A_854 : memref<1x1x128xi32, #tpu.memory_space<vmem>> -> memref<128xi32, #tpu.memory_space<vmem>>
      %dma_start3A_856 = arith.constant 0 : i32
      %dma_start3A_857 = arith.constant 0 : i32
      %dma_start3A_858 = tpu.memref_slice %arg2[%dma_start3A_856, %dma_start3A_857] : memref<200000x128xf32, #tpu.memory_space<hbm>> -> memref<200000x128xf32, #tpu.memory_space<hbm>>
      tpu.enqueue_indirect_dma source(%dma_start3A_858 : memref<200000x128xf32, #tpu.memory_space<hbm>>) target(%dma_start3A_852 : memref<128x128xf32, #tpu.memory_space<vmem>>) offsets(%dma_start3A_855 : memref<128xi32, #tpu.memory_space<vmem>>) semaphore(%arg11 : memref<!tpu.dma_semaphore, #tpu.memory_space<semaphore_mem>>) {add = true}
      %dma_start3A_859 = arith.constant 0 : i32
      %dma_start3A_860 = arith.constant 5 : i32
      %dma_start3A_861 = arith.constant 0 : i32
      %dma_start3A_862 = arith.constant 0 : i32
      %dma_start3A_863 = arith.constant 0 : i32
      %dma_start3A_864 = tpu.memref_slice %arg6[%dma_start3A_861, %dma_start3A_862, %dma_start3A_863] : memref<2x128x128xf32, #tpu.memory_space<vmem>> -> memref<1x128x128xf32, #tpu.memory_space<vmem>>
      %dma_start3A_865 = tpu.memref_squeeze %dma_start3A_864 : memref<1x128x128xf32, #tpu.memory_space<vmem>> -> memref<128x128xf32, #tpu.memory_space<vmem>>
      %dma_start3A_866 = arith.constant 0 : i32
      %dma_start3A_867 = tpu.memref_slice %arg5[%dma_start3A_859, %dma_start3A_860, %dma_start3A_866] : memref<2x6x128xi32, #tpu.memory_space<vmem>> -> memref<1x1x128xi32, #tpu.memory_space<vmem>>
      %dma_start3A_868 = tpu.memref_squeeze %dma_start3A_867 : memref<1x1x128xi32, #tpu.memory_space<vmem>> -> memref<128xi32, #tpu.memory_space<vmem>>
      %dma_start3A_869 = arith.constant 0 : i32
      %dma_start3A_870 = arith.constant 0 : i32
      %dma_start3A_871 = tpu.memref_slice %arg2[%dma_start3A_869, %dma_start3A_870] : memref<200000x128xf32, #tpu.memory_space<hbm>> -> memref<200000x128xf32, #tpu.memory_space<hbm>>
      tpu.enqueue_indirect_dma source(%dma_start3A_871 : memref<200000x128xf32, #tpu.memory_space<hbm>>) target(%dma_start3A_865 : memref<128x128xf32, #tpu.memory_space<vmem>>) offsets(%dma_start3A_868 : memref<128xi32, #tpu.memory_space<vmem>>) semaphore(%arg11 : memref<!tpu.dma_semaphore, #tpu.memory_space<semaphore_mem>>) {add = true}
    }
    %scan3A_114 = arith.constant 24 : i32
    %dma_wait3A_115 = arith.constant 1 : i32
    %dma_wait3A_116 = arith.constant 0 : i32
    %dma_wait3A_117 = arith.constant 0 : i32
    %dma_wait3A_118 = tpu.memref_slice %arg5[%dma_wait3A_115, %dma_wait3A_116, %dma_wait3A_117] : memref<2x6x128xi32, #tpu.memory_space<vmem>> -> memref<1x6x128xi32, #tpu.memory_space<vmem>>
    %dma_wait3A_119 = tpu.memref_squeeze %dma_wait3A_118 : memref<1x6x128xi32, #tpu.memory_space<vmem>> -> memref<6x128xi32, #tpu.memory_space<vmem>>
    %dma_wait3A_120 = arith.constant 0 : i32
    %dma_wait3A_121 = tpu.memref_slice %arg3[%dma_wait3A_120, %mul3A_2] : memref<6x200704xi32, #tpu.memory_space<hbm>> -> memref<6x128xi32, #tpu.memory_space<hbm>>
    %dma_wait3A_122 = arith.constant 0 : i32
    %dma_wait3A_123 = arith.constant 0 : i32
    %dma_wait3A_124 = tpu.memref_slice %arg5[%dma_wait3A_115, %dma_wait3A_122, %dma_wait3A_123] : memref<2x6x128xi32, #tpu.memory_space<vmem>> -> memref<1x6x128xi32, #tpu.memory_space<vmem>>
    %dma_wait3A_125 = tpu.memref_squeeze %dma_wait3A_124 : memref<1x6x128xi32, #tpu.memory_space<vmem>> -> memref<6x128xi32, #tpu.memory_space<vmem>>
    %dma_wait3A_126 = arith.constant 0 : i32
    %dma_wait3A_127 = tpu.memref_slice %arg3[%dma_wait3A_126, %mul3A_2] : memref<6x200704xi32, #tpu.memory_space<hbm>> -> memref<6x128xi32, #tpu.memory_space<hbm>>
    tpu.wait_dma2 semaphore(%arg8 : memref<!tpu.dma_semaphore, #tpu.memory_space<semaphore_mem>>) src(%dma_wait3A_127 : memref<6x128xi32, #tpu.memory_space<hbm>>) dst(%dma_wait3A_125 : memref<6x128xi32, #tpu.memory_space<vmem>>)
    %dma_wait3A_128 = arith.constant 1 : i32
    %dma_wait3A_129 = arith.constant 0 : i32
    %dma_wait3A_130 = arith.constant 0 : i32
    %dma_wait3A_131 = tpu.memref_slice %arg6[%dma_wait3A_128, %dma_wait3A_129, %dma_wait3A_130] : memref<2x128x128xf32, #tpu.memory_space<vmem>> -> memref<1x128x128xf32, #tpu.memory_space<vmem>>
    %dma_wait3A_132 = tpu.memref_squeeze %dma_wait3A_131 : memref<1x128x128xf32, #tpu.memory_space<vmem>> -> memref<128x128xf32, #tpu.memory_space<vmem>>
    %dma_wait3A_133 = arith.constant 0 : i32
    %dma_wait3A_134 = tpu.memref_slice %arg4[%mul3A_2, %dma_wait3A_133] : memref<200704x128xf32, #tpu.memory_space<hbm>> -> memref<128x128xf32, #tpu.memory_space<hbm>>
    %dma_wait3A_135 = arith.constant 0 : i32
    %dma_wait3A_136 = tpu.memref_slice %arg4[%mul3A_2, %dma_wait3A_135] : memref<200704x128xf32, #tpu.memory_space<hbm>> -> memref<128x128xf32, #tpu.memory_space<hbm>>
    %dma_wait3A_137 = arith.constant 0 : i32
    %dma_wait3A_138 = arith.constant 0 : i32
    %dma_wait3A_139 = tpu.memref_slice %arg6[%dma_wait3A_128, %dma_wait3A_137, %dma_wait3A_138] : memref<2x128x128xf32, #tpu.memory_space<vmem>> -> memref<1x128x128xf32, #tpu.memory_space<vmem>>
    %dma_wait3A_140 = tpu.memref_squeeze %dma_wait3A_139 : memref<1x128x128xf32, #tpu.memory_space<vmem>> -> memref<128x128xf32, #tpu.memory_space<vmem>>
    tpu.wait_dma2 semaphore(%arg14 : memref<!tpu.dma_semaphore, #tpu.memory_space<semaphore_mem>>) src(%dma_wait3A_140 : memref<128x128xf32, #tpu.memory_space<vmem>>) dst(%dma_wait3A_136 : memref<128x128xf32, #tpu.memory_space<hbm>>)
    %dma_start3A_141 = arith.constant 1 : i32
    %dma_start3A_142 = arith.constant 0 : i32
    %dma_start3A_143 = arith.constant 1 : i32
    %dma_start3A_144 = arith.constant 0 : i32
    %dma_start3A_145 = arith.constant 0 : i32
    %dma_start3A_146 = tpu.memref_slice %arg6[%dma_start3A_143, %dma_start3A_144, %dma_start3A_145] : memref<2x128x128xf32, #tpu.memory_space<vmem>> -> memref<1x128x128xf32, #tpu.memory_space<vmem>>
    %dma_start3A_147 = tpu.memref_squeeze %dma_start3A_146 : memref<1x128x128xf32, #tpu.memory_space<vmem>> -> memref<128x128xf32, #tpu.memory_space<vmem>>
    %dma_start3A_148 = arith.constant 0 : i32
    %dma_start3A_149 = tpu.memref_slice %arg5[%dma_start3A_141, %dma_start3A_142, %dma_start3A_148] : memref<2x6x128xi32, #tpu.memory_space<vmem>> -> memref<1x1x128xi32, #tpu.memory_space<vmem>>
    %dma_start3A_150 = tpu.memref_squeeze %dma_start3A_149 : memref<1x1x128xi32, #tpu.memory_space<vmem>> -> memref<128xi32, #tpu.memory_space<vmem>>
    %dma_start3A_151 = arith.constant 0 : i32
    %dma_start3A_152 = arith.constant 0 : i32
    %dma_start3A_153 = tpu.memref_slice %arg2[%dma_start3A_151, %dma_start3A_152] : memref<200000x128xf32, #tpu.memory_space<hbm>> -> memref<200000x128xf32, #tpu.memory_space<hbm>>
    tpu.enqueue_indirect_dma source(%dma_start3A_153 : memref<200000x128xf32, #tpu.memory_space<hbm>>) target(%dma_start3A_147 : memref<128x128xf32, #tpu.memory_space<vmem>>) offsets(%dma_start3A_150 : memref<128xi32, #tpu.memory_space<vmem>>) semaphore(%arg10 : memref<!tpu.dma_semaphore, #tpu.memory_space<semaphore_mem>>)
    %dma_wait3A_154 = arith.constant 0 : i32
    %dma_wait3A_155 = arith.constant 0 : i32
    %dma_wait3A_156 = arith.constant 0 : i32
    %dma_wait3A_157 = tpu.memref_slice %arg6[%dma_wait3A_154, %dma_wait3A_155, %dma_wait3A_156] : memref<2x128x128xf32, #tpu.memory_space<vmem>> -> memref<1x128x128xf32, #tpu.memory_space<vmem>>
    %dma_wait3A_158 = tpu.memref_squeeze %dma_wait3A_157 : memref<1x128x128xf32, #tpu.memory_space<vmem>> -> memref<128x128xf32, #tpu.memory_space<vmem>>
    %dma_wait3A_159 = arith.constant 0 : i32
    %dma_wait3A_160 = tpu.memref_slice %arg4[%mul3A_2, %dma_wait3A_159] : memref<200704x128xf32, #tpu.memory_space<hbm>> -> memref<128x128xf32, #tpu.memory_space<hbm>>
    %dma_wait3A_161 = arith.constant 0 : i32
    %dma_wait3A_162 = arith.constant 0 : i32
    %dma_wait3A_163 = tpu.memref_slice %arg6[%dma_wait3A_154, %dma_wait3A_161, %dma_wait3A_162] : memref<2x128x128xf32, #tpu.memory_space<vmem>> -> memref<1x128x128xf32, #tpu.memory_space<vmem>>
    %dma_wait3A_164 = tpu.memref_squeeze %dma_wait3A_163 : memref<1x128x128xf32, #tpu.memory_space<vmem>> -> memref<128x128xf32, #tpu.memory_space<vmem>>
    %dma_wait3A_165 = arith.constant 0 : i32
    %dma_wait3A_166 = tpu.memref_slice %arg4[%mul3A_2, %dma_wait3A_165] : memref<200704x128xf32, #tpu.memory_space<hbm>> -> memref<128x128xf32, #tpu.memory_space<hbm>>
    tpu.wait_dma2 semaphore(%arg11 : memref<!tpu.dma_semaphore, #tpu.memory_space<semaphore_mem>>) src(%dma_wait3A_166 : memref<128x128xf32, #tpu.memory_space<hbm>>) dst(%dma_wait3A_164 : memref<128x128xf32, #tpu.memory_space<vmem>>)
    %dma_wait3A_167 = arith.constant 0 : i32
    %dma_wait3A_168 = arith.constant 0 : i32
    %dma_wait3A_169 = arith.constant 0 : i32
    %dma_wait3A_170 = tpu.memref_slice %arg6[%dma_wait3A_167, %dma_wait3A_168, %dma_wait3A_169] : memref<2x128x128xf32, #tpu.memory_space<vmem>> -> memref<1x128x128xf32, #tpu.memory_space<vmem>>
    %dma_wait3A_171 = tpu.memref_squeeze %dma_wait3A_170 : memref<1x128x128xf32, #tpu.memory_space<vmem>> -> memref<128x128xf32, #tpu.memory_space<vmem>>
    %dma_wait3A_172 = arith.constant 0 : i32
    %dma_wait3A_173 = tpu.memref_slice %arg4[%mul3A_2, %dma_wait3A_172] : memref<200704x128xf32, #tpu.memory_space<hbm>> -> memref<128x128xf32, #tpu.memory_space<hbm>>
    %dma_wait3A_174 = arith.constant 0 : i32
    %dma_wait3A_175 = arith.constant 0 : i32
    %dma_wait3A_176 = tpu.memref_slice %arg6[%dma_wait3A_167, %dma_wait3A_174, %dma_wait3A_175] : memref<2x128x128xf32, #tpu.memory_space<vmem>> -> memref<1x128x128xf32, #tpu.memory_space<vmem>>
    %dma_wait3A_177 = tpu.memref_squeeze %dma_wait3A_176 : memref<1x128x128xf32, #tpu.memory_space<vmem>> -> memref<128x128xf32, #tpu.memory_space<vmem>>
    %dma_wait3A_178 = arith.constant 0 : i32
    %dma_wait3A_179 = tpu.memref_slice %arg4[%mul3A_2, %dma_wait3A_178] : memref<200704x128xf32, #tpu.memory_space<hbm>> -> memref<128x128xf32, #tpu.memory_space<hbm>>
    tpu.wait_dma2 semaphore(%arg11 : memref<!tpu.dma_semaphore, #tpu.memory_space<semaphore_mem>>) src(%dma_wait3A_179 : memref<128x128xf32, #tpu.memory_space<hbm>>) dst(%dma_wait3A_177 : memref<128x128xf32, #tpu.memory_space<vmem>>)
    %dma_wait3A_180 = arith.constant 0 : i32
    %dma_wait3A_181 = arith.constant 0 : i32
    %dma_wait3A_182 = arith.constant 0 : i32
    %dma_wait3A_183 = tpu.memref_slice %arg6[%dma_wait3A_180, %dma_wait3A_181, %dma_wait3A_182] : memref<2x128x128xf32, #tpu.memory_space<vmem>> -> memref<1x128x128xf32, #tpu.memory_space<vmem>>
    %dma_wait3A_184 = tpu.memref_squeeze %dma_wait3A_183 : memref<1x128x128xf32, #tpu.memory_space<vmem>> -> memref<128x128xf32, #tpu.memory_space<vmem>>
    %dma_wait3A_185 = arith.constant 0 : i32
    %dma_wait3A_186 = tpu.memref_slice %arg4[%mul3A_2, %dma_wait3A_185] : memref<200704x128xf32, #tpu.memory_space<hbm>> -> memref<128x128xf32, #tpu.memory_space<hbm>>
    %dma_wait3A_187 = arith.constant 0 : i32
    %dma_wait3A_188 = arith.constant 0 : i32
    %dma_wait3A_189 = tpu.memref_slice %arg6[%dma_wait3A_180, %dma_wait3A_187, %dma_wait3A_188] : memref<2x128x128xf32, #tpu.memory_space<vmem>> -> memref<1x128x128xf32, #tpu.memory_space<vmem>>
    %dma_wait3A_190 = tpu.memref_squeeze %dma_wait3A_189 : memref<1x128x128xf32, #tpu.memory_space<vmem>> -> memref<128x128xf32, #tpu.memory_space<vmem>>
    %dma_wait3A_191 = arith.constant 0 : i32
    %dma_wait3A_192 = tpu.memref_slice %arg4[%mul3A_2, %dma_wait3A_191] : memref<200704x128xf32, #tpu.memory_space<hbm>> -> memref<128x128xf32, #tpu.memory_space<hbm>>
    tpu.wait_dma2 semaphore(%arg11 : memref<!tpu.dma_semaphore, #tpu.memory_space<semaphore_mem>>) src(%dma_wait3A_192 : memref<128x128xf32, #tpu.memory_space<hbm>>) dst(%dma_wait3A_190 : memref<128x128xf32, #tpu.memory_space<vmem>>)
    %dma_wait3A_193 = arith.constant 0 : i32
    %dma_wait3A_194 = arith.constant 0 : i32
    %dma_wait3A_195 = arith.constant 0 : i32
    %dma_wait3A_196 = tpu.memref_slice %arg6[%dma_wait3A_193, %dma_wait3A_194, %dma_wait3A_195] : memref<2x128x128xf32, #tpu.memory_space<vmem>> -> memref<1x128x128xf32, #tpu.memory_space<vmem>>
    %dma_wait3A_197 = tpu.memref_squeeze %dma_wait3A_196 : memref<1x128x128xf32, #tpu.memory_space<vmem>> -> memref<128x128xf32, #tpu.memory_space<vmem>>
    %dma_wait3A_198 = arith.constant 0 : i32
    %dma_wait3A_199 = tpu.memref_slice %arg4[%mul3A_2, %dma_wait3A_198] : memref<200704x128xf32, #tpu.memory_space<hbm>> -> memref<128x128xf32, #tpu.memory_space<hbm>>
    %dma_wait3A_200 = arith.constant 0 : i32
    %dma_wait3A_201 = arith.constant 0 : i32
    %dma_wait3A_202 = tpu.memref_slice %arg6[%dma_wait3A_193, %dma_wait3A_200, %dma_wait3A_201] : memref<2x128x128xf32, #tpu.memory_space<vmem>> -> memref<1x128x128xf32, #tpu.memory_space<vmem>>
    %dma_wait3A_203 = tpu.memref_squeeze %dma_wait3A_202 : memref<1x128x128xf32, #tpu.memory_space<vmem>> -> memref<128x128xf32, #tpu.memory_space<vmem>>
    %dma_wait3A_204 = arith.constant 0 : i32
    %dma_wait3A_205 = tpu.memref_slice %arg4[%mul3A_2, %dma_wait3A_204] : memref<200704x128xf32, #tpu.memory_space<hbm>> -> memref<128x128xf32, #tpu.memory_space<hbm>>
    tpu.wait_dma2 semaphore(%arg11 : memref<!tpu.dma_semaphore, #tpu.memory_space<semaphore_mem>>) src(%dma_wait3A_205 : memref<128x128xf32, #tpu.memory_space<hbm>>) dst(%dma_wait3A_203 : memref<128x128xf32, #tpu.memory_space<vmem>>)
    %dma_wait3A_206 = arith.constant 0 : i32
    %dma_wait3A_207 = arith.constant 0 : i32
    %dma_wait3A_208 = arith.constant 0 : i32
    %dma_wait3A_209 = tpu.memref_slice %arg6[%dma_wait3A_206, %dma_wait3A_207, %dma_wait3A_208] : memref<2x128x128xf32, #tpu.memory_space<vmem>> -> memref<1x128x128xf32, #tpu.memory_space<vmem>>
    %dma_wait3A_210 = tpu.memref_squeeze %dma_wait3A_209 : memref<1x128x128xf32, #tpu.memory_space<vmem>> -> memref<128x128xf32, #tpu.memory_space<vmem>>
    %dma_wait3A_211 = arith.constant 0 : i32
    %dma_wait3A_212 = tpu.memref_slice %arg4[%mul3A_2, %dma_wait3A_211] : memref<200704x128xf32, #tpu.memory_space<hbm>> -> memref<128x128xf32, #tpu.memory_space<hbm>>
    %dma_wait3A_213 = arith.constant 0 : i32
    %dma_wait3A_214 = arith.constant 0 : i32
    %dma_wait3A_215 = tpu.memref_slice %arg6[%dma_wait3A_206, %dma_wait3A_213, %dma_wait3A_214] : memref<2x128x128xf32, #tpu.memory_space<vmem>> -> memref<1x128x128xf32, #tpu.memory_space<vmem>>
    %dma_wait3A_216 = tpu.memref_squeeze %dma_wait3A_215 : memref<1x128x128xf32, #tpu.memory_space<vmem>> -> memref<128x128xf32, #tpu.memory_space<vmem>>
    %dma_wait3A_217 = arith.constant 0 : i32
    %dma_wait3A_218 = tpu.memref_slice %arg4[%mul3A_2, %dma_wait3A_217] : memref<200704x128xf32, #tpu.memory_space<hbm>> -> memref<128x128xf32, #tpu.memory_space<hbm>>
    tpu.wait_dma2 semaphore(%arg11 : memref<!tpu.dma_semaphore, #tpu.memory_space<semaphore_mem>>) src(%dma_wait3A_218 : memref<128x128xf32, #tpu.memory_space<hbm>>) dst(%dma_wait3A_216 : memref<128x128xf32, #tpu.memory_space<vmem>>)
    %min3A_219 = arith.constant 48 : i32
    %min3A_220 = arith.constant 48 : i32
    %min3A_221 = arith.minsi %min3A_219, %min3A_220 : i32
    %mul3A_222 = arith.constant 128 : i32
    %mul3A_223 = arith.muli %mul3A_222, %min3A_221 : i32
    %add3A_224 = arith.addi %mul3A_2, %mul3A_223 : i32
    %multiple_of3A_225 = tpu.assume_multiple %add3A_224, 128 : i32
    %dma_start3A_226 = arith.constant 0 : i32
    %dma_start3A_227 = arith.constant 0 : i32
    %dma_start3A_228 = arith.constant 0 : i32
    %dma_start3A_229 = tpu.memref_slice %arg6[%dma_start3A_226, %dma_start3A_227, %dma_start3A_228] : memref<2x128x128xf32, #tpu.memory_space<vmem>> -> memref<1x128x128xf32, #tpu.memory_space<vmem>>
    %dma_start3A_230 = tpu.memref_squeeze %dma_start3A_229 : memref<1x128x128xf32, #tpu.memory_space<vmem>> -> memref<128x128xf32, #tpu.memory_space<vmem>>
    %dma_start3A_231 = arith.constant 0 : i32
    %dma_start3A_232 = tpu.memref_slice %arg4[%multiple_of3A_225, %dma_start3A_231] : memref<200704x128xf32, #tpu.memory_space<hbm>> -> memref<128x128xf32, #tpu.memory_space<hbm>>
    %dma_start3A_233 = arith.constant 0 : i32
    %dma_start3A_234 = tpu.memref_slice %arg4[%multiple_of3A_225, %dma_start3A_233] : memref<200704x128xf32, #tpu.memory_space<hbm>> -> memref<128x128xf32, #tpu.memory_space<hbm>>
    %dma_start3A_235 = arith.constant 0 : i32
    %dma_start3A_236 = arith.constant 0 : i32
    %dma_start3A_237 = tpu.memref_slice %arg6[%dma_start3A_226, %dma_start3A_235, %dma_start3A_236] : memref<2x128x128xf32, #tpu.memory_space<vmem>> -> memref<1x128x128xf32, #tpu.memory_space<vmem>>
    %dma_start3A_238 = tpu.memref_squeeze %dma_start3A_237 : memref<1x128x128xf32, #tpu.memory_space<vmem>> -> memref<128x128xf32, #tpu.memory_space<vmem>>
    tpu.enqueue_dma source(%dma_start3A_238 : memref<128x128xf32, #tpu.memory_space<vmem>>) target(%dma_start3A_234 : memref<128x128xf32, #tpu.memory_space<hbm>>) target_semaphore(%arg13 : memref<!tpu.dma_semaphore, #tpu.memory_space<semaphore_mem>>)
    %min3A_239 = arith.constant 50 : i32
    %min3A_240 = arith.constant 48 : i32
    %min3A_241 = arith.minsi %min3A_239, %min3A_240 : i32
    %mul3A_242 = arith.constant 128 : i32
    %mul3A_243 = arith.muli %mul3A_242, %min3A_241 : i32
    %add3A_244 = arith.addi %mul3A_2, %mul3A_243 : i32
    %multiple_of3A_245 = tpu.assume_multiple %add3A_244, 128 : i32
    %dma_start3A_246 = arith.constant 0 : i32
    %dma_start3A_247 = arith.constant 0 : i32
    %dma_start3A_248 = arith.constant 0 : i32
    %dma_start3A_249 = tpu.memref_slice %arg5[%dma_start3A_246, %dma_start3A_247, %dma_start3A_248] : memref<2x6x128xi32, #tpu.memory_space<vmem>> -> memref<1x6x128xi32, #tpu.memory_space<vmem>>
    %dma_start3A_250 = tpu.memref_squeeze %dma_start3A_249 : memref<1x6x128xi32, #tpu.memory_space<vmem>> -> memref<6x128xi32, #tpu.memory_space<vmem>>
    %dma_start3A_251 = arith.constant 0 : i32
    %dma_start3A_252 = tpu.memref_slice %arg3[%dma_start3A_251, %multiple_of3A_245] : memref<6x200704xi32, #tpu.memory_space<hbm>> -> memref<6x128xi32, #tpu.memory_space<hbm>>
    %dma_start3A_253 = arith.constant 0 : i32
    %dma_start3A_254 = arith.constant 0 : i32
    %dma_start3A_255 = tpu.memref_slice %arg5[%dma_start3A_246, %dma_start3A_253, %dma_start3A_254] : memref<2x6x128xi32, #tpu.memory_space<vmem>> -> memref<1x6x128xi32, #tpu.memory_space<vmem>>
    %dma_start3A_256 = tpu.memref_squeeze %dma_start3A_255 : memref<1x6x128xi32, #tpu.memory_space<vmem>> -> memref<6x128xi32, #tpu.memory_space<vmem>>
    %dma_start3A_257 = arith.constant 0 : i32
    %dma_start3A_258 = tpu.memref_slice %arg3[%dma_start3A_257, %multiple_of3A_245] : memref<6x200704xi32, #tpu.memory_space<hbm>> -> memref<6x128xi32, #tpu.memory_space<hbm>>
    tpu.enqueue_dma source(%dma_start3A_258 : memref<6x128xi32, #tpu.memory_space<hbm>>) target(%dma_start3A_256 : memref<6x128xi32, #tpu.memory_space<vmem>>) target_semaphore(%arg7 : memref<!tpu.dma_semaphore, #tpu.memory_space<semaphore_mem>>)
    %dma_wait3A_259 = arith.constant 1 : i32
    %dma_wait3A_260 = arith.constant 0 : i32
    %dma_wait3A_261 = arith.constant 0 : i32
    %dma_wait3A_262 = tpu.memref_slice %arg6[%dma_wait3A_259, %dma_wait3A_260, %dma_wait3A_261] : memref<2x128x128xf32, #tpu.memory_space<vmem>> -> memref<1x128x128xf32, #tpu.memory_space<vmem>>
    %dma_wait3A_263 = tpu.memref_squeeze %dma_wait3A_262 : memref<1x128x128xf32, #tpu.memory_space<vmem>> -> memref<128x128xf32, #tpu.memory_space<vmem>>
    %dma_wait3A_264 = arith.constant 0 : i32
    %dma_wait3A_265 = tpu.memref_slice %arg4[%mul3A_2, %dma_wait3A_264] : memref<200704x128xf32, #tpu.memory_space<hbm>> -> memref<128x128xf32, #tpu.memory_space<hbm>>
    %dma_wait3A_266 = arith.constant 0 : i32
    %dma_wait3A_267 = arith.constant 0 : i32
    %dma_wait3A_268 = tpu.memref_slice %arg6[%dma_wait3A_259, %dma_wait3A_266, %dma_wait3A_267] : memref<2x128x128xf32, #tpu.memory_space<vmem>> -> memref<1x128x128xf32, #tpu.memory_space<vmem>>
    %dma_wait3A_269 = tpu.memref_squeeze %dma_wait3A_268 : memref<1x128x128xf32, #tpu.memory_space<vmem>> -> memref<128x128xf32, #tpu.memory_space<vmem>>
    %dma_wait3A_270 = arith.constant 0 : i32
    %dma_wait3A_271 = tpu.memref_slice %arg4[%mul3A_2, %dma_wait3A_270] : memref<200704x128xf32, #tpu.memory_space<hbm>> -> memref<128x128xf32, #tpu.memory_space<hbm>>
    tpu.wait_dma2 semaphore(%arg10 : memref<!tpu.dma_semaphore, #tpu.memory_space<semaphore_mem>>) src(%dma_wait3A_271 : memref<128x128xf32, #tpu.memory_space<hbm>>) dst(%dma_wait3A_269 : memref<128x128xf32, #tpu.memory_space<vmem>>)
    %dma_start3A_272 = arith.constant 1 : i32
    %dma_start3A_273 = arith.constant 1 : i32
    %dma_start3A_274 = arith.constant 1 : i32
    %dma_start3A_275 = arith.constant 0 : i32
    %dma_start3A_276 = arith.constant 0 : i32
    %dma_start3A_277 = tpu.memref_slice %arg6[%dma_start3A_274, %dma_start3A_275, %dma_start3A_276] : memref<2x128x128xf32, #tpu.memory_space<vmem>> -> memref<1x128x128xf32, #tpu.memory_space<vmem>>
    %dma_start3A_278 = tpu.memref_squeeze %dma_start3A_277 : memref<1x128x128xf32, #tpu.memory_space<vmem>> -> memref<128x128xf32, #tpu.memory_space<vmem>>
    %dma_start3A_279 = arith.constant 0 : i32
    %dma_start3A_280 = tpu.memref_slice %arg5[%dma_start3A_272, %dma_start3A_273, %dma_start3A_279] : memref<2x6x128xi32, #tpu.memory_space<vmem>> -> memref<1x1x128xi32, #tpu.memory_space<vmem>>
    %dma_start3A_281 = tpu.memref_squeeze %dma_start3A_280 : memref<1x1x128xi32, #tpu.memory_space<vmem>> -> memref<128xi32, #tpu.memory_space<vmem>>
    %dma_start3A_282 = arith.constant 0 : i32
    %dma_start3A_283 = arith.constant 0 : i32
    %dma_start3A_284 = tpu.memref_slice %arg2[%dma_start3A_282, %dma_start3A_283] : memref<200000x128xf32, #tpu.memory_space<hbm>> -> memref<200000x128xf32, #tpu.memory_space<hbm>>
    tpu.enqueue_indirect_dma source(%dma_start3A_284 : memref<200000x128xf32, #tpu.memory_space<hbm>>) target(%dma_start3A_278 : memref<128x128xf32, #tpu.memory_space<vmem>>) offsets(%dma_start3A_281 : memref<128xi32, #tpu.memory_space<vmem>>) semaphore(%arg12 : memref<!tpu.dma_semaphore, #tpu.memory_space<semaphore_mem>>) {add = true}
    %dma_start3A_285 = arith.constant 1 : i32
    %dma_start3A_286 = arith.constant 2 : i32
    %dma_start3A_287 = arith.constant 1 : i32
    %dma_start3A_288 = arith.constant 0 : i32
    %dma_start3A_289 = arith.constant 0 : i32
    %dma_start3A_290 = tpu.memref_slice %arg6[%dma_start3A_287, %dma_start3A_288, %dma_start3A_289] : memref<2x128x128xf32, #tpu.memory_space<vmem>> -> memref<1x128x128xf32, #tpu.memory_space<vmem>>
    %dma_start3A_291 = tpu.memref_squeeze %dma_start3A_290 : memref<1x128x128xf32, #tpu.memory_space<vmem>> -> memref<128x128xf32, #tpu.memory_space<vmem>>
    %dma_start3A_292 = arith.constant 0 : i32
    %dma_start3A_293 = tpu.memref_slice %arg5[%dma_start3A_285, %dma_start3A_286, %dma_start3A_292] : memref<2x6x128xi32, #tpu.memory_space<vmem>> -> memref<1x1x128xi32, #tpu.memory_space<vmem>>
    %dma_start3A_294 = tpu.memref_squeeze %dma_start3A_293 : memref<1x1x128xi32, #tpu.memory_space<vmem>> -> memref<128xi32, #tpu.memory_space<vmem>>
    %dma_start3A_295 = arith.constant 0 : i32
    %dma_start3A_296 = arith.constant 0 : i32
    %dma_start3A_297 = tpu.memref_slice %arg2[%dma_start3A_295, %dma_start3A_296] : memref<200000x128xf32, #tpu.memory_space<hbm>> -> memref<200000x128xf32, #tpu.memory_space<hbm>>
    tpu.enqueue_indirect_dma source(%dma_start3A_297 : memref<200000x128xf32, #tpu.memory_space<hbm>>) target(%dma_start3A_291 : memref<128x128xf32, #tpu.memory_space<vmem>>) offsets(%dma_start3A_294 : memref<128xi32, #tpu.memory_space<vmem>>) semaphore(%arg12 : memref<!tpu.dma_semaphore, #tpu.memory_space<semaphore_mem>>) {add = true}
    %dma_start3A_298 = arith.constant 1 : i32
    %dma_start3A_299 = arith.constant 3 : i32
    %dma_start3A_300 = arith.constant 1 : i32
    %dma_start3A_301 = arith.constant 0 : i32
    %dma_start3A_302 = arith.constant 0 : i32
    %dma_start3A_303 = tpu.memref_slice %arg6[%dma_start3A_300, %dma_start3A_301, %dma_start3A_302] : memref<2x128x128xf32, #tpu.memory_space<vmem>> -> memref<1x128x128xf32, #tpu.memory_space<vmem>>
    %dma_start3A_304 = tpu.memref_squeeze %dma_start3A_303 : memref<1x128x128xf32, #tpu.memory_space<vmem>> -> memref<128x128xf32, #tpu.memory_space<vmem>>
    %dma_start3A_305 = arith.constant 0 : i32
    %dma_start3A_306 = tpu.memref_slice %arg5[%dma_start3A_298, %dma_start3A_299, %dma_start3A_305] : memref<2x6x128xi32, #tpu.memory_space<vmem>> -> memref<1x1x128xi32, #tpu.memory_space<vmem>>
    %dma_start3A_307 = tpu.memref_squeeze %dma_start3A_306 : memref<1x1x128xi32, #tpu.memory_space<vmem>> -> memref<128xi32, #tpu.memory_space<vmem>>
    %dma_start3A_308 = arith.constant 0 : i32
    %dma_start3A_309 = arith.constant 0 : i32
    %dma_start3A_310 = tpu.memref_slice %arg2[%dma_start3A_308, %dma_start3A_309] : memref<200000x128xf32, #tpu.memory_space<hbm>> -> memref<200000x128xf32, #tpu.memory_space<hbm>>
    tpu.enqueue_indirect_dma source(%dma_start3A_310 : memref<200000x128xf32, #tpu.memory_space<hbm>>) target(%dma_start3A_304 : memref<128x128xf32, #tpu.memory_space<vmem>>) offsets(%dma_start3A_307 : memref<128xi32, #tpu.memory_space<vmem>>) semaphore(%arg12 : memref<!tpu.dma_semaphore, #tpu.memory_space<semaphore_mem>>) {add = true}
    %dma_start3A_311 = arith.constant 1 : i32
    %dma_start3A_312 = arith.constant 4 : i32
    %dma_start3A_313 = arith.constant 1 : i32
    %dma_start3A_314 = arith.constant 0 : i32
    %dma_start3A_315 = arith.constant 0 : i32
    %dma_start3A_316 = tpu.memref_slice %arg6[%dma_start3A_313, %dma_start3A_314, %dma_start3A_315] : memref<2x128x128xf32, #tpu.memory_space<vmem>> -> memref<1x128x128xf32, #tpu.memory_space<vmem>>
    %dma_start3A_317 = tpu.memref_squeeze %dma_start3A_316 : memref<1x128x128xf32, #tpu.memory_space<vmem>> -> memref<128x128xf32, #tpu.memory_space<vmem>>
    %dma_start3A_318 = arith.constant 0 : i32
    %dma_start3A_319 = tpu.memref_slice %arg5[%dma_start3A_311, %dma_start3A_312, %dma_start3A_318] : memref<2x6x128xi32, #tpu.memory_space<vmem>> -> memref<1x1x128xi32, #tpu.memory_space<vmem>>
    %dma_start3A_320 = tpu.memref_squeeze %dma_start3A_319 : memref<1x1x128xi32, #tpu.memory_space<vmem>> -> memref<128xi32, #tpu.memory_space<vmem>>
    %dma_start3A_321 = arith.constant 0 : i32
    %dma_start3A_322 = arith.constant 0 : i32
    %dma_start3A_323 = tpu.memref_slice %arg2[%dma_start3A_321, %dma_start3A_322] : memref<200000x128xf32, #tpu.memory_space<hbm>> -> memref<200000x128xf32, #tpu.memory_space<hbm>>
    tpu.enqueue_indirect_dma source(%dma_start3A_323 : memref<200000x128xf32, #tpu.memory_space<hbm>>) target(%dma_start3A_317 : memref<128x128xf32, #tpu.memory_space<vmem>>) offsets(%dma_start3A_320 : memref<128xi32, #tpu.memory_space<vmem>>) semaphore(%arg12 : memref<!tpu.dma_semaphore, #tpu.memory_space<semaphore_mem>>) {add = true}
    %dma_start3A_324 = arith.constant 1 : i32
    %dma_start3A_325 = arith.constant 5 : i32
    %dma_start3A_326 = arith.constant 1 : i32
    %dma_start3A_327 = arith.constant 0 : i32
    %dma_start3A_328 = arith.constant 0 : i32
    %dma_start3A_329 = tpu.memref_slice %arg6[%dma_start3A_326, %dma_start3A_327, %dma_start3A_328] : memref<2x128x128xf32, #tpu.memory_space<vmem>> -> memref<1x128x128xf32, #tpu.memory_space<vmem>>
    %dma_start3A_330 = tpu.memref_squeeze %dma_start3A_329 : memref<1x128x128xf32, #tpu.memory_space<vmem>> -> memref<128x128xf32, #tpu.memory_space<vmem>>
    %dma_start3A_331 = arith.constant 0 : i32
    %dma_start3A_332 = tpu.memref_slice %arg5[%dma_start3A_324, %dma_start3A_325, %dma_start3A_331] : memref<2x6x128xi32, #tpu.memory_space<vmem>> -> memref<1x1x128xi32, #tpu.memory_space<vmem>>
    %dma_start3A_333 = tpu.memref_squeeze %dma_start3A_332 : memref<1x1x128xi32, #tpu.memory_space<vmem>> -> memref<128xi32, #tpu.memory_space<vmem>>
    %dma_start3A_334 = arith.constant 0 : i32
    %dma_start3A_335 = arith.constant 0 : i32
    %dma_start3A_336 = tpu.memref_slice %arg2[%dma_start3A_334, %dma_start3A_335] : memref<200000x128xf32, #tpu.memory_space<hbm>> -> memref<200000x128xf32, #tpu.memory_space<hbm>>
    tpu.enqueue_indirect_dma source(%dma_start3A_336 : memref<200000x128xf32, #tpu.memory_space<hbm>>) target(%dma_start3A_330 : memref<128x128xf32, #tpu.memory_space<vmem>>) offsets(%dma_start3A_333 : memref<128xi32, #tpu.memory_space<vmem>>) semaphore(%arg12 : memref<!tpu.dma_semaphore, #tpu.memory_space<semaphore_mem>>) {add = true}
    %dma_wait3A_337 = arith.constant 1 : i32
    %dma_wait3A_338 = arith.constant 0 : i32
    %dma_wait3A_339 = arith.constant 0 : i32
    %dma_wait3A_340 = tpu.memref_slice %arg6[%dma_wait3A_337, %dma_wait3A_338, %dma_wait3A_339] : memref<2x128x128xf32, #tpu.memory_space<vmem>> -> memref<1x128x128xf32, #tpu.memory_space<vmem>>
    %dma_wait3A_341 = tpu.memref_squeeze %dma_wait3A_340 : memref<1x128x128xf32, #tpu.memory_space<vmem>> -> memref<128x128xf32, #tpu.memory_space<vmem>>
    %dma_wait3A_342 = arith.constant 0 : i32
    %dma_wait3A_343 = tpu.memref_slice %arg4[%mul3A_2, %dma_wait3A_342] : memref<200704x128xf32, #tpu.memory_space<hbm>> -> memref<128x128xf32, #tpu.memory_space<hbm>>
    %dma_wait3A_344 = arith.constant 0 : i32
    %dma_wait3A_345 = arith.constant 0 : i32
    %dma_wait3A_346 = tpu.memref_slice %arg6[%dma_wait3A_337, %dma_wait3A_344, %dma_wait3A_345] : memref<2x128x128xf32, #tpu.memory_space<vmem>> -> memref<1x128x128xf32, #tpu.memory_space<vmem>>
    %dma_wait3A_347 = tpu.memref_squeeze %dma_wait3A_346 : memref<1x128x128xf32, #tpu.memory_space<vmem>> -> memref<128x128xf32, #tpu.memory_space<vmem>>
    %dma_wait3A_348 = arith.constant 0 : i32
    %dma_wait3A_349 = tpu.memref_slice %arg4[%mul3A_2, %dma_wait3A_348] : memref<200704x128xf32, #tpu.memory_space<hbm>> -> memref<128x128xf32, #tpu.memory_space<hbm>>
    tpu.wait_dma2 semaphore(%arg12 : memref<!tpu.dma_semaphore, #tpu.memory_space<semaphore_mem>>) src(%dma_wait3A_349 : memref<128x128xf32, #tpu.memory_space<hbm>>) dst(%dma_wait3A_347 : memref<128x128xf32, #tpu.memory_space<vmem>>)
    %dma_wait3A_350 = arith.constant 1 : i32
    %dma_wait3A_351 = arith.constant 0 : i32
    %dma_wait3A_352 = arith.constant 0 : i32
    %dma_wait3A_353 = tpu.memref_slice %arg6[%dma_wait3A_350, %dma_wait3A_351, %dma_wait3A_352] : memref<2x128x128xf32, #tpu.memory_space<vmem>> -> memref<1x128x128xf32, #tpu.memory_space<vmem>>
    %dma_wait3A_354 = tpu.memref_squeeze %dma_wait3A_353 : memref<1x128x128xf32, #tpu.memory_space<vmem>> -> memref<128x128xf32, #tpu.memory_space<vmem>>
    %dma_wait3A_355 = arith.constant 0 : i32
    %dma_wait3A_356 = tpu.memref_slice %arg4[%mul3A_2, %dma_wait3A_355] : memref<200704x128xf32, #tpu.memory_space<hbm>> -> memref<128x128xf32, #tpu.memory_space<hbm>>
    %dma_wait3A_357 = arith.constant 0 : i32
    %dma_wait3A_358 = arith.constant 0 : i32
    %dma_wait3A_359 = tpu.memref_slice %arg6[%dma_wait3A_350, %dma_wait3A_357, %dma_wait3A_358] : memref<2x128x128xf32, #tpu.memory_space<vmem>> -> memref<1x128x128xf32, #tpu.memory_space<vmem>>
    %dma_wait3A_360 = tpu.memref_squeeze %dma_wait3A_359 : memref<1x128x128xf32, #tpu.memory_space<vmem>> -> memref<128x128xf32, #tpu.memory_space<vmem>>
    %dma_wait3A_361 = arith.constant 0 : i32
    %dma_wait3A_362 = tpu.memref_slice %arg4[%mul3A_2, %dma_wait3A_361] : memref<200704x128xf32, #tpu.memory_space<hbm>> -> memref<128x128xf32, #tpu.memory_space<hbm>>
    tpu.wait_dma2 semaphore(%arg12 : memref<!tpu.dma_semaphore, #tpu.memory_space<semaphore_mem>>) src(%dma_wait3A_362 : memref<128x128xf32, #tpu.memory_space<hbm>>) dst(%dma_wait3A_360 : memref<128x128xf32, #tpu.memory_space<vmem>>)
    %dma_wait3A_363 = arith.constant 1 : i32
    %dma_wait3A_364 = arith.constant 0 : i32
    %dma_wait3A_365 = arith.constant 0 : i32
    %dma_wait3A_366 = tpu.memref_slice %arg6[%dma_wait3A_363, %dma_wait3A_364, %dma_wait3A_365] : memref<2x128x128xf32, #tpu.memory_space<vmem>> -> memref<1x128x128xf32, #tpu.memory_space<vmem>>
    %dma_wait3A_367 = tpu.memref_squeeze %dma_wait3A_366 : memref<1x128x128xf32, #tpu.memory_space<vmem>> -> memref<128x128xf32, #tpu.memory_space<vmem>>
    %dma_wait3A_368 = arith.constant 0 : i32
    %dma_wait3A_369 = tpu.memref_slice %arg4[%mul3A_2, %dma_wait3A_368] : memref<200704x128xf32, #tpu.memory_space<hbm>> -> memref<128x128xf32, #tpu.memory_space<hbm>>
    %dma_wait3A_370 = arith.constant 0 : i32
    %dma_wait3A_371 = arith.constant 0 : i32
    %dma_wait3A_372 = tpu.memref_slice %arg6[%dma_wait3A_363, %dma_wait3A_370, %dma_wait3A_371] : memref<2x128x128xf32, #tpu.memory_space<vmem>> -> memref<1x128x128xf32, #tpu.memory_space<vmem>>
    %dma_wait3A_373 = tpu.memref_squeeze %dma_wait3A_372 : memref<1x128x128xf32, #tpu.memory_space<vmem>> -> memref<128x128xf32, #tpu.memory_space<vmem>>
    %dma_wait3A_374 = arith.constant 0 : i32
    %dma_wait3A_375 = tpu.memref_slice %arg4[%mul3A_2, %dma_wait3A_374] : memref<200704x128xf32, #tpu.memory_space<hbm>> -> memref<128x128xf32, #tpu.memory_space<hbm>>
    tpu.wait_dma2 semaphore(%arg12 : memref<!tpu.dma_semaphore, #tpu.memory_space<semaphore_mem>>) src(%dma_wait3A_375 : memref<128x128xf32, #tpu.memory_space<hbm>>) dst(%dma_wait3A_373 : memref<128x128xf32, #tpu.memory_space<vmem>>)
    %dma_wait3A_376 = arith.constant 1 : i32
    %dma_wait3A_377 = arith.constant 0 : i32
    %dma_wait3A_378 = arith.constant 0 : i32
    %dma_wait3A_379 = tpu.memref_slice %arg6[%dma_wait3A_376, %dma_wait3A_377, %dma_wait3A_378] : memref<2x128x128xf32, #tpu.memory_space<vmem>> -> memref<1x128x128xf32, #tpu.memory_space<vmem>>
    %dma_wait3A_380 = tpu.memref_squeeze %dma_wait3A_379 : memref<1x128x128xf32, #tpu.memory_space<vmem>> -> memref<128x128xf32, #tpu.memory_space<vmem>>
    %dma_wait3A_381 = arith.constant 0 : i32
    %dma_wait3A_382 = tpu.memref_slice %arg4[%mul3A_2, %dma_wait3A_381] : memref<200704x128xf32, #tpu.memory_space<hbm>> -> memref<128x128xf32, #tpu.memory_space<hbm>>
    %dma_wait3A_383 = arith.constant 0 : i32
    %dma_wait3A_384 = arith.constant 0 : i32
    %dma_wait3A_385 = tpu.memref_slice %arg6[%dma_wait3A_376, %dma_wait3A_383, %dma_wait3A_384] : memref<2x128x128xf32, #tpu.memory_space<vmem>> -> memref<1x128x128xf32, #tpu.memory_space<vmem>>
    %dma_wait3A_386 = tpu.memref_squeeze %dma_wait3A_385 : memref<1x128x128xf32, #tpu.memory_space<vmem>> -> memref<128x128xf32, #tpu.memory_space<vmem>>
    %dma_wait3A_387 = arith.constant 0 : i32
    %dma_wait3A_388 = tpu.memref_slice %arg4[%mul3A_2, %dma_wait3A_387] : memref<200704x128xf32, #tpu.memory_space<hbm>> -> memref<128x128xf32, #tpu.memory_space<hbm>>
    tpu.wait_dma2 semaphore(%arg12 : memref<!tpu.dma_semaphore, #tpu.memory_space<semaphore_mem>>) src(%dma_wait3A_388 : memref<128x128xf32, #tpu.memory_space<hbm>>) dst(%dma_wait3A_386 : memref<128x128xf32, #tpu.memory_space<vmem>>)
    %dma_wait3A_389 = arith.constant 1 : i32
    %dma_wait3A_390 = arith.constant 0 : i32
    %dma_wait3A_391 = arith.constant 0 : i32
    %dma_wait3A_392 = tpu.memref_slice %arg6[%dma_wait3A_389, %dma_wait3A_390, %dma_wait3A_391] : memref<2x128x128xf32, #tpu.memory_space<vmem>> -> memref<1x128x128xf32, #tpu.memory_space<vmem>>
    %dma_wait3A_393 = tpu.memref_squeeze %dma_wait3A_392 : memref<1x128x128xf32, #tpu.memory_space<vmem>> -> memref<128x128xf32, #tpu.memory_space<vmem>>
    %dma_wait3A_394 = arith.constant 0 : i32
    %dma_wait3A_395 = tpu.memref_slice %arg4[%mul3A_2, %dma_wait3A_394] : memref<200704x128xf32, #tpu.memory_space<hbm>> -> memref<128x128xf32, #tpu.memory_space<hbm>>
    %dma_wait3A_396 = arith.constant 0 : i32
    %dma_wait3A_397 = arith.constant 0 : i32
    %dma_wait3A_398 = tpu.memref_slice %arg6[%dma_wait3A_389, %dma_wait3A_396, %dma_wait3A_397] : memref<2x128x128xf32, #tpu.memory_space<vmem>> -> memref<1x128x128xf32, #tpu.memory_space<vmem>>
    %dma_wait3A_399 = tpu.memref_squeeze %dma_wait3A_398 : memref<1x128x128xf32, #tpu.memory_space<vmem>> -> memref<128x128xf32, #tpu.memory_space<vmem>>
    %dma_wait3A_400 = arith.constant 0 : i32
    %dma_wait3A_401 = tpu.memref_slice %arg4[%mul3A_2, %dma_wait3A_400] : memref<200704x128xf32, #tpu.memory_space<hbm>> -> memref<128x128xf32, #tpu.memory_space<hbm>>
    tpu.wait_dma2 semaphore(%arg12 : memref<!tpu.dma_semaphore, #tpu.memory_space<semaphore_mem>>) src(%dma_wait3A_401 : memref<128x128xf32, #tpu.memory_space<hbm>>) dst(%dma_wait3A_399 : memref<128x128xf32, #tpu.memory_space<vmem>>)
    %dma_wait3A_402 = arith.constant 0 : i32
    %dma_wait3A_403 = arith.constant 0 : i32
    %dma_wait3A_404 = arith.constant 0 : i32
    %dma_wait3A_405 = tpu.memref_slice %arg6[%dma_wait3A_402, %dma_wait3A_403, %dma_wait3A_404] : memref<2x128x128xf32, #tpu.memory_space<vmem>> -> memref<1x128x128xf32, #tpu.memory_space<vmem>>
    %dma_wait3A_406 = tpu.memref_squeeze %dma_wait3A_405 : memref<1x128x128xf32, #tpu.memory_space<vmem>> -> memref<128x128xf32, #tpu.memory_space<vmem>>
    %dma_wait3A_407 = arith.constant 0 : i32
    %dma_wait3A_408 = tpu.memref_slice %arg4[%mul3A_2, %dma_wait3A_407] : memref<200704x128xf32, #tpu.memory_space<hbm>> -> memref<128x128xf32, #tpu.memory_space<hbm>>
    %dma_wait3A_409 = arith.constant 0 : i32
    %dma_wait3A_410 = tpu.memref_slice %arg4[%mul3A_2, %dma_wait3A_409] : memref<200704x128xf32, #tpu.memory_space<hbm>> -> memref<128x128xf32, #tpu.memory_space<hbm>>
    %dma_wait3A_411 = arith.constant 0 : i32
    %dma_wait3A_412 = arith.constant 0 : i32
    %dma_wait3A_413 = tpu.memref_slice %arg6[%dma_wait3A_402, %dma_wait3A_411, %dma_wait3A_412] : memref<2x128x128xf32, #tpu.memory_space<vmem>> -> memref<1x128x128xf32, #tpu.memory_space<vmem>>
    %dma_wait3A_414 = tpu.memref_squeeze %dma_wait3A_413 : memref<1x128x128xf32, #tpu.memory_space<vmem>> -> memref<128x128xf32, #tpu.memory_space<vmem>>
    tpu.wait_dma2 semaphore(%arg13 : memref<!tpu.dma_semaphore, #tpu.memory_space<semaphore_mem>>) src(%dma_wait3A_414 : memref<128x128xf32, #tpu.memory_space<vmem>>) dst(%dma_wait3A_410 : memref<128x128xf32, #tpu.memory_space<hbm>>)
    %dma_wait3A_415 = arith.constant 0 : i32
    %dma_wait3A_416 = arith.constant 0 : i32
    %dma_wait3A_417 = arith.constant 0 : i32
    %dma_wait3A_418 = tpu.memref_slice %arg5[%dma_wait3A_415, %dma_wait3A_416, %dma_wait3A_417] : memref<2x6x128xi32, #tpu.memory_space<vmem>> -> memref<1x6x128xi32, #tpu.memory_space<vmem>>
    %dma_wait3A_419 = tpu.memref_squeeze %dma_wait3A_418 : memref<1x6x128xi32, #tpu.memory_space<vmem>> -> memref<6x128xi32, #tpu.memory_space<vmem>>
    %dma_wait3A_420 = arith.constant 0 : i32
    %dma_wait3A_421 = tpu.memref_slice %arg3[%dma_wait3A_420, %mul3A_2] : memref<6x200704xi32, #tpu.memory_space<hbm>> -> memref<6x128xi32, #tpu.memory_space<hbm>>
    %dma_wait3A_422 = arith.constant 0 : i32
    %dma_wait3A_423 = arith.constant 0 : i32
    %dma_wait3A_424 = tpu.memref_slice %arg5[%dma_wait3A_415, %dma_wait3A_422, %dma_wait3A_423] : memref<2x6x128xi32, #tpu.memory_space<vmem>> -> memref<1x6x128xi32, #tpu.memory_space<vmem>>
    %dma_wait3A_425 = tpu.memref_squeeze %dma_wait3A_424 : memref<1x6x128xi32, #tpu.memory_space<vmem>> -> memref<6x128xi32, #tpu.memory_space<vmem>>
    %dma_wait3A_426 = arith.constant 0 : i32
    %dma_wait3A_427 = tpu.memref_slice %arg3[%dma_wait3A_426, %mul3A_2] : memref<6x200704xi32, #tpu.memory_space<hbm>> -> memref<6x128xi32, #tpu.memory_space<hbm>>
    tpu.wait_dma2 semaphore(%arg7 : memref<!tpu.dma_semaphore, #tpu.memory_space<semaphore_mem>>) src(%dma_wait3A_427 : memref<6x128xi32, #tpu.memory_space<hbm>>) dst(%dma_wait3A_425 : memref<6x128xi32, #tpu.memory_space<vmem>>)
    return
  }
}

module attributes {stable_mosaic.version = 14 : i64} {
  func.func @body(%arg0: i32, %arg1: memref<4000x50xf32, #tpu.memory_space<vmem>>, %arg2: memref<128x50xf32, #tpu.memory_space<vmem>>, %arg3: memref<4000x128xf32, #tpu.memory_space<vmem>>) attributes {dimension_semantics = [#tpu.dimension_semantics<arbitrary>], iteration_bounds = array<i64: 50>, scalar_prefetch = 0 : i64, scratch_operands = 0 : i64, tpu.core_type = #tpu.core_type<tc>, window_params = [{transform_indices = @transform_0, window_bounds = array<i64: 4000, 50>}, {pipeline_mode = #tpu.pipeline_mode<synchronous>, transform_indices = @transform_1, window_bounds = array<i64: 128, 50>}, {transform_indices = @transform_2, window_bounds = array<i64: 4000, 128>}]} {
    %get3A = arith.constant 0 : index
    %get3A_0 = arith.constant 0 : index
    %get3A_1 = vector.load %arg1[%get3A, %get3A_0] : memref<4000x50xf32, #tpu.memory_space<vmem>>, vector<4000x50xf32>
    %get3A_2 = arith.constant 0 : index
    %get3A_3 = arith.constant 0 : index
    %get3A_4 = vector.load %arg2[%get3A_2, %get3A_3] : memref<128x50xf32, #tpu.memory_space<vmem>>, vector<128x50xf32>
    %dot_general3A = arith.constant dense<0.000000e+00> : vector<4000x128xf32>
    %dot_general3A_5 = tpu.matmul %get3A_1, %get3A_4, %dot_general3A {dimension_numbers = #tpu.dot_dimension_numbers<[1], [1], [0], [0], [0, 0, 1, 0], [], []>, transpose_lhs_hint = false} : vector<4000x50xf32>, vector<128x50xf32>, vector<4000x128xf32> -> vector<4000x128xf32>
    %max3A = arith.constant 0.000000e+00 : f32
    %max3A_6 = vector.broadcast %max3A : f32 to vector<4000x128xf32>
    %max3A_7 = arith.maximumf %dot_general3A_5, %max3A_6 : vector<4000x128xf32>
    %swap3A = arith.constant 0 : index
    %swap3A_8 = arith.constant 0 : index
    %swap3A_9 = vector.load %arg3[%swap3A, %swap3A_8] : memref<4000x128xf32, #tpu.memory_space<vmem>>, vector<4000x128xf32>
    tpu.vector_store %arg3[%swap3A, %swap3A_8], %max3A_7 {strides = array<i32>} : memref<4000x128xf32, #tpu.memory_space<vmem>>, vector<4000x128xf32>,
    return
  }
  func.func @transform_0(%arg0: i32) -> (i32, i32) {
    %c0_i32 = arith.constant 0 : i32
    %c0_i32_0 = arith.constant 0 : i32
    return %arg0, %c0_i32 : i32, i32
  }
  func.func @transform_1(%arg0: i32) -> (i32, i32) {
    %c0_i32 = arith.constant 0 : i32
    %c0_i32_0 = arith.constant 0 : i32
    %c0_i32_1 = arith.constant 0 : i32
    return %c0_i32, %c0_i32_0 : i32, i32
  }
  func.func @transform_2(%arg0: i32) -> (i32, i32) {
    %c0_i32 = arith.constant 0 : i32
    %c0_i32_0 = arith.constant 0 : i32
    return %arg0, %c0_i32 : i32, i32
  }
}

module attributes {stable_mosaic.version = 14 : i64} {
  func.func @body(%arg0: i32, %arg1: memref<4000x50xf32, #tpu.memory_space<vmem>>, %arg2: memref<4000x128xf32, #tpu.memory_space<vmem>>, %arg3: memref<128x50xf32, #tpu.memory_space<vmem>>, %arg4: memref<128x128xf32, #tpu.memory_space<vmem>>, %arg5: memref<4000x128xf32, #tpu.memory_space<vmem>>) attributes {dimension_semantics = [#tpu.dimension_semantics<arbitrary>], iteration_bounds = array<i64: 50>, scalar_prefetch = 0 : i64, scratch_operands = 0 : i64, tpu.core_type = #tpu.core_type<tc>, window_params = [{transform_indices = @transform_0, window_bounds = array<i64: 4000, 50>}, {transform_indices = @transform_1, window_bounds = array<i64: 4000, 128>}, {pipeline_mode = #tpu.pipeline_mode<synchronous>, transform_indices = @transform_2, window_bounds = array<i64: 128, 50>}, {pipeline_mode = #tpu.pipeline_mode<synchronous>, transform_indices = @transform_3, window_bounds = array<i64: 128, 128>}, {transform_indices = @transform_4, window_bounds = array<i64: 4000, 128>}]} {
    %get3A = arith.constant 0 : index
    %get3A_0 = arith.constant 0 : index
    %get3A_1 = vector.load %arg1[%get3A, %get3A_0] : memref<4000x50xf32, #tpu.memory_space<vmem>>, vector<4000x50xf32>
    %get3A_2 = arith.constant 0 : index
    %get3A_3 = arith.constant 0 : index
    %get3A_4 = vector.load %arg3[%get3A_2, %get3A_3] : memref<128x50xf32, #tpu.memory_space<vmem>>, vector<128x50xf32>
    %dot_general3A = arith.constant dense<0.000000e+00> : vector<4000x128xf32>
    %dot_general3A_5 = tpu.matmul %get3A_1, %get3A_4, %dot_general3A {dimension_numbers = #tpu.dot_dimension_numbers<[1], [1], [0], [0], [0, 0, 1, 0], [], []>, transpose_lhs_hint = false} : vector<4000x50xf32>, vector<128x50xf32>, vector<4000x128xf32> -> vector<4000x128xf32>
    %get3A_6 = arith.constant 0 : index
    %get3A_7 = arith.constant 0 : index
    %get3A_8 = vector.load %arg2[%get3A_6, %get3A_7] : memref<4000x128xf32, #tpu.memory_space<vmem>>, vector<4000x128xf32>
    %get3A_9 = arith.constant 0 : index
    %get3A_10 = arith.constant 0 : index
    %get3A_11 = vector.load %arg4[%get3A_9, %get3A_10] : memref<128x128xf32, #tpu.memory_space<vmem>>, vector<128x128xf32>
    %dot_general3A_12 = arith.constant dense<0.000000e+00> : vector<4000x128xf32>
    %dot_general3A_13 = tpu.matmul %get3A_8, %get3A_11, %dot_general3A_12 {dimension_numbers = #tpu.dot_dimension_numbers<[1], [1], [0], [0], [0, 0, 1, 0], [], []>, transpose_lhs_hint = false} : vector<4000x128xf32>, vector<128x128xf32>, vector<4000x128xf32> -> vector<4000x128xf32>
    %add3A = arith.addf %dot_general3A_5, %dot_general3A_13 : vector<4000x128xf32>
    %max3A = arith.constant 0.000000e+00 : f32
    %max3A_14 = vector.broadcast %max3A : f32 to vector<4000x128xf32>
    %max3A_15 = arith.maximumf %add3A, %max3A_14 : vector<4000x128xf32>
    %swap3A = arith.constant 0 : index
    %swap3A_16 = arith.constant 0 : index
    %swap3A_17 = vector.load %arg5[%swap3A, %swap3A_16] : memref<4000x128xf32, #tpu.memory_space<vmem>>, vector<4000x128xf32>
    tpu.vector_store %arg5[%swap3A, %swap3A_16], %max3A_15 {strides = array<i32>} : memref<4000x128xf32, #tpu.memory_space<vmem>>, vector<4000x128xf32>,
    return
  }
  func.func @transform_0(%arg0: i32) -> (i32, i32) {
    %c0_i32 = arith.constant 0 : i32
    %c0_i32_0 = arith.constant 0 : i32
    return %arg0, %c0_i32 : i32, i32
  }
  func.func @transform_1(%arg0: i32) -> (i32, i32) {
    %c0_i32 = arith.constant 0 : i32
    %c0_i32_0 = arith.constant 0 : i32
    return %arg0, %c0_i32 : i32, i32
  }
  func.func @transform_2(%arg0: i32) -> (i32, i32) {
    %c0_i32 = arith.constant 0 : i32
    %c0_i32_0 = arith.constant 0 : i32
    %c0_i32_1 = arith.constant 0 : i32
    return %c0_i32, %c0_i32_0 : i32, i32
  }
  func.func @transform_3(%arg0: i32) -> (i32, i32) {
    %c0_i32 = arith.constant 0 : i32
    %c0_i32_0 = arith.constant 0 : i32
    %c0_i32_1 = arith.constant 0 : i32
    return %c0_i32, %c0_i32_0 : i32, i32
  }
  func.func @transform_4(%arg0: i32) -> (i32, i32) {
    %c0_i32 = arith.constant 0 : i32
    %c0_i32_0 = arith.constant 0 : i32
    return %arg0, %c0_i32 : i32, i32
  }
}

module attributes {stable_mosaic.version = 14 : i64} {
  func.func @body(%arg0: i32, %arg1: memref<4000x39xf32, #tpu.memory_space<vmem>>, %arg2: memref<4000x128xf32, #tpu.memory_space<vmem>>, %arg3: memref<128x39xf32, #tpu.memory_space<vmem>>, %arg4: memref<128x128xf32, #tpu.memory_space<vmem>>, %arg5: memref<1x128xf32, #tpu.memory_space<vmem>>, %arg6: memref<1x128xf32, #tpu.memory_space<vmem>>) attributes {dimension_semantics = [#tpu.dimension_semantics<arbitrary>], iteration_bounds = array<i64: 25>, scalar_prefetch = 0 : i64, scratch_operands = 0 : i64, tpu.core_type = #tpu.core_type<tc>, window_params = [{transform_indices = @transform_0, window_bounds = array<i64: 4000, 39>}, {transform_indices = @transform_1, window_bounds = array<i64: 4000, 128>}, {pipeline_mode = #tpu.pipeline_mode<synchronous>, transform_indices = @transform_2, window_bounds = array<i64: 128, 39>}, {pipeline_mode = #tpu.pipeline_mode<synchronous>, transform_indices = @transform_3, window_bounds = array<i64: 128, 128>}, {pipeline_mode = #tpu.pipeline_mode<synchronous>, transform_indices = @transform_4, window_bounds = array<i64: 1, 128>}, {pipeline_mode = #tpu.pipeline_mode<synchronous>, transform_indices = @transform_5, window_bounds = array<i64: 1, 128>}]} {
    %get3A = arith.constant 0 : index
    %get3A_0 = arith.constant 0 : index
    %get3A_1 = vector.load %arg1[%get3A, %get3A_0] : memref<4000x39xf32, #tpu.memory_space<vmem>>, vector<4000x39xf32>
    %get3A_2 = arith.constant 0 : index
    %get3A_3 = arith.constant 0 : index
    %get3A_4 = vector.load %arg3[%get3A_2, %get3A_3] : memref<128x39xf32, #tpu.memory_space<vmem>>, vector<128x39xf32>
    %dot_general3A = arith.constant dense<0.000000e+00> : vector<4000x128xf32>
    %dot_general3A_5 = tpu.matmul %get3A_1, %get3A_4, %dot_general3A {dimension_numbers = #tpu.dot_dimension_numbers<[1], [1], [0], [0], [0, 0, 1, 0], [], []>, transpose_lhs_hint = false} : vector<4000x39xf32>, vector<128x39xf32>, vector<4000x128xf32> -> vector<4000x128xf32>
    %get3A_6 = arith.constant 0 : index
    %get3A_7 = arith.constant 0 : index
    %get3A_8 = vector.load %arg2[%get3A_6, %get3A_7] : memref<4000x128xf32, #tpu.memory_space<vmem>>, vector<4000x128xf32>
    %get3A_9 = arith.constant 0 : index
    %get3A_10 = arith.constant 0 : index
    %get3A_11 = vector.load %arg4[%get3A_9, %get3A_10] : memref<128x128xf32, #tpu.memory_space<vmem>>, vector<128x128xf32>
    %dot_general3A_12 = arith.constant dense<0.000000e+00> : vector<4000x128xf32>
    %dot_general3A_13 = tpu.matmul %get3A_8, %get3A_11, %dot_general3A_12 {dimension_numbers = #tpu.dot_dimension_numbers<[1], [1], [0], [0], [0, 0, 1, 0], [], []>, transpose_lhs_hint = false} : vector<4000x128xf32>, vector<128x128xf32>, vector<4000x128xf32> -> vector<4000x128xf32>
    %add3A = arith.addf %dot_general3A_5, %dot_general3A_13 : vector<4000x128xf32>
    %get3A_14 = arith.constant 0 : index
    %get3A_15 = arith.constant 0 : index
    %get3A_16 = vector.load %arg5[%get3A_14, %get3A_15] : memref<1x128xf32, #tpu.memory_space<vmem>>, vector<1x128xf32>
    %add3A_17 = vector.broadcast %get3A_16 : vector<1x128xf32> to vector<4000x128xf32>
    %add3A_18 = arith.addf %add3A, %add3A_17 : vector<4000x128xf32>
    %max3A = arith.constant 0.000000e+00 : f32
    %max3A_19 = vector.broadcast %max3A : f32 to vector<4000x128xf32>
    %max3A_20 = arith.maximumf %add3A_18, %max3A_19 : vector<4000x128xf32>
    %reduce_sum3A = arith.constant dense<0.000000e+00> : vector<128xf32>
    %reduce_sum3A_21 = vector.multi_reduction <add>, %max3A_20, %reduce_sum3A [0] : vector<4000x128xf32> to vector<128xf32>
    %broadcast_in_dim3A = vector.shape_cast %reduce_sum3A_21 : vector<128xf32> to vector<1x128xf32>
    %eq3A = arith.constant 0 : i32
    %eq3A_22 = arith.cmpi eq, %arg0, %eq3A : i32
    %convert_element_type3A = arith.extui %eq3A_22 : i1 to i32
    %cond3A = arith.constant 0 : i32
    %cond3A_23 = arith.cmpi ne, %convert_element_type3A, %cond3A : i32
    scf.if %cond3A_23 {
      %broadcast_in_dim3A_35 = arith.constant 0.000000e+00 : f32
      %broadcast_in_dim3A_36 = vector.broadcast %broadcast_in_dim3A_35 : f32 to vector<1x128xf32>
      %swap3A_37 = arith.constant 0 : index
      %swap3A_38 = arith.constant 0 : index
      %swap3A_39 = vector.load %arg6[%swap3A_37, %swap3A_38] : memref<1x128xf32, #tpu.memory_space<vmem>>, vector<1x128xf32>
      tpu.vector_store %arg6[%swap3A_37, %swap3A_38], %broadcast_in_dim3A_36 {strides = array<i32>} : memref<1x128xf32, #tpu.memory_space<vmem>>, vector<1x128xf32>,
    } else {
    }
    %get3A_24 = arith.constant 0 : index
    %get3A_25 = arith.constant 0 : index
    %get3A_26 = vector.load %arg6[%get3A_24, %get3A_25] : memref<1x128xf32, #tpu.memory_space<vmem>>, vector<1x128xf32>
    %add3A_27 = arith.addf %get3A_26, %broadcast_in_dim3A : vector<1x128xf32>
    %swap3A = arith.constant 0 : index
    %swap3A_28 = arith.constant 0 : index
    %swap3A_29 = vector.load %arg6[%swap3A, %swap3A_28] : memref<1x128xf32, #tpu.memory_space<vmem>>, vector<1x128xf32>
    tpu.vector_store %arg6[%swap3A, %swap3A_28], %add3A_27 {strides = array<i32>} : memref<1x128xf32, #tpu.memory_space<vmem>>, vector<1x128xf32>,
    %eq3A_30 = arith.constant 24 : i32
    %eq3A_31 = arith.cmpi eq, %arg0, %eq3A_30 : i32
    %convert_element_type3A_32 = arith.extui %eq3A_31 : i1 to i32
    %cond3A_33 = arith.constant 0 : i32
    %cond3A_34 = arith.cmpi ne, %convert_element_type3A_32, %cond3A_33 : i32
    scf.if %cond3A_34 {
      %get3A_35 = arith.constant 0 : index
      %get3A_36 = arith.constant 0 : index
      %get3A_37 = vector.load %arg6[%get3A_35, %get3A_36] : memref<1x128xf32, #tpu.memory_space<vmem>>, vector<1x128xf32>
      %mul3A = arith.constant 9.99999974E-6 : f32
      %mul3A_38 = vector.broadcast %mul3A : f32 to vector<1x128xf32>
      %mul3A_39 = arith.mulf %get3A_37, %mul3A_38 : vector<1x128xf32>
      %swap3A_40 = arith.constant 0 : index
      %swap3A_41 = arith.constant 0 : index
      %swap3A_42 = vector.load %arg6[%swap3A_40, %swap3A_41] : memref<1x128xf32, #tpu.memory_space<vmem>>, vector<1x128xf32>
      tpu.vector_store %arg6[%swap3A_40, %swap3A_41], %mul3A_39 {strides = array<i32>} : memref<1x128xf32, #tpu.memory_space<vmem>>, vector<1x128xf32>,
    } else {
    }
    return
  }
  func.func @transform_0(%arg0: i32) -> (i32, i32) {
    %c0_i32 = arith.constant 0 : i32
    %c0_i32_0 = arith.constant 0 : i32
    return %arg0, %c0_i32 : i32, i32
  }
  func.func @transform_1(%arg0: i32) -> (i32, i32) {
    %c0_i32 = arith.constant 0 : i32
    %c0_i32_0 = arith.constant 0 : i32
    return %arg0, %c0_i32 : i32, i32
  }
  func.func @transform_2(%arg0: i32) -> (i32, i32) {
    %c0_i32 = arith.constant 0 : i32
    %c0_i32_0 = arith.constant 0 : i32
    %c0_i32_1 = arith.constant 0 : i32
    return %c0_i32, %c0_i32_0 : i32, i32
  }
  func.func @transform_3(%arg0: i32) -> (i32, i32) {
    %c0_i32 = arith.constant 0 : i32
    %c0_i32_0 = arith.constant 0 : i32
    %c0_i32_1 = arith.constant 0 : i32
    return %c0_i32, %c0_i32_0 : i32, i32
  }
  func.func @transform_4(%arg0: i32) -> (i32, i32) {
    %c0_i32 = arith.constant 0 : i32
    %c0_i32_0 = arith.constant 0 : i32
    %c0_i32_1 = arith.constant 0 : i32
    return %c0_i32, %c0_i32_0 : i32, i32
  }
  func.func @transform_5(%arg0: i32) -> (i32, i32) {
    %c0_i32 = arith.constant 0 : i32
    %c0_i32_0 = arith.constant 0 : i32
    %c0_i32_1 = arith.constant 0 : i32
    return %c0_i32, %c0_i32_0 : i32, i32
  }
}

</mosaic_0001>

<sc_bundles>
// kernel: kernel.12.cloned.1.call-start
scs
__scs_entry_jumppad:
0x0: {  	(pc) =	sbr.rel $0x88, $3  }
0x1: {  	(tag) =	ssettag $0x0;
	lr =	simm.s32 $0x1  }
0x2: {  	[smem:$0x3F99] =	sst lr;
	_ =	strace $0xD0000000  }
0x3: {  	_ = 	snop  }
0x4: {  	_ = 	snop  }
0x5: {  	_ = 	snop  }
0x6: {  	_ = 	snop  }
0x7: {  	_ = 	snop  }
__scs_overlays_trampoline_lowered:
0x8: {  	[smem:$0x3FA8] =	sst s0  }
0x9: {  	[smem:$0x3FA9] =	sst s1  }
0xa: {  	[smem:$0x3FAA] =	sst s2  }
0xb: {  	[smem:$0x3FAB] =	sst s3  }
0xc: {  	[smem:$0x3FAC] =	sst s4  }
0xd: {  	[smem:$0x3FAD] =	sst s5  }
0xe: {  	[smem:$0x3FAE] =	sst s6  }
0xf: {  	[smem:$0x3FAF] =	sst s7  }
0x10: {  	[smem:$0x3FB0] =	sst s8  }
0x11: {  	[smem:$0x3FB1] =	sst s9;
	s0 =	simm.s32 @!p0 $0x0  }
0x12: {  	s1 =	sld [smem:$0x3F97];
	s0 =	simm.s32 @p0 $0x1  }
0x13: {  	[smem:$0x3FB2] =	sst s0;
	s0 =	simm.s32 @!p1 $0x0  }
0x14: {  	s2 =	sld [smem:$0x3F96];
	s0 =	simm.s32 @p1 $0x1  }
0x15: {  	[smem:$0x3FB3] =	sst s0;
	s0 =	simm.s32 @!p2 $0x0  }
0x16: {  	s3 =	sld [smem:$0x3FDB];
	s0 =	simm.s32 @p2 $0x1  }
0x17: {  	s4 =	simm.s32 $0x1BF5;
	[smem:$0x3FB5] =	sst s0  }
0x18: {  	s0 =	sld [smem:$0x3F98];
	_ =	swait.ge [sflag:s4], $0x0  }
0x19: {  	s7 =	sld [smem:$0x3F99]  }
0x1a: {  	s8 =	sadd.s32 $0xFFFFE003, lr  }
0x1b: {  	s9 =	sadd.s32 $0xFFFFFEF7, lr;
	s5 =	simm.s32 $0xFFFFFFFF;
	p2 =	slt.u32 s8, $0xFFFFF086  }
0x1c: {  	p1 =	slt.u32 s9, $0xF7A;
	s5 =	simm.s32 @!p2 $0x0  }
0x1d: {  	s5 =	simm.s32 @p1 $0x1;
	p0 =	seq.s32 s7, s2  }
0x1e: {  	s7 =	smul.u32 @!p0 $0xF7A, s2;
	p2 =	seq.s32 @!p0 s5, $0x0  }
0x1f: {  	s9 =	smul.u32 $0xF7A, s1;
	s8 =	simm.s32 @!p0 $0x1BF5;
	p2 =	por !p2, p0  }
0x20: {  	[sflag:s8] =	ssyncset.s32 @!p0 $0xFFFFF086;
	s6 =	sadd.s32 @!p0 s3, s7;
	s7 =	simm.s32 @!p0 $0x108  }
0x21: {  	s3 =	sadd.s32 s3, s9;
	s6 =	sadd.s32 @!p0 $0x88, s6;
	s7 =	simm.s32 @p2 $0x1082  }
0x22: {  	[simem:s7], [sflag:s8] =	dma.local @!p0 [hbm:s6], $0xF7A  }
0x23: {  	s9 =	sor.u32 $0xD0000000, s2;
	s6 =	simm.s32 $0x108;
	_ =	swait.ge @!p0 [sflag:s8], $0x0  }
0x24: {  	s3 =	sadd.s32 $0x88, s3;
	s6 =	simm.s32 @!p1 $0x1082;
	[sflag:s4] =	ssyncset.s32 $0xFFFFF086  }
0x25: {  	[simem:s6], [sflag:s4] =	dma.local [hbm:s3], $0xF7A  }
0x26: {  	[smem:$0x3F99] =	sst s1;
	(tag) =	ssettag s2;
	_ =	strace s9  }
0x27: {  	s1 =	sld [smem:$0x3FA9]  }
0x28: {  	s2 =	sld [smem:$0x3FAA]  }
0x29: {  	s4 =	sld [smem:$0x3FAC]  }
0x2a: {  	p0 =	seq.s32 s5, $0x0;
	s5 =	sld [smem:$0x3FAD]  }
0x2b: {  	s6 =	sld [smem:$0x3FAE]  }
0x2c: {  	s7 =	sld [smem:$0x3FAF]  }
0x2d: {  	s3 =	simm.s32 $0x108;
	s8 =	sld [smem:$0x3FB0]  }
0x2e: {  	s3 =	simm.s32 @!p0 $0x1082;
	s9 =	sld [smem:$0x3FB1]  }
0x2f: {  	lr =	sadd.s32 s0, s3;
	s0 =	sld [smem:$0x3FA8]  }
0x30: {  	s3 =	sld [smem:$0x3FAB]  }
0x31: {  	[smem:$0x3FB4] =	sst s10  }
0x32: {  	s10 =	sld [smem:$0x3FB2];
	_ =	sdelay $0x3  }
0x33: {  	p0 =	seq.s32 s10, $0x1;
	s10 =	sld [smem:$0x3FB4];
	_ =	sdelay $0x3  }
0x34: {  	[smem:$0x3FB4] =	sst s10  }
0x35: {  	s10 =	sld [smem:$0x3FB3];
	_ =	sdelay $0x3  }
0x36: {  	p1 =	seq.s32 s10, $0x1;
	s10 =	sld [smem:$0x3FB4];
	_ =	sdelay $0x3  }
0x37: {  	[smem:$0x3FB4] =	sst s10  }
0x38: {  	s10 =	sld [smem:$0x3FB5]  }
0x39: {  	_ = 	snop;
	(pc) =	sbr.ind lr, $3  }
0x3a: {  	_ = 	snop  }
0x3b: {  	_ = 	snop  }
0x3c: {  	p2 =	seq.s32 s10, $0x1;
	s10 =	sld [smem:$0x3FB4]  }
0x3d: {  	_ =	shalt  }
0x3e: {  	_ =	shalt  }
0x3f: {  	_ =	shalt  }
0x40: {  	_ =	shalt  }
0x41: {  	_ =	shalt  }
0x42: {  	_ =	shalt  }
0x43: {  	_ =	shalt  }
0x44: {  	_ =	shalt  }
0x45: {  	_ =	shalt  }
0x46: {  	_ =	shalt  }
0x47: {  	_ =	shalt  }
0x48: {  	_ =	shalt  }
0x49: {  	_ =	shalt  }
0x4a: {  	_ =	shalt  }
0x4b: {  	_ =	shalt  }
0x4c: {  	_ =	shalt  }
0x4d: {  	_ =	shalt  }
0x4e: {  	_ =	shalt  }
0x4f: {  	_ =	shalt  }
0x50: {  	_ =	shalt  }
0x51: {  	_ =	shalt  }
0x52: {  	_ =	shalt  }
0x53: {  	_ =	shalt  }
0x54: {  	_ =	shalt  }
0x55: {  	_ =	shalt  }
0x56: {  	_ =	shalt  }
0x57: {  	_ =	shalt  }
0x58: {  	_ =	shalt  }
0x59: {  	_ =	shalt  }
0x5a: {  	_ =	shalt  }
0x5b: {  	_ =	shalt  }
0x5c: {  	_ =	shalt  }
0x5d: {  	_ =	shalt  }
0x5e: {  	_ =	shalt  }
0x5f: {  	_ =	shalt  }
0x60: {  	_ =	shalt  }
0x61: {  	_ =	shalt  }
0x62: {  	_ =	shalt  }
0x63: {  	_ =	shalt  }
0x64: {  	_ =	shalt  }
0x65: {  	_ =	shalt  }
0x66: {  	_ =	shalt  }
0x67: {  	_ =	shalt  }
0x68: {  	_ =	shalt  }
0x69: {  	_ =	shalt  }
0x6a: {  	_ =	shalt  }
0x6b: {  	_ =	shalt  }
0x6c: {  	_ =	shalt  }
0x6d: {  	_ =	shalt  }
0x6e: {  	_ =	shalt  }
0x6f: {  	_ =	shalt  }
0x70: {  	_ =	shalt  }
0x71: {  	_ =	shalt  }
0x72: {  	_ =	shalt  }
0x73: {  	_ =	shalt  }
0x74: {  	_ =	shalt  }
0x75: {  	_ =	shalt  }
0x76: {  	_ =	shalt  }
0x77: {  	_ =	shalt  }
0x78: {  	_ =	shalt  }
0x79: {  	_ =	shalt  }
0x7a: {  	_ =	shalt  }
0x7b: {  	_ =	shalt  }
0x7c: {  	_ =	shalt  }
0x7d: {  	_ =	shalt  }
0x7e: {  	_ =	shalt  }
0x7f: {  	_ =	shalt  }
0x80: {  	_ =	shalt  }
0x81: {  	_ =	shalt  }
0x82: {  	_ =	shalt  }
0x83: {  	_ =	shalt  }
0x84: {  	_ =	shalt  }
0x85: {  	_ =	shalt  }
0x86: {  	_ =	shalt  }
0x87: {  	_ =	shalt  }
.Lfunc_end0:
.L_simem_size_0:
called_computation.1_lowered:
.L_overlay_start_0:
0x88: {  	s2 =	sld [smem:$0x3FD9]  }
0x89: {  	s3 =	sld [smem:$0x3FFE];
	_ =	sdelay $0x1  }
0x8a: {  	s1 =	srdreg.scid  }
0x8b: {  	s0 =	sand.u32 $0x1, s1  }
0x8c: {  	s16 =	sshll.u32 s0, $0xA;
	s2 =	sadd.s32 s3, s2  }
0x8d: {  	s2 =	sadd.s32 s2, s16  }
0x8e: {  	[smem:$0x3FC0] =	sst s2  }
0x8f: {  	_ = 	snop  }
0x90: {  	(tm) =	ssettm $0x1  }
0x91: {  	s17 =	sld [smem:$0x3FFB];
	_ =	sdelay $0x3  }
0x92: {  	_ =	strace s17  }
0x93: {  	s2 =	sld [smem:$0x3FFC];
	_ =	sdelay $0x3  }
0x94: {  	_ =	strace s2  }
0x95: {  	s2 =	sld [smem:$0x3FFD];
	_ =	sdelay $0x3  }
0x96: {  	_ =	strace s2  }
0x97: {  	_ =	strace $0x8FFFFFFF  }
0x98: {  	s18 =	sld [smem:$0x3FDB];
	_ =	sdelay $0x1  }
0x99: {  	s19 =	simm.s32 $_scs_section_size  }
0x9a: {  	s4 =	simm.s32 $_size__tile_overlayer_lowered;
	s5 =	simm.s32 $_tile_overlayer_lowered  }
0x9b: {  	s22 =	simm.s32 $0x1BFF;
	s21 =	sshll.u32 s5, $0x1;
	s2 =	sadd.s32 s19, s18  }
0x9c: {  	s6 =	simm.s32 $0x0;
	s20 =	sshll.u32 s4, $0x1;
	s4 =	sadd.s32 s21, s2  }
0x9d: {  	[timem:s6], [sflag:s22] =	dma.local [hbm:s4], s20  }
0x9e: {  	_ =	swait.ge [sflag:s22], s20  }
0x9f: {  	s3 =	ssub.s32 $0x0, s20;
	[sflag:s22] =	ssyncset.done $0x0  }
0xa0: {  	[sflag:s22] =	ssyncadd.s32 s3;
	_ =	sdelay $0x1  }
0xa1: {  	s23 =	simm.s32 $0x1B8B  }
0xa2: {  	_ =	swait.ge [sflag:s23], $0x1  }
0xa3: {  	[sflag:s23] =	ssyncset.done $0x0  }
0xa4: {  	s25 =	simm.s32 $0x1B8E;
	s24 =	sld [smem:$0x3FFE];
	[sflag:s23] =	ssyncadd.s32 $0xFFFFFFFF  }
0xa5: {  	s26 =	simm.s32 $execute0_lowered;
	[smem:$0x3FD2] =	sst s25  }
0xa6: {  	s4 =	sshll.u32 s26, $0x1;
	_ =	strace $0x80000049;
	[dreg:$0x1] =	wrdreg $0xFFFFFFFF  }
0xa7: {  	s28 =	simm.s32 $_size_execute0_lowered;
	s2 =	sadd.s32 s2, s4;
	[dreg:$0x0] =	wrdreg $0x0  }
0xa8: {  	s4 =	sshll.u32 s28, $0x1;
	[dreg:$0x2] =	wrdreg s2  }
0xa9: {  	[dreg:$0x3] =	wrdreg s4  }
0xaa: {  	[dreg:$0x4] =	wrdreg $0xC0  }
0xab: {  	_ =	task [dreg:s6], $0x5FFFF  }
0xac: {  	[dreg:$0x1] =	wrdreg $0xFFFFFFFF  }
0xad: {  	[dreg:$0x0] =	wrdreg $0x60  }
0xae: {  	[dreg:$0x2] =	wrdreg s24  }
0xaf: {  	[dreg:$0x3] =	wrdreg $0x9  }
0xb0: {  	_ =	task.clear_ibuf [dreg:s6], $0x4FFFF;
	_ =	strace $0x90000049  }
0xb1: {  	s29 =	simm.s32 $0x9;
	_ =	strace $0x8000004B  }
0xb2: {  	_ =	swait.ge [sflag:s29], $0x1  }
0xb3: {  	[sflag:s29] =	ssyncadd.s32 $0xFFFFFFFF  }
0xb4: {  	_ =	strace $0x9000004B  }
0xb5: {  	_ =	sfence  }
0xb6: {  	s30 =	sld [smem:$0x0];
	_ =	sdelay $0x2  }
0xb7: {  	s31 =	sshll.u32 s1, $0xD;
	s1 =	sshrl.u32 s1, $0x2  }
0xb8: {  	s3 =	sand.u32 $0x4000, s31;
	s1 =	sadd.s32 s1, s30  }
0xb9: {  	s0 =	sor.u32 s3, s0;
	s1 =	sshll.u32 s1, $0x11  }
0xba: {  	s0 =	sor.u32 s1, s0  }
0xbb: {  	s0 =	sadd.s32 $0x8F2B, s0  }
0xbc: {  	[sflag:s0] =	ssyncadd.remote.s32 $0x1  }
0xbd: {  	_ =	sfence.sel $0xFFFF  }
0xbe: {  	[dreg:$0x0] =	wrdreg $0xFFFFFFFF;
	(pc) =	sbr.abs _section_cstart, $3  }
0xbf: {  	[dreg:$0x1] =	wrdreg $0xFFFFFFFF  }
0xc0: {  	_ =	task.clear_ibuf [dreg:s6], $0x2FFFF;
	_ =	strace $0x9FFFFFFF  }
0xc1: {  	(tm) =	ssettm $0x7FFFFFFF  }
tec
execute0_lowered:
.L_overlay_start_1:
0x0: {  	(tag) =	ssettag $0x1  }
0x1: {  	s0 =	rddreg [dreg:$0x0]  }
0x2: {  	s2 =	simm.s32 $0x0;
	s1 =	srdreg.scid;
	s11 =	stileid.u32  }
0x3: {  	s13 =	simm.s32 $0x80;
	s14 =	simm.s32 $0x800;
	s15 =	simm.s32 $0x3  }
0x4: {  	s16 =	simm.s32 $0x100;
	s17 =	simm.s32 $0x180;
	s28 =	simm.s32 $0x600  }
0x5: {  	s29 =	simm.s32 $0x680;
	s30 =	simm.s32 $0x1;
	s31 =	simm.s32 $0x7  }
0x6: {  	[smem:$0x7FF] =	sst s2;
	s3 =	sadd.s32 $0x311600, s0;
	s18 =	smul.u32 $0x188000, s11  }
0x7: {  	s1 =	sand.u32 $0x1, s1;
	s5 =	sadd.s32 $0x61EA00, s0;
	s22 =	smul.u32 $0x3100, s11  }
0x8: {  	s4 =	sshll.u32 s11, $0x1;
	s0 =	sadd.s32 $0x64FA00, s0;
	s10 =	smul.u32 $0xC4000, s1  }
0x9: {  	s4 =	sor.u32 s1, s4;
	s6 =	ssub.s32 $0x2, s1;
	s1 =	smul.u32 $0x1880, s1  }
0xa: {  	s11 =	simm.s32 $0x188000;
	s7 =	smul.u32 $0xC400, s4;
	s8 =	sshrl.u32 s6, $0x1  }
0xb: {  	_ =	strace $0x8000004A;
	s9 =	smul.u32 $0x1880, s4;
	s6 =	ssub.s32 s6, s8  }
0xc: {  	s8 =	sadd.s32 s10, s18;
	s10 =	simm.s32 $0x400;
	s18 =	simm.s32 $0x200  }
0xd: {  	s7 =	sshrl.u32 s7, $0x3;
	s4 =	sadd.s32 s5, s9;
	s9 =	sadd.s32 $0x1800, s9  }
0xe: {  	s23 =	sadd.s32 $0x4000, s8;
	s8 =	sshrl.u32 s8, $0x3;
	s26 =	smax.u32 s6, $0x1  }
0xf: {  	s6 =	simm.s32 $0x0;
	s7 =	sadd.s32 s5, s7;
	[dreg:$0x5] =	wrdreg s4  }
0x10: {  	s19 =	sadd.s32 $0x180, s4;
	s20 =	sshll.u32 s9, $0x4;
	s24 =	sadd.s32 s5, s9  }
0x11: {  	s25 =	sshrl.u32 s23, $0x3;
	s5 =	sadd.s32 s22, s5;
	[dreg:$0x9] =	wrdreg s26  }
0x12: {  	s22 =	simm.s32 $0x5;
	s23 =	simm.s32 $0x4;
	s26 =	simm.s32 $0x580  }
0x13: {  	s7 =	sadd.s32 $0x80, s7;
	[dreg:$0x2] =	wrdreg s19;
	s21 =	sadd.s32 s0, s20  }
0x14: {  	[dreg:$0x8] =	wrdreg s24;
	s9 =	sadd.s32 s25, s0;
	s1 =	sadd.s32 s1, s5  }
0x15: {  	s0 =	sadd.s32 s8, s0;
	s19 =	simm.s32 $0x280;
	[dreg:$0x6] =	wrdreg s7  }
0x16: {  	s20 =	simm.s32 $0x2;
	s24 =	simm.s32 $0x480;
	[dreg:$0x7] =	wrdreg s21  }
0x17: {  	s25 =	simm.s32 $0x500;
	[dreg:$0x3] =	wrdreg s9;
	s12 =	sadd.s32 $0x100, s1  }
0x18: {  	[dreg:$0x4] =	wrdreg s0;
	s21 =	simm.s32 $0x4800;
	s0 =	simm.s32 $0x6  }
.LBB2_1:
0x19: {  	s1 =	rddreg [dreg:$0x5]  }
0x1a: {  	[tilespmem:s2], [sflag:$0x9] =	stream.strided.gather [hbm4b:s1+s10], $0x0, s11, s10, $0x38;
	[tilespmem:$0x8800] =	vst v63  }
0x1b: {  	s4 =	simm.s32 $0x9  }
0x1c: {  	[tilespmem:s2], [sflag:$0x9] =	stream.linear.gather [hbm4b:s1+s2], $0x300, $0x38;
	[tilespmem:$0x8800] =	vst v63  }
0x1d: {  	_ =	swait.ge [sflag:s4], $0x300  }
0x1e: {  	[sflag:s4] =	ssyncset.done $0x0  }
0x1f: {  	[sflag:s4] =	ssyncadd.s32 $0xFFFFFD00  }
0x20: {  	[tilespmem:s14], [sflag:$0x3] =	stream.indirect.gather [hbm4b:s3+s13], $0x80, s2, s13, $0xb8;
	[tilespmem:$0x8800] =	vst v63  }
0x21: {  	_ =	swait.ge [sflag:s15], $0x4000  }
0x22: {  	[sflag:s15] =	ssyncset.done $0x0  }
0x23: {  	[sflag:s15] =	ssyncadd.s32 $0xFFFFC000  }
0x24: {  	[tilespmem:s14], [sflag:$0x5] =	stream.indirect.gather.add.f32 [hbm:s3], $0x80, s13, s13, $0xb8;
	[tilespmem:$0x8800] =	vst v63  }
0x25: {  	_ = 	snop  }
0x26: {  	[tilespmem:s14], [sflag:$0x5] =	stream.indirect.gather.add.f32 [hbm:s3], $0x80, s16, s13, $0xb8;
	[tilespmem:$0x8800] =	vst v63  }
0x27: {  	_ = 	snop  }
0x28: {  	[tilespmem:s14], [sflag:$0x5] =	stream.indirect.gather.add.f32 [hbm:s3], $0x80, s17, s13, $0xb8;
	[tilespmem:$0x8800] =	vst v63  }
0x29: {  	_ = 	snop  }
0x2a: {  	[tilespmem:s14], [sflag:$0x5] =	stream.indirect.gather.add.f32 [hbm:s3], $0x80, s18, s13, $0xb8;
	[tilespmem:$0x8800] =	vst v63  }
0x2b: {  	_ = 	snop  }
0x2c: {  	[tilespmem:s14], [sflag:$0x5] =	stream.indirect.gather.add.f32 [hbm:s3], $0x80, s19, s13, $0xb8;
	[tilespmem:$0x8800] =	vst v63  }
0x2d: {  	s5 =	rddreg [dreg:$0x6]  }
0x2e: {  	[tilespmem:s10], [sflag:$0x2] =	stream.strided.gather [hbm4b:s5+s10], $0x0, s11, s10, $0x38;
	[tilespmem:$0x8800] =	vst v63  }
0x2f: {  	_ = 	snop  }
0x30: {  	[tilespmem:s10], [sflag:$0x2] =	stream.linear.gather [hbm4b:s5+s2], $0x300, $0x38;
	[tilespmem:$0x8800] =	vst v63  }
0x31: {  	_ =	swait.ge [sflag:s20], $0x300  }
0x32: {  	p0 =	por $0x1, $0x1;
	[sflag:s20] =	ssyncset.done $0x0  }
0x33: {  	s1 =	simm.s32 @!p0 $0x8;
	[sflag:s20] =	ssyncadd.s32 $0xFFFFFD00  }
0x34: {  	_ =	swait.ge @!p0 [sflag:s1], $0x4000  }
0x35: {  	[sflag:s1] =	ssyncset.done @!p0 $0x0  }
0x36: {  	[sflag:s1] =	ssyncadd.s32 @!p0 $0xFFFFC000  }
0x37: {  	[tilespmem:s21], [sflag:$0x4] =	stream.indirect.gather [hbm4b:s3+s13], $0x80, s10, s13, $0xb8;
	[tilespmem:$0x8800] =	vst v63  }
0x38: {  	_ =	swait.ge [sflag:s22], $0x4000  }
0x39: {  	[sflag:s22] =	ssyncset.done $0x0  }
0x3a: {  	[sflag:s22] =	ssyncadd.s32 $0xFFFFC000  }
0x3b: {  	_ =	swait.ge [sflag:s22], $0x4000  }
0x3c: {  	[sflag:s22] =	ssyncset.done $0x0  }
0x3d: {  	[sflag:s22] =	ssyncadd.s32 $0xFFFFC000  }
0x3e: {  	_ =	swait.ge [sflag:s22], $0x4000  }
0x3f: {  	[sflag:s22] =	ssyncset.done $0x0  }
0x40: {  	[sflag:s22] =	ssyncadd.s32 $0xFFFFC000  }
0x41: {  	_ =	swait.ge [sflag:s22], $0x4000  }
0x42: {  	[sflag:s22] =	ssyncset.done $0x0  }
0x43: {  	[sflag:s22] =	ssyncadd.s32 $0xFFFFC000  }
0x44: {  	_ =	swait.ge [sflag:s22], $0x4000  }
0x45: {  	s7 =	rddreg [dreg:$0x4];
	[sflag:s22] =	ssyncset.done $0x0  }
0x46: {  	[sflag:s22] =	ssyncadd.s32 $0xFFFFC000;
	s1 =	sadd.s32 $0x0, s7  }
0x47: {  	[hbm4b:s1+s2] =	stream.linear.scatter [tilespmem:s14], [sflag:$0x7], $0x4000, $0x38;
	[tilespmem:$0x8800] =	vst v63  }
0x48: {  	_ = 	snop  }
0x49: {  	[tilespmem:s2], [sflag:$0x1] =	stream.strided.gather [hbm4b:s12+s10], $0x0, s11, s10, $0x38;
	[tilespmem:$0x8800] =	vst v63  }
0x4a: {  	_ = 	snop  }
0x4b: {  	[tilespmem:s2], [sflag:$0x1] =	stream.linear.gather [hbm4b:s12+s2], $0x300, $0x38;
	[tilespmem:$0x8800] =	vst v63  }
0x4c: {  	_ =	swait.ge [sflag:s23], $0x4000  }
0x4d: {  	[sflag:s23] =	ssyncset.done $0x0  }
0x4e: {  	[sflag:s23] =	ssyncadd.s32 $0xFFFFC000  }
0x4f: {  	[tilespmem:s21], [sflag:$0x6] =	stream.indirect.gather.add.f32 [hbm:s3], $0x80, s24, s13, $0xb8;
	[tilespmem:$0x8800] =	vst v63  }
0x50: {  	_ = 	snop  }
0x51: {  	[tilespmem:s21], [sflag:$0x6] =	stream.indirect.gather.add.f32 [hbm:s3], $0x80, s25, s13, $0xb8;
	[tilespmem:$0x8800] =	vst v63  }
0x52: {  	_ = 	snop  }
0x53: {  	[tilespmem:s21], [sflag:$0x6] =	stream.indirect.gather.add.f32 [hbm:s3], $0x80, s26, s13, $0xb8;
	[tilespmem:$0x8800] =	vst v63  }
0x54: {  	_ = 	snop  }
0x55: {  	[tilespmem:s21], [sflag:$0x6] =	stream.indirect.gather.add.f32 [hbm:s3], $0x80, s28, s13, $0xb8;
	[tilespmem:$0x8800] =	vst v63  }
0x56: {  	_ = 	snop  }
0x57: {  	[tilespmem:s21], [sflag:$0x6] =	stream.indirect.gather.add.f32 [hbm:s3], $0x80, s29, s13, $0xb8;
	[tilespmem:$0x8800] =	vst v63  }
0x58: {  	_ =	swait.ge [sflag:s30], $0x300  }
0x59: {  	[sflag:s30] =	ssyncset.done $0x0  }
0x5a: {  	[sflag:s30] =	ssyncadd.s32 $0xFFFFFD00  }
0x5b: {  	_ =	swait.ge [sflag:s31], $0x4000  }
0x5c: {  	[sflag:s31] =	ssyncset.done $0x0  }
0x5d: {  	[sflag:s31] =	ssyncadd.s32 $0xFFFFC000  }
0x5e: {  	[tilespmem:s14], [sflag:$0x3] =	stream.indirect.gather [hbm4b:s3+s13], $0x80, s2, s13, $0xb8;
	[tilespmem:$0x8800] =	vst v63  }
0x5f: {  	_ =	swait.ge [sflag:s0], $0x4000  }
0x60: {  	[sflag:s0] =	ssyncset.done $0x0  }
0x61: {  	[sflag:s0] =	ssyncadd.s32 $0xFFFFC000  }
0x62: {  	_ =	swait.ge [sflag:s0], $0x4000  }
0x63: {  	[sflag:s0] =	ssyncset.done $0x0  }
0x64: {  	[sflag:s0] =	ssyncadd.s32 $0xFFFFC000  }
0x65: {  	_ =	swait.ge [sflag:s0], $0x4000  }
0x66: {  	[sflag:s0] =	ssyncset.done $0x0  }
0x67: {  	[sflag:s0] =	ssyncadd.s32 $0xFFFFC000  }
0x68: {  	_ =	swait.ge [sflag:s0], $0x4000  }
0x69: {  	[sflag:s0] =	ssyncset.done $0x0  }
0x6a: {  	[sflag:s0] =	ssyncadd.s32 $0xFFFFC000  }
0x6b: {  	_ =	swait.ge [sflag:s0], $0x4000  }
0x6c: {  	s8 =	rddreg [dreg:$0x3];
	[sflag:s0] =	ssyncset.done $0x0  }
0x6d: {  	[sflag:s0] =	ssyncadd.s32 $0xFFFFC000;
	s1 =	sadd.s32 $0x0, s8;
	s8 =	smin.u32 s2, $0x2D  }
0x6e: {  	[hbm4b:s1+s2] =	stream.linear.scatter [tilespmem:s21], [sflag:$0x8], $0x4000, $0x38;
	[tilespmem:$0x8800] =	vst v63  }
0x6f: {  	s5 =	rddreg [dreg:$0x2];
	s9 =	sshll.u32 s8, $0x7  }
0x70: {  	s1 =	sadd.s32 s9, s5  }
0x71: {  	[tilespmem:s10], [sflag:$0x2] =	stream.strided.gather [hbm4b:s1+s10], $0x0, s11, s10, $0x38;
	[tilespmem:$0x8800] =	vst v63  }
0x72: {  	_ = 	snop  }
0x73: {  	[tilespmem:s10], [sflag:$0x2] =	stream.linear.gather [hbm4b:s1+s2], $0x300, $0x38;
	[tilespmem:$0x8800] =	vst v63  }
0x74: {  	_ =	swait.ge [sflag:s15], $0x4000  }
0x75: {  	[sflag:s15] =	ssyncset.done $0x0  }
0x76: {  	[sflag:s15] =	ssyncadd.s32 $0xFFFFC000  }
0x77: {  	[tilespmem:s14], [sflag:$0x5] =	stream.indirect.gather.add.f32 [hbm:s3], $0x80, s13, s13, $0xb8;
	[tilespmem:$0x8800] =	vst v63  }
0x78: {  	_ = 	snop  }
0x79: {  	[tilespmem:s14], [sflag:$0x5] =	stream.indirect.gather.add.f32 [hbm:s3], $0x80, s16, s13, $0xb8;
	[tilespmem:$0x8800] =	vst v63  }
0x7a: {  	_ = 	snop  }
0x7b: {  	[tilespmem:s14], [sflag:$0x5] =	stream.indirect.gather.add.f32 [hbm:s3], $0x80, s17, s13, $0xb8;
	[tilespmem:$0x8800] =	vst v63  }
0x7c: {  	s8 =	simm.s32 $0x1000;
	s9 =	smov.u32 s12;
	s1 =	simm.s32 $0x0  }
0x7d: {  	[tilespmem:s14], [sflag:$0x5] =	stream.indirect.gather.add.f32 [hbm:s3], $0x80, s18, s13, $0xb8;
	[tilespmem:$0x8800] =	vst v63  }
.LBB2_2:
0x7e: {  	[tilespmem:s14], [sflag:$0x5] =	stream.indirect.gather.add.f32 [hbm:s3], $0x80, s19, s13, $0xb8;
	[tilespmem:$0x8800] =	vst v63  }
0x7f: {  	s5 =	smov.u32 s8;
	_ =	swait.ge [sflag:s20], $0x300  }
0x80: {  	p1 =	seq.s32 s5, $0x0;
	[sflag:s20] =	ssyncset.done $0x0  }
0x81: {  	s4 =	simm.s32 @!p1 $0x8;
	[sflag:s20] =	ssyncadd.s32 $0xFFFFFD00  }
0x82: {  	_ =	swait.ge @!p1 [sflag:s4], $0x4000  }
0x83: {  	[sflag:s4] =	ssyncset.done @!p1 $0x0  }
0x84: {  	[sflag:s4] =	ssyncadd.s32 @!p1 $0xFFFFC000  }
0x85: {  	[tilespmem:s21], [sflag:$0x4] =	stream.indirect.gather [hbm4b:s3+s13], $0x80, s10, s13, $0xb8;
	[tilespmem:$0x8800] =	vst v63  }
0x86: {  	_ =	swait.ge [sflag:s22], $0x4000  }
0x87: {  	[sflag:s22] =	ssyncset.done $0x0  }
0x88: {  	[sflag:s22] =	ssyncadd.s32 $0xFFFFC000  }
0x89: {  	_ =	swait.ge [sflag:s22], $0x4000  }
0x8a: {  	[sflag:s22] =	ssyncset.done $0x0  }
0x8b: {  	[sflag:s22] =	ssyncadd.s32 $0xFFFFC000  }
0x8c: {  	_ =	swait.ge [sflag:s22], $0x4000  }
0x8d: {  	[sflag:s22] =	ssyncset.done $0x0  }
0x8e: {  	[sflag:s22] =	ssyncadd.s32 $0xFFFFC000  }
0x8f: {  	_ =	swait.ge [sflag:s22], $0x4000  }
0x90: {  	[sflag:s22] =	ssyncset.done $0x0  }
0x91: {  	[sflag:s22] =	ssyncadd.s32 $0xFFFFC000  }
0x92: {  	_ =	swait.ge [sflag:s22], $0x4000  }
0x93: {  	s7 =	rddreg [dreg:$0x4];
	[sflag:s22] =	ssyncset.done $0x0  }
0x94: {  	[sflag:s22] =	ssyncadd.s32 $0xFFFFC000;
	s4 =	sadd.s32 s5, s7  }
0x95: {  	[hbm4b:s4+s2] =	stream.linear.scatter [tilespmem:s14], [sflag:$0x7], $0x4000, $0x38;
	[tilespmem:$0x8800] =	vst v63  }
0x96: {  	s9 =	sadd.s32 $0x100, s9  }
0x97: {  	[tilespmem:s2], [sflag:$0x1] =	stream.strided.gather [hbm4b:s9+s10], $0x0, s11, s10, $0x38;
	[tilespmem:$0x8800] =	vst v63  }
0x98: {  	_ = 	snop  }
0x99: {  	[tilespmem:s2], [sflag:$0x1] =	stream.linear.gather [hbm4b:s9+s2], $0x300, $0x38;
	[tilespmem:$0x8800] =	vst v63  }
0x9a: {  	_ =	swait.ge [sflag:s23], $0x4000  }
0x9b: {  	[sflag:s23] =	ssyncset.done $0x0  }
0x9c: {  	[sflag:s23] =	ssyncadd.s32 $0xFFFFC000  }
0x9d: {  	[tilespmem:s21], [sflag:$0x6] =	stream.indirect.gather.add.f32 [hbm:s3], $0x80, s24, s13, $0xb8;
	[tilespmem:$0x8800] =	vst v63  }
0x9e: {  	_ = 	snop  }
0x9f: {  	[tilespmem:s21], [sflag:$0x6] =	stream.indirect.gather.add.f32 [hbm:s3], $0x80, s25, s13, $0xb8;
	[tilespmem:$0x8800] =	vst v63  }
0xa0: {  	_ = 	snop  }
0xa1: {  	[tilespmem:s21], [sflag:$0x6] =	stream.indirect.gather.add.f32 [hbm:s3], $0x80, s26, s13, $0xb8;
	[tilespmem:$0x8800] =	vst v63  }
0xa2: {  	_ = 	snop  }
0xa3: {  	[tilespmem:s21], [sflag:$0x6] =	stream.indirect.gather.add.f32 [hbm:s3], $0x80, s28, s13, $0xb8;
	[tilespmem:$0x8800] =	vst v63  }
0xa4: {  	_ = 	snop  }
0xa5: {  	[tilespmem:s21], [sflag:$0x6] =	stream.indirect.gather.add.f32 [hbm:s3], $0x80, s29, s13, $0xb8;
	[tilespmem:$0x8800] =	vst v63  }
0xa6: {  	_ =	swait.ge [sflag:s30], $0x300  }
0xa7: {  	[sflag:s30] =	ssyncset.done $0x0  }
0xa8: {  	[sflag:s30] =	ssyncadd.s32 $0xFFFFFD00  }
0xa9: {  	_ =	swait.ge [sflag:s31], $0x4000  }
0xaa: {  	[sflag:s31] =	ssyncset.done $0x0  }
0xab: {  	[sflag:s31] =	ssyncadd.s32 $0xFFFFC000  }
0xac: {  	[tilespmem:s14], [sflag:$0x3] =	stream.indirect.gather [hbm4b:s3+s13], $0x80, s2, s13, $0xb8;
	[tilespmem:$0x8800] =	vst v63  }
0xad: {  	_ =	swait.ge [sflag:s0], $0x4000  }
0xae: {  	[sflag:s0] =	ssyncset.done $0x0  }
0xaf: {  	[sflag:s0] =	ssyncadd.s32 $0xFFFFC000  }
0xb0: {  	_ =	swait.ge [sflag:s0], $0x4000  }
0xb1: {  	[sflag:s0] =	ssyncset.done $0x0  }
0xb2: {  	[sflag:s0] =	ssyncadd.s32 $0xFFFFC000  }
0xb3: {  	_ =	swait.ge [sflag:s0], $0x4000  }
0xb4: {  	[sflag:s0] =	ssyncset.done $0x0  }
0xb5: {  	[sflag:s0] =	ssyncadd.s32 $0xFFFFC000  }
0xb6: {  	_ =	swait.ge [sflag:s0], $0x4000  }
0xb7: {  	[sflag:s0] =	ssyncset.done $0x0  }
0xb8: {  	[sflag:s0] =	ssyncadd.s32 $0xFFFFC000  }
0xb9: {  	_ =	swait.ge [sflag:s0], $0x4000  }
0xba: {  	s1 =	sadd.s32 $0x2, s1;
	s4 =	rddreg [dreg:$0x3];
	[sflag:s0] =	ssyncset.done $0x0  }
0xbb: {  	[sflag:s0] =	ssyncadd.s32 $0xFFFFC000;
	s4 =	sadd.s32 s5, s4;
	s5 =	smin.u32 s1, $0x2D  }
0xbc: {  	[hbm4b:s4+s2] =	stream.linear.scatter [tilespmem:s21], [sflag:$0x8], $0x4000, $0x38;
	[tilespmem:$0x8800] =	vst v63  }
0xbd: {  	s7 =	rddreg [dreg:$0x2];
	s5 =	sshll.u32 s5, $0x7  }
0xbe: {  	s4 =	sadd.s32 s5, s7  }
0xbf: {  	[tilespmem:s10], [sflag:$0x2] =	stream.strided.gather [hbm4b:s4+s10], $0x0, s11, s10, $0x38;
	[tilespmem:$0x8800] =	vst v63  }
0xc0: {  	_ = 	snop  }
0xc1: {  	[tilespmem:s10], [sflag:$0x2] =	stream.linear.gather [hbm4b:s4+s2], $0x300, $0x38;
	[tilespmem:$0x8800] =	vst v63  }
0xc2: {  	_ =	swait.ge [sflag:s15], $0x4000  }
0xc3: {  	[sflag:s15] =	ssyncset.done $0x0  }
0xc4: {  	s8 =	sadd.s32 $0x1000, s8;
	[sflag:s15] =	ssyncadd.s32 $0xFFFFC000  }
0xc5: {  	[tilespmem:s14], [sflag:$0x5] =	stream.indirect.gather.add.f32 [hbm:s3], $0x80, s13, s13, $0xb8;
	[tilespmem:$0x8800] =	vst v63  }
0xc6: {  	p0 =	sne.s32 s8, $0x18000  }
0xc7: {  	[tilespmem:s14], [sflag:$0x5] =	stream.indirect.gather.add.f32 [hbm:s3], $0x80, s16, s13, $0xb8;
	[tilespmem:$0x8800] =	vst v63  }
.Ltmp0:
0xc8: {  	_ = 	snop;
	(pc) =	sbr.rel @p0 .LBB2_2-.Ltmp0, $4  }
0xc9: {  	_ = 	snop  }
0xca: {  	[tilespmem:s14], [sflag:$0x5] =	stream.indirect.gather.add.f32 [hbm:s3], $0x80, s17, s13, $0xb8;
	[tilespmem:$0x8800] =	vst v63  }
0xcb: {  	_ = 	snop  }
0xcc: {  	[tilespmem:s14], [sflag:$0x5] =	stream.indirect.gather.add.f32 [hbm:s3], $0x80, s18, s13, $0xb8;
	[tilespmem:$0x8800] =	vst v63  }
0xcd: {  	[tilespmem:s14], [sflag:$0x5] =	stream.indirect.gather.add.f32 [hbm:s3], $0x80, s19, s13, $0xb8;
	[tilespmem:$0x8800] =	vst v63  }
0xce: {  	_ =	swait.ge [sflag:s20], $0x300  }
0xcf: {  	[sflag:s20] =	ssyncset.done $0x0  }
0xd0: {  	s1 =	simm.s32 $0x8;
	[sflag:s20] =	ssyncadd.s32 $0xFFFFFD00  }
0xd1: {  	_ =	swait.ge [sflag:s1], $0x4000  }
0xd2: {  	[sflag:s1] =	ssyncset.done $0x0  }
0xd3: {  	[sflag:s1] =	ssyncadd.s32 $0xFFFFC000  }
0xd4: {  	[tilespmem:s21], [sflag:$0x4] =	stream.indirect.gather [hbm4b:s3+s13], $0x80, s10, s13, $0xb8;
	[tilespmem:$0x8800] =	vst v63  }
0xd5: {  	_ =	swait.ge [sflag:s22], $0x4000  }
0xd6: {  	[sflag:s22] =	ssyncset.done $0x0  }
0xd7: {  	[sflag:s22] =	ssyncadd.s32 $0xFFFFC000  }
0xd8: {  	_ =	swait.ge [sflag:s22], $0x4000  }
0xd9: {  	[sflag:s22] =	ssyncset.done $0x0  }
0xda: {  	[sflag:s22] =	ssyncadd.s32 $0xFFFFC000  }
0xdb: {  	_ =	swait.ge [sflag:s22], $0x4000  }
0xdc: {  	[sflag:s22] =	ssyncset.done $0x0  }
0xdd: {  	[sflag:s22] =	ssyncadd.s32 $0xFFFFC000  }
0xde: {  	_ =	swait.ge [sflag:s22], $0x4000  }
0xdf: {  	[sflag:s22] =	ssyncset.done $0x0  }
0xe0: {  	[sflag:s22] =	ssyncadd.s32 $0xFFFFC000  }
0xe1: {  	_ =	swait.ge [sflag:s22], $0x4000  }
0xe2: {  	[sflag:s22] =	ssyncset.done $0x0  }
0xe3: {  	s7 =	rddreg [dreg:$0x7];
	[sflag:s22] =	ssyncadd.s32 $0xFFFFC000  }
0xe4: {  	[hbm4b:s7+s2] =	stream.linear.scatter [tilespmem:s14], [sflag:$0x7], $0x4000, $0x38;
	[tilespmem:$0x8800] =	vst v63  }
0xe5: {  	s8 =	rddreg [dreg:$0x8]  }
0xe6: {  	[tilespmem:s2], [sflag:$0x1] =	stream.strided.gather [hbm4b:s8+s10], $0x0, s11, s10, $0x38;
	[tilespmem:$0x8800] =	vst v63  }
0xe7: {  	_ = 	snop  }
0xe8: {  	[tilespmem:s2], [sflag:$0x1] =	stream.linear.gather [hbm4b:s8+s2], $0x300, $0x38;
	[tilespmem:$0x8800] =	vst v63  }
0xe9: {  	_ =	swait.ge [sflag:s23], $0x4000  }
0xea: {  	[sflag:s23] =	ssyncset.done $0x0  }
0xeb: {  	[sflag:s23] =	ssyncadd.s32 $0xFFFFC000  }
0xec: {  	[tilespmem:s21], [sflag:$0x6] =	stream.indirect.gather.add.f32 [hbm:s3], $0x80, s24, s13, $0xb8;
	[tilespmem:$0x8800] =	vst v63  }
0xed: {  	_ = 	snop  }
0xee: {  	[tilespmem:s21], [sflag:$0x6] =	stream.indirect.gather.add.f32 [hbm:s3], $0x80, s25, s13, $0xb8;
	[tilespmem:$0x8800] =	vst v63  }
0xef: {  	_ = 	snop  }
0xf0: {  	[tilespmem:s21], [sflag:$0x6] =	stream.indirect.gather.add.f32 [hbm:s3], $0x80, s26, s13, $0xb8;
	[tilespmem:$0x8800] =	vst v63  }
0xf1: {  	_ = 	snop  }
0xf2: {  	[tilespmem:s21], [sflag:$0x6] =	stream.indirect.gather.add.f32 [hbm:s3], $0x80, s28, s13, $0xb8;
	[tilespmem:$0x8800] =	vst v63  }
0xf3: {  	_ = 	snop  }
0xf4: {  	[tilespmem:s21], [sflag:$0x6] =	stream.indirect.gather.add.f32 [hbm:s3], $0x80, s29, s13, $0xb8;
	[tilespmem:$0x8800] =	vst v63  }
0xf5: {  	_ =	swait.ge [sflag:s0], $0x4000  }
0xf6: {  	[sflag:s0] =	ssyncset.done $0x0  }
0xf7: {  	[sflag:s0] =	ssyncadd.s32 $0xFFFFC000  }
0xf8: {  	_ =	swait.ge [sflag:s0], $0x4000  }
0xf9: {  	[sflag:s0] =	ssyncset.done $0x0  }
0xfa: {  	[sflag:s0] =	ssyncadd.s32 $0xFFFFC000  }
0xfb: {  	_ =	swait.ge [sflag:s0], $0x4000  }
0xfc: {  	[sflag:s0] =	ssyncset.done $0x0  }
0xfd: {  	[sflag:s0] =	ssyncadd.s32 $0xFFFFC000  }
0xfe: {  	_ =	swait.ge [sflag:s0], $0x4000  }
0xff: {  	[sflag:s0] =	ssyncset.done $0x0  }
0x100: {  	[sflag:s0] =	ssyncadd.s32 $0xFFFFC000  }
0x101: {  	_ =	swait.ge [sflag:s0], $0x4000  }
0x102: {  	[sflag:s0] =	ssyncset.done $0x0  }
0x103: {  	[sflag:s0] =	ssyncadd.s32 $0xFFFFC000  }
0x104: {  	_ =	swait.ge [sflag:s31], $0x4000  }
0x105: {  	[sflag:s31] =	ssyncset.done $0x0  }
0x106: {  	[sflag:s31] =	ssyncadd.s32 $0xFFFFC000  }
0x107: {  	_ =	swait.ge [sflag:s30], $0x300  }
0x108: {  	s6 =	sadd.s32 $0x1, s6;
	s9 =	rddreg [dreg:$0x9]  }
0x109: {  	p0 =	sne.s32 s6, s9  }
.Ltmp1:
0x10a: {  	_ = 	snop;
	(pc) =	sbr.rel @p0 .LBB2_1-.Ltmp1, $3  }
0x10b: {  	_ =	sdelay $0x1  }
0x10c: {  	[sflag:s30] =	ssyncset.done $0x0  }
0x10d: {  	[sflag:s30] =	ssyncadd.s32 $0xFFFFFD00  }
0x10e: {  	_ =	sfence.sel $0x180000  }
0x10f: {  	[bflag:$0x0] =	sbarrier.arrive $0xFFFF  }
0x110: {  	_ =	strace $0x9000004A  }
0x111: {  	s0 =	stileid.u32;
	[bflag:$0x2] =	sbarrier.arrive $0xFFFF  }
0x112: {  	p0 =	sne.s32 s0, $0x0;
	s0 =	rddreg [dreg:$0x1]  }
0x113: {  	s0 =	sadd.s32 @!p0 $0x100000, s0  }
0x114: {  	[sflag:s0] =	ssyncadd.tile.s32 @!p0 $0x1;
	_ =	shalt  }
.Lfunc_end2:
_tile_overlayer_lowered:
.L_overlay_start_2:
0x115: {  	(tag) =	ssettag $0x2  }
0x116: {  	s0 =	rddreg [dreg:$0x0];
	s2 =	stileid.u32  }
0x117: {  	s1 =	rddreg [dreg:$0x1];
	p0 =	sne.s32 s2, $0x0  }
0x118: {  	s3 =	rddreg [dreg:$0x2];
	[bflag:$0x3] =	sbarrier.arrive $0xFFFF;
	s2 =	simm.s32 @!p0 $0x1C09  }
0x119: {  	[timem:s3], [sflag:s2] =	dma.local @!p0 [hbm:s0], s1  }
0x11a: {  	s0 =	simm.s32 @!p0 $0x9  }
0x11b: {  	_ =	swait.ge @!p0 [sflag:s0], s1  }
0x11c: {  	s1 =	ssub.s32 @!p0 $0x0, s1;
	[sflag:s0] =	ssyncset.done @!p0 $0x0  }
0x11d: {  	[sflag:s0] =	ssyncadd.s32 @!p0 s1  }
0x11e: {  	[bflag:$0x3] =	sbarrier.arrive $0xFFFF  }
0x11f: {  	_ =	shalt  }

// kernel: kernel.15.cloned.1.call-start
scs
__scs_entry_jumppad:
0x0: {  	(pc) =	sbr.rel $0x88, $3  }
0x1: {  	(tag) =	ssettag $0x0;
	lr =	simm.s32 $0x1  }
0x2: {  	[smem:$0x3F99] =	sst lr;
	_ =	strace $0xD0000000  }
0x3: {  	_ = 	snop  }
0x4: {  	_ = 	snop  }
0x5: {  	_ = 	snop  }
0x6: {  	_ = 	snop  }
0x7: {  	_ = 	snop  }
__scs_overlays_trampoline_lowered:
0x8: {  	[smem:$0x3FA8] =	sst s0  }
0x9: {  	[smem:$0x3FA9] =	sst s1  }
0xa: {  	[smem:$0x3FAA] =	sst s2  }
0xb: {  	[smem:$0x3FAB] =	sst s3  }
0xc: {  	[smem:$0x3FAC] =	sst s4  }
0xd: {  	[smem:$0x3FAD] =	sst s5  }
0xe: {  	[smem:$0x3FAE] =	sst s6  }
0xf: {  	[smem:$0x3FAF] =	sst s7  }
0x10: {  	[smem:$0x3FB0] =	sst s8  }
0x11: {  	[smem:$0x3FB1] =	sst s9;
	s0 =	simm.s32 @!p0 $0x0  }
0x12: {  	s1 =	sld [smem:$0x3F97];
	s0 =	simm.s32 @p0 $0x1  }
0x13: {  	[smem:$0x3FB2] =	sst s0;
	s0 =	simm.s32 @!p1 $0x0  }
0x14: {  	s2 =	sld [smem:$0x3F96];
	s0 =	simm.s32 @p1 $0x1  }
0x15: {  	[smem:$0x3FB3] =	sst s0;
	s0 =	simm.s32 @!p2 $0x0  }
0x16: {  	s3 =	sld [smem:$0x3FDB];
	s0 =	simm.s32 @p2 $0x1  }
0x17: {  	s4 =	simm.s32 $0x1BF5;
	[smem:$0x3FB5] =	sst s0  }
0x18: {  	s0 =	sld [smem:$0x3F98];
	_ =	swait.ge [sflag:s4], $0x0  }
0x19: {  	s7 =	sld [smem:$0x3F99]  }
0x1a: {  	s8 =	sadd.s32 $0xFFFFE003, lr  }
0x1b: {  	s9 =	sadd.s32 $0xFFFFFEF7, lr;
	s5 =	simm.s32 $0xFFFFFFFF;
	p2 =	slt.u32 s8, $0xFFFFF086  }
0x1c: {  	p1 =	slt.u32 s9, $0xF7A;
	s5 =	simm.s32 @!p2 $0x0  }
0x1d: {  	s5 =	simm.s32 @p1 $0x1;
	p0 =	seq.s32 s7, s2  }
0x1e: {  	s7 =	smul.u32 @!p0 $0xF7A, s2;
	p2 =	seq.s32 @!p0 s5, $0x0  }
0x1f: {  	s9 =	smul.u32 $0xF7A, s1;
	s8 =	simm.s32 @!p0 $0x1BF5;
	p2 =	por !p2, p0  }
0x20: {  	[sflag:s8] =	ssyncset.s32 @!p0 $0xFFFFF086;
	s6 =	sadd.s32 @!p0 s3, s7;
	s7 =	simm.s32 @!p0 $0x108  }
0x21: {  	s3 =	sadd.s32 s3, s9;
	s6 =	sadd.s32 @!p0 $0x88, s6;
	s7 =	simm.s32 @p2 $0x1082  }
0x22: {  	[simem:s7], [sflag:s8] =	dma.local @!p0 [hbm:s6], $0xF7A  }
0x23: {  	s9 =	sor.u32 $0xD0000000, s2;
	s6 =	simm.s32 $0x108;
	_ =	swait.ge @!p0 [sflag:s8], $0x0  }
0x24: {  	s3 =	sadd.s32 $0x88, s3;
	s6 =	simm.s32 @!p1 $0x1082;
	[sflag:s4] =	ssyncset.s32 $0xFFFFF086  }
0x25: {  	[simem:s6], [sflag:s4] =	dma.local [hbm:s3], $0xF7A  }
0x26: {  	[smem:$0x3F99] =	sst s1;
	(tag) =	ssettag s2;
	_ =	strace s9  }
0x27: {  	s1 =	sld [smem:$0x3FA9]  }
0x28: {  	s2 =	sld [smem:$0x3FAA]  }
0x29: {  	s4 =	sld [smem:$0x3FAC]  }
0x2a: {  	p0 =	seq.s32 s5, $0x0;
	s5 =	sld [smem:$0x3FAD]  }
0x2b: {  	s6 =	sld [smem:$0x3FAE]  }
0x2c: {  	s7 =	sld [smem:$0x3FAF]  }
0x2d: {  	s3 =	simm.s32 $0x108;
	s8 =	sld [smem:$0x3FB0]  }
0x2e: {  	s3 =	simm.s32 @!p0 $0x1082;
	s9 =	sld [smem:$0x3FB1]  }
0x2f: {  	lr =	sadd.s32 s0, s3;
	s0 =	sld [smem:$0x3FA8]  }
0x30: {  	s3 =	sld [smem:$0x3FAB]  }
0x31: {  	[smem:$0x3FB4] =	sst s10  }
0x32: {  	s10 =	sld [smem:$0x3FB2];
	_ =	sdelay $0x3  }
0x33: {  	p0 =	seq.s32 s10, $0x1;
	s10 =	sld [smem:$0x3FB4];
	_ =	sdelay $0x3  }
0x34: {  	[smem:$0x3FB4] =	sst s10  }
0x35: {  	s10 =	sld [smem:$0x3FB3];
	_ =	sdelay $0x3  }
0x36: {  	p1 =	seq.s32 s10, $0x1;
	s10 =	sld [smem:$0x3FB4];
	_ =	sdelay $0x3  }
0x37: {  	[smem:$0x3FB4] =	sst s10  }
0x38: {  	s10 =	sld [smem:$0x3FB5]  }
0x39: {  	_ = 	snop;
	(pc) =	sbr.ind lr, $3  }
0x3a: {  	_ = 	snop  }
0x3b: {  	_ = 	snop  }
0x3c: {  	p2 =	seq.s32 s10, $0x1;
	s10 =	sld [smem:$0x3FB4]  }
0x3d: {  	_ =	shalt  }
0x3e: {  	_ =	shalt  }
0x3f: {  	_ =	shalt  }
0x40: {  	_ =	shalt  }
0x41: {  	_ =	shalt  }
0x42: {  	_ =	shalt  }
0x43: {  	_ =	shalt  }
0x44: {  	_ =	shalt  }
0x45: {  	_ =	shalt  }
0x46: {  	_ =	shalt  }
0x47: {  	_ =	shalt  }
0x48: {  	_ =	shalt  }
0x49: {  	_ =	shalt  }
0x4a: {  	_ =	shalt  }
0x4b: {  	_ =	shalt  }
0x4c: {  	_ =	shalt  }
0x4d: {  	_ =	shalt  }
0x4e: {  	_ =	shalt  }
0x4f: {  	_ =	shalt  }
0x50: {  	_ =	shalt  }
0x51: {  	_ =	shalt  }
0x52: {  	_ =	shalt  }
0x53: {  	_ =	shalt  }
0x54: {  	_ =	shalt  }
0x55: {  	_ =	shalt  }
0x56: {  	_ =	shalt  }
0x57: {  	_ =	shalt  }
0x58: {  	_ =	shalt  }
0x59: {  	_ =	shalt  }
0x5a: {  	_ =	shalt  }
0x5b: {  	_ =	shalt  }
0x5c: {  	_ =	shalt  }
0x5d: {  	_ =	shalt  }
0x5e: {  	_ =	shalt  }
0x5f: {  	_ =	shalt  }
0x60: {  	_ =	shalt  }
0x61: {  	_ =	shalt  }
0x62: {  	_ =	shalt  }
0x63: {  	_ =	shalt  }
0x64: {  	_ =	shalt  }
0x65: {  	_ =	shalt  }
0x66: {  	_ =	shalt  }
0x67: {  	_ =	shalt  }
0x68: {  	_ =	shalt  }
0x69: {  	_ =	shalt  }
0x6a: {  	_ =	shalt  }
0x6b: {  	_ =	shalt  }
0x6c: {  	_ =	shalt  }
0x6d: {  	_ =	shalt  }
0x6e: {  	_ =	shalt  }
0x6f: {  	_ =	shalt  }
0x70: {  	_ =	shalt  }
0x71: {  	_ =	shalt  }
0x72: {  	_ =	shalt  }
0x73: {  	_ =	shalt  }
0x74: {  	_ =	shalt  }
0x75: {  	_ =	shalt  }
0x76: {  	_ =	shalt  }
0x77: {  	_ =	shalt  }
0x78: {  	_ =	shalt  }
0x79: {  	_ =	shalt  }
0x7a: {  	_ =	shalt  }
0x7b: {  	_ =	shalt  }
0x7c: {  	_ =	shalt  }
0x7d: {  	_ =	shalt  }
0x7e: {  	_ =	shalt  }
0x7f: {  	_ =	shalt  }
0x80: {  	_ =	shalt  }
0x81: {  	_ =	shalt  }
0x82: {  	_ =	shalt  }
0x83: {  	_ =	shalt  }
0x84: {  	_ =	shalt  }
0x85: {  	_ =	shalt  }
0x86: {  	_ =	shalt  }
0x87: {  	_ =	shalt  }
.Lfunc_end0:
.L_simem_size_0:
called_computation.2_lowered:
.L_overlay_start_0:
0x88: {  	s2 =	sld [smem:$0x3FD9]  }
0x89: {  	s3 =	sld [smem:$0x3FFE];
	_ =	sdelay $0x1  }
0x8a: {  	s1 =	srdreg.scid  }
0x8b: {  	s0 =	sand.u32 $0x1, s1  }
0x8c: {  	s16 =	sshll.u32 s0, $0xA;
	s2 =	sadd.s32 s3, s2  }
0x8d: {  	s2 =	sadd.s32 s2, s16  }
0x8e: {  	[smem:$0x3FC0] =	sst s2  }
0x8f: {  	_ = 	snop  }
0x90: {  	(tm) =	ssettm $0x1  }
0x91: {  	s17 =	sld [smem:$0x3FFB];
	_ =	sdelay $0x3  }
0x92: {  	_ =	strace s17  }
0x93: {  	s2 =	sld [smem:$0x3FFC];
	_ =	sdelay $0x3  }
0x94: {  	_ =	strace s2  }
0x95: {  	s2 =	sld [smem:$0x3FFD];
	_ =	sdelay $0x3  }
0x96: {  	_ =	strace s2  }
0x97: {  	_ =	strace $0x8FFFFFFF  }
0x98: {  	s18 =	sld [smem:$0x3FDB];
	_ =	sdelay $0x1  }
0x99: {  	s19 =	simm.s32 $_scs_section_size  }
0x9a: {  	s4 =	simm.s32 $_size__tile_overlayer_lowered;
	s5 =	simm.s32 $_tile_overlayer_lowered  }
0x9b: {  	s22 =	simm.s32 $0x1BFF;
	s21 =	sshll.u32 s5, $0x1;
	s2 =	sadd.s32 s19, s18  }
0x9c: {  	s6 =	simm.s32 $0x0;
	s20 =	sshll.u32 s4, $0x1;
	s4 =	sadd.s32 s21, s2  }
0x9d: {  	[timem:s6], [sflag:s22] =	dma.local [hbm:s4], s20  }
0x9e: {  	_ =	swait.ge [sflag:s22], s20  }
0x9f: {  	s3 =	ssub.s32 $0x0, s20;
	[sflag:s22] =	ssyncset.done $0x0  }
0xa0: {  	[sflag:s22] =	ssyncadd.s32 s3;
	_ =	sdelay $0x1  }
0xa1: {  	s23 =	simm.s32 $0x1B8B  }
0xa2: {  	_ =	swait.ge [sflag:s23], $0x1  }
0xa3: {  	[sflag:s23] =	ssyncset.done $0x0  }
0xa4: {  	s25 =	simm.s32 $0x1B8E;
	s24 =	sld [smem:$0x3FFE];
	[sflag:s23] =	ssyncadd.s32 $0xFFFFFFFF  }
0xa5: {  	s26 =	simm.s32 $execute0_lowered;
	[smem:$0x3FD2] =	sst s25  }
0xa6: {  	s4 =	sshll.u32 s26, $0x1;
	_ =	strace $0x8000004C;
	[dreg:$0x1] =	wrdreg $0xFFFFFFFF  }
0xa7: {  	s28 =	simm.s32 $_size_execute0_lowered;
	s2 =	sadd.s32 s2, s4;
	[dreg:$0x0] =	wrdreg $0x0  }
0xa8: {  	s4 =	sshll.u32 s28, $0x1;
	[dreg:$0x2] =	wrdreg s2  }
0xa9: {  	[dreg:$0x3] =	wrdreg s4  }
0xaa: {  	[dreg:$0x4] =	wrdreg $0xC0  }
0xab: {  	_ =	task [dreg:s6], $0x5FFFF  }
0xac: {  	[dreg:$0x1] =	wrdreg $0xFFFFFFFF  }
0xad: {  	[dreg:$0x0] =	wrdreg $0x60  }
0xae: {  	[dreg:$0x2] =	wrdreg s24  }
0xaf: {  	[dreg:$0x3] =	wrdreg $0x9  }
0xb0: {  	_ =	task.clear_ibuf [dreg:s6], $0x4FFFF;
	_ =	strace $0x9000004C  }
0xb1: {  	s29 =	simm.s32 $0x9;
	_ =	strace $0x8000004E  }
0xb2: {  	_ =	swait.ge [sflag:s29], $0x1  }
0xb3: {  	[sflag:s29] =	ssyncadd.s32 $0xFFFFFFFF  }
0xb4: {  	_ =	strace $0x9000004E  }
0xb5: {  	_ =	sfence  }
0xb6: {  	s30 =	sld [smem:$0x0];
	_ =	sdelay $0x2  }
0xb7: {  	s31 =	sshll.u32 s1, $0xD;
	s1 =	sshrl.u32 s1, $0x2  }
0xb8: {  	s3 =	sand.u32 $0x4000, s31;
	s1 =	sadd.s32 s1, s30  }
0xb9: {  	s0 =	sor.u32 s3, s0;
	s1 =	sshll.u32 s1, $0x11  }
0xba: {  	s0 =	sor.u32 s1, s0  }
0xbb: {  	s0 =	sadd.s32 $0x8F2B, s0  }
0xbc: {  	[sflag:s0] =	ssyncadd.remote.s32 $0x1  }
0xbd: {  	_ =	sfence.sel $0xFFFF  }
0xbe: {  	[dreg:$0x0] =	wrdreg $0xFFFFFFFF;
	(pc) =	sbr.abs _section_cstart, $3  }
0xbf: {  	[dreg:$0x1] =	wrdreg $0xFFFFFFFF  }
0xc0: {  	_ =	task.clear_ibuf [dreg:s6], $0x2FFFF;
	_ =	strace $0x9FFFFFFF  }
0xc1: {  	(tm) =	ssettm $0x7FFFFFFF  }
tec
execute0_lowered:
.L_overlay_start_1:
0x0: {  	(tag) =	ssettag $0x1  }
0x1: {  	s0 =	rddreg [dreg:$0x0]  }
0x2: {  	s2 =	simm.s32 $0x0;
	s1 =	srdreg.scid;
	s11 =	stileid.u32  }
0x3: {  	s13 =	simm.s32 $0x80;
	s14 =	simm.s32 $0x800;
	s15 =	simm.s32 $0x3  }
0x4: {  	s16 =	simm.s32 $0x100;
	s17 =	simm.s32 $0x180;
	s28 =	simm.s32 $0x600  }
0x5: {  	s29 =	simm.s32 $0x680;
	s30 =	simm.s32 $0x1;
	s31 =	simm.s32 $0x7  }
0x6: {  	[smem:$0x7FF] =	sst s2;
	s1 =	sand.u32 $0x1, s1;
	s18 =	smul.u32 $0xC8000, s11  }
0x7: {  	s4 =	sshll.u32 s11, $0x1;
	s3 =	sadd.s32 $0x310E00, s0;
	s22 =	smul.u32 $0x1900, s11  }
0x8: {  	s5 =	sadd.s32 $0x95FA00, s0;
	s0 =	sadd.s32 $0x3A00, s0;
	s10 =	smul.u32 $0x64000, s1  }
0x9: {  	s4 =	sor.u32 s1, s4;
	s6 =	ssub.s32 $0x2, s1;
	s1 =	smul.u32 $0xC80, s1  }
0xa: {  	s11 =	simm.s32 $0xC8000;
	s7 =	smul.u32 $0x6400, s4;
	s8 =	sshrl.u32 s6, $0x1  }
0xb: {  	_ =	strace $0x8000004D;
	s9 =	smul.u32 $0xC80, s4;
	s6 =	ssub.s32 s6, s8  }
0xc: {  	s8 =	sadd.s32 s10, s18;
	s10 =	simm.s32 $0x400;
	s18 =	simm.s32 $0x200  }
0xd: {  	s7 =	sshrl.u32 s7, $0x3;
	s4 =	sadd.s32 s5, s9;
	s9 =	sadd.s32 $0xC00, s9  }
0xe: {  	s23 =	sadd.s32 $0x4000, s8;
	s8 =	sshrl.u32 s8, $0x3;
	s26 =	smax.u32 s6, $0x1  }
0xf: {  	s6 =	simm.s32 $0x0;
	s7 =	sadd.s32 s5, s7;
	[dreg:$0x5] =	wrdreg s4  }
0x10: {  	s19 =	sadd.s32 $0x180, s4;
	s20 =	sshll.u32 s9, $0x4;
	s24 =	sadd.s32 s5, s9  }
0x11: {  	s25 =	sshrl.u32 s23, $0x3;
	s5 =	sadd.s32 s22, s5;
	[dreg:$0x9] =	wrdreg s26  }
0x12: {  	s22 =	simm.s32 $0x5;
	s23 =	simm.s32 $0x4;
	s26 =	simm.s32 $0x580  }
0x13: {  	s7 =	sadd.s32 $0x80, s7;
	[dreg:$0x2] =	wrdreg s19;
	s21 =	sadd.s32 s0, s20  }
0x14: {  	[dreg:$0x8] =	wrdreg s24;
	s9 =	sadd.s32 s25, s0;
	s1 =	sadd.s32 s1, s5  }
0x15: {  	s0 =	sadd.s32 s8, s0;
	s19 =	simm.s32 $0x280;
	[dreg:$0x6] =	wrdreg s7  }
0x16: {  	s20 =	simm.s32 $0x2;
	s24 =	simm.s32 $0x480;
	[dreg:$0x7] =	wrdreg s21  }
0x17: {  	s25 =	simm.s32 $0x500;
	[dreg:$0x3] =	wrdreg s9;
	s12 =	sadd.s32 $0x100, s1  }
0x18: {  	[dreg:$0x4] =	wrdreg s0;
	s21 =	simm.s32 $0x4800;
	s0 =	simm.s32 $0x6  }
.LBB2_1:
0x19: {  	s1 =	rddreg [dreg:$0x5]  }
0x1a: {  	[tilespmem:s2], [sflag:$0x9] =	stream.strided.gather [hbm4b:s1+s10], $0x0, s11, s10, $0x38;
	[tilespmem:$0x8800] =	vst v63  }
0x1b: {  	s4 =	simm.s32 $0x9  }
0x1c: {  	[tilespmem:s2], [sflag:$0x9] =	stream.linear.gather [hbm4b:s1+s2], $0x300, $0x38;
	[tilespmem:$0x8800] =	vst v63  }
0x1d: {  	_ =	swait.ge [sflag:s4], $0x300  }
0x1e: {  	[sflag:s4] =	ssyncset.done $0x0  }
0x1f: {  	[sflag:s4] =	ssyncadd.s32 $0xFFFFFD00  }
0x20: {  	[tilespmem:s14], [sflag:$0x3] =	stream.indirect.gather [hbm4b:s3+s13], $0x80, s2, s13, $0xb8;
	[tilespmem:$0x8800] =	vst v63  }
0x21: {  	_ =	swait.ge [sflag:s15], $0x4000  }
0x22: {  	[sflag:s15] =	ssyncset.done $0x0  }
0x23: {  	[sflag:s15] =	ssyncadd.s32 $0xFFFFC000  }
0x24: {  	[tilespmem:s14], [sflag:$0x5] =	stream.indirect.gather.add.f32 [hbm:s3], $0x80, s13, s13, $0xb8;
	[tilespmem:$0x8800] =	vst v63  }
0x25: {  	_ = 	snop  }
0x26: {  	[tilespmem:s14], [sflag:$0x5] =	stream.indirect.gather.add.f32 [hbm:s3], $0x80, s16, s13, $0xb8;
	[tilespmem:$0x8800] =	vst v63  }
0x27: {  	_ = 	snop  }
0x28: {  	[tilespmem:s14], [sflag:$0x5] =	stream.indirect.gather.add.f32 [hbm:s3], $0x80, s17, s13, $0xb8;
	[tilespmem:$0x8800] =	vst v63  }
0x29: {  	_ = 	snop  }
0x2a: {  	[tilespmem:s14], [sflag:$0x5] =	stream.indirect.gather.add.f32 [hbm:s3], $0x80, s18, s13, $0xb8;
	[tilespmem:$0x8800] =	vst v63  }
0x2b: {  	_ = 	snop  }
0x2c: {  	[tilespmem:s14], [sflag:$0x5] =	stream.indirect.gather.add.f32 [hbm:s3], $0x80, s19, s13, $0xb8;
	[tilespmem:$0x8800] =	vst v63  }
0x2d: {  	s5 =	rddreg [dreg:$0x6]  }
0x2e: {  	[tilespmem:s10], [sflag:$0x2] =	stream.strided.gather [hbm4b:s5+s10], $0x0, s11, s10, $0x38;
	[tilespmem:$0x8800] =	vst v63  }
0x2f: {  	_ = 	snop  }
0x30: {  	[tilespmem:s10], [sflag:$0x2] =	stream.linear.gather [hbm4b:s5+s2], $0x300, $0x38;
	[tilespmem:$0x8800] =	vst v63  }
0x31: {  	_ =	swait.ge [sflag:s20], $0x300  }
0x32: {  	p0 =	por $0x1, $0x1;
	[sflag:s20] =	ssyncset.done $0x0  }
0x33: {  	s1 =	simm.s32 @!p0 $0x8;
	[sflag:s20] =	ssyncadd.s32 $0xFFFFFD00  }
0x34: {  	_ =	swait.ge @!p0 [sflag:s1], $0x4000  }
0x35: {  	[sflag:s1] =	ssyncset.done @!p0 $0x0  }
0x36: {  	[sflag:s1] =	ssyncadd.s32 @!p0 $0xFFFFC000  }
0x37: {  	[tilespmem:s21], [sflag:$0x4] =	stream.indirect.gather [hbm4b:s3+s13], $0x80, s10, s13, $0xb8;
	[tilespmem:$0x8800] =	vst v63  }
0x38: {  	_ =	swait.ge [sflag:s22], $0x4000  }
0x39: {  	[sflag:s22] =	ssyncset.done $0x0  }
0x3a: {  	[sflag:s22] =	ssyncadd.s32 $0xFFFFC000  }
0x3b: {  	_ =	swait.ge [sflag:s22], $0x4000  }
0x3c: {  	[sflag:s22] =	ssyncset.done $0x0  }
0x3d: {  	[sflag:s22] =	ssyncadd.s32 $0xFFFFC000  }
0x3e: {  	_ =	swait.ge [sflag:s22], $0x4000  }
0x3f: {  	[sflag:s22] =	ssyncset.done $0x0  }
0x40: {  	[sflag:s22] =	ssyncadd.s32 $0xFFFFC000  }
0x41: {  	_ =	swait.ge [sflag:s22], $0x4000  }
0x42: {  	[sflag:s22] =	ssyncset.done $0x0  }
0x43: {  	[sflag:s22] =	ssyncadd.s32 $0xFFFFC000  }
0x44: {  	_ =	swait.ge [sflag:s22], $0x4000  }
0x45: {  	s7 =	rddreg [dreg:$0x4];
	[sflag:s22] =	ssyncset.done $0x0  }
0x46: {  	[sflag:s22] =	ssyncadd.s32 $0xFFFFC000;
	s1 =	sadd.s32 $0x0, s7  }
0x47: {  	[hbm4b:s1+s2] =	stream.linear.scatter [tilespmem:s14], [sflag:$0x7], $0x4000, $0x38;
	[tilespmem:$0x8800] =	vst v63  }
0x48: {  	_ = 	snop  }
0x49: {  	[tilespmem:s2], [sflag:$0x1] =	stream.strided.gather [hbm4b:s12+s10], $0x0, s11, s10, $0x38;
	[tilespmem:$0x8800] =	vst v63  }
0x4a: {  	_ = 	snop  }
0x4b: {  	[tilespmem:s2], [sflag:$0x1] =	stream.linear.gather [hbm4b:s12+s2], $0x300, $0x38;
	[tilespmem:$0x8800] =	vst v63  }
0x4c: {  	_ =	swait.ge [sflag:s23], $0x4000  }
0x4d: {  	[sflag:s23] =	ssyncset.done $0x0  }
0x4e: {  	[sflag:s23] =	ssyncadd.s32 $0xFFFFC000  }
0x4f: {  	[tilespmem:s21], [sflag:$0x6] =	stream.indirect.gather.add.f32 [hbm:s3], $0x80, s24, s13, $0xb8;
	[tilespmem:$0x8800] =	vst v63  }
0x50: {  	_ = 	snop  }
0x51: {  	[tilespmem:s21], [sflag:$0x6] =	stream.indirect.gather.add.f32 [hbm:s3], $0x80, s25, s13, $0xb8;
	[tilespmem:$0x8800] =	vst v63  }
0x52: {  	_ = 	snop  }
0x53: {  	[tilespmem:s21], [sflag:$0x6] =	stream.indirect.gather.add.f32 [hbm:s3], $0x80, s26, s13, $0xb8;
	[tilespmem:$0x8800] =	vst v63  }
0x54: {  	_ = 	snop  }
0x55: {  	[tilespmem:s21], [sflag:$0x6] =	stream.indirect.gather.add.f32 [hbm:s3], $0x80, s28, s13, $0xb8;
	[tilespmem:$0x8800] =	vst v63  }
0x56: {  	_ = 	snop  }
0x57: {  	[tilespmem:s21], [sflag:$0x6] =	stream.indirect.gather.add.f32 [hbm:s3], $0x80, s29, s13, $0xb8;
	[tilespmem:$0x8800] =	vst v63  }
0x58: {  	_ =	swait.ge [sflag:s30], $0x300  }
0x59: {  	[sflag:s30] =	ssyncset.done $0x0  }
0x5a: {  	[sflag:s30] =	ssyncadd.s32 $0xFFFFFD00  }
0x5b: {  	_ =	swait.ge [sflag:s31], $0x4000  }
0x5c: {  	[sflag:s31] =	ssyncset.done $0x0  }
0x5d: {  	[sflag:s31] =	ssyncadd.s32 $0xFFFFC000  }
0x5e: {  	[tilespmem:s14], [sflag:$0x3] =	stream.indirect.gather [hbm4b:s3+s13], $0x80, s2, s13, $0xb8;
	[tilespmem:$0x8800] =	vst v63  }
0x5f: {  	_ =	swait.ge [sflag:s0], $0x4000  }
0x60: {  	[sflag:s0] =	ssyncset.done $0x0  }
0x61: {  	[sflag:s0] =	ssyncadd.s32 $0xFFFFC000  }
0x62: {  	_ =	swait.ge [sflag:s0], $0x4000  }
0x63: {  	[sflag:s0] =	ssyncset.done $0x0  }
0x64: {  	[sflag:s0] =	ssyncadd.s32 $0xFFFFC000  }
0x65: {  	_ =	swait.ge [sflag:s0], $0x4000  }
0x66: {  	[sflag:s0] =	ssyncset.done $0x0  }
0x67: {  	[sflag:s0] =	ssyncadd.s32 $0xFFFFC000  }
0x68: {  	_ =	swait.ge [sflag:s0], $0x4000  }
0x69: {  	[sflag:s0] =	ssyncset.done $0x0  }
0x6a: {  	[sflag:s0] =	ssyncadd.s32 $0xFFFFC000  }
0x6b: {  	_ =	swait.ge [sflag:s0], $0x4000  }
0x6c: {  	s8 =	rddreg [dreg:$0x3];
	[sflag:s0] =	ssyncset.done $0x0  }
0x6d: {  	[sflag:s0] =	ssyncadd.s32 $0xFFFFC000;
	s1 =	sadd.s32 $0x0, s8;
	s8 =	smin.u32 s2, $0x15  }
0x6e: {  	[hbm4b:s1+s2] =	stream.linear.scatter [tilespmem:s21], [sflag:$0x8], $0x4000, $0x38;
	[tilespmem:$0x8800] =	vst v63  }
0x6f: {  	s5 =	rddreg [dreg:$0x2];
	s9 =	sshll.u32 s8, $0x7  }
0x70: {  	s1 =	sadd.s32 s9, s5  }
0x71: {  	[tilespmem:s10], [sflag:$0x2] =	stream.strided.gather [hbm4b:s1+s10], $0x0, s11, s10, $0x38;
	[tilespmem:$0x8800] =	vst v63  }
0x72: {  	_ = 	snop  }
0x73: {  	[tilespmem:s10], [sflag:$0x2] =	stream.linear.gather [hbm4b:s1+s2], $0x300, $0x38;
	[tilespmem:$0x8800] =	vst v63  }
0x74: {  	_ =	swait.ge [sflag:s15], $0x4000  }
0x75: {  	[sflag:s15] =	ssyncset.done $0x0  }
0x76: {  	[sflag:s15] =	ssyncadd.s32 $0xFFFFC000  }
0x77: {  	[tilespmem:s14], [sflag:$0x5] =	stream.indirect.gather.add.f32 [hbm:s3], $0x80, s13, s13, $0xb8;
	[tilespmem:$0x8800] =	vst v63  }
0x78: {  	_ = 	snop  }
0x79: {  	[tilespmem:s14], [sflag:$0x5] =	stream.indirect.gather.add.f32 [hbm:s3], $0x80, s16, s13, $0xb8;
	[tilespmem:$0x8800] =	vst v63  }
0x7a: {  	_ = 	snop  }
0x7b: {  	[tilespmem:s14], [sflag:$0x5] =	stream.indirect.gather.add.f32 [hbm:s3], $0x80, s17, s13, $0xb8;
	[tilespmem:$0x8800] =	vst v63  }
0x7c: {  	s8 =	simm.s32 $0x1000;
	s9 =	smov.u32 s12;
	s1 =	simm.s32 $0x0  }
0x7d: {  	[tilespmem:s14], [sflag:$0x5] =	stream.indirect.gather.add.f32 [hbm:s3], $0x80, s18, s13, $0xb8;
	[tilespmem:$0x8800] =	vst v63  }
.LBB2_2:
0x7e: {  	[tilespmem:s14], [sflag:$0x5] =	stream.indirect.gather.add.f32 [hbm:s3], $0x80, s19, s13, $0xb8;
	[tilespmem:$0x8800] =	vst v63  }
0x7f: {  	s5 =	smov.u32 s8;
	_ =	swait.ge [sflag:s20], $0x300  }
0x80: {  	p1 =	seq.s32 s5, $0x0;
	[sflag:s20] =	ssyncset.done $0x0  }
0x81: {  	s4 =	simm.s32 @!p1 $0x8;
	[sflag:s20] =	ssyncadd.s32 $0xFFFFFD00  }
0x82: {  	_ =	swait.ge @!p1 [sflag:s4], $0x4000  }
0x83: {  	[sflag:s4] =	ssyncset.done @!p1 $0x0  }
0x84: {  	[sflag:s4] =	ssyncadd.s32 @!p1 $0xFFFFC000  }
0x85: {  	[tilespmem:s21], [sflag:$0x4] =	stream.indirect.gather [hbm4b:s3+s13], $0x80, s10, s13, $0xb8;
	[tilespmem:$0x8800] =	vst v63  }
0x86: {  	_ =	swait.ge [sflag:s22], $0x4000  }
0x87: {  	[sflag:s22] =	ssyncset.done $0x0  }
0x88: {  	[sflag:s22] =	ssyncadd.s32 $0xFFFFC000  }
0x89: {  	_ =	swait.ge [sflag:s22], $0x4000  }
0x8a: {  	[sflag:s22] =	ssyncset.done $0x0  }
0x8b: {  	[sflag:s22] =	ssyncadd.s32 $0xFFFFC000  }
0x8c: {  	_ =	swait.ge [sflag:s22], $0x4000  }
0x8d: {  	[sflag:s22] =	ssyncset.done $0x0  }
0x8e: {  	[sflag:s22] =	ssyncadd.s32 $0xFFFFC000  }
0x8f: {  	_ =	swait.ge [sflag:s22], $0x4000  }
0x90: {  	[sflag:s22] =	ssyncset.done $0x0  }
0x91: {  	[sflag:s22] =	ssyncadd.s32 $0xFFFFC000  }
0x92: {  	_ =	swait.ge [sflag:s22], $0x4000  }
0x93: {  	s7 =	rddreg [dreg:$0x4];
	[sflag:s22] =	ssyncset.done $0x0  }
0x94: {  	[sflag:s22] =	ssyncadd.s32 $0xFFFFC000;
	s4 =	sadd.s32 s5, s7  }
0x95: {  	[hbm4b:s4+s2] =	stream.linear.scatter [tilespmem:s14], [sflag:$0x7], $0x4000, $0x38;
	[tilespmem:$0x8800] =	vst v63  }
0x96: {  	s9 =	sadd.s32 $0x100, s9  }
0x97: {  	[tilespmem:s2], [sflag:$0x1] =	stream.strided.gather [hbm4b:s9+s10], $0x0, s11, s10, $0x38;
	[tilespmem:$0x8800] =	vst v63  }
0x98: {  	_ = 	snop  }
0x99: {  	[tilespmem:s2], [sflag:$0x1] =	stream.linear.gather [hbm4b:s9+s2], $0x300, $0x38;
	[tilespmem:$0x8800] =	vst v63  }
0x9a: {  	_ =	swait.ge [sflag:s23], $0x4000  }
0x9b: {  	[sflag:s23] =	ssyncset.done $0x0  }
0x9c: {  	[sflag:s23] =	ssyncadd.s32 $0xFFFFC000  }
0x9d: {  	[tilespmem:s21], [sflag:$0x6] =	stream.indirect.gather.add.f32 [hbm:s3], $0x80, s24, s13, $0xb8;
	[tilespmem:$0x8800] =	vst v63  }
0x9e: {  	_ = 	snop  }
0x9f: {  	[tilespmem:s21], [sflag:$0x6] =	stream.indirect.gather.add.f32 [hbm:s3], $0x80, s25, s13, $0xb8;
	[tilespmem:$0x8800] =	vst v63  }
0xa0: {  	_ = 	snop  }
0xa1: {  	[tilespmem:s21], [sflag:$0x6] =	stream.indirect.gather.add.f32 [hbm:s3], $0x80, s26, s13, $0xb8;
	[tilespmem:$0x8800] =	vst v63  }
0xa2: {  	_ = 	snop  }
0xa3: {  	[tilespmem:s21], [sflag:$0x6] =	stream.indirect.gather.add.f32 [hbm:s3], $0x80, s28, s13, $0xb8;
	[tilespmem:$0x8800] =	vst v63  }
0xa4: {  	_ = 	snop  }
0xa5: {  	[tilespmem:s21], [sflag:$0x6] =	stream.indirect.gather.add.f32 [hbm:s3], $0x80, s29, s13, $0xb8;
	[tilespmem:$0x8800] =	vst v63  }
0xa6: {  	_ =	swait.ge [sflag:s30], $0x300  }
0xa7: {  	[sflag:s30] =	ssyncset.done $0x0  }
0xa8: {  	[sflag:s30] =	ssyncadd.s32 $0xFFFFFD00  }
0xa9: {  	_ =	swait.ge [sflag:s31], $0x4000  }
0xaa: {  	[sflag:s31] =	ssyncset.done $0x0  }
0xab: {  	[sflag:s31] =	ssyncadd.s32 $0xFFFFC000  }
0xac: {  	[tilespmem:s14], [sflag:$0x3] =	stream.indirect.gather [hbm4b:s3+s13], $0x80, s2, s13, $0xb8;
	[tilespmem:$0x8800] =	vst v63  }
0xad: {  	_ =	swait.ge [sflag:s0], $0x4000  }
0xae: {  	[sflag:s0] =	ssyncset.done $0x0  }
0xaf: {  	[sflag:s0] =	ssyncadd.s32 $0xFFFFC000  }
0xb0: {  	_ =	swait.ge [sflag:s0], $0x4000  }
0xb1: {  	[sflag:s0] =	ssyncset.done $0x0  }
0xb2: {  	[sflag:s0] =	ssyncadd.s32 $0xFFFFC000  }
0xb3: {  	_ =	swait.ge [sflag:s0], $0x4000  }
0xb4: {  	[sflag:s0] =	ssyncset.done $0x0  }
0xb5: {  	[sflag:s0] =	ssyncadd.s32 $0xFFFFC000  }
0xb6: {  	_ =	swait.ge [sflag:s0], $0x4000  }
0xb7: {  	[sflag:s0] =	ssyncset.done $0x0  }
0xb8: {  	[sflag:s0] =	ssyncadd.s32 $0xFFFFC000  }
0xb9: {  	_ =	swait.ge [sflag:s0], $0x4000  }
0xba: {  	s1 =	sadd.s32 $0x2, s1;
	s4 =	rddreg [dreg:$0x3];
	[sflag:s0] =	ssyncset.done $0x0  }
0xbb: {  	[sflag:s0] =	ssyncadd.s32 $0xFFFFC000;
	s4 =	sadd.s32 s5, s4;
	s5 =	smin.u32 s1, $0x15  }
0xbc: {  	[hbm4b:s4+s2] =	stream.linear.scatter [tilespmem:s21], [sflag:$0x8], $0x4000, $0x38;
	[tilespmem:$0x8800] =	vst v63  }
0xbd: {  	s7 =	rddreg [dreg:$0x2];
	s5 =	sshll.u32 s5, $0x7  }
0xbe: {  	s4 =	sadd.s32 s5, s7  }
0xbf: {  	[tilespmem:s10], [sflag:$0x2] =	stream.strided.gather [hbm4b:s4+s10], $0x0, s11, s10, $0x38;
	[tilespmem:$0x8800] =	vst v63  }
0xc0: {  	_ = 	snop  }
0xc1: {  	[tilespmem:s10], [sflag:$0x2] =	stream.linear.gather [hbm4b:s4+s2], $0x300, $0x38;
	[tilespmem:$0x8800] =	vst v63  }
0xc2: {  	_ =	swait.ge [sflag:s15], $0x4000  }
0xc3: {  	[sflag:s15] =	ssyncset.done $0x0  }
0xc4: {  	s8 =	sadd.s32 $0x1000, s8;
	[sflag:s15] =	ssyncadd.s32 $0xFFFFC000  }
0xc5: {  	[tilespmem:s14], [sflag:$0x5] =	stream.indirect.gather.add.f32 [hbm:s3], $0x80, s13, s13, $0xb8;
	[tilespmem:$0x8800] =	vst v63  }
0xc6: {  	p0 =	sne.s32 s8, $0xC000  }
0xc7: {  	[tilespmem:s14], [sflag:$0x5] =	stream.indirect.gather.add.f32 [hbm:s3], $0x80, s16, s13, $0xb8;
	[tilespmem:$0x8800] =	vst v63  }
.Ltmp0:
0xc8: {  	_ = 	snop;
	(pc) =	sbr.rel @p0 .LBB2_2-.Ltmp0, $4  }
0xc9: {  	_ = 	snop  }
0xca: {  	[tilespmem:s14], [sflag:$0x5] =	stream.indirect.gather.add.f32 [hbm:s3], $0x80, s17, s13, $0xb8;
	[tilespmem:$0x8800] =	vst v63  }
0xcb: {  	_ = 	snop  }
0xcc: {  	[tilespmem:s14], [sflag:$0x5] =	stream.indirect.gather.add.f32 [hbm:s3], $0x80, s18, s13, $0xb8;
	[tilespmem:$0x8800] =	vst v63  }
0xcd: {  	[tilespmem:s14], [sflag:$0x5] =	stream.indirect.gather.add.f32 [hbm:s3], $0x80, s19, s13, $0xb8;
	[tilespmem:$0x8800] =	vst v63  }
0xce: {  	_ =	swait.ge [sflag:s20], $0x300  }
0xcf: {  	[sflag:s20] =	ssyncset.done $0x0  }
0xd0: {  	s1 =	simm.s32 $0x8;
	[sflag:s20] =	ssyncadd.s32 $0xFFFFFD00  }
0xd1: {  	_ =	swait.ge [sflag:s1], $0x4000  }
0xd2: {  	[sflag:s1] =	ssyncset.done $0x0  }
0xd3: {  	[sflag:s1] =	ssyncadd.s32 $0xFFFFC000  }
0xd4: {  	[tilespmem:s21], [sflag:$0x4] =	stream.indirect.gather [hbm4b:s3+s13], $0x80, s10, s13, $0xb8;
	[tilespmem:$0x8800] =	vst v63  }
0xd5: {  	_ =	swait.ge [sflag:s22], $0x4000  }
0xd6: {  	[sflag:s22] =	ssyncset.done $0x0  }
0xd7: {  	[sflag:s22] =	ssyncadd.s32 $0xFFFFC000  }
0xd8: {  	_ =	swait.ge [sflag:s22], $0x4000  }
0xd9: {  	[sflag:s22] =	ssyncset.done $0x0  }
0xda: {  	[sflag:s22] =	ssyncadd.s32 $0xFFFFC000  }
0xdb: {  	_ =	swait.ge [sflag:s22], $0x4000  }
0xdc: {  	[sflag:s22] =	ssyncset.done $0x0  }
0xdd: {  	[sflag:s22] =	ssyncadd.s32 $0xFFFFC000  }
0xde: {  	_ =	swait.ge [sflag:s22], $0x4000  }
0xdf: {  	[sflag:s22] =	ssyncset.done $0x0  }
0xe0: {  	[sflag:s22] =	ssyncadd.s32 $0xFFFFC000  }
0xe1: {  	_ =	swait.ge [sflag:s22], $0x4000  }
0xe2: {  	[sflag:s22] =	ssyncset.done $0x0  }
0xe3: {  	s7 =	rddreg [dreg:$0x7];
	[sflag:s22] =	ssyncadd.s32 $0xFFFFC000  }
0xe4: {  	[hbm4b:s7+s2] =	stream.linear.scatter [tilespmem:s14], [sflag:$0x7], $0x4000, $0x38;
	[tilespmem:$0x8800] =	vst v63  }
0xe5: {  	s8 =	rddreg [dreg:$0x8]  }
0xe6: {  	[tilespmem:s2], [sflag:$0x1] =	stream.strided.gather [hbm4b:s8+s10], $0x0, s11, s10, $0x38;
	[tilespmem:$0x8800] =	vst v63  }
0xe7: {  	_ = 	snop  }
0xe8: {  	[tilespmem:s2], [sflag:$0x1] =	stream.linear.gather [hbm4b:s8+s2], $0x300, $0x38;
	[tilespmem:$0x8800] =	vst v63  }
0xe9: {  	_ =	swait.ge [sflag:s23], $0x4000  }
0xea: {  	[sflag:s23] =	ssyncset.done $0x0  }
0xeb: {  	[sflag:s23] =	ssyncadd.s32 $0xFFFFC000  }
0xec: {  	[tilespmem:s21], [sflag:$0x6] =	stream.indirect.gather.add.f32 [hbm:s3], $0x80, s24, s13, $0xb8;
	[tilespmem:$0x8800] =	vst v63  }
0xed: {  	_ = 	snop  }
0xee: {  	[tilespmem:s21], [sflag:$0x6] =	stream.indirect.gather.add.f32 [hbm:s3], $0x80, s25, s13, $0xb8;
	[tilespmem:$0x8800] =	vst v63  }
0xef: {  	_ = 	snop  }
0xf0: {  	[tilespmem:s21], [sflag:$0x6] =	stream.indirect.gather.add.f32 [hbm:s3], $0x80, s26, s13, $0xb8;
	[tilespmem:$0x8800] =	vst v63  }
0xf1: {  	_ = 	snop  }
0xf2: {  	[tilespmem:s21], [sflag:$0x6] =	stream.indirect.gather.add.f32 [hbm:s3], $0x80, s28, s13, $0xb8;
	[tilespmem:$0x8800] =	vst v63  }
0xf3: {  	_ = 	snop  }
0xf4: {  	[tilespmem:s21], [sflag:$0x6] =	stream.indirect.gather.add.f32 [hbm:s3], $0x80, s29, s13, $0xb8;
	[tilespmem:$0x8800] =	vst v63  }
0xf5: {  	_ =	swait.ge [sflag:s0], $0x4000  }
0xf6: {  	[sflag:s0] =	ssyncset.done $0x0  }
0xf7: {  	[sflag:s0] =	ssyncadd.s32 $0xFFFFC000  }
0xf8: {  	_ =	swait.ge [sflag:s0], $0x4000  }
0xf9: {  	[sflag:s0] =	ssyncset.done $0x0  }
0xfa: {  	[sflag:s0] =	ssyncadd.s32 $0xFFFFC000  }
0xfb: {  	_ =	swait.ge [sflag:s0], $0x4000  }
0xfc: {  	[sflag:s0] =	ssyncset.done $0x0  }
0xfd: {  	[sflag:s0] =	ssyncadd.s32 $0xFFFFC000  }
0xfe: {  	_ =	swait.ge [sflag:s0], $0x4000  }
0xff: {  	[sflag:s0] =	ssyncset.done $0x0  }
0x100: {  	[sflag:s0] =	ssyncadd.s32 $0xFFFFC000  }
0x101: {  	_ =	swait.ge [sflag:s0], $0x4000  }
0x102: {  	[sflag:s0] =	ssyncset.done $0x0  }
0x103: {  	[sflag:s0] =	ssyncadd.s32 $0xFFFFC000  }
0x104: {  	_ =	swait.ge [sflag:s31], $0x4000  }
0x105: {  	[sflag:s31] =	ssyncset.done $0x0  }
0x106: {  	[sflag:s31] =	ssyncadd.s32 $0xFFFFC000  }
0x107: {  	_ =	swait.ge [sflag:s30], $0x300  }
0x108: {  	s6 =	sadd.s32 $0x1, s6;
	s9 =	rddreg [dreg:$0x9]  }
0x109: {  	p0 =	sne.s32 s6, s9  }
.Ltmp1:
0x10a: {  	_ = 	snop;
	(pc) =	sbr.rel @p0 .LBB2_1-.Ltmp1, $3  }
0x10b: {  	_ =	sdelay $0x1  }
0x10c: {  	[sflag:s30] =	ssyncset.done $0x0  }
0x10d: {  	[sflag:s30] =	ssyncadd.s32 $0xFFFFFD00  }
0x10e: {  	_ =	sfence.sel $0x180000  }
0x10f: {  	[bflag:$0x0] =	sbarrier.arrive $0xFFFF  }
0x110: {  	_ =	strace $0x9000004D  }
0x111: {  	s0 =	stileid.u32;
	[bflag:$0x2] =	sbarrier.arrive $0xFFFF  }
0x112: {  	p0 =	sne.s32 s0, $0x0;
	s0 =	rddreg [dreg:$0x1]  }
0x113: {  	s0 =	sadd.s32 @!p0 $0x100000, s0  }
0x114: {  	[sflag:s0] =	ssyncadd.tile.s32 @!p0 $0x1;
	_ =	shalt  }
.Lfunc_end2:
_tile_overlayer_lowered:
.L_overlay_start_2:
0x115: {  	(tag) =	ssettag $0x2  }
0x116: {  	s0 =	rddreg [dreg:$0x0];
	s2 =	stileid.u32  }
0x117: {  	s1 =	rddreg [dreg:$0x1];
	p0 =	sne.s32 s2, $0x0  }
0x118: {  	s3 =	rddreg [dreg:$0x2];
	[bflag:$0x3] =	sbarrier.arrive $0xFFFF;
	s2 =	simm.s32 @!p0 $0x1C09  }
0x119: {  	[timem:s3], [sflag:s2] =	dma.local @!p0 [hbm:s0], s1  }
0x11a: {  	s0 =	simm.s32 @!p0 $0x9  }
0x11b: {  	_ =	swait.ge @!p0 [sflag:s0], s1  }
0x11c: {  	s1 =	ssub.s32 @!p0 $0x0, s1;
	[sflag:s0] =	ssyncset.done @!p0 $0x0  }
0x11d: {  	[sflag:s0] =	ssyncadd.s32 @!p0 s1  }
0x11e: {  	[bflag:$0x3] =	sbarrier.arrive $0xFFFF  }
0x11f: {  	_ =	shalt  }

// kernel: kernel.9.cloned.1.call-start
scs
__scs_entry_jumppad:
0x0: {  	(pc) =	sbr.rel $0x88, $3  }
0x1: {  	(tag) =	ssettag $0x0;
	lr =	simm.s32 $0x1  }
0x2: {  	[smem:$0x3F99] =	sst lr;
	_ =	strace $0xD0000000  }
0x3: {  	_ = 	snop  }
0x4: {  	_ = 	snop  }
0x5: {  	_ = 	snop  }
0x6: {  	_ = 	snop  }
0x7: {  	_ = 	snop  }
__scs_overlays_trampoline_lowered:
0x8: {  	[smem:$0x3FA8] =	sst s0  }
0x9: {  	[smem:$0x3FA9] =	sst s1  }
0xa: {  	[smem:$0x3FAA] =	sst s2  }
0xb: {  	[smem:$0x3FAB] =	sst s3  }
0xc: {  	[smem:$0x3FAC] =	sst s4  }
0xd: {  	[smem:$0x3FAD] =	sst s5  }
0xe: {  	[smem:$0x3FAE] =	sst s6  }
0xf: {  	[smem:$0x3FAF] =	sst s7  }
0x10: {  	[smem:$0x3FB0] =	sst s8  }
0x11: {  	[smem:$0x3FB1] =	sst s9;
	s0 =	simm.s32 @!p0 $0x0  }
0x12: {  	s1 =	sld [smem:$0x3F97];
	s0 =	simm.s32 @p0 $0x1  }
0x13: {  	[smem:$0x3FB2] =	sst s0;
	s0 =	simm.s32 @!p1 $0x0  }
0x14: {  	s2 =	sld [smem:$0x3F96];
	s0 =	simm.s32 @p1 $0x1  }
0x15: {  	[smem:$0x3FB3] =	sst s0;
	s0 =	simm.s32 @!p2 $0x0  }
0x16: {  	s3 =	sld [smem:$0x3FDB];
	s0 =	simm.s32 @p2 $0x1  }
0x17: {  	s4 =	simm.s32 $0x1BF5;
	[smem:$0x3FB5] =	sst s0  }
0x18: {  	s0 =	sld [smem:$0x3F98];
	_ =	swait.ge [sflag:s4], $0x0  }
0x19: {  	s7 =	sld [smem:$0x3F99]  }
0x1a: {  	s8 =	sadd.s32 $0xFFFFE003, lr  }
0x1b: {  	s9 =	sadd.s32 $0xFFFFFEF7, lr;
	s5 =	simm.s32 $0xFFFFFFFF;
	p2 =	slt.u32 s8, $0xFFFFF086  }
0x1c: {  	p1 =	slt.u32 s9, $0xF7A;
	s5 =	simm.s32 @!p2 $0x0  }
0x1d: {  	s5 =	simm.s32 @p1 $0x1;
	p0 =	seq.s32 s7, s2  }
0x1e: {  	s7 =	smul.u32 @!p0 $0xF7A, s2;
	p2 =	seq.s32 @!p0 s5, $0x0  }
0x1f: {  	s9 =	smul.u32 $0xF7A, s1;
	s8 =	simm.s32 @!p0 $0x1BF5;
	p2 =	por !p2, p0  }
0x20: {  	[sflag:s8] =	ssyncset.s32 @!p0 $0xFFFFF086;
	s6 =	sadd.s32 @!p0 s3, s7;
	s7 =	simm.s32 @!p0 $0x108  }
0x21: {  	s3 =	sadd.s32 s3, s9;
	s6 =	sadd.s32 @!p0 $0x88, s6;
	s7 =	simm.s32 @p2 $0x1082  }
0x22: {  	[simem:s7], [sflag:s8] =	dma.local @!p0 [hbm:s6], $0xF7A  }
0x23: {  	s9 =	sor.u32 $0xD0000000, s2;
	s6 =	simm.s32 $0x108;
	_ =	swait.ge @!p0 [sflag:s8], $0x0  }
0x24: {  	s3 =	sadd.s32 $0x88, s3;
	s6 =	simm.s32 @!p1 $0x1082;
	[sflag:s4] =	ssyncset.s32 $0xFFFFF086  }
0x25: {  	[simem:s6], [sflag:s4] =	dma.local [hbm:s3], $0xF7A  }
0x26: {  	[smem:$0x3F99] =	sst s1;
	(tag) =	ssettag s2;
	_ =	strace s9  }
0x27: {  	s1 =	sld [smem:$0x3FA9]  }
0x28: {  	s2 =	sld [smem:$0x3FAA]  }
0x29: {  	s4 =	sld [smem:$0x3FAC]  }
0x2a: {  	p0 =	seq.s32 s5, $0x0;
	s5 =	sld [smem:$0x3FAD]  }
0x2b: {  	s6 =	sld [smem:$0x3FAE]  }
0x2c: {  	s7 =	sld [smem:$0x3FAF]  }
0x2d: {  	s3 =	simm.s32 $0x108;
	s8 =	sld [smem:$0x3FB0]  }
0x2e: {  	s3 =	simm.s32 @!p0 $0x1082;
	s9 =	sld [smem:$0x3FB1]  }
0x2f: {  	lr =	sadd.s32 s0, s3;
	s0 =	sld [smem:$0x3FA8]  }
0x30: {  	s3 =	sld [smem:$0x3FAB]  }
0x31: {  	[smem:$0x3FB4] =	sst s10  }
0x32: {  	s10 =	sld [smem:$0x3FB2];
	_ =	sdelay $0x3  }
0x33: {  	p0 =	seq.s32 s10, $0x1;
	s10 =	sld [smem:$0x3FB4];
	_ =	sdelay $0x3  }
0x34: {  	[smem:$0x3FB4] =	sst s10  }
0x35: {  	s10 =	sld [smem:$0x3FB3];
	_ =	sdelay $0x3  }
0x36: {  	p1 =	seq.s32 s10, $0x1;
	s10 =	sld [smem:$0x3FB4];
	_ =	sdelay $0x3  }
0x37: {  	[smem:$0x3FB4] =	sst s10  }
0x38: {  	s10 =	sld [smem:$0x3FB5]  }
0x39: {  	_ = 	snop;
	(pc) =	sbr.ind lr, $3  }
0x3a: {  	_ = 	snop  }
0x3b: {  	_ = 	snop  }
0x3c: {  	p2 =	seq.s32 s10, $0x1;
	s10 =	sld [smem:$0x3FB4]  }
0x3d: {  	_ =	shalt  }
0x3e: {  	_ =	shalt  }
0x3f: {  	_ =	shalt  }
0x40: {  	_ =	shalt  }
0x41: {  	_ =	shalt  }
0x42: {  	_ =	shalt  }
0x43: {  	_ =	shalt  }
0x44: {  	_ =	shalt  }
0x45: {  	_ =	shalt  }
0x46: {  	_ =	shalt  }
0x47: {  	_ =	shalt  }
0x48: {  	_ =	shalt  }
0x49: {  	_ =	shalt  }
0x4a: {  	_ =	shalt  }
0x4b: {  	_ =	shalt  }
0x4c: {  	_ =	shalt  }
0x4d: {  	_ =	shalt  }
0x4e: {  	_ =	shalt  }
0x4f: {  	_ =	shalt  }
0x50: {  	_ =	shalt  }
0x51: {  	_ =	shalt  }
0x52: {  	_ =	shalt  }
0x53: {  	_ =	shalt  }
0x54: {  	_ =	shalt  }
0x55: {  	_ =	shalt  }
0x56: {  	_ =	shalt  }
0x57: {  	_ =	shalt  }
0x58: {  	_ =	shalt  }
0x59: {  	_ =	shalt  }
0x5a: {  	_ =	shalt  }
0x5b: {  	_ =	shalt  }
0x5c: {  	_ =	shalt  }
0x5d: {  	_ =	shalt  }
0x5e: {  	_ =	shalt  }
0x5f: {  	_ =	shalt  }
0x60: {  	_ =	shalt  }
0x61: {  	_ =	shalt  }
0x62: {  	_ =	shalt  }
0x63: {  	_ =	shalt  }
0x64: {  	_ =	shalt  }
0x65: {  	_ =	shalt  }
0x66: {  	_ =	shalt  }
0x67: {  	_ =	shalt  }
0x68: {  	_ =	shalt  }
0x69: {  	_ =	shalt  }
0x6a: {  	_ =	shalt  }
0x6b: {  	_ =	shalt  }
0x6c: {  	_ =	shalt  }
0x6d: {  	_ =	shalt  }
0x6e: {  	_ =	shalt  }
0x6f: {  	_ =	shalt  }
0x70: {  	_ =	shalt  }
0x71: {  	_ =	shalt  }
0x72: {  	_ =	shalt  }
0x73: {  	_ =	shalt  }
0x74: {  	_ =	shalt  }
0x75: {  	_ =	shalt  }
0x76: {  	_ =	shalt  }
0x77: {  	_ =	shalt  }
0x78: {  	_ =	shalt  }
0x79: {  	_ =	shalt  }
0x7a: {  	_ =	shalt  }
0x7b: {  	_ =	shalt  }
0x7c: {  	_ =	shalt  }
0x7d: {  	_ =	shalt  }
0x7e: {  	_ =	shalt  }
0x7f: {  	_ =	shalt  }
0x80: {  	_ =	shalt  }
0x81: {  	_ =	shalt  }
0x82: {  	_ =	shalt  }
0x83: {  	_ =	shalt  }
0x84: {  	_ =	shalt  }
0x85: {  	_ =	shalt  }
0x86: {  	_ =	shalt  }
0x87: {  	_ =	shalt  }
.Lfunc_end0:
.L_simem_size_0:
called_computation_lowered:
.L_overlay_start_0:
0x88: {  	s2 =	sld [smem:$0x3FD9]  }
0x89: {  	s3 =	sld [smem:$0x3FFE];
	_ =	sdelay $0x1  }
0x8a: {  	s1 =	srdreg.scid  }
0x8b: {  	s0 =	sand.u32 $0x1, s1  }
0x8c: {  	s16 =	sshll.u32 s0, $0xA;
	s2 =	sadd.s32 s3, s2  }
0x8d: {  	s2 =	sadd.s32 s2, s16  }
0x8e: {  	[smem:$0x3FC0] =	sst s2  }
0x8f: {  	_ = 	snop  }
0x90: {  	(tm) =	ssettm $0x1  }
0x91: {  	s17 =	sld [smem:$0x3FFB];
	_ =	sdelay $0x3  }
0x92: {  	_ =	strace s17  }
0x93: {  	s2 =	sld [smem:$0x3FFC];
	_ =	sdelay $0x3  }
0x94: {  	_ =	strace s2  }
0x95: {  	s2 =	sld [smem:$0x3FFD];
	_ =	sdelay $0x3  }
0x96: {  	_ =	strace s2  }
0x97: {  	_ =	strace $0x8FFFFFFF  }
0x98: {  	s18 =	sld [smem:$0x3FDB];
	_ =	sdelay $0x1  }
0x99: {  	s19 =	simm.s32 $_scs_section_size  }
0x9a: {  	s4 =	simm.s32 $_size__tile_overlayer_lowered;
	s5 =	simm.s32 $_tile_overlayer_lowered  }
0x9b: {  	s22 =	simm.s32 $0x1BFF;
	s21 =	sshll.u32 s5, $0x1;
	s2 =	sadd.s32 s19, s18  }
0x9c: {  	s6 =	simm.s32 $0x0;
	s20 =	sshll.u32 s4, $0x1;
	s4 =	sadd.s32 s21, s2  }
0x9d: {  	[timem:s6], [sflag:s22] =	dma.local [hbm:s4], s20  }
0x9e: {  	_ =	swait.ge [sflag:s22], s20  }
0x9f: {  	s3 =	ssub.s32 $0x0, s20;
	[sflag:s22] =	ssyncset.done $0x0  }
0xa0: {  	[sflag:s22] =	ssyncadd.s32 s3;
	_ =	sdelay $0x1  }
0xa1: {  	s23 =	simm.s32 $0x1B8B  }
0xa2: {  	_ =	swait.ge [sflag:s23], $0x1  }
0xa3: {  	[sflag:s23] =	ssyncset.done $0x0  }
0xa4: {  	s25 =	simm.s32 $0x1B8E;
	s24 =	sld [smem:$0x3FFE];
	[sflag:s23] =	ssyncadd.s32 $0xFFFFFFFF  }
0xa5: {  	s26 =	simm.s32 $execute0_lowered;
	[smem:$0x3FD2] =	sst s25  }
0xa6: {  	s4 =	sshll.u32 s26, $0x1;
	_ =	strace $0x80000046;
	[dreg:$0x1] =	wrdreg $0xFFFFFFFF  }
0xa7: {  	s28 =	simm.s32 $_size_execute0_lowered;
	s2 =	sadd.s32 s2, s4;
	[dreg:$0x0] =	wrdreg $0x0  }
0xa8: {  	s4 =	sshll.u32 s28, $0x1;
	[dreg:$0x2] =	wrdreg s2  }
0xa9: {  	[dreg:$0x3] =	wrdreg s4  }
0xaa: {  	[dreg:$0x4] =	wrdreg $0xC0  }
0xab: {  	_ =	task [dreg:s6], $0x5FFFF  }
0xac: {  	[dreg:$0x1] =	wrdreg $0xFFFFFFFF  }
0xad: {  	[dreg:$0x0] =	wrdreg $0x60  }
0xae: {  	[dreg:$0x2] =	wrdreg s24  }
0xaf: {  	[dreg:$0x3] =	wrdreg $0x9  }
0xb0: {  	_ =	task.clear_ibuf [dreg:s6], $0x4FFFF;
	_ =	strace $0x90000046  }
0xb1: {  	s29 =	simm.s32 $0x9;
	_ =	strace $0x80000048  }
0xb2: {  	_ =	swait.ge [sflag:s29], $0x1  }
0xb3: {  	[sflag:s29] =	ssyncadd.s32 $0xFFFFFFFF  }
0xb4: {  	_ =	strace $0x90000048  }
0xb5: {  	_ =	sfence  }
0xb6: {  	s30 =	sld [smem:$0x0];
	_ =	sdelay $0x2  }
0xb7: {  	s31 =	sshll.u32 s1, $0xD;
	s1 =	sshrl.u32 s1, $0x2  }
0xb8: {  	s3 =	sand.u32 $0x4000, s31;
	s1 =	sadd.s32 s1, s30  }
0xb9: {  	s0 =	sor.u32 s3, s0;
	s1 =	sshll.u32 s1, $0x11  }
0xba: {  	s0 =	sor.u32 s1, s0  }
0xbb: {  	s0 =	sadd.s32 $0x8F2B, s0  }
0xbc: {  	[sflag:s0] =	ssyncadd.remote.s32 $0x1  }
0xbd: {  	_ =	sfence.sel $0xFFFF  }
0xbe: {  	[dreg:$0x0] =	wrdreg $0xFFFFFFFF;
	(pc) =	sbr.abs _section_cstart, $3  }
0xbf: {  	[dreg:$0x1] =	wrdreg $0xFFFFFFFF  }
0xc0: {  	_ =	task.clear_ibuf [dreg:s6], $0x2FFFF;
	_ =	strace $0x9FFFFFFF  }
0xc1: {  	(tm) =	ssettm $0x7FFFFFFF  }
tec
execute0_lowered:
.L_overlay_start_1:
0x0: {  	(tag) =	ssettag $0x1  }
0x1: {  	s0 =	rddreg [dreg:$0x0]  }
0x2: {  	s2 =	simm.s32 $0x0;
	s1 =	srdreg.scid;
	s11 =	stileid.u32  }
0x3: {  	s13 =	simm.s32 $0x80;
	s14 =	simm.s32 $0x800;
	s15 =	simm.s32 $0x3  }
0x4: {  	s16 =	simm.s32 $0x100;
	s17 =	simm.s32 $0x180;
	s28 =	simm.s32 $0x600  }
0x5: {  	s29 =	simm.s32 $0x680;
	s30 =	simm.s32 $0x1;
	s31 =	simm.s32 $0x7  }
0x6: {  	[smem:$0x7FF] =	sst s2;
	s3 =	sadd.s32 $0x311600, s0;
	s18 =	smul.u32 $0x188000, s11  }
0x7: {  	s1 =	sand.u32 $0x1, s1;
	s5 =	sadd.s32 $0x61EA00, s0;
	s22 =	smul.u32 $0x3100, s11  }
0x8: {  	s4 =	sshll.u32 s11, $0x1;
	s0 =	sadd.s32 $0x64FA00, s0;
	s10 =	smul.u32 $0xC4000, s1  }
0x9: {  	s4 =	sor.u32 s1, s4;
	s6 =	ssub.s32 $0x2, s1;
	s1 =	smul.u32 $0x1880, s1  }
0xa: {  	s11 =	simm.s32 $0x188000;
	s7 =	smul.u32 $0xC400, s4;
	s8 =	sshrl.u32 s6, $0x1  }
0xb: {  	_ =	strace $0x80000047;
	s9 =	smul.u32 $0x1880, s4;
	s6 =	ssub.s32 s6, s8  }
0xc: {  	s8 =	sadd.s32 s10, s18;
	s10 =	simm.s32 $0x400;
	s18 =	simm.s32 $0x200  }
0xd: {  	s7 =	sshrl.u32 s7, $0x3;
	s4 =	sadd.s32 s5, s9;
	s9 =	sadd.s32 $0x1800, s9  }
0xe: {  	s23 =	sadd.s32 $0x4000, s8;
	s8 =	sshrl.u32 s8, $0x3;
	s26 =	smax.u32 s6, $0x1  }
0xf: {  	s6 =	simm.s32 $0x0;
	s7 =	sadd.s32 s5, s7;
	[dreg:$0x5] =	wrdreg s4  }
0x10: {  	s19 =	sadd.s32 $0x180, s4;
	s20 =	sshll.u32 s9, $0x4;
	s24 =	sadd.s32 s5, s9  }
0x11: {  	s25 =	sshrl.u32 s23, $0x3;
	s5 =	sadd.s32 s22, s5;
	[dreg:$0x9] =	wrdreg s26  }
0x12: {  	s22 =	simm.s32 $0x5;
	s23 =	simm.s32 $0x4;
	s26 =	simm.s32 $0x580  }
0x13: {  	s7 =	sadd.s32 $0x80, s7;
	[dreg:$0x2] =	wrdreg s19;
	s21 =	sadd.s32 s0, s20  }
0x14: {  	[dreg:$0x8] =	wrdreg s24;
	s9 =	sadd.s32 s25, s0;
	s1 =	sadd.s32 s1, s5  }
0x15: {  	s0 =	sadd.s32 s8, s0;
	s19 =	simm.s32 $0x280;
	[dreg:$0x6] =	wrdreg s7  }
0x16: {  	s20 =	simm.s32 $0x2;
	s24 =	simm.s32 $0x480;
	[dreg:$0x7] =	wrdreg s21  }
0x17: {  	s25 =	simm.s32 $0x500;
	[dreg:$0x3] =	wrdreg s9;
	s12 =	sadd.s32 $0x100, s1  }
0x18: {  	[dreg:$0x4] =	wrdreg s0;
	s21 =	simm.s32 $0x4800;
	s0 =	simm.s32 $0x6  }
.LBB2_1:
0x19: {  	s1 =	rddreg [dreg:$0x5]  }
0x1a: {  	[tilespmem:s2], [sflag:$0x9] =	stream.strided.gather [hbm4b:s1+s10], $0x0, s11, s10, $0x38;
	[tilespmem:$0x8800] =	vst v63  }
0x1b: {  	s4 =	simm.s32 $0x9  }
0x1c: {  	[tilespmem:s2], [sflag:$0x9] =	stream.linear.gather [hbm4b:s1+s2], $0x300, $0x38;
	[tilespmem:$0x8800] =	vst v63  }
0x1d: {  	_ =	swait.ge [sflag:s4], $0x300  }
0x1e: {  	[sflag:s4] =	ssyncset.done $0x0  }
0x1f: {  	[sflag:s4] =	ssyncadd.s32 $0xFFFFFD00  }
0x20: {  	[tilespmem:s14], [sflag:$0x3] =	stream.indirect.gather [hbm4b:s3+s13], $0x80, s2, s13, $0xb8;
	[tilespmem:$0x8800] =	vst v63  }
0x21: {  	_ =	swait.ge [sflag:s15], $0x4000  }
0x22: {  	[sflag:s15] =	ssyncset.done $0x0  }
0x23: {  	[sflag:s15] =	ssyncadd.s32 $0xFFFFC000  }
0x24: {  	[tilespmem:s14], [sflag:$0x5] =	stream.indirect.gather.add.f32 [hbm:s3], $0x80, s13, s13, $0xb8;
	[tilespmem:$0x8800] =	vst v63  }
0x25: {  	_ = 	snop  }
0x26: {  	[tilespmem:s14], [sflag:$0x5] =	stream.indirect.gather.add.f32 [hbm:s3], $0x80, s16, s13, $0xb8;
	[tilespmem:$0x8800] =	vst v63  }
0x27: {  	_ = 	snop  }
0x28: {  	[tilespmem:s14], [sflag:$0x5] =	stream.indirect.gather.add.f32 [hbm:s3], $0x80, s17, s13, $0xb8;
	[tilespmem:$0x8800] =	vst v63  }
0x29: {  	_ = 	snop  }
0x2a: {  	[tilespmem:s14], [sflag:$0x5] =	stream.indirect.gather.add.f32 [hbm:s3], $0x80, s18, s13, $0xb8;
	[tilespmem:$0x8800] =	vst v63  }
0x2b: {  	_ = 	snop  }
0x2c: {  	[tilespmem:s14], [sflag:$0x5] =	stream.indirect.gather.add.f32 [hbm:s3], $0x80, s19, s13, $0xb8;
	[tilespmem:$0x8800] =	vst v63  }
0x2d: {  	s5 =	rddreg [dreg:$0x6]  }
0x2e: {  	[tilespmem:s10], [sflag:$0x2] =	stream.strided.gather [hbm4b:s5+s10], $0x0, s11, s10, $0x38;
	[tilespmem:$0x8800] =	vst v63  }
0x2f: {  	_ = 	snop  }
0x30: {  	[tilespmem:s10], [sflag:$0x2] =	stream.linear.gather [hbm4b:s5+s2], $0x300, $0x38;
	[tilespmem:$0x8800] =	vst v63  }
0x31: {  	_ =	swait.ge [sflag:s20], $0x300  }
0x32: {  	p0 =	por $0x1, $0x1;
	[sflag:s20] =	ssyncset.done $0x0  }
0x33: {  	s1 =	simm.s32 @!p0 $0x8;
	[sflag:s20] =	ssyncadd.s32 $0xFFFFFD00  }
0x34: {  	_ =	swait.ge @!p0 [sflag:s1], $0x4000  }
0x35: {  	[sflag:s1] =	ssyncset.done @!p0 $0x0  }
0x36: {  	[sflag:s1] =	ssyncadd.s32 @!p0 $0xFFFFC000  }
0x37: {  	[tilespmem:s21], [sflag:$0x4] =	stream.indirect.gather [hbm4b:s3+s13], $0x80, s10, s13, $0xb8;
	[tilespmem:$0x8800] =	vst v63  }
0x38: {  	_ =	swait.ge [sflag:s22], $0x4000  }
0x39: {  	[sflag:s22] =	ssyncset.done $0x0  }
0x3a: {  	[sflag:s22] =	ssyncadd.s32 $0xFFFFC000  }
0x3b: {  	_ =	swait.ge [sflag:s22], $0x4000  }
0x3c: {  	[sflag:s22] =	ssyncset.done $0x0  }
0x3d: {  	[sflag:s22] =	ssyncadd.s32 $0xFFFFC000  }
0x3e: {  	_ =	swait.ge [sflag:s22], $0x4000  }
0x3f: {  	[sflag:s22] =	ssyncset.done $0x0  }
0x40: {  	[sflag:s22] =	ssyncadd.s32 $0xFFFFC000  }
0x41: {  	_ =	swait.ge [sflag:s22], $0x4000  }
0x42: {  	[sflag:s22] =	ssyncset.done $0x0  }
0x43: {  	[sflag:s22] =	ssyncadd.s32 $0xFFFFC000  }
0x44: {  	_ =	swait.ge [sflag:s22], $0x4000  }
0x45: {  	s7 =	rddreg [dreg:$0x4];
	[sflag:s22] =	ssyncset.done $0x0  }
0x46: {  	[sflag:s22] =	ssyncadd.s32 $0xFFFFC000;
	s1 =	sadd.s32 $0x0, s7  }
0x47: {  	[hbm4b:s1+s2] =	stream.linear.scatter [tilespmem:s14], [sflag:$0x7], $0x4000, $0x38;
	[tilespmem:$0x8800] =	vst v63  }
0x48: {  	_ = 	snop  }
0x49: {  	[tilespmem:s2], [sflag:$0x1] =	stream.strided.gather [hbm4b:s12+s10], $0x0, s11, s10, $0x38;
	[tilespmem:$0x8800] =	vst v63  }
0x4a: {  	_ = 	snop  }
0x4b: {  	[tilespmem:s2], [sflag:$0x1] =	stream.linear.gather [hbm4b:s12+s2], $0x300, $0x38;
	[tilespmem:$0x8800] =	vst v63  }
0x4c: {  	_ =	swait.ge [sflag:s23], $0x4000  }
0x4d: {  	[sflag:s23] =	ssyncset.done $0x0  }
0x4e: {  	[sflag:s23] =	ssyncadd.s32 $0xFFFFC000  }
0x4f: {  	[tilespmem:s21], [sflag:$0x6] =	stream.indirect.gather.add.f32 [hbm:s3], $0x80, s24, s13, $0xb8;
	[tilespmem:$0x8800] =	vst v63  }
0x50: {  	_ = 	snop  }
0x51: {  	[tilespmem:s21], [sflag:$0x6] =	stream.indirect.gather.add.f32 [hbm:s3], $0x80, s25, s13, $0xb8;
	[tilespmem:$0x8800] =	vst v63  }
0x52: {  	_ = 	snop  }
0x53: {  	[tilespmem:s21], [sflag:$0x6] =	stream.indirect.gather.add.f32 [hbm:s3], $0x80, s26, s13, $0xb8;
	[tilespmem:$0x8800] =	vst v63  }
0x54: {  	_ = 	snop  }
0x55: {  	[tilespmem:s21], [sflag:$0x6] =	stream.indirect.gather.add.f32 [hbm:s3], $0x80, s28, s13, $0xb8;
	[tilespmem:$0x8800] =	vst v63  }
0x56: {  	_ = 	snop  }
0x57: {  	[tilespmem:s21], [sflag:$0x6] =	stream.indirect.gather.add.f32 [hbm:s3], $0x80, s29, s13, $0xb8;
	[tilespmem:$0x8800] =	vst v63  }
0x58: {  	_ =	swait.ge [sflag:s30], $0x300  }
0x59: {  	[sflag:s30] =	ssyncset.done $0x0  }
0x5a: {  	[sflag:s30] =	ssyncadd.s32 $0xFFFFFD00  }
0x5b: {  	_ =	swait.ge [sflag:s31], $0x4000  }
0x5c: {  	[sflag:s31] =	ssyncset.done $0x0  }
0x5d: {  	[sflag:s31] =	ssyncadd.s32 $0xFFFFC000  }
0x5e: {  	[tilespmem:s14], [sflag:$0x3] =	stream.indirect.gather [hbm4b:s3+s13], $0x80, s2, s13, $0xb8;
	[tilespmem:$0x8800] =	vst v63  }
0x5f: {  	_ =	swait.ge [sflag:s0], $0x4000  }
0x60: {  	[sflag:s0] =	ssyncset.done $0x0  }
0x61: {  	[sflag:s0] =	ssyncadd.s32 $0xFFFFC000  }
0x62: {  	_ =	swait.ge [sflag:s0], $0x4000  }
0x63: {  	[sflag:s0] =	ssyncset.done $0x0  }
0x64: {  	[sflag:s0] =	ssyncadd.s32 $0xFFFFC000  }
0x65: {  	_ =	swait.ge [sflag:s0], $0x4000  }
0x66: {  	[sflag:s0] =	ssyncset.done $0x0  }
0x67: {  	[sflag:s0] =	ssyncadd.s32 $0xFFFFC000  }
0x68: {  	_ =	swait.ge [sflag:s0], $0x4000  }
0x69: {  	[sflag:s0] =	ssyncset.done $0x0  }
0x6a: {  	[sflag:s0] =	ssyncadd.s32 $0xFFFFC000  }
0x6b: {  	_ =	swait.ge [sflag:s0], $0x4000  }
0x6c: {  	s8 =	rddreg [dreg:$0x3];
	[sflag:s0] =	ssyncset.done $0x0  }
0x6d: {  	[sflag:s0] =	ssyncadd.s32 $0xFFFFC000;
	s1 =	sadd.s32 $0x0, s8;
	s8 =	smin.u32 s2, $0x2D  }
0x6e: {  	[hbm4b:s1+s2] =	stream.linear.scatter [tilespmem:s21], [sflag:$0x8], $0x4000, $0x38;
	[tilespmem:$0x8800] =	vst v63  }
0x6f: {  	s5 =	rddreg [dreg:$0x2];
	s9 =	sshll.u32 s8, $0x7  }
0x70: {  	s1 =	sadd.s32 s9, s5  }
0x71: {  	[tilespmem:s10], [sflag:$0x2] =	stream.strided.gather [hbm4b:s1+s10], $0x0, s11, s10, $0x38;
	[tilespmem:$0x8800] =	vst v63  }
0x72: {  	_ = 	snop  }
0x73: {  	[tilespmem:s10], [sflag:$0x2] =	stream.linear.gather [hbm4b:s1+s2], $0x300, $0x38;
	[tilespmem:$0x8800] =	vst v63  }
0x74: {  	_ =	swait.ge [sflag:s15], $0x4000  }
0x75: {  	[sflag:s15] =	ssyncset.done $0x0  }
0x76: {  	[sflag:s15] =	ssyncadd.s32 $0xFFFFC000  }
0x77: {  	[tilespmem:s14], [sflag:$0x5] =	stream.indirect.gather.add.f32 [hbm:s3], $0x80, s13, s13, $0xb8;
	[tilespmem:$0x8800] =	vst v63  }
0x78: {  	_ = 	snop  }
0x79: {  	[tilespmem:s14], [sflag:$0x5] =	stream.indirect.gather.add.f32 [hbm:s3], $0x80, s16, s13, $0xb8;
	[tilespmem:$0x8800] =	vst v63  }
0x7a: {  	_ = 	snop  }
0x7b: {  	[tilespmem:s14], [sflag:$0x5] =	stream.indirect.gather.add.f32 [hbm:s3], $0x80, s17, s13, $0xb8;
	[tilespmem:$0x8800] =	vst v63  }
0x7c: {  	s8 =	simm.s32 $0x1000;
	s9 =	smov.u32 s12;
	s1 =	simm.s32 $0x0  }
0x7d: {  	[tilespmem:s14], [sflag:$0x5] =	stream.indirect.gather.add.f32 [hbm:s3], $0x80, s18, s13, $0xb8;
	[tilespmem:$0x8800] =	vst v63  }
.LBB2_2:
0x7e: {  	[tilespmem:s14], [sflag:$0x5] =	stream.indirect.gather.add.f32 [hbm:s3], $0x80, s19, s13, $0xb8;
	[tilespmem:$0x8800] =	vst v63  }
0x7f: {  	s5 =	smov.u32 s8;
	_ =	swait.ge [sflag:s20], $0x300  }
0x80: {  	p1 =	seq.s32 s5, $0x0;
	[sflag:s20] =	ssyncset.done $0x0  }
0x81: {  	s4 =	simm.s32 @!p1 $0x8;
	[sflag:s20] =	ssyncadd.s32 $0xFFFFFD00  }
0x82: {  	_ =	swait.ge @!p1 [sflag:s4], $0x4000  }
0x83: {  	[sflag:s4] =	ssyncset.done @!p1 $0x0  }
0x84: {  	[sflag:s4] =	ssyncadd.s32 @!p1 $0xFFFFC000  }
0x85: {  	[tilespmem:s21], [sflag:$0x4] =	stream.indirect.gather [hbm4b:s3+s13], $0x80, s10, s13, $0xb8;
	[tilespmem:$0x8800] =	vst v63  }
0x86: {  	_ =	swait.ge [sflag:s22], $0x4000  }
0x87: {  	[sflag:s22] =	ssyncset.done $0x0  }
0x88: {  	[sflag:s22] =	ssyncadd.s32 $0xFFFFC000  }
0x89: {  	_ =	swait.ge [sflag:s22], $0x4000  }
0x8a: {  	[sflag:s22] =	ssyncset.done $0x0  }
0x8b: {  	[sflag:s22] =	ssyncadd.s32 $0xFFFFC000  }
0x8c: {  	_ =	swait.ge [sflag:s22], $0x4000  }
0x8d: {  	[sflag:s22] =	ssyncset.done $0x0  }
0x8e: {  	[sflag:s22] =	ssyncadd.s32 $0xFFFFC000  }
0x8f: {  	_ =	swait.ge [sflag:s22], $0x4000  }
0x90: {  	[sflag:s22] =	ssyncset.done $0x0  }
0x91: {  	[sflag:s22] =	ssyncadd.s32 $0xFFFFC000  }
0x92: {  	_ =	swait.ge [sflag:s22], $0x4000  }
0x93: {  	s7 =	rddreg [dreg:$0x4];
	[sflag:s22] =	ssyncset.done $0x0  }
0x94: {  	[sflag:s22] =	ssyncadd.s32 $0xFFFFC000;
	s4 =	sadd.s32 s5, s7  }
0x95: {  	[hbm4b:s4+s2] =	stream.linear.scatter [tilespmem:s14], [sflag:$0x7], $0x4000, $0x38;
	[tilespmem:$0x8800] =	vst v63  }
0x96: {  	s9 =	sadd.s32 $0x100, s9  }
0x97: {  	[tilespmem:s2], [sflag:$0x1] =	stream.strided.gather [hbm4b:s9+s10], $0x0, s11, s10, $0x38;
	[tilespmem:$0x8800] =	vst v63  }
0x98: {  	_ = 	snop  }
0x99: {  	[tilespmem:s2], [sflag:$0x1] =	stream.linear.gather [hbm4b:s9+s2], $0x300, $0x38;
	[tilespmem:$0x8800] =	vst v63  }
0x9a: {  	_ =	swait.ge [sflag:s23], $0x4000  }
0x9b: {  	[sflag:s23] =	ssyncset.done $0x0  }
0x9c: {  	[sflag:s23] =	ssyncadd.s32 $0xFFFFC000  }
0x9d: {  	[tilespmem:s21], [sflag:$0x6] =	stream.indirect.gather.add.f32 [hbm:s3], $0x80, s24, s13, $0xb8;
	[tilespmem:$0x8800] =	vst v63  }
0x9e: {  	_ = 	snop  }
0x9f: {  	[tilespmem:s21], [sflag:$0x6] =	stream.indirect.gather.add.f32 [hbm:s3], $0x80, s25, s13, $0xb8;
	[tilespmem:$0x8800] =	vst v63  }
0xa0: {  	_ = 	snop  }
0xa1: {  	[tilespmem:s21], [sflag:$0x6] =	stream.indirect.gather.add.f32 [hbm:s3], $0x80, s26, s13, $0xb8;
	[tilespmem:$0x8800] =	vst v63  }
0xa2: {  	_ = 	snop  }
0xa3: {  	[tilespmem:s21], [sflag:$0x6] =	stream.indirect.gather.add.f32 [hbm:s3], $0x80, s28, s13, $0xb8;
	[tilespmem:$0x8800] =	vst v63  }
0xa4: {  	_ = 	snop  }
0xa5: {  	[tilespmem:s21], [sflag:$0x6] =	stream.indirect.gather.add.f32 [hbm:s3], $0x80, s29, s13, $0xb8;
	[tilespmem:$0x8800] =	vst v63  }
0xa6: {  	_ =	swait.ge [sflag:s30], $0x300  }
0xa7: {  	[sflag:s30] =	ssyncset.done $0x0  }
0xa8: {  	[sflag:s30] =	ssyncadd.s32 $0xFFFFFD00  }
0xa9: {  	_ =	swait.ge [sflag:s31], $0x4000  }
0xaa: {  	[sflag:s31] =	ssyncset.done $0x0  }
0xab: {  	[sflag:s31] =	ssyncadd.s32 $0xFFFFC000  }
0xac: {  	[tilespmem:s14], [sflag:$0x3] =	stream.indirect.gather [hbm4b:s3+s13], $0x80, s2, s13, $0xb8;
	[tilespmem:$0x8800] =	vst v63  }
0xad: {  	_ =	swait.ge [sflag:s0], $0x4000  }
0xae: {  	[sflag:s0] =	ssyncset.done $0x0  }
0xaf: {  	[sflag:s0] =	ssyncadd.s32 $0xFFFFC000  }
0xb0: {  	_ =	swait.ge [sflag:s0], $0x4000  }
0xb1: {  	[sflag:s0] =	ssyncset.done $0x0  }
0xb2: {  	[sflag:s0] =	ssyncadd.s32 $0xFFFFC000  }
0xb3: {  	_ =	swait.ge [sflag:s0], $0x4000  }
0xb4: {  	[sflag:s0] =	ssyncset.done $0x0  }
0xb5: {  	[sflag:s0] =	ssyncadd.s32 $0xFFFFC000  }
0xb6: {  	_ =	swait.ge [sflag:s0], $0x4000  }
0xb7: {  	[sflag:s0] =	ssyncset.done $0x0  }
0xb8: {  	[sflag:s0] =	ssyncadd.s32 $0xFFFFC000  }
0xb9: {  	_ =	swait.ge [sflag:s0], $0x4000  }
0xba: {  	s1 =	sadd.s32 $0x2, s1;
	s4 =	rddreg [dreg:$0x3];
	[sflag:s0] =	ssyncset.done $0x0  }
0xbb: {  	[sflag:s0] =	ssyncadd.s32 $0xFFFFC000;
	s4 =	sadd.s32 s5, s4;
	s5 =	smin.u32 s1, $0x2D  }
0xbc: {  	[hbm4b:s4+s2] =	stream.linear.scatter [tilespmem:s21], [sflag:$0x8], $0x4000, $0x38;
	[tilespmem:$0x8800] =	vst v63  }
0xbd: {  	s7 =	rddreg [dreg:$0x2];
	s5 =	sshll.u32 s5, $0x7  }
0xbe: {  	s4 =	sadd.s32 s5, s7  }
0xbf: {  	[tilespmem:s10], [sflag:$0x2] =	stream.strided.gather [hbm4b:s4+s10], $0x0, s11, s10, $0x38;
	[tilespmem:$0x8800] =	vst v63  }
0xc0: {  	_ = 	snop  }
0xc1: {  	[tilespmem:s10], [sflag:$0x2] =	stream.linear.gather [hbm4b:s4+s2], $0x300, $0x38;
	[tilespmem:$0x8800] =	vst v63  }
0xc2: {  	_ =	swait.ge [sflag:s15], $0x4000  }
0xc3: {  	[sflag:s15] =	ssyncset.done $0x0  }
0xc4: {  	s8 =	sadd.s32 $0x1000, s8;
	[sflag:s15] =	ssyncadd.s32 $0xFFFFC000  }
0xc5: {  	[tilespmem:s14], [sflag:$0x5] =	stream.indirect.gather.add.f32 [hbm:s3], $0x80, s13, s13, $0xb8;
	[tilespmem:$0x8800] =	vst v63  }
0xc6: {  	p0 =	sne.s32 s8, $0x18000  }
0xc7: {  	[tilespmem:s14], [sflag:$0x5] =	stream.indirect.gather.add.f32 [hbm:s3], $0x80, s16, s13, $0xb8;
	[tilespmem:$0x8800] =	vst v63  }
.Ltmp0:
0xc8: {  	_ = 	snop;
	(pc) =	sbr.rel @p0 .LBB2_2-.Ltmp0, $4  }
0xc9: {  	_ = 	snop  }
0xca: {  	[tilespmem:s14], [sflag:$0x5] =	stream.indirect.gather.add.f32 [hbm:s3], $0x80, s17, s13, $0xb8;
	[tilespmem:$0x8800] =	vst v63  }
0xcb: {  	_ = 	snop  }
0xcc: {  	[tilespmem:s14], [sflag:$0x5] =	stream.indirect.gather.add.f32 [hbm:s3], $0x80, s18, s13, $0xb8;
	[tilespmem:$0x8800] =	vst v63  }
0xcd: {  	[tilespmem:s14], [sflag:$0x5] =	stream.indirect.gather.add.f32 [hbm:s3], $0x80, s19, s13, $0xb8;
	[tilespmem:$0x8800] =	vst v63  }
0xce: {  	_ =	swait.ge [sflag:s20], $0x300  }
0xcf: {  	[sflag:s20] =	ssyncset.done $0x0  }
0xd0: {  	s1 =	simm.s32 $0x8;
	[sflag:s20] =	ssyncadd.s32 $0xFFFFFD00  }
0xd1: {  	_ =	swait.ge [sflag:s1], $0x4000  }
0xd2: {  	[sflag:s1] =	ssyncset.done $0x0  }
0xd3: {  	[sflag:s1] =	ssyncadd.s32 $0xFFFFC000  }
0xd4: {  	[tilespmem:s21], [sflag:$0x4] =	stream.indirect.gather [hbm4b:s3+s13], $0x80, s10, s13, $0xb8;
	[tilespmem:$0x8800] =	vst v63  }
0xd5: {  	_ =	swait.ge [sflag:s22], $0x4000  }
0xd6: {  	[sflag:s22] =	ssyncset.done $0x0  }
0xd7: {  	[sflag:s22] =	ssyncadd.s32 $0xFFFFC000  }
0xd8: {  	_ =	swait.ge [sflag:s22], $0x4000  }
0xd9: {  	[sflag:s22] =	ssyncset.done $0x0  }
0xda: {  	[sflag:s22] =	ssyncadd.s32 $0xFFFFC000  }
0xdb: {  	_ =	swait.ge [sflag:s22], $0x4000  }
0xdc: {  	[sflag:s22] =	ssyncset.done $0x0  }
0xdd: {  	[sflag:s22] =	ssyncadd.s32 $0xFFFFC000  }
0xde: {  	_ =	swait.ge [sflag:s22], $0x4000  }
0xdf: {  	[sflag:s22] =	ssyncset.done $0x0  }
0xe0: {  	[sflag:s22] =	ssyncadd.s32 $0xFFFFC000  }
0xe1: {  	_ =	swait.ge [sflag:s22], $0x4000  }
0xe2: {  	[sflag:s22] =	ssyncset.done $0x0  }
0xe3: {  	s7 =	rddreg [dreg:$0x7];
	[sflag:s22] =	ssyncadd.s32 $0xFFFFC000  }
0xe4: {  	[hbm4b:s7+s2] =	stream.linear.scatter [tilespmem:s14], [sflag:$0x7], $0x4000, $0x38;
	[tilespmem:$0x8800] =	vst v63  }
0xe5: {  	s8 =	rddreg [dreg:$0x8]  }
0xe6: {  	[tilespmem:s2], [sflag:$0x1] =	stream.strided.gather [hbm4b:s8+s10], $0x0, s11, s10, $0x38;
	[tilespmem:$0x8800] =	vst v63  }
0xe7: {  	_ = 	snop  }
0xe8: {  	[tilespmem:s2], [sflag:$0x1] =	stream.linear.gather [hbm4b:s8+s2], $0x300, $0x38;
	[tilespmem:$0x8800] =	vst v63  }
0xe9: {  	_ =	swait.ge [sflag:s23], $0x4000  }
0xea: {  	[sflag:s23] =	ssyncset.done $0x0  }
0xeb: {  	[sflag:s23] =	ssyncadd.s32 $0xFFFFC000  }
0xec: {  	[tilespmem:s21], [sflag:$0x6] =	stream.indirect.gather.add.f32 [hbm:s3], $0x80, s24, s13, $0xb8;
	[tilespmem:$0x8800] =	vst v63  }
0xed: {  	_ = 	snop  }
0xee: {  	[tilespmem:s21], [sflag:$0x6] =	stream.indirect.gather.add.f32 [hbm:s3], $0x80, s25, s13, $0xb8;
	[tilespmem:$0x8800] =	vst v63  }
0xef: {  	_ = 	snop  }
0xf0: {  	[tilespmem:s21], [sflag:$0x6] =	stream.indirect.gather.add.f32 [hbm:s3], $0x80, s26, s13, $0xb8;
	[tilespmem:$0x8800] =	vst v63  }
0xf1: {  	_ = 	snop  }
0xf2: {  	[tilespmem:s21], [sflag:$0x6] =	stream.indirect.gather.add.f32 [hbm:s3], $0x80, s28, s13, $0xb8;
	[tilespmem:$0x8800] =	vst v63  }
0xf3: {  	_ = 	snop  }
0xf4: {  	[tilespmem:s21], [sflag:$0x6] =	stream.indirect.gather.add.f32 [hbm:s3], $0x80, s29, s13, $0xb8;
	[tilespmem:$0x8800] =	vst v63  }
0xf5: {  	_ =	swait.ge [sflag:s0], $0x4000  }
0xf6: {  	[sflag:s0] =	ssyncset.done $0x0  }
0xf7: {  	[sflag:s0] =	ssyncadd.s32 $0xFFFFC000  }
0xf8: {  	_ =	swait.ge [sflag:s0], $0x4000  }
0xf9: {  	[sflag:s0] =	ssyncset.done $0x0  }
0xfa: {  	[sflag:s0] =	ssyncadd.s32 $0xFFFFC000  }
0xfb: {  	_ =	swait.ge [sflag:s0], $0x4000  }
0xfc: {  	[sflag:s0] =	ssyncset.done $0x0  }
0xfd: {  	[sflag:s0] =	ssyncadd.s32 $0xFFFFC000  }
0xfe: {  	_ =	swait.ge [sflag:s0], $0x4000  }
0xff: {  	[sflag:s0] =	ssyncset.done $0x0  }
0x100: {  	[sflag:s0] =	ssyncadd.s32 $0xFFFFC000  }
0x101: {  	_ =	swait.ge [sflag:s0], $0x4000  }
0x102: {  	[sflag:s0] =	ssyncset.done $0x0  }
0x103: {  	[sflag:s0] =	ssyncadd.s32 $0xFFFFC000  }
0x104: {  	_ =	swait.ge [sflag:s31], $0x4000  }
0x105: {  	[sflag:s31] =	ssyncset.done $0x0  }
0x106: {  	[sflag:s31] =	ssyncadd.s32 $0xFFFFC000  }
0x107: {  	_ =	swait.ge [sflag:s30], $0x300  }
0x108: {  	s6 =	sadd.s32 $0x1, s6;
	s9 =	rddreg [dreg:$0x9]  }
0x109: {  	p0 =	sne.s32 s6, s9  }
.Ltmp1:
0x10a: {  	_ = 	snop;
	(pc) =	sbr.rel @p0 .LBB2_1-.Ltmp1, $3  }
0x10b: {  	_ =	sdelay $0x1  }
0x10c: {  	[sflag:s30] =	ssyncset.done $0x0  }
0x10d: {  	[sflag:s30] =	ssyncadd.s32 $0xFFFFFD00  }
0x10e: {  	_ =	sfence.sel $0x180000  }
0x10f: {  	[bflag:$0x0] =	sbarrier.arrive $0xFFFF  }
0x110: {  	_ =	strace $0x90000047  }
0x111: {  	s0 =	stileid.u32;
	[bflag:$0x2] =	sbarrier.arrive $0xFFFF  }
0x112: {  	p0 =	sne.s32 s0, $0x0;
	s0 =	rddreg [dreg:$0x1]  }
0x113: {  	s0 =	sadd.s32 @!p0 $0x100000, s0  }
0x114: {  	[sflag:s0] =	ssyncadd.tile.s32 @!p0 $0x1;
	_ =	shalt  }
.Lfunc_end2:
_tile_overlayer_lowered:
.L_overlay_start_2:
0x115: {  	(tag) =	ssettag $0x2  }
0x116: {  	s0 =	rddreg [dreg:$0x0];
	s2 =	stileid.u32  }
0x117: {  	s1 =	rddreg [dreg:$0x1];
	p0 =	sne.s32 s2, $0x0  }
0x118: {  	s3 =	rddreg [dreg:$0x2];
	[bflag:$0x3] =	sbarrier.arrive $0xFFFF;
	s2 =	simm.s32 @!p0 $0x1C09  }
0x119: {  	[timem:s3], [sflag:s2] =	dma.local @!p0 [hbm:s0], s1  }
0x11a: {  	s0 =	simm.s32 @!p0 $0x9  }
0x11b: {  	_ =	swait.ge @!p0 [sflag:s0], s1  }
0x11c: {  	s1 =	ssub.s32 @!p0 $0x0, s1;
	[sflag:s0] =	ssyncset.done @!p0 $0x0  }
0x11d: {  	[sflag:s0] =	ssyncadd.s32 @!p0 s1  }
0x11e: {  	[bflag:$0x3] =	sbarrier.arrive $0xFFFF  }
0x11f: {  	_ =	shalt  }

</sc_bundles>
